<compile_context>
chip_gen: v7x
topology: tpu7x:2x2x1
jax: 0.10.2.dev20260603
libtpu: 0.0.44.dev20260713+nightly
codegen_flags: <defaults>
</compile_context>

<pallas_src>
import functools

import jax
import jax.numpy as jnp
from jax import lax
from jax.experimental import pallas as pl
from jax.experimental.pallas import tpu as pltpu
from jax.experimental.pallas import tpu_sc as plsc

N = 10000
N_PAD = 10240
NW = 32
CHUNK = 128
STEPS = 80
E_PAD = NW * STEPS * CHUNK
RPS = N_PAD // 16
SSTEPS = 2 * STEPS
HALF = 64

_MESH = dict(core_axis_name="c", subcore_axis_name="s")


def _make_deg_kernel():
  @functools.partial(
      pl.kernel,
      out_type=jax.ShapeDtypeStruct((2, N_PAD), jnp.float32),
      mesh=plsc.VectorSubcoreMesh(**_MESH),
      scratch_types=[
          pltpu.VMEM((STEPS, CHUNK), jnp.int32),
          pltpu.VMEM((CHUNK,), jnp.float32),
          pltpu.VMEM_SHARED((N_PAD,), jnp.float32),
      ],
  )
  def deg_kernel(dst_hbm, zeros_hbm, out_hbm, didx_v, ones_v, acc_sh):
    c = lax.axis_index("c")
    s = lax.axis_index("s")
    w = s * 2 + c
    pltpu.sync_copy(dst_hbm.at[w], didx_v)
    for i in range(CHUNK // 16):
      ones_v[pl.ds(i * 16, 16)] = jnp.ones((16,), jnp.float32)
    pltpu.sync_copy(zeros_hbm.at[pl.ds(s * RPS, RPS)],
                    acc_sh.at[pl.ds(s * RPS, RPS)])
    plsc.subcore_barrier()

    def step(j, carry):
      pltpu.sync_copy(ones_v, acc_sh.at[didx_v.at[j]], add=True)
      return carry

    lax.fori_loop(0, STEPS, step, 0)
    plsc.subcore_barrier()
    pltpu.sync_copy(acc_sh.at[pl.ds(s * RPS, RPS)],
                    out_hbm.at[c, pl.ds(s * RPS, RPS)])

  return deg_kernel


def _make_scatter_kernel():
  @functools.partial(
      pl.kernel,
      out_type=jax.ShapeDtypeStruct((2, N_PAD, HALF), jnp.float32),
      mesh=plsc.VectorSubcoreMesh(**_MESH),
      scratch_types=[
          pltpu.VMEM((SSTEPS, CHUNK), jnp.int32),
          pltpu.VMEM((SSTEPS, CHUNK), jnp.int32),
          pltpu.VMEM((4, CHUNK, HALF), jnp.float32),
          pltpu.VMEM_SHARED((N_PAD, HALF), jnp.float32),
      ] + [pltpu.SemaphoreType.DMA] * 8,
      compiler_params=pltpu.CompilerParams(use_tc_tiling_on_sc=False),
  )
  def scat_kernel(src_hbm, dst_hbm, y_hbm, zeros_hbm, out_hbm,
                  sidx_v, didx_v, rows_v, acc_sh, *sems):
    sg = sems[:4]
    ss = sems[4:]
    c = lax.axis_index("c")
    s = lax.axis_index("s")
    yv = y_hbm.at[c]
    pltpu.sync_copy(src_hbm.at[s], sidx_v)
    pltpu.sync_copy(dst_hbm.at[s], didx_v)
    pltpu.sync_copy(zeros_hbm, rows_v.at[0])
    for r in range(RPS // CHUNK):
      pltpu.sync_copy(rows_v.at[0],
                      acc_sh.at[pl.ds(s * RPS + r * CHUNK, CHUNK)])
    plsc.subcore_barrier()

    for b in range(4):
      pltpu.async_copy(yv.at[sidx_v.at[b]], rows_v.at[b], sg[b])

    def group(i, carry):
      base = 4 * i
      descs = []
      for b in range(4):
        j = base + b
        pltpu.make_async_copy(yv.at[sidx_v.at[j]], rows_v.at[b],
                              sg[b]).wait()
        descs.append(pltpu.async_copy(rows_v.at[b],
                                      acc_sh.at[didx_v.at[j]],
                                      ss[b], add=True))
      for b in range(4):
        descs[b].wait()

        @pl.when(i < SSTEPS // 4 - 1)
        def _():
          pltpu.async_copy(yv.at[sidx_v.at[base + 4 + b]], rows_v.at[b],
                           sg[b])
      return carry

    lax.fori_loop(0, SSTEPS // 4, group, 0)
    plsc.subcore_barrier()
    pltpu.sync_copy(acc_sh.at[pl.ds(s * RPS, RPS)],
                    out_hbm.at[c, pl.ds(s * RPS, RPS)])

  return scat_kernel


_DEG = _make_deg_kernel()
_SCATTER = _make_scatter_kernel()


_BLK = 1024


def _mm0_body(da_ref, db_ref, h_ref, w_ref, y_ref, dinv_ref):
  dinv = lax.rsqrt(da_ref[...] + db_ref[...] + 1.0)
  dinv_ref[...] = dinv
  y = dinv * jnp.dot(h_ref[...], w_ref[...],
                     preferred_element_type=jnp.float32)
  y_ref[0] = y[:, :HALF]
  y_ref[1] = y[:, HALF:]


def _tc_mm0(dega, degb, h, W):
  n = h.shape[0]
  return pl.pallas_call(
      _mm0_body,
      grid=(n // _BLK,),
      in_specs=[
          pl.BlockSpec((_BLK, 1), lambda i: (i, 0)),
          pl.BlockSpec((_BLK, 1), lambda i: (i, 0)),
          pl.BlockSpec((_BLK, 128), lambda i: (i, 0)),
          pl.BlockSpec((128, 128), lambda i: (0, 0)),
      ],
      out_specs=[
          pl.BlockSpec((2, _BLK, HALF), lambda i: (0, i, 0)),
          pl.BlockSpec((_BLK, 1), lambda i: (i, 0)),
      ],
      out_shape=[
          jax.ShapeDtypeStruct((2, n, HALF), jnp.float32),
          jax.ShapeDtypeStruct((n, 1), jnp.float32),
      ],
  )(dega, degb, h, W)


def _bnd_body(dinv_ref, acc_ref, y_ref, b_ref, w_ref, y2_ref):
  dinv = dinv_ref[...]
  h = jnp.concatenate(
      [jnp.maximum(dinv * (acc_ref[0] + y_ref[0]) + b_ref[:, :HALF], 0.0),
       jnp.maximum(dinv * (acc_ref[1] + y_ref[1]) + b_ref[:, HALF:], 0.0)],
      axis=1)
  y2 = dinv * jnp.dot(h, w_ref[...], preferred_element_type=jnp.float32)
  y2_ref[0] = y2[:, :HALF]
  y2_ref[1] = y2[:, HALF:]


def _tc_boundary(accs, y, dinv_col, b, Wn):
  n = y.shape[1]
  return pl.pallas_call(
      _bnd_body,
      grid=(n // _BLK,),
      in_specs=[
          pl.BlockSpec((_BLK, 1), lambda i: (i, 0)),
          pl.BlockSpec((2, _BLK, HALF), lambda i: (0, i, 0)),
          pl.BlockSpec((2, _BLK, HALF), lambda i: (0, i, 0)),
          pl.BlockSpec((1, 128), lambda i: (0, 0)),
          pl.BlockSpec((128, 128), lambda i: (0, 0)),
      ],
      out_specs=pl.BlockSpec((2, _BLK, HALF), lambda i: (0, i, 0)),
      out_shape=jax.ShapeDtypeStruct((2, n, HALF), jnp.float32),
  )(dinv_col, accs, y, b, Wn)


def _fin_body(dinv_ref, acc_ref, y_ref, b_ref, o_ref):
  dinv = dinv_ref[...]
  o_ref[:, :HALF] = jnp.maximum(
      dinv * (acc_ref[0] + y_ref[0]) + b_ref[:, :HALF], 0.0)
  o_ref[:, HALF:] = jnp.maximum(
      dinv * (acc_ref[1] + y_ref[1]) + b_ref[:, HALF:], 0.0)


def _tc_final(accs, y, dinv_col, b):
  n = y.shape[1]
  return pl.pallas_call(
      _fin_body,
      grid=(n // _BLK,),
      in_specs=[
          pl.BlockSpec((_BLK, 1), lambda i: (i, 0)),
          pl.BlockSpec((2, _BLK, HALF), lambda i: (0, i, 0)),
          pl.BlockSpec((2, _BLK, HALF), lambda i: (0, i, 0)),
          pl.BlockSpec((1, 128), lambda i: (0, 0)),
      ],
      out_specs=pl.BlockSpec((_BLK, 128), lambda i: (i, 0)),
      out_shape=jax.ShapeDtypeStruct((n, 128), jnp.float32),
  )(dinv_col, accs, y, b)


def kernel(x, edge_index, enc_W0, enc_b0, enc_W1, enc_b1,
           dec_W0, dec_b0, dec_W1, dec_b1):
  src = edge_index[0]
  dst = edge_index[1]
  pad = E_PAD - src.shape[0]
  src_p = jnp.concatenate([src, jnp.zeros((pad,), jnp.int32)])
  dst_p = jnp.concatenate([dst, jnp.full((pad,), N, jnp.int32)])
  src16 = src_p.reshape(16, SSTEPS, CHUNK)
  dst16 = dst_p.reshape(16, SSTEPS, CHUNK)
  dst32 = dst_p.reshape(NW, STEPS, CHUNK)
  zeros1 = jnp.zeros((N_PAD,), jnp.float32)
  zeros2 = jnp.zeros((CHUNK, HALF), jnp.float32)

  Ws, bs = [], []
  for W, b in ((enc_W0, enc_b0), (enc_W1, enc_b1),
               (dec_W0, dec_b0), (dec_W1, dec_b1)):
    Ws.append(jnp.pad(W, ((0, 128 - W.shape[0]), (0, 128 - W.shape[1]))))
    bs.append(jnp.pad(b, (0, 128 - b.shape[0])).reshape(1, 128))

  deg = _DEG(dst32, zeros1)
  h0 = jnp.pad(x, ((0, N_PAD - N), (0, 0)))
  y, dinv_col = _tc_mm0(deg[0].reshape(N_PAD, 1), deg[1].reshape(N_PAD, 1),
                        h0, Ws[0])
  for l in range(3):
    accs = _SCATTER(src16, dst16, y, zeros2)
    y = _tc_boundary(accs, y, dinv_col, bs[l], Ws[l + 1])
  accs = _SCATTER(src16, dst16, y, zeros2)
  h = _tc_final(accs, y, dinv_col, bs[3])
  return h[:N]

# --- scband reference (transcript-rebuilt; emitter-appended) ---
"""Pipeline reference for scband-auto-encoder-31610959299311 (READ-ONLY COPY).

The authoritative reference and input builder live on the scoring server;
editing this copy changes nothing except your own understanding.
"""

import jax, jax.numpy as jnp
import numpy as np

N = 10000
E = 320000
D_IN = 128
D_H = 100


def _glorot(key, shape):
    lim = np.sqrt(6.0 / (shape[0] + shape[1]))
    return jax.random.uniform(key, shape, jnp.float32, -lim, lim)


def setup_inputs(seed: int = 0) -> dict:
    key = jax.random.key(seed)
    ks = jax.random.split(key, 10)
    x = jax.random.normal(ks[0], (N, D_IN), jnp.float32)
    edge_index = jax.random.randint(ks[1], (2, E), 0, N, dtype=jnp.int32)
    return {
        'x': x,
        'edge_index': edge_index,
        'enc_W0': _glorot(ks[2], (D_IN, D_H)),
        'enc_b0': jnp.zeros((D_H,), jnp.float32),
        'enc_W1': _glorot(ks[3], (D_H, D_H)),
        'enc_b1': jnp.zeros((D_H,), jnp.float32),
        'dec_W0': _glorot(ks[4], (D_H, D_H)),
        'dec_b0': jnp.zeros((D_H,), jnp.float32),
        'dec_W1': _glorot(ks[5], (D_H, D_IN)),
        'dec_b1': jnp.zeros((D_IN,), jnp.float32),
    }


def _gcn_conv(x, edge_index, W, b):
    # PyG GCNConv: linear transform, add self loops, symmetric normalization, scatter-add, bias
    xw = x @ W
    loop = jnp.arange(N, dtype=edge_index.dtype)
    src = jnp.concatenate([edge_index[0], loop])
    dst = jnp.concatenate([edge_index[1], loop])
    deg = jax.ops.segment_sum(jnp.ones(src.shape[0], dtype=xw.dtype), dst, num_segments=N)
    dinv = jnp.where(deg > 0, jax.lax.rsqrt(deg), 0.0)
    norm = dinv[src] * dinv[dst]
    msgs = norm[:, None] * jnp.take(xw, src, axis=0)
    out = jax.ops.segment_sum(msgs, dst, num_segments=N) + b
    return out


def reference(x, edge_index, enc_W0, enc_b0, enc_W1, enc_b1, dec_W0, dec_b0, dec_W1, dec_b1):
    h = jax.nn.relu(_gcn_conv(x, edge_index, enc_W0, enc_b0))
    h = jax.nn.relu(_gcn_conv(h, edge_index, enc_W1, enc_b1))
    h = jax.nn.relu(_gcn_conv(h, edge_index, dec_W0, dec_b0))
    h = jax.nn.relu(_gcn_conv(h, edge_index, dec_W1, dec_b1))
    return h

if __name__ == "__main__":
    import jax
    _d = setup_inputs()
    print(jax.jit(kernel)(*tuple(_d.values())))

</pallas_src>

<mosaic_0001>
#map = affine_map<(d0, d1) -> (0, 0, 0)>
#map1 = affine_map<(d0, d1) -> (0, 0)>
module attributes {stable_mosaic.version = 14 : i64} {
  func.func @scat_kernel(%arg0: i32, %arg1: i32, %arg2: memref<16x160x128xi32, #tpu.memory_space<hbm>>, %arg3: memref<16x160x128xi32, #tpu.memory_space<hbm>>, %arg4: memref<2x10240x64xf32, #tpu.memory_space<hbm>>, %arg5: memref<128x64xf32, #tpu.memory_space<hbm>>, %arg6: memref<2x10240x64xf32, #tpu.memory_space<hbm>>, %arg7: memref<160x128xi32, #tpu.memory_space<vmem>>, %arg8: memref<160x128xi32, #tpu.memory_space<vmem>>, %arg9: memref<4x128x64xf32, #tpu.memory_space<vmem>>, %arg10: memref<10240x64xf32, #tpu.memory_space<vmem_shared>>, %arg11: memref<!tpu.dma_semaphore, #tpu.memory_space<semaphore_mem>>, %arg12: memref<!tpu.dma_semaphore, #tpu.memory_space<semaphore_mem>>, %arg13: memref<!tpu.dma_semaphore, #tpu.memory_space<semaphore_mem>>, %arg14: memref<!tpu.dma_semaphore, #tpu.memory_space<semaphore_mem>>, %arg15: memref<!tpu.dma_semaphore, #tpu.memory_space<semaphore_mem>>, %arg16: memref<!tpu.dma_semaphore, #tpu.memory_space<semaphore_mem>>, %arg17: memref<!tpu.dma_semaphore, #tpu.memory_space<semaphore_mem>>, %arg18: memref<!tpu.dma_semaphore, #tpu.memory_space<semaphore_mem>>) attributes {dimension_semantics = [#tpu.dimension_semantics<core_parallel>, #tpu.dimension_semantics<subcore_parallel>], iteration_bounds = array<i64: 2, 16>, scalar_prefetch = 0 : i64, scratch_operands = 12 : i64, tpu.core_type = #tpu.core_type<sc_vector_subcore>, window_params = [{transform_indices = #map}, {transform_indices = #map}, {transform_indices = #map}, {transform_indices = #map1}, {transform_indices = #map}]} {
    "tpu.region"() ({
      %run_scoped3A_96 = tpu.sem_alloc : memref<!tpu.dma_semaphore, #tpu.memory_space<semaphore_mem>>
      %dma_start3A_97 = arith.constant 0 : i32
      %dma_start3A_98 = arith.constant 0 : i32
      %dma_start3A_99 = tpu.memref_slice %arg2[%arg1, %dma_start3A_97, %dma_start3A_98] : memref<16x160x128xi32, #tpu.memory_space<hbm>> -> memref<1x160x128xi32, #tpu.memory_space<hbm>>
      %dma_start3A_100 = tpu.memref_squeeze %dma_start3A_99 : memref<1x160x128xi32, #tpu.memory_space<hbm>> -> memref<160x128xi32, #tpu.memory_space<hbm>>
      %dma_start3A_101 = arith.constant 0 : i32
      %dma_start3A_102 = arith.constant 0 : i32
      %dma_start3A_103 = tpu.memref_slice %arg2[%arg1, %dma_start3A_101, %dma_start3A_102] : memref<16x160x128xi32, #tpu.memory_space<hbm>> -> memref<1x160x128xi32, #tpu.memory_space<hbm>>
      %dma_start3A_104 = tpu.memref_squeeze %dma_start3A_103 : memref<1x160x128xi32, #tpu.memory_space<hbm>> -> memref<160x128xi32, #tpu.memory_space<hbm>>
      tpu.enqueue_dma source(%dma_start3A_104 : memref<160x128xi32, #tpu.memory_space<hbm>>) target(%arg7 : memref<160x128xi32, #tpu.memory_space<vmem>>) target_semaphore(%run_scoped3A_96 : memref<!tpu.dma_semaphore, #tpu.memory_space<semaphore_mem>>)
      %dma_wait3A = arith.constant 0 : i32
      %dma_wait3A_105 = arith.constant 0 : i32
      %dma_wait3A_106 = tpu.memref_slice %arg2[%arg1, %dma_wait3A, %dma_wait3A_105] : memref<16x160x128xi32, #tpu.memory_space<hbm>> -> memref<1x160x128xi32, #tpu.memory_space<hbm>>
      %dma_wait3A_107 = tpu.memref_squeeze %dma_wait3A_106 : memref<1x160x128xi32, #tpu.memory_space<hbm>> -> memref<160x128xi32, #tpu.memory_space<hbm>>
      %dma_wait3A_108 = arith.constant 0 : i32
      %dma_wait3A_109 = arith.constant 0 : i32
      %dma_wait3A_110 = tpu.memref_slice %arg2[%arg1, %dma_wait3A_108, %dma_wait3A_109] : memref<16x160x128xi32, #tpu.memory_space<hbm>> -> memref<1x160x128xi32, #tpu.memory_space<hbm>>
      %dma_wait3A_111 = tpu.memref_squeeze %dma_wait3A_110 : memref<1x160x128xi32, #tpu.memory_space<hbm>> -> memref<160x128xi32, #tpu.memory_space<hbm>>
      tpu.wait_dma2 semaphore(%run_scoped3A_96 : memref<!tpu.dma_semaphore, #tpu.memory_space<semaphore_mem>>) src(%dma_wait3A_111 : memref<160x128xi32, #tpu.memory_space<hbm>>) dst(%arg7 : memref<160x128xi32, #tpu.memory_space<vmem>>)
      tpu.yield
    }) : () -> ()
    "tpu.region"() ({
      %run_scoped3A_96 = tpu.sem_alloc : memref<!tpu.dma_semaphore, #tpu.memory_space<semaphore_mem>>
      %dma_start3A_97 = arith.constant 0 : i32
      %dma_start3A_98 = arith.constant 0 : i32
      %dma_start3A_99 = tpu.memref_slice %arg3[%arg1, %dma_start3A_97, %dma_start3A_98] : memref<16x160x128xi32, #tpu.memory_space<hbm>> -> memref<1x160x128xi32, #tpu.memory_space<hbm>>
      %dma_start3A_100 = tpu.memref_squeeze %dma_start3A_99 : memref<1x160x128xi32, #tpu.memory_space<hbm>> -> memref<160x128xi32, #tpu.memory_space<hbm>>
      %dma_start3A_101 = arith.constant 0 : i32
      %dma_start3A_102 = arith.constant 0 : i32
      %dma_start3A_103 = tpu.memref_slice %arg3[%arg1, %dma_start3A_101, %dma_start3A_102] : memref<16x160x128xi32, #tpu.memory_space<hbm>> -> memref<1x160x128xi32, #tpu.memory_space<hbm>>
      %dma_start3A_104 = tpu.memref_squeeze %dma_start3A_103 : memref<1x160x128xi32, #tpu.memory_space<hbm>> -> memref<160x128xi32, #tpu.memory_space<hbm>>
      tpu.enqueue_dma source(%dma_start3A_104 : memref<160x128xi32, #tpu.memory_space<hbm>>) target(%arg8 : memref<160x128xi32, #tpu.memory_space<vmem>>) target_semaphore(%run_scoped3A_96 : memref<!tpu.dma_semaphore, #tpu.memory_space<semaphore_mem>>)
      %dma_wait3A = arith.constant 0 : i32
      %dma_wait3A_105 = arith.constant 0 : i32
      %dma_wait3A_106 = tpu.memref_slice %arg3[%arg1, %dma_wait3A, %dma_wait3A_105] : memref<16x160x128xi32, #tpu.memory_space<hbm>> -> memref<1x160x128xi32, #tpu.memory_space<hbm>>
      %dma_wait3A_107 = tpu.memref_squeeze %dma_wait3A_106 : memref<1x160x128xi32, #tpu.memory_space<hbm>> -> memref<160x128xi32, #tpu.memory_space<hbm>>
      %dma_wait3A_108 = arith.constant 0 : i32
      %dma_wait3A_109 = arith.constant 0 : i32
      %dma_wait3A_110 = tpu.memref_slice %arg3[%arg1, %dma_wait3A_108, %dma_wait3A_109] : memref<16x160x128xi32, #tpu.memory_space<hbm>> -> memref<1x160x128xi32, #tpu.memory_space<hbm>>
      %dma_wait3A_111 = tpu.memref_squeeze %dma_wait3A_110 : memref<1x160x128xi32, #tpu.memory_space<hbm>> -> memref<160x128xi32, #tpu.memory_space<hbm>>
      tpu.wait_dma2 semaphore(%run_scoped3A_96 : memref<!tpu.dma_semaphore, #tpu.memory_space<semaphore_mem>>) src(%dma_wait3A_111 : memref<160x128xi32, #tpu.memory_space<hbm>>) dst(%arg8 : memref<160x128xi32, #tpu.memory_space<vmem>>)
      tpu.yield
    }) : () -> ()
    %run_scoped3A = arith.constant 0 : i32
    "tpu.region"() ({
      %run_scoped3A_96 = tpu.sem_alloc : memref<!tpu.dma_semaphore, #tpu.memory_space<semaphore_mem>>
      %dma_start3A_97 = arith.constant 0 : i32
      %dma_start3A_98 = arith.constant 0 : i32
      %dma_start3A_99 = tpu.memref_slice %arg9[%run_scoped3A, %dma_start3A_97, %dma_start3A_98] : memref<4x128x64xf32, #tpu.memory_space<vmem>> -> memref<1x128x64xf32, #tpu.memory_space<vmem>>
      %dma_start3A_100 = tpu.memref_squeeze %dma_start3A_99 : memref<1x128x64xf32, #tpu.memory_space<vmem>> -> memref<128x64xf32, #tpu.memory_space<vmem>>
      %dma_start3A_101 = arith.constant 0 : i32
      %dma_start3A_102 = arith.constant 0 : i32
      %dma_start3A_103 = tpu.memref_slice %arg9[%run_scoped3A, %dma_start3A_101, %dma_start3A_102] : memref<4x128x64xf32, #tpu.memory_space<vmem>> -> memref<1x128x64xf32, #tpu.memory_space<vmem>>
      %dma_start3A_104 = tpu.memref_squeeze %dma_start3A_103 : memref<1x128x64xf32, #tpu.memory_space<vmem>> -> memref<128x64xf32, #tpu.memory_space<vmem>>
      tpu.enqueue_dma source(%arg5 : memref<128x64xf32, #tpu.memory_space<hbm>>) target(%dma_start3A_104 : memref<128x64xf32, #tpu.memory_space<vmem>>) target_semaphore(%run_scoped3A_96 : memref<!tpu.dma_semaphore, #tpu.memory_space<semaphore_mem>>)
      %dma_wait3A = arith.constant 0 : i32
      %dma_wait3A_105 = arith.constant 0 : i32
      %dma_wait3A_106 = tpu.memref_slice %arg9[%run_scoped3A, %dma_wait3A, %dma_wait3A_105] : memref<4x128x64xf32, #tpu.memory_space<vmem>> -> memref<1x128x64xf32, #tpu.memory_space<vmem>>
      %dma_wait3A_107 = tpu.memref_squeeze %dma_wait3A_106 : memref<1x128x64xf32, #tpu.memory_space<vmem>> -> memref<128x64xf32, #tpu.memory_space<vmem>>
      %dma_wait3A_108 = arith.constant 0 : i32
      %dma_wait3A_109 = arith.constant 0 : i32
      %dma_wait3A_110 = tpu.memref_slice %arg9[%run_scoped3A, %dma_wait3A_108, %dma_wait3A_109] : memref<4x128x64xf32, #tpu.memory_space<vmem>> -> memref<1x128x64xf32, #tpu.memory_space<vmem>>
      %dma_wait3A_111 = tpu.memref_squeeze %dma_wait3A_110 : memref<1x128x64xf32, #tpu.memory_space<vmem>> -> memref<128x64xf32, #tpu.memory_space<vmem>>
      tpu.wait_dma2 semaphore(%run_scoped3A_96 : memref<!tpu.dma_semaphore, #tpu.memory_space<semaphore_mem>>) src(%arg5 : memref<128x64xf32, #tpu.memory_space<hbm>>) dst(%dma_wait3A_111 : memref<128x64xf32, #tpu.memory_space<vmem>>)
      tpu.yield
    }) : () -> ()
    %mul3A = arith.constant 640 : i32
    %mul3A_0 = arith.muli %arg1, %mul3A : i32
    %add3A = arith.constant 0 : i32
    %add3A_1 = arith.addi %mul3A_0, %add3A : i32
    %run_scoped3A_2 = arith.constant 0 : i32
    "tpu.region"() ({
      %run_scoped3A_96 = tpu.sem_alloc : memref<!tpu.dma_semaphore, #tpu.memory_space<semaphore_mem>>
      %dma_start3A_97 = arith.constant 0 : i32
      %dma_start3A_98 = arith.constant 0 : i32
      %dma_start3A_99 = tpu.memref_slice %arg9[%run_scoped3A_2, %dma_start3A_97, %dma_start3A_98] : memref<4x128x64xf32, #tpu.memory_space<vmem>> -> memref<1x128x64xf32, #tpu.memory_space<vmem>>
      %dma_start3A_100 = tpu.memref_squeeze %dma_start3A_99 : memref<1x128x64xf32, #tpu.memory_space<vmem>> -> memref<128x64xf32, #tpu.memory_space<vmem>>
      %dma_start3A_101 = arith.constant 0 : i32
      %dma_start3A_102 = tpu.memref_slice %arg10[%add3A_1, %dma_start3A_101] : memref<10240x64xf32, #tpu.memory_space<vmem_shared>> -> memref<128x64xf32, #tpu.memory_space<vmem_shared>>
      %dma_start3A_103 = arith.constant 0 : i32
      %dma_start3A_104 = tpu.memref_slice %arg10[%add3A_1, %dma_start3A_103] : memref<10240x64xf32, #tpu.memory_space<vmem_shared>> -> memref<128x64xf32, #tpu.memory_space<vmem_shared>>
      %dma_start3A_105 = arith.constant 0 : i32
      %dma_start3A_106 = arith.constant 0 : i32
      %dma_start3A_107 = tpu.memref_slice %arg9[%run_scoped3A_2, %dma_start3A_105, %dma_start3A_106] : memref<4x128x64xf32, #tpu.memory_space<vmem>> -> memref<1x128x64xf32, #tpu.memory_space<vmem>>
      %dma_start3A_108 = tpu.memref_squeeze %dma_start3A_107 : memref<1x128x64xf32, #tpu.memory_space<vmem>> -> memref<128x64xf32, #tpu.memory_space<vmem>>
      tpu.enqueue_dma source(%dma_start3A_108 : memref<128x64xf32, #tpu.memory_space<vmem>>) target(%dma_start3A_104 : memref<128x64xf32, #tpu.memory_space<vmem_shared>>) target_semaphore(%run_scoped3A_96 : memref<!tpu.dma_semaphore, #tpu.memory_space<semaphore_mem>>)
      %dma_wait3A = arith.constant 0 : i32
      %dma_wait3A_109 = arith.constant 0 : i32
      %dma_wait3A_110 = tpu.memref_slice %arg9[%run_scoped3A_2, %dma_wait3A, %dma_wait3A_109] : memref<4x128x64xf32, #tpu.memory_space<vmem>> -> memref<1x128x64xf32, #tpu.memory_space<vmem>>
      %dma_wait3A_111 = tpu.memref_squeeze %dma_wait3A_110 : memref<1x128x64xf32, #tpu.memory_space<vmem>> -> memref<128x64xf32, #tpu.memory_space<vmem>>
      %dma_wait3A_112 = arith.constant 0 : i32
      %dma_wait3A_113 = tpu.memref_slice %arg10[%add3A_1, %dma_wait3A_112] : memref<10240x64xf32, #tpu.memory_space<vmem_shared>> -> memref<128x64xf32, #tpu.memory_space<vmem_shared>>
      %dma_wait3A_114 = arith.constant 0 : i32
      %dma_wait3A_115 = tpu.memref_slice %arg10[%add3A_1, %dma_wait3A_114] : memref<10240x64xf32, #tpu.memory_space<vmem_shared>> -> memref<128x64xf32, #tpu.memory_space<vmem_shared>>
      %dma_wait3A_116 = arith.constant 0 : i32
      %dma_wait3A_117 = arith.constant 0 : i32
      %dma_wait3A_118 = tpu.memref_slice %arg9[%run_scoped3A_2, %dma_wait3A_116, %dma_wait3A_117] : memref<4x128x64xf32, #tpu.memory_space<vmem>> -> memref<1x128x64xf32, #tpu.memory_space<vmem>>
      %dma_wait3A_119 = tpu.memref_squeeze %dma_wait3A_118 : memref<1x128x64xf32, #tpu.memory_space<vmem>> -> memref<128x64xf32, #tpu.memory_space<vmem>>
      tpu.wait_dma2 semaphore(%run_scoped3A_96 : memref<!tpu.dma_semaphore, #tpu.memory_space<semaphore_mem>>) src(%dma_wait3A_119 : memref<128x64xf32, #tpu.memory_space<vmem>>) dst(%dma_wait3A_115 : memref<128x64xf32, #tpu.memory_space<vmem_shared>>)
      tpu.yield
    }) : () -> ()
    %mul3A_3 = arith.constant 640 : i32
    %mul3A_4 = arith.muli %arg1, %mul3A_3 : i32
    %add3A_5 = arith.constant 128 : i32
    %add3A_6 = arith.addi %mul3A_4, %add3A_5 : i32
    %run_scoped3A_7 = arith.constant 0 : i32
    "tpu.region"() ({
      %run_scoped3A_96 = tpu.sem_alloc : memref<!tpu.dma_semaphore, #tpu.memory_space<semaphore_mem>>
      %dma_start3A_97 = arith.constant 0 : i32
      %dma_start3A_98 = arith.constant 0 : i32
      %dma_start3A_99 = tpu.memref_slice %arg9[%run_scoped3A_7, %dma_start3A_97, %dma_start3A_98] : memref<4x128x64xf32, #tpu.memory_space<vmem>> -> memref<1x128x64xf32, #tpu.memory_space<vmem>>
      %dma_start3A_100 = tpu.memref_squeeze %dma_start3A_99 : memref<1x128x64xf32, #tpu.memory_space<vmem>> -> memref<128x64xf32, #tpu.memory_space<vmem>>
      %dma_start3A_101 = arith.constant 0 : i32
      %dma_start3A_102 = tpu.memref_slice %arg10[%add3A_6, %dma_start3A_101] : memref<10240x64xf32, #tpu.memory_space<vmem_shared>> -> memref<128x64xf32, #tpu.memory_space<vmem_shared>>
      %dma_start3A_103 = arith.constant 0 : i32
      %dma_start3A_104 = tpu.memref_slice %arg10[%add3A_6, %dma_start3A_103] : memref<10240x64xf32, #tpu.memory_space<vmem_shared>> -> memref<128x64xf32, #tpu.memory_space<vmem_shared>>
      %dma_start3A_105 = arith.constant 0 : i32
      %dma_start3A_106 = arith.constant 0 : i32
      %dma_start3A_107 = tpu.memref_slice %arg9[%run_scoped3A_7, %dma_start3A_105, %dma_start3A_106] : memref<4x128x64xf32, #tpu.memory_space<vmem>> -> memref<1x128x64xf32, #tpu.memory_space<vmem>>
      %dma_start3A_108 = tpu.memref_squeeze %dma_start3A_107 : memref<1x128x64xf32, #tpu.memory_space<vmem>> -> memref<128x64xf32, #tpu.memory_space<vmem>>
      tpu.enqueue_dma source(%dma_start3A_108 : memref<128x64xf32, #tpu.memory_space<vmem>>) target(%dma_start3A_104 : memref<128x64xf32, #tpu.memory_space<vmem_shared>>) target_semaphore(%run_scoped3A_96 : memref<!tpu.dma_semaphore, #tpu.memory_space<semaphore_mem>>)
      %dma_wait3A = arith.constant 0 : i32
      %dma_wait3A_109 = arith.constant 0 : i32
      %dma_wait3A_110 = tpu.memref_slice %arg9[%run_scoped3A_7, %dma_wait3A, %dma_wait3A_109] : memref<4x128x64xf32, #tpu.memory_space<vmem>> -> memref<1x128x64xf32, #tpu.memory_space<vmem>>
      %dma_wait3A_111 = tpu.memref_squeeze %dma_wait3A_110 : memref<1x128x64xf32, #tpu.memory_space<vmem>> -> memref<128x64xf32, #tpu.memory_space<vmem>>
      %dma_wait3A_112 = arith.constant 0 : i32
      %dma_wait3A_113 = tpu.memref_slice %arg10[%add3A_6, %dma_wait3A_112] : memref<10240x64xf32, #tpu.memory_space<vmem_shared>> -> memref<128x64xf32, #tpu.memory_space<vmem_shared>>
      %dma_wait3A_114 = arith.constant 0 : i32
      %dma_wait3A_115 = tpu.memref_slice %arg10[%add3A_6, %dma_wait3A_114] : memref<10240x64xf32, #tpu.memory_space<vmem_shared>> -> memref<128x64xf32, #tpu.memory_space<vmem_shared>>
      %dma_wait3A_116 = arith.constant 0 : i32
      %dma_wait3A_117 = arith.constant 0 : i32
      %dma_wait3A_118 = tpu.memref_slice %arg9[%run_scoped3A_7, %dma_wait3A_116, %dma_wait3A_117] : memref<4x128x64xf32, #tpu.memory_space<vmem>> -> memref<1x128x64xf32, #tpu.memory_space<vmem>>
      %dma_wait3A_119 = tpu.memref_squeeze %dma_wait3A_118 : memref<1x128x64xf32, #tpu.memory_space<vmem>> -> memref<128x64xf32, #tpu.memory_space<vmem>>
      tpu.wait_dma2 semaphore(%run_scoped3A_96 : memref<!tpu.dma_semaphore, #tpu.memory_space<semaphore_mem>>) src(%dma_wait3A_119 : memref<128x64xf32, #tpu.memory_space<vmem>>) dst(%dma_wait3A_115 : memref<128x64xf32, #tpu.memory_space<vmem_shared>>)
      tpu.yield
    }) : () -> ()
    %mul3A_8 = arith.constant 640 : i32
    %mul3A_9 = arith.muli %arg1, %mul3A_8 : i32
    %add3A_10 = arith.constant 256 : i32
    %add3A_11 = arith.addi %mul3A_9, %add3A_10 : i32
    %run_scoped3A_12 = arith.constant 0 : i32
    "tpu.region"() ({
      %run_scoped3A_96 = tpu.sem_alloc : memref<!tpu.dma_semaphore, #tpu.memory_space<semaphore_mem>>
      %dma_start3A_97 = arith.constant 0 : i32
      %dma_start3A_98 = arith.constant 0 : i32
      %dma_start3A_99 = tpu.memref_slice %arg9[%run_scoped3A_12, %dma_start3A_97, %dma_start3A_98] : memref<4x128x64xf32, #tpu.memory_space<vmem>> -> memref<1x128x64xf32, #tpu.memory_space<vmem>>
      %dma_start3A_100 = tpu.memref_squeeze %dma_start3A_99 : memref<1x128x64xf32, #tpu.memory_space<vmem>> -> memref<128x64xf32, #tpu.memory_space<vmem>>
      %dma_start3A_101 = arith.constant 0 : i32
      %dma_start3A_102 = tpu.memref_slice %arg10[%add3A_11, %dma_start3A_101] : memref<10240x64xf32, #tpu.memory_space<vmem_shared>> -> memref<128x64xf32, #tpu.memory_space<vmem_shared>>
      %dma_start3A_103 = arith.constant 0 : i32
      %dma_start3A_104 = tpu.memref_slice %arg10[%add3A_11, %dma_start3A_103] : memref<10240x64xf32, #tpu.memory_space<vmem_shared>> -> memref<128x64xf32, #tpu.memory_space<vmem_shared>>
      %dma_start3A_105 = arith.constant 0 : i32
      %dma_start3A_106 = arith.constant 0 : i32
      %dma_start3A_107 = tpu.memref_slice %arg9[%run_scoped3A_12, %dma_start3A_105, %dma_start3A_106] : memref<4x128x64xf32, #tpu.memory_space<vmem>> -> memref<1x128x64xf32, #tpu.memory_space<vmem>>
      %dma_start3A_108 = tpu.memref_squeeze %dma_start3A_107 : memref<1x128x64xf32, #tpu.memory_space<vmem>> -> memref<128x64xf32, #tpu.memory_space<vmem>>
      tpu.enqueue_dma source(%dma_start3A_108 : memref<128x64xf32, #tpu.memory_space<vmem>>) target(%dma_start3A_104 : memref<128x64xf32, #tpu.memory_space<vmem_shared>>) target_semaphore(%run_scoped3A_96 : memref<!tpu.dma_semaphore, #tpu.memory_space<semaphore_mem>>)
      %dma_wait3A = arith.constant 0 : i32
      %dma_wait3A_109 = arith.constant 0 : i32
      %dma_wait3A_110 = tpu.memref_slice %arg9[%run_scoped3A_12, %dma_wait3A, %dma_wait3A_109] : memref<4x128x64xf32, #tpu.memory_space<vmem>> -> memref<1x128x64xf32, #tpu.memory_space<vmem>>
      %dma_wait3A_111 = tpu.memref_squeeze %dma_wait3A_110 : memref<1x128x64xf32, #tpu.memory_space<vmem>> -> memref<128x64xf32, #tpu.memory_space<vmem>>
      %dma_wait3A_112 = arith.constant 0 : i32
      %dma_wait3A_113 = tpu.memref_slice %arg10[%add3A_11, %dma_wait3A_112] : memref<10240x64xf32, #tpu.memory_space<vmem_shared>> -> memref<128x64xf32, #tpu.memory_space<vmem_shared>>
      %dma_wait3A_114 = arith.constant 0 : i32
      %dma_wait3A_115 = tpu.memref_slice %arg10[%add3A_11, %dma_wait3A_114] : memref<10240x64xf32, #tpu.memory_space<vmem_shared>> -> memref<128x64xf32, #tpu.memory_space<vmem_shared>>
      %dma_wait3A_116 = arith.constant 0 : i32
      %dma_wait3A_117 = arith.constant 0 : i32
      %dma_wait3A_118 = tpu.memref_slice %arg9[%run_scoped3A_12, %dma_wait3A_116, %dma_wait3A_117] : memref<4x128x64xf32, #tpu.memory_space<vmem>> -> memref<1x128x64xf32, #tpu.memory_space<vmem>>
      %dma_wait3A_119 = tpu.memref_squeeze %dma_wait3A_118 : memref<1x128x64xf32, #tpu.memory_space<vmem>> -> memref<128x64xf32, #tpu.memory_space<vmem>>
      tpu.wait_dma2 semaphore(%run_scoped3A_96 : memref<!tpu.dma_semaphore, #tpu.memory_space<semaphore_mem>>) src(%dma_wait3A_119 : memref<128x64xf32, #tpu.memory_space<vmem>>) dst(%dma_wait3A_115 : memref<128x64xf32, #tpu.memory_space<vmem_shared>>)
      tpu.yield
    }) : () -> ()
    %mul3A_13 = arith.constant 640 : i32
    %mul3A_14 = arith.muli %arg1, %mul3A_13 : i32
    %add3A_15 = arith.constant 384 : i32
    %add3A_16 = arith.addi %mul3A_14, %add3A_15 : i32
    %run_scoped3A_17 = arith.constant 0 : i32
    "tpu.region"() ({
      %run_scoped3A_96 = tpu.sem_alloc : memref<!tpu.dma_semaphore, #tpu.memory_space<semaphore_mem>>
      %dma_start3A_97 = arith.constant 0 : i32
      %dma_start3A_98 = arith.constant 0 : i32
      %dma_start3A_99 = tpu.memref_slice %arg9[%run_scoped3A_17, %dma_start3A_97, %dma_start3A_98] : memref<4x128x64xf32, #tpu.memory_space<vmem>> -> memref<1x128x64xf32, #tpu.memory_space<vmem>>
      %dma_start3A_100 = tpu.memref_squeeze %dma_start3A_99 : memref<1x128x64xf32, #tpu.memory_space<vmem>> -> memref<128x64xf32, #tpu.memory_space<vmem>>
      %dma_start3A_101 = arith.constant 0 : i32
      %dma_start3A_102 = tpu.memref_slice %arg10[%add3A_16, %dma_start3A_101] : memref<10240x64xf32, #tpu.memory_space<vmem_shared>> -> memref<128x64xf32, #tpu.memory_space<vmem_shared>>
      %dma_start3A_103 = arith.constant 0 : i32
      %dma_start3A_104 = tpu.memref_slice %arg10[%add3A_16, %dma_start3A_103] : memref<10240x64xf32, #tpu.memory_space<vmem_shared>> -> memref<128x64xf32, #tpu.memory_space<vmem_shared>>
      %dma_start3A_105 = arith.constant 0 : i32
      %dma_start3A_106 = arith.constant 0 : i32
      %dma_start3A_107 = tpu.memref_slice %arg9[%run_scoped3A_17, %dma_start3A_105, %dma_start3A_106] : memref<4x128x64xf32, #tpu.memory_space<vmem>> -> memref<1x128x64xf32, #tpu.memory_space<vmem>>
      %dma_start3A_108 = tpu.memref_squeeze %dma_start3A_107 : memref<1x128x64xf32, #tpu.memory_space<vmem>> -> memref<128x64xf32, #tpu.memory_space<vmem>>
      tpu.enqueue_dma source(%dma_start3A_108 : memref<128x64xf32, #tpu.memory_space<vmem>>) target(%dma_start3A_104 : memref<128x64xf32, #tpu.memory_space<vmem_shared>>) target_semaphore(%run_scoped3A_96 : memref<!tpu.dma_semaphore, #tpu.memory_space<semaphore_mem>>)
      %dma_wait3A = arith.constant 0 : i32
      %dma_wait3A_109 = arith.constant 0 : i32
      %dma_wait3A_110 = tpu.memref_slice %arg9[%run_scoped3A_17, %dma_wait3A, %dma_wait3A_109] : memref<4x128x64xf32, #tpu.memory_space<vmem>> -> memref<1x128x64xf32, #tpu.memory_space<vmem>>
      %dma_wait3A_111 = tpu.memref_squeeze %dma_wait3A_110 : memref<1x128x64xf32, #tpu.memory_space<vmem>> -> memref<128x64xf32, #tpu.memory_space<vmem>>
      %dma_wait3A_112 = arith.constant 0 : i32
      %dma_wait3A_113 = tpu.memref_slice %arg10[%add3A_16, %dma_wait3A_112] : memref<10240x64xf32, #tpu.memory_space<vmem_shared>> -> memref<128x64xf32, #tpu.memory_space<vmem_shared>>
      %dma_wait3A_114 = arith.constant 0 : i32
      %dma_wait3A_115 = tpu.memref_slice %arg10[%add3A_16, %dma_wait3A_114] : memref<10240x64xf32, #tpu.memory_space<vmem_shared>> -> memref<128x64xf32, #tpu.memory_space<vmem_shared>>
      %dma_wait3A_116 = arith.constant 0 : i32
      %dma_wait3A_117 = arith.constant 0 : i32
      %dma_wait3A_118 = tpu.memref_slice %arg9[%run_scoped3A_17, %dma_wait3A_116, %dma_wait3A_117] : memref<4x128x64xf32, #tpu.memory_space<vmem>> -> memref<1x128x64xf32, #tpu.memory_space<vmem>>
      %dma_wait3A_119 = tpu.memref_squeeze %dma_wait3A_118 : memref<1x128x64xf32, #tpu.memory_space<vmem>> -> memref<128x64xf32, #tpu.memory_space<vmem>>
      tpu.wait_dma2 semaphore(%run_scoped3A_96 : memref<!tpu.dma_semaphore, #tpu.memory_space<semaphore_mem>>) src(%dma_wait3A_119 : memref<128x64xf32, #tpu.memory_space<vmem>>) dst(%dma_wait3A_115 : memref<128x64xf32, #tpu.memory_space<vmem_shared>>)
      tpu.yield
    }) : () -> ()
    %mul3A_18 = arith.constant 640 : i32
    %mul3A_19 = arith.muli %arg1, %mul3A_18 : i32
    %add3A_20 = arith.constant 512 : i32
    %add3A_21 = arith.addi %mul3A_19, %add3A_20 : i32
    %run_scoped3A_22 = arith.constant 0 : i32
    "tpu.region"() ({
      %run_scoped3A_96 = tpu.sem_alloc : memref<!tpu.dma_semaphore, #tpu.memory_space<semaphore_mem>>
      %dma_start3A_97 = arith.constant 0 : i32
      %dma_start3A_98 = arith.constant 0 : i32
      %dma_start3A_99 = tpu.memref_slice %arg9[%run_scoped3A_22, %dma_start3A_97, %dma_start3A_98] : memref<4x128x64xf32, #tpu.memory_space<vmem>> -> memref<1x128x64xf32, #tpu.memory_space<vmem>>
      %dma_start3A_100 = tpu.memref_squeeze %dma_start3A_99 : memref<1x128x64xf32, #tpu.memory_space<vmem>> -> memref<128x64xf32, #tpu.memory_space<vmem>>
      %dma_start3A_101 = arith.constant 0 : i32
      %dma_start3A_102 = tpu.memref_slice %arg10[%add3A_21, %dma_start3A_101] : memref<10240x64xf32, #tpu.memory_space<vmem_shared>> -> memref<128x64xf32, #tpu.memory_space<vmem_shared>>
      %dma_start3A_103 = arith.constant 0 : i32
      %dma_start3A_104 = tpu.memref_slice %arg10[%add3A_21, %dma_start3A_103] : memref<10240x64xf32, #tpu.memory_space<vmem_shared>> -> memref<128x64xf32, #tpu.memory_space<vmem_shared>>
      %dma_start3A_105 = arith.constant 0 : i32
      %dma_start3A_106 = arith.constant 0 : i32
      %dma_start3A_107 = tpu.memref_slice %arg9[%run_scoped3A_22, %dma_start3A_105, %dma_start3A_106] : memref<4x128x64xf32, #tpu.memory_space<vmem>> -> memref<1x128x64xf32, #tpu.memory_space<vmem>>
      %dma_start3A_108 = tpu.memref_squeeze %dma_start3A_107 : memref<1x128x64xf32, #tpu.memory_space<vmem>> -> memref<128x64xf32, #tpu.memory_space<vmem>>
      tpu.enqueue_dma source(%dma_start3A_108 : memref<128x64xf32, #tpu.memory_space<vmem>>) target(%dma_start3A_104 : memref<128x64xf32, #tpu.memory_space<vmem_shared>>) target_semaphore(%run_scoped3A_96 : memref<!tpu.dma_semaphore, #tpu.memory_space<semaphore_mem>>)
      %dma_wait3A = arith.constant 0 : i32
      %dma_wait3A_109 = arith.constant 0 : i32
      %dma_wait3A_110 = tpu.memref_slice %arg9[%run_scoped3A_22, %dma_wait3A, %dma_wait3A_109] : memref<4x128x64xf32, #tpu.memory_space<vmem>> -> memref<1x128x64xf32, #tpu.memory_space<vmem>>
      %dma_wait3A_111 = tpu.memref_squeeze %dma_wait3A_110 : memref<1x128x64xf32, #tpu.memory_space<vmem>> -> memref<128x64xf32, #tpu.memory_space<vmem>>
      %dma_wait3A_112 = arith.constant 0 : i32
      %dma_wait3A_113 = tpu.memref_slice %arg10[%add3A_21, %dma_wait3A_112] : memref<10240x64xf32, #tpu.memory_space<vmem_shared>> -> memref<128x64xf32, #tpu.memory_space<vmem_shared>>
      %dma_wait3A_114 = arith.constant 0 : i32
      %dma_wait3A_115 = tpu.memref_slice %arg10[%add3A_21, %dma_wait3A_114] : memref<10240x64xf32, #tpu.memory_space<vmem_shared>> -> memref<128x64xf32, #tpu.memory_space<vmem_shared>>
      %dma_wait3A_116 = arith.constant 0 : i32
      %dma_wait3A_117 = arith.constant 0 : i32
      %dma_wait3A_118 = tpu.memref_slice %arg9[%run_scoped3A_22, %dma_wait3A_116, %dma_wait3A_117] : memref<4x128x64xf32, #tpu.memory_space<vmem>> -> memref<1x128x64xf32, #tpu.memory_space<vmem>>
      %dma_wait3A_119 = tpu.memref_squeeze %dma_wait3A_118 : memref<1x128x64xf32, #tpu.memory_space<vmem>> -> memref<128x64xf32, #tpu.memory_space<vmem>>
      tpu.wait_dma2 semaphore(%run_scoped3A_96 : memref<!tpu.dma_semaphore, #tpu.memory_space<semaphore_mem>>) src(%dma_wait3A_119 : memref<128x64xf32, #tpu.memory_space<vmem>>) dst(%dma_wait3A_115 : memref<128x64xf32, #tpu.memory_space<vmem_shared>>)
      tpu.yield
    }) : () -> ()
    %barrier3A = arith.constant 0 : index
    tpu.barrier barrier_id(%barrier3A)
    %dma_start3A = arith.constant 0 : i32
    %dma_start3A_23 = arith.constant 0 : i32
    %dma_start3A_24 = arith.constant 0 : i32
    %dma_start3A_25 = arith.constant 0 : i32
    %dma_start3A_26 = tpu.memref_slice %arg9[%dma_start3A_23, %dma_start3A_24, %dma_start3A_25] : memref<4x128x64xf32, #tpu.memory_space<vmem>> -> memref<1x128x64xf32, #tpu.memory_space<vmem>>
    %dma_start3A_27 = tpu.memref_squeeze %dma_start3A_26 : memref<1x128x64xf32, #tpu.memory_space<vmem>> -> memref<128x64xf32, #tpu.memory_space<vmem>>
    %dma_start3A_28 = arith.constant 0 : i32
    %dma_start3A_29 = tpu.memref_slice %arg7[%dma_start3A, %dma_start3A_28] : memref<160x128xi32, #tpu.memory_space<vmem>> -> memref<1x128xi32, #tpu.memory_space<vmem>>
    %dma_start3A_30 = tpu.memref_squeeze %dma_start3A_29 : memref<1x128xi32, #tpu.memory_space<vmem>> -> memref<128xi32, #tpu.memory_space<vmem>>
    %dma_start3A_31 = arith.constant 0 : i32
    %dma_start3A_32 = arith.constant 0 : i32
    %dma_start3A_33 = tpu.memref_slice %arg4[%arg0, %dma_start3A_31, %dma_start3A_32] : memref<2x10240x64xf32, #tpu.memory_space<hbm>> -> memref<1x10240x64xf32, #tpu.memory_space<hbm>>
    %dma_start3A_34 = tpu.memref_squeeze %dma_start3A_33 : memref<1x10240x64xf32, #tpu.memory_space<hbm>> -> memref<10240x64xf32, #tpu.memory_space<hbm>>
    %dma_start3A_35 = arith.constant 0 : i32
    %dma_start3A_36 = arith.constant 0 : i32
    %dma_start3A_37 = tpu.memref_slice %dma_start3A_34[%dma_start3A_35, %dma_start3A_36] : memref<10240x64xf32, #tpu.memory_space<hbm>> -> memref<10240x64xf32, #tpu.memory_space<hbm>>
    tpu.enqueue_indirect_dma source(%dma_start3A_37 : memref<10240x64xf32, #tpu.memory_space<hbm>>) target(%dma_start3A_27 : memref<128x64xf32, #tpu.memory_space<vmem>>) offsets(%dma_start3A_30 : memref<128xi32, #tpu.memory_space<vmem>>) semaphore(%arg11 : memref<!tpu.dma_semaphore, #tpu.memory_space<semaphore_mem>>)
    %dma_start3A_38 = arith.constant 1 : i32
    %dma_start3A_39 = arith.constant 1 : i32
    %dma_start3A_40 = arith.constant 0 : i32
    %dma_start3A_41 = arith.constant 0 : i32
    %dma_start3A_42 = tpu.memref_slice %arg9[%dma_start3A_39, %dma_start3A_40, %dma_start3A_41] : memref<4x128x64xf32, #tpu.memory_space<vmem>> -> memref<1x128x64xf32, #tpu.memory_space<vmem>>
    %dma_start3A_43 = tpu.memref_squeeze %dma_start3A_42 : memref<1x128x64xf32, #tpu.memory_space<vmem>> -> memref<128x64xf32, #tpu.memory_space<vmem>>
    %dma_start3A_44 = arith.constant 0 : i32
    %dma_start3A_45 = tpu.memref_slice %arg7[%dma_start3A_38, %dma_start3A_44] : memref<160x128xi32, #tpu.memory_space<vmem>> -> memref<1x128xi32, #tpu.memory_space<vmem>>
    %dma_start3A_46 = tpu.memref_squeeze %dma_start3A_45 : memref<1x128xi32, #tpu.memory_space<vmem>> -> memref<128xi32, #tpu.memory_space<vmem>>
    %dma_start3A_47 = arith.constant 0 : i32
    %dma_start3A_48 = arith.constant 0 : i32
    %dma_start3A_49 = tpu.memref_slice %arg4[%arg0, %dma_start3A_47, %dma_start3A_48] : memref<2x10240x64xf32, #tpu.memory_space<hbm>> -> memref<1x10240x64xf32, #tpu.memory_space<hbm>>
    %dma_start3A_50 = tpu.memref_squeeze %dma_start3A_49 : memref<1x10240x64xf32, #tpu.memory_space<hbm>> -> memref<10240x64xf32, #tpu.memory_space<hbm>>
    %dma_start3A_51 = arith.constant 0 : i32
    %dma_start3A_52 = arith.constant 0 : i32
    %dma_start3A_53 = tpu.memref_slice %dma_start3A_50[%dma_start3A_51, %dma_start3A_52] : memref<10240x64xf32, #tpu.memory_space<hbm>> -> memref<10240x64xf32, #tpu.memory_space<hbm>>
    tpu.enqueue_indirect_dma source(%dma_start3A_53 : memref<10240x64xf32, #tpu.memory_space<hbm>>) target(%dma_start3A_43 : memref<128x64xf32, #tpu.memory_space<vmem>>) offsets(%dma_start3A_46 : memref<128xi32, #tpu.memory_space<vmem>>) semaphore(%arg12 : memref<!tpu.dma_semaphore, #tpu.memory_space<semaphore_mem>>)
    %dma_start3A_54 = arith.constant 2 : i32
    %dma_start3A_55 = arith.constant 2 : i32
    %dma_start3A_56 = arith.constant 0 : i32
    %dma_start3A_57 = arith.constant 0 : i32
    %dma_start3A_58 = tpu.memref_slice %arg9[%dma_start3A_55, %dma_start3A_56, %dma_start3A_57] : memref<4x128x64xf32, #tpu.memory_space<vmem>> -> memref<1x128x64xf32, #tpu.memory_space<vmem>>
    %dma_start3A_59 = tpu.memref_squeeze %dma_start3A_58 : memref<1x128x64xf32, #tpu.memory_space<vmem>> -> memref<128x64xf32, #tpu.memory_space<vmem>>
    %dma_start3A_60 = arith.constant 0 : i32
    %dma_start3A_61 = tpu.memref_slice %arg7[%dma_start3A_54, %dma_start3A_60] : memref<160x128xi32, #tpu.memory_space<vmem>> -> memref<1x128xi32, #tpu.memory_space<vmem>>
    %dma_start3A_62 = tpu.memref_squeeze %dma_start3A_61 : memref<1x128xi32, #tpu.memory_space<vmem>> -> memref<128xi32, #tpu.memory_space<vmem>>
    %dma_start3A_63 = arith.constant 0 : i32
    %dma_start3A_64 = arith.constant 0 : i32
    %dma_start3A_65 = tpu.memref_slice %arg4[%arg0, %dma_start3A_63, %dma_start3A_64] : memref<2x10240x64xf32, #tpu.memory_space<hbm>> -> memref<1x10240x64xf32, #tpu.memory_space<hbm>>
    %dma_start3A_66 = tpu.memref_squeeze %dma_start3A_65 : memref<1x10240x64xf32, #tpu.memory_space<hbm>> -> memref<10240x64xf32, #tpu.memory_space<hbm>>
    %dma_start3A_67 = arith.constant 0 : i32
    %dma_start3A_68 = arith.constant 0 : i32
    %dma_start3A_69 = tpu.memref_slice %dma_start3A_66[%dma_start3A_67, %dma_start3A_68] : memref<10240x64xf32, #tpu.memory_space<hbm>> -> memref<10240x64xf32, #tpu.memory_space<hbm>>
    tpu.enqueue_indirect_dma source(%dma_start3A_69 : memref<10240x64xf32, #tpu.memory_space<hbm>>) target(%dma_start3A_59 : memref<128x64xf32, #tpu.memory_space<vmem>>) offsets(%dma_start3A_62 : memref<128xi32, #tpu.memory_space<vmem>>) semaphore(%arg13 : memref<!tpu.dma_semaphore, #tpu.memory_space<semaphore_mem>>)
    %dma_start3A_70 = arith.constant 3 : i32
    %dma_start3A_71 = arith.constant 3 : i32
    %dma_start3A_72 = arith.constant 0 : i32
    %dma_start3A_73 = arith.constant 0 : i32
    %dma_start3A_74 = tpu.memref_slice %arg9[%dma_start3A_71, %dma_start3A_72, %dma_start3A_73] : memref<4x128x64xf32, #tpu.memory_space<vmem>> -> memref<1x128x64xf32, #tpu.memory_space<vmem>>
    %dma_start3A_75 = tpu.memref_squeeze %dma_start3A_74 : memref<1x128x64xf32, #tpu.memory_space<vmem>> -> memref<128x64xf32, #tpu.memory_space<vmem>>
    %dma_start3A_76 = arith.constant 0 : i32
    %dma_start3A_77 = tpu.memref_slice %arg7[%dma_start3A_70, %dma_start3A_76] : memref<160x128xi32, #tpu.memory_space<vmem>> -> memref<1x128xi32, #tpu.memory_space<vmem>>
    %dma_start3A_78 = tpu.memref_squeeze %dma_start3A_77 : memref<1x128xi32, #tpu.memory_space<vmem>> -> memref<128xi32, #tpu.memory_space<vmem>>
    %dma_start3A_79 = arith.constant 0 : i32
    %dma_start3A_80 = arith.constant 0 : i32
    %dma_start3A_81 = tpu.memref_slice %arg4[%arg0, %dma_start3A_79, %dma_start3A_80] : memref<2x10240x64xf32, #tpu.memory_space<hbm>> -> memref<1x10240x64xf32, #tpu.memory_space<hbm>>
    %dma_start3A_82 = tpu.memref_squeeze %dma_start3A_81 : memref<1x10240x64xf32, #tpu.memory_space<hbm>> -> memref<10240x64xf32, #tpu.memory_space<hbm>>
    %dma_start3A_83 = arith.constant 0 : i32
    %dma_start3A_84 = arith.constant 0 : i32
    %dma_start3A_85 = tpu.memref_slice %dma_start3A_82[%dma_start3A_83, %dma_start3A_84] : memref<10240x64xf32, #tpu.memory_space<hbm>> -> memref<10240x64xf32, #tpu.memory_space<hbm>>
    tpu.enqueue_indirect_dma source(%dma_start3A_85 : memref<10240x64xf32, #tpu.memory_space<hbm>>) target(%dma_start3A_75 : memref<128x64xf32, #tpu.memory_space<vmem>>) offsets(%dma_start3A_78 : memref<128xi32, #tpu.memory_space<vmem>>) semaphore(%arg14 : memref<!tpu.dma_semaphore, #tpu.memory_space<semaphore_mem>>)
    %scan3A = arith.constant 0 : i32
    %scan3A_86 = arith.constant 0 : i32
    %scan3A_87 = arith.constant 40 : i32
    %scan3A_88 = arith.addi %scan3A_86, %scan3A_87 : i32
    %scan3A_89 = arith.constant 1 : i32
    scf.for %scan3A_96 = %scan3A_86 to %scan3A_88 step %scan3A_89  : i32 {
      %mul3A_97 = arith.constant 4 : i32
      %mul3A_98 = arith.muli %mul3A_97, %scan3A_96 : i32
      %add3A_99 = arith.constant 0 : i32
      %add3A_100 = arith.addi %mul3A_98, %add3A_99 : i32
      %dma_wait3A = arith.constant 0 : i32
      %dma_wait3A_101 = arith.constant 0 : i32
      %dma_wait3A_102 = arith.constant 0 : i32
      %dma_wait3A_103 = tpu.memref_slice %arg9[%dma_wait3A, %dma_wait3A_101, %dma_wait3A_102] : memref<4x128x64xf32, #tpu.memory_space<vmem>> -> memref<1x128x64xf32, #tpu.memory_space<vmem>>
      %dma_wait3A_104 = tpu.memref_squeeze %dma_wait3A_103 : memref<1x128x64xf32, #tpu.memory_space<vmem>> -> memref<128x64xf32, #tpu.memory_space<vmem>>
      %dma_wait3A_105 = arith.constant 0 : i32
      %dma_wait3A_106 = tpu.memref_slice %arg7[%add3A_100, %dma_wait3A_105] : memref<160x128xi32, #tpu.memory_space<vmem>> -> memref<1x128xi32, #tpu.memory_space<vmem>>
      %dma_wait3A_107 = tpu.memref_squeeze %dma_wait3A_106 : memref<1x128xi32, #tpu.memory_space<vmem>> -> memref<128xi32, #tpu.memory_space<vmem>>
      %dma_wait3A_108 = arith.constant 0 : i32
      %dma_wait3A_109 = arith.constant 0 : i32
      %dma_wait3A_110 = tpu.memref_slice %arg4[%arg0, %dma_wait3A_108, %dma_wait3A_109] : memref<2x10240x64xf32, #tpu.memory_space<hbm>> -> memref<1x10240x64xf32, #tpu.memory_space<hbm>>
      %dma_wait3A_111 = tpu.memref_squeeze %dma_wait3A_110 : memref<1x10240x64xf32, #tpu.memory_space<hbm>> -> memref<10240x64xf32, #tpu.memory_space<hbm>>
      %dma_wait3A_112 = arith.constant 0 : i32
      %dma_wait3A_113 = arith.constant 0 : i32
      %dma_wait3A_114 = tpu.memref_slice %dma_wait3A_111[%dma_wait3A_112, %dma_wait3A_113] : memref<10240x64xf32, #tpu.memory_space<hbm>> -> memref<10240x64xf32, #tpu.memory_space<hbm>>
      tpu.wait_indirect_dma semaphore(%arg11 : memref<!tpu.dma_semaphore, #tpu.memory_space<semaphore_mem>>) src(%dma_wait3A_114 : memref<10240x64xf32, #tpu.memory_space<hbm>>) dst(%dma_wait3A_104 : memref<128x64xf32, #tpu.memory_space<vmem>>)
      %dma_start3A_115 = arith.constant 0 : i32
      %dma_start3A_116 = arith.constant 0 : i32
      %dma_start3A_117 = arith.constant 0 : i32
      %dma_start3A_118 = tpu.memref_slice %arg9[%dma_start3A_115, %dma_start3A_116, %dma_start3A_117] : memref<4x128x64xf32, #tpu.memory_space<vmem>> -> memref<1x128x64xf32, #tpu.memory_space<vmem>>
      %dma_start3A_119 = tpu.memref_squeeze %dma_start3A_118 : memref<1x128x64xf32, #tpu.memory_space<vmem>> -> memref<128x64xf32, #tpu.memory_space<vmem>>
      %dma_start3A_120 = arith.constant 0 : i32
      %dma_start3A_121 = tpu.memref_slice %arg8[%add3A_100, %dma_start3A_120] : memref<160x128xi32, #tpu.memory_space<vmem>> -> memref<1x128xi32, #tpu.memory_space<vmem>>
      %dma_start3A_122 = tpu.memref_squeeze %dma_start3A_121 : memref<1x128xi32, #tpu.memory_space<vmem>> -> memref<128xi32, #tpu.memory_space<vmem>>
      %dma_start3A_123 = arith.constant 0 : i32
      %dma_start3A_124 = arith.constant 0 : i32
      %dma_start3A_125 = tpu.memref_slice %arg10[%dma_start3A_123, %dma_start3A_124] : memref<10240x64xf32, #tpu.memory_space<vmem_shared>> -> memref<10240x64xf32, #tpu.memory_space<vmem_shared>>
      tpu.enqueue_indirect_dma source(%dma_start3A_119 : memref<128x64xf32, #tpu.memory_space<vmem>>) target(%dma_start3A_125 : memref<10240x64xf32, #tpu.memory_space<vmem_shared>>) offsets(%dma_start3A_122 : memref<128xi32, #tpu.memory_space<vmem>>) semaphore(%arg15 : memref<!tpu.dma_semaphore, #tpu.memory_space<semaphore_mem>>) {add = true}
      %add3A_126 = arith.constant 1 : i32
      %add3A_127 = arith.addi %mul3A_98, %add3A_126 : i32
      %dma_wait3A_128 = arith.constant 1 : i32
      %dma_wait3A_129 = arith.constant 0 : i32
      %dma_wait3A_130 = arith.constant 0 : i32
      %dma_wait3A_131 = tpu.memref_slice %arg9[%dma_wait3A_128, %dma_wait3A_129, %dma_wait3A_130] : memref<4x128x64xf32, #tpu.memory_space<vmem>> -> memref<1x128x64xf32, #tpu.memory_space<vmem>>
      %dma_wait3A_132 = tpu.memref_squeeze %dma_wait3A_131 : memref<1x128x64xf32, #tpu.memory_space<vmem>> -> memref<128x64xf32, #tpu.memory_space<vmem>>
      %dma_wait3A_133 = arith.constant 0 : i32
      %dma_wait3A_134 = tpu.memref_slice %arg7[%add3A_127, %dma_wait3A_133] : memref<160x128xi32, #tpu.memory_space<vmem>> -> memref<1x128xi32, #tpu.memory_space<vmem>>
      %dma_wait3A_135 = tpu.memref_squeeze %dma_wait3A_134 : memref<1x128xi32, #tpu.memory_space<vmem>> -> memref<128xi32, #tpu.memory_space<vmem>>
      %dma_wait3A_136 = arith.constant 0 : i32
      %dma_wait3A_137 = arith.constant 0 : i32
      %dma_wait3A_138 = tpu.memref_slice %arg4[%arg0, %dma_wait3A_136, %dma_wait3A_137] : memref<2x10240x64xf32, #tpu.memory_space<hbm>> -> memref<1x10240x64xf32, #tpu.memory_space<hbm>>
      %dma_wait3A_139 = tpu.memref_squeeze %dma_wait3A_138 : memref<1x10240x64xf32, #tpu.memory_space<hbm>> -> memref<10240x64xf32, #tpu.memory_space<hbm>>
      %dma_wait3A_140 = arith.constant 0 : i32
      %dma_wait3A_141 = arith.constant 0 : i32
      %dma_wait3A_142 = tpu.memref_slice %dma_wait3A_139[%dma_wait3A_140, %dma_wait3A_141] : memref<10240x64xf32, #tpu.memory_space<hbm>> -> memref<10240x64xf32, #tpu.memory_space<hbm>>
      tpu.wait_indirect_dma semaphore(%arg12 : memref<!tpu.dma_semaphore, #tpu.memory_space<semaphore_mem>>) src(%dma_wait3A_142 : memref<10240x64xf32, #tpu.memory_space<hbm>>) dst(%dma_wait3A_132 : memref<128x64xf32, #tpu.memory_space<vmem>>)
      %dma_start3A_143 = arith.constant 1 : i32
      %dma_start3A_144 = arith.constant 0 : i32
      %dma_start3A_145 = arith.constant 0 : i32
      %dma_start3A_146 = tpu.memref_slice %arg9[%dma_start3A_143, %dma_start3A_144, %dma_start3A_145] : memref<4x128x64xf32, #tpu.memory_space<vmem>> -> memref<1x128x64xf32, #tpu.memory_space<vmem>>
      %dma_start3A_147 = tpu.memref_squeeze %dma_start3A_146 : memref<1x128x64xf32, #tpu.memory_space<vmem>> -> memref<128x64xf32, #tpu.memory_space<vmem>>
      %dma_start3A_148 = arith.constant 0 : i32
      %dma_start3A_149 = tpu.memref_slice %arg8[%add3A_127, %dma_start3A_148] : memref<160x128xi32, #tpu.memory_space<vmem>> -> memref<1x128xi32, #tpu.memory_space<vmem>>
      %dma_start3A_150 = tpu.memref_squeeze %dma_start3A_149 : memref<1x128xi32, #tpu.memory_space<vmem>> -> memref<128xi32, #tpu.memory_space<vmem>>
      %dma_start3A_151 = arith.constant 0 : i32
      %dma_start3A_152 = arith.constant 0 : i32
      %dma_start3A_153 = tpu.memref_slice %arg10[%dma_start3A_151, %dma_start3A_152] : memref<10240x64xf32, #tpu.memory_space<vmem_shared>> -> memref<10240x64xf32, #tpu.memory_space<vmem_shared>>
      tpu.enqueue_indirect_dma source(%dma_start3A_147 : memref<128x64xf32, #tpu.memory_space<vmem>>) target(%dma_start3A_153 : memref<10240x64xf32, #tpu.memory_space<vmem_shared>>) offsets(%dma_start3A_150 : memref<128xi32, #tpu.memory_space<vmem>>) semaphore(%arg16 : memref<!tpu.dma_semaphore, #tpu.memory_space<semaphore_mem>>) {add = true}
      %add3A_154 = arith.constant 2 : i32
      %add3A_155 = arith.addi %mul3A_98, %add3A_154 : i32
      %dma_wait3A_156 = arith.constant 2 : i32
      %dma_wait3A_157 = arith.constant 0 : i32
      %dma_wait3A_158 = arith.constant 0 : i32
      %dma_wait3A_159 = tpu.memref_slice %arg9[%dma_wait3A_156, %dma_wait3A_157, %dma_wait3A_158] : memref<4x128x64xf32, #tpu.memory_space<vmem>> -> memref<1x128x64xf32, #tpu.memory_space<vmem>>
      %dma_wait3A_160 = tpu.memref_squeeze %dma_wait3A_159 : memref<1x128x64xf32, #tpu.memory_space<vmem>> -> memref<128x64xf32, #tpu.memory_space<vmem>>
      %dma_wait3A_161 = arith.constant 0 : i32
      %dma_wait3A_162 = tpu.memref_slice %arg7[%add3A_155, %dma_wait3A_161] : memref<160x128xi32, #tpu.memory_space<vmem>> -> memref<1x128xi32, #tpu.memory_space<vmem>>
      %dma_wait3A_163 = tpu.memref_squeeze %dma_wait3A_162 : memref<1x128xi32, #tpu.memory_space<vmem>> -> memref<128xi32, #tpu.memory_space<vmem>>
      %dma_wait3A_164 = arith.constant 0 : i32
      %dma_wait3A_165 = arith.constant 0 : i32
      %dma_wait3A_166 = tpu.memref_slice %arg4[%arg0, %dma_wait3A_164, %dma_wait3A_165] : memref<2x10240x64xf32, #tpu.memory_space<hbm>> -> memref<1x10240x64xf32, #tpu.memory_space<hbm>>
      %dma_wait3A_167 = tpu.memref_squeeze %dma_wait3A_166 : memref<1x10240x64xf32, #tpu.memory_space<hbm>> -> memref<10240x64xf32, #tpu.memory_space<hbm>>
      %dma_wait3A_168 = arith.constant 0 : i32
      %dma_wait3A_169 = arith.constant 0 : i32
      %dma_wait3A_170 = tpu.memref_slice %dma_wait3A_167[%dma_wait3A_168, %dma_wait3A_169] : memref<10240x64xf32, #tpu.memory_space<hbm>> -> memref<10240x64xf32, #tpu.memory_space<hbm>>
      tpu.wait_indirect_dma semaphore(%arg13 : memref<!tpu.dma_semaphore, #tpu.memory_space<semaphore_mem>>) src(%dma_wait3A_170 : memref<10240x64xf32, #tpu.memory_space<hbm>>) dst(%dma_wait3A_160 : memref<128x64xf32, #tpu.memory_space<vmem>>)
      %dma_start3A_171 = arith.constant 2 : i32
      %dma_start3A_172 = arith.constant 0 : i32
      %dma_start3A_173 = arith.constant 0 : i32
      %dma_start3A_174 = tpu.memref_slice %arg9[%dma_start3A_171, %dma_start3A_172, %dma_start3A_173] : memref<4x128x64xf32, #tpu.memory_space<vmem>> -> memref<1x128x64xf32, #tpu.memory_space<vmem>>
      %dma_start3A_175 = tpu.memref_squeeze %dma_start3A_174 : memref<1x128x64xf32, #tpu.memory_space<vmem>> -> memref<128x64xf32, #tpu.memory_space<vmem>>
      %dma_start3A_176 = arith.constant 0 : i32
      %dma_start3A_177 = tpu.memref_slice %arg8[%add3A_155, %dma_start3A_176] : memref<160x128xi32, #tpu.memory_space<vmem>> -> memref<1x128xi32, #tpu.memory_space<vmem>>
      %dma_start3A_178 = tpu.memref_squeeze %dma_start3A_177 : memref<1x128xi32, #tpu.memory_space<vmem>> -> memref<128xi32, #tpu.memory_space<vmem>>
      %dma_start3A_179 = arith.constant 0 : i32
      %dma_start3A_180 = arith.constant 0 : i32
      %dma_start3A_181 = tpu.memref_slice %arg10[%dma_start3A_179, %dma_start3A_180] : memref<10240x64xf32, #tpu.memory_space<vmem_shared>> -> memref<10240x64xf32, #tpu.memory_space<vmem_shared>>
      tpu.enqueue_indirect_dma source(%dma_start3A_175 : memref<128x64xf32, #tpu.memory_space<vmem>>) target(%dma_start3A_181 : memref<10240x64xf32, #tpu.memory_space<vmem_shared>>) offsets(%dma_start3A_178 : memref<128xi32, #tpu.memory_space<vmem>>) semaphore(%arg17 : memref<!tpu.dma_semaphore, #tpu.memory_space<semaphore_mem>>) {add = true}
      %add3A_182 = arith.constant 3 : i32
      %add3A_183 = arith.addi %mul3A_98, %add3A_182 : i32
      %dma_wait3A_184 = arith.constant 3 : i32
      %dma_wait3A_185 = arith.constant 0 : i32
      %dma_wait3A_186 = arith.constant 0 : i32
      %dma_wait3A_187 = tpu.memref_slice %arg9[%dma_wait3A_184, %dma_wait3A_185, %dma_wait3A_186] : memref<4x128x64xf32, #tpu.memory_space<vmem>> -> memref<1x128x64xf32, #tpu.memory_space<vmem>>
      %dma_wait3A_188 = tpu.memref_squeeze %dma_wait3A_187 : memref<1x128x64xf32, #tpu.memory_space<vmem>> -> memref<128x64xf32, #tpu.memory_space<vmem>>
      %dma_wait3A_189 = arith.constant 0 : i32
      %dma_wait3A_190 = tpu.memref_slice %arg7[%add3A_183, %dma_wait3A_189] : memref<160x128xi32, #tpu.memory_space<vmem>> -> memref<1x128xi32, #tpu.memory_space<vmem>>
      %dma_wait3A_191 = tpu.memref_squeeze %dma_wait3A_190 : memref<1x128xi32, #tpu.memory_space<vmem>> -> memref<128xi32, #tpu.memory_space<vmem>>
      %dma_wait3A_192 = arith.constant 0 : i32
      %dma_wait3A_193 = arith.constant 0 : i32
      %dma_wait3A_194 = tpu.memref_slice %arg4[%arg0, %dma_wait3A_192, %dma_wait3A_193] : memref<2x10240x64xf32, #tpu.memory_space<hbm>> -> memref<1x10240x64xf32, #tpu.memory_space<hbm>>
      %dma_wait3A_195 = tpu.memref_squeeze %dma_wait3A_194 : memref<1x10240x64xf32, #tpu.memory_space<hbm>> -> memref<10240x64xf32, #tpu.memory_space<hbm>>
      %dma_wait3A_196 = arith.constant 0 : i32
      %dma_wait3A_197 = arith.constant 0 : i32
      %dma_wait3A_198 = tpu.memref_slice %dma_wait3A_195[%dma_wait3A_196, %dma_wait3A_197] : memref<10240x64xf32, #tpu.memory_space<hbm>> -> memref<10240x64xf32, #tpu.memory_space<hbm>>
      tpu.wait_indirect_dma semaphore(%arg14 : memref<!tpu.dma_semaphore, #tpu.memory_space<semaphore_mem>>) src(%dma_wait3A_198 : memref<10240x64xf32, #tpu.memory_space<hbm>>) dst(%dma_wait3A_188 : memref<128x64xf32, #tpu.memory_space<vmem>>)
      %dma_start3A_199 = arith.constant 3 : i32
      %dma_start3A_200 = arith.constant 0 : i32
      %dma_start3A_201 = arith.constant 0 : i32
      %dma_start3A_202 = tpu.memref_slice %arg9[%dma_start3A_199, %dma_start3A_200, %dma_start3A_201] : memref<4x128x64xf32, #tpu.memory_space<vmem>> -> memref<1x128x64xf32, #tpu.memory_space<vmem>>
      %dma_start3A_203 = tpu.memref_squeeze %dma_start3A_202 : memref<1x128x64xf32, #tpu.memory_space<vmem>> -> memref<128x64xf32, #tpu.memory_space<vmem>>
      %dma_start3A_204 = arith.constant 0 : i32
      %dma_start3A_205 = tpu.memref_slice %arg8[%add3A_183, %dma_start3A_204] : memref<160x128xi32, #tpu.memory_space<vmem>> -> memref<1x128xi32, #tpu.memory_space<vmem>>
      %dma_start3A_206 = tpu.memref_squeeze %dma_start3A_205 : memref<1x128xi32, #tpu.memory_space<vmem>> -> memref<128xi32, #tpu.memory_space<vmem>>
      %dma_start3A_207 = arith.constant 0 : i32
      %dma_start3A_208 = arith.constant 0 : i32
      %dma_start3A_209 = tpu.memref_slice %arg10[%dma_start3A_207, %dma_start3A_208] : memref<10240x64xf32, #tpu.memory_space<vmem_shared>> -> memref<10240x64xf32, #tpu.memory_space<vmem_shared>>
      tpu.enqueue_indirect_dma source(%dma_start3A_203 : memref<128x64xf32, #tpu.memory_space<vmem>>) target(%dma_start3A_209 : memref<10240x64xf32, #tpu.memory_space<vmem_shared>>) offsets(%dma_start3A_206 : memref<128xi32, #tpu.memory_space<vmem>>) semaphore(%arg18 : memref<!tpu.dma_semaphore, #tpu.memory_space<semaphore_mem>>) {add = true}
      %dma_wait3A_210 = arith.constant 0 : i32
      %dma_wait3A_211 = arith.constant 0 : i32
      %dma_wait3A_212 = arith.constant 0 : i32
      %dma_wait3A_213 = tpu.memref_slice %arg9[%dma_wait3A_210, %dma_wait3A_211, %dma_wait3A_212] : memref<4x128x64xf32, #tpu.memory_space<vmem>> -> memref<1x128x64xf32, #tpu.memory_space<vmem>>
      %dma_wait3A_214 = tpu.memref_squeeze %dma_wait3A_213 : memref<1x128x64xf32, #tpu.memory_space<vmem>> -> memref<128x64xf32, #tpu.memory_space<vmem>>
      %dma_wait3A_215 = arith.constant 0 : i32
      %dma_wait3A_216 = tpu.memref_slice %arg8[%add3A_100, %dma_wait3A_215] : memref<160x128xi32, #tpu.memory_space<vmem>> -> memref<1x128xi32, #tpu.memory_space<vmem>>
      %dma_wait3A_217 = tpu.memref_squeeze %dma_wait3A_216 : memref<1x128xi32, #tpu.memory_space<vmem>> -> memref<128xi32, #tpu.memory_space<vmem>>
      %dma_wait3A_218 = arith.constant 0 : i32
      %dma_wait3A_219 = arith.constant 0 : i32
      %dma_wait3A_220 = tpu.memref_slice %arg10[%dma_wait3A_218, %dma_wait3A_219] : memref<10240x64xf32, #tpu.memory_space<vmem_shared>> -> memref<10240x64xf32, #tpu.memory_space<vmem_shared>>
      tpu.wait_indirect_dma semaphore(%arg15 : memref<!tpu.dma_semaphore, #tpu.memory_space<semaphore_mem>>) src(%dma_wait3A_214 : memref<128x64xf32, #tpu.memory_space<vmem>>) dst(%dma_wait3A_220 : memref<10240x64xf32, #tpu.memory_space<vmem_shared>>)
      %lt3A = arith.constant 39 : i32
      %lt3A_221 = arith.cmpi slt, %scan3A_96, %lt3A : i32
      %convert_element_type3A = arith.extui %lt3A_221 : i1 to i32
      %cond3A = arith.constant 0 : i32
      %cond3A_222 = arith.cmpi ne, %convert_element_type3A, %cond3A : i32
      scf.if %cond3A_222 {
        %add3A_271 = arith.constant 4 : i32
        %add3A_272 = arith.addi %mul3A_98, %add3A_271 : i32
        %add3A_273 = arith.constant 0 : i32
        %add3A_274 = arith.addi %add3A_272, %add3A_273 : i32
        %dma_start3A_275 = arith.constant 0 : i32
        %dma_start3A_276 = arith.constant 0 : i32
        %dma_start3A_277 = arith.constant 0 : i32
        %dma_start3A_278 = tpu.memref_slice %arg9[%dma_start3A_275, %dma_start3A_276, %dma_start3A_277] : memref<4x128x64xf32, #tpu.memory_space<vmem>> -> memref<1x128x64xf32, #tpu.memory_space<vmem>>
        %dma_start3A_279 = tpu.memref_squeeze %dma_start3A_278 : memref<1x128x64xf32, #tpu.memory_space<vmem>> -> memref<128x64xf32, #tpu.memory_space<vmem>>
        %dma_start3A_280 = arith.constant 0 : i32
        %dma_start3A_281 = tpu.memref_slice %arg7[%add3A_274, %dma_start3A_280] : memref<160x128xi32, #tpu.memory_space<vmem>> -> memref<1x128xi32, #tpu.memory_space<vmem>>
        %dma_start3A_282 = tpu.memref_squeeze %dma_start3A_281 : memref<1x128xi32, #tpu.memory_space<vmem>> -> memref<128xi32, #tpu.memory_space<vmem>>
        %dma_start3A_283 = arith.constant 0 : i32
        %dma_start3A_284 = arith.constant 0 : i32
        %dma_start3A_285 = tpu.memref_slice %arg4[%arg0, %dma_start3A_283, %dma_start3A_284] : memref<2x10240x64xf32, #tpu.memory_space<hbm>> -> memref<1x10240x64xf32, #tpu.memory_space<hbm>>
        %dma_start3A_286 = tpu.memref_squeeze %dma_start3A_285 : memref<1x10240x64xf32, #tpu.memory_space<hbm>> -> memref<10240x64xf32, #tpu.memory_space<hbm>>
        %dma_start3A_287 = arith.constant 0 : i32
        %dma_start3A_288 = arith.constant 0 : i32
        %dma_start3A_289 = tpu.memref_slice %dma_start3A_286[%dma_start3A_287, %dma_start3A_288] : memref<10240x64xf32, #tpu.memory_space<hbm>> -> memref<10240x64xf32, #tpu.memory_space<hbm>>
        tpu.enqueue_indirect_dma source(%dma_start3A_289 : memref<10240x64xf32, #tpu.memory_space<hbm>>) target(%dma_start3A_279 : memref<128x64xf32, #tpu.memory_space<vmem>>) offsets(%dma_start3A_282 : memref<128xi32, #tpu.memory_space<vmem>>) semaphore(%arg11 : memref<!tpu.dma_semaphore, #tpu.memory_space<semaphore_mem>>)
      } else {
      }
      %dma_wait3A_223 = arith.constant 1 : i32
      %dma_wait3A_224 = arith.constant 0 : i32
      %dma_wait3A_225 = arith.constant 0 : i32
      %dma_wait3A_226 = tpu.memref_slice %arg9[%dma_wait3A_223, %dma_wait3A_224, %dma_wait3A_225] : memref<4x128x64xf32, #tpu.memory_space<vmem>> -> memref<1x128x64xf32, #tpu.memory_space<vmem>>
      %dma_wait3A_227 = tpu.memref_squeeze %dma_wait3A_226 : memref<1x128x64xf32, #tpu.memory_space<vmem>> -> memref<128x64xf32, #tpu.memory_space<vmem>>
      %dma_wait3A_228 = arith.constant 0 : i32
      %dma_wait3A_229 = tpu.memref_slice %arg8[%add3A_127, %dma_wait3A_228] : memref<160x128xi32, #tpu.memory_space<vmem>> -> memref<1x128xi32, #tpu.memory_space<vmem>>
      %dma_wait3A_230 = tpu.memref_squeeze %dma_wait3A_229 : memref<1x128xi32, #tpu.memory_space<vmem>> -> memref<128xi32, #tpu.memory_space<vmem>>
      %dma_wait3A_231 = arith.constant 0 : i32
      %dma_wait3A_232 = arith.constant 0 : i32
      %dma_wait3A_233 = tpu.memref_slice %arg10[%dma_wait3A_231, %dma_wait3A_232] : memref<10240x64xf32, #tpu.memory_space<vmem_shared>> -> memref<10240x64xf32, #tpu.memory_space<vmem_shared>>
      tpu.wait_indirect_dma semaphore(%arg16 : memref<!tpu.dma_semaphore, #tpu.memory_space<semaphore_mem>>) src(%dma_wait3A_227 : memref<128x64xf32, #tpu.memory_space<vmem>>) dst(%dma_wait3A_233 : memref<10240x64xf32, #tpu.memory_space<vmem_shared>>)
      %lt3A_234 = arith.constant 39 : i32
      %lt3A_235 = arith.cmpi slt, %scan3A_96, %lt3A_234 : i32
      %convert_element_type3A_236 = arith.extui %lt3A_235 : i1 to i32
      %cond3A_237 = arith.constant 0 : i32
      %cond3A_238 = arith.cmpi ne, %convert_element_type3A_236, %cond3A_237 : i32
      scf.if %cond3A_238 {
        %add3A_271 = arith.constant 4 : i32
        %add3A_272 = arith.addi %mul3A_98, %add3A_271 : i32
        %add3A_273 = arith.constant 1 : i32
        %add3A_274 = arith.addi %add3A_272, %add3A_273 : i32
        %dma_start3A_275 = arith.constant 1 : i32
        %dma_start3A_276 = arith.constant 0 : i32
        %dma_start3A_277 = arith.constant 0 : i32
        %dma_start3A_278 = tpu.memref_slice %arg9[%dma_start3A_275, %dma_start3A_276, %dma_start3A_277] : memref<4x128x64xf32, #tpu.memory_space<vmem>> -> memref<1x128x64xf32, #tpu.memory_space<vmem>>
        %dma_start3A_279 = tpu.memref_squeeze %dma_start3A_278 : memref<1x128x64xf32, #tpu.memory_space<vmem>> -> memref<128x64xf32, #tpu.memory_space<vmem>>
        %dma_start3A_280 = arith.constant 0 : i32
        %dma_start3A_281 = tpu.memref_slice %arg7[%add3A_274, %dma_start3A_280] : memref<160x128xi32, #tpu.memory_space<vmem>> -> memref<1x128xi32, #tpu.memory_space<vmem>>
        %dma_start3A_282 = tpu.memref_squeeze %dma_start3A_281 : memref<1x128xi32, #tpu.memory_space<vmem>> -> memref<128xi32, #tpu.memory_space<vmem>>
        %dma_start3A_283 = arith.constant 0 : i32
        %dma_start3A_284 = arith.constant 0 : i32
        %dma_start3A_285 = tpu.memref_slice %arg4[%arg0, %dma_start3A_283, %dma_start3A_284] : memref<2x10240x64xf32, #tpu.memory_space<hbm>> -> memref<1x10240x64xf32, #tpu.memory_space<hbm>>
        %dma_start3A_286 = tpu.memref_squeeze %dma_start3A_285 : memref<1x10240x64xf32, #tpu.memory_space<hbm>> -> memref<10240x64xf32, #tpu.memory_space<hbm>>
        %dma_start3A_287 = arith.constant 0 : i32
        %dma_start3A_288 = arith.constant 0 : i32
        %dma_start3A_289 = tpu.memref_slice %dma_start3A_286[%dma_start3A_287, %dma_start3A_288] : memref<10240x64xf32, #tpu.memory_space<hbm>> -> memref<10240x64xf32, #tpu.memory_space<hbm>>
        tpu.enqueue_indirect_dma source(%dma_start3A_289 : memref<10240x64xf32, #tpu.memory_space<hbm>>) target(%dma_start3A_279 : memref<128x64xf32, #tpu.memory_space<vmem>>) offsets(%dma_start3A_282 : memref<128xi32, #tpu.memory_space<vmem>>) semaphore(%arg12 : memref<!tpu.dma_semaphore, #tpu.memory_space<semaphore_mem>>)
      } else {
      }
      %dma_wait3A_239 = arith.constant 2 : i32
      %dma_wait3A_240 = arith.constant 0 : i32
      %dma_wait3A_241 = arith.constant 0 : i32
      %dma_wait3A_242 = tpu.memref_slice %arg9[%dma_wait3A_239, %dma_wait3A_240, %dma_wait3A_241] : memref<4x128x64xf32, #tpu.memory_space<vmem>> -> memref<1x128x64xf32, #tpu.memory_space<vmem>>
      %dma_wait3A_243 = tpu.memref_squeeze %dma_wait3A_242 : memref<1x128x64xf32, #tpu.memory_space<vmem>> -> memref<128x64xf32, #tpu.memory_space<vmem>>
      %dma_wait3A_244 = arith.constant 0 : i32
      %dma_wait3A_245 = tpu.memref_slice %arg8[%add3A_155, %dma_wait3A_244] : memref<160x128xi32, #tpu.memory_space<vmem>> -> memref<1x128xi32, #tpu.memory_space<vmem>>
      %dma_wait3A_246 = tpu.memref_squeeze %dma_wait3A_245 : memref<1x128xi32, #tpu.memory_space<vmem>> -> memref<128xi32, #tpu.memory_space<vmem>>
      %dma_wait3A_247 = arith.constant 0 : i32
      %dma_wait3A_248 = arith.constant 0 : i32
      %dma_wait3A_249 = tpu.memref_slice %arg10[%dma_wait3A_247, %dma_wait3A_248] : memref<10240x64xf32, #tpu.memory_space<vmem_shared>> -> memref<10240x64xf32, #tpu.memory_space<vmem_shared>>
      tpu.wait_indirect_dma semaphore(%arg17 : memref<!tpu.dma_semaphore, #tpu.memory_space<semaphore_mem>>) src(%dma_wait3A_243 : memref<128x64xf32, #tpu.memory_space<vmem>>) dst(%dma_wait3A_249 : memref<10240x64xf32, #tpu.memory_space<vmem_shared>>)
      %lt3A_250 = arith.constant 39 : i32
      %lt3A_251 = arith.cmpi slt, %scan3A_96, %lt3A_250 : i32
      %convert_element_type3A_252 = arith.extui %lt3A_251 : i1 to i32
      %cond3A_253 = arith.constant 0 : i32
      %cond3A_254 = arith.cmpi ne, %convert_element_type3A_252, %cond3A_253 : i32
      scf.if %cond3A_254 {
        %add3A_271 = arith.constant 4 : i32
        %add3A_272 = arith.addi %mul3A_98, %add3A_271 : i32
        %add3A_273 = arith.constant 2 : i32
        %add3A_274 = arith.addi %add3A_272, %add3A_273 : i32
        %dma_start3A_275 = arith.constant 2 : i32
        %dma_start3A_276 = arith.constant 0 : i32
        %dma_start3A_277 = arith.constant 0 : i32
        %dma_start3A_278 = tpu.memref_slice %arg9[%dma_start3A_275, %dma_start3A_276, %dma_start3A_277] : memref<4x128x64xf32, #tpu.memory_space<vmem>> -> memref<1x128x64xf32, #tpu.memory_space<vmem>>
        %dma_start3A_279 = tpu.memref_squeeze %dma_start3A_278 : memref<1x128x64xf32, #tpu.memory_space<vmem>> -> memref<128x64xf32, #tpu.memory_space<vmem>>
        %dma_start3A_280 = arith.constant 0 : i32
        %dma_start3A_281 = tpu.memref_slice %arg7[%add3A_274, %dma_start3A_280] : memref<160x128xi32, #tpu.memory_space<vmem>> -> memref<1x128xi32, #tpu.memory_space<vmem>>
        %dma_start3A_282 = tpu.memref_squeeze %dma_start3A_281 : memref<1x128xi32, #tpu.memory_space<vmem>> -> memref<128xi32, #tpu.memory_space<vmem>>
        %dma_start3A_283 = arith.constant 0 : i32
        %dma_start3A_284 = arith.constant 0 : i32
        %dma_start3A_285 = tpu.memref_slice %arg4[%arg0, %dma_start3A_283, %dma_start3A_284] : memref<2x10240x64xf32, #tpu.memory_space<hbm>> -> memref<1x10240x64xf32, #tpu.memory_space<hbm>>
        %dma_start3A_286 = tpu.memref_squeeze %dma_start3A_285 : memref<1x10240x64xf32, #tpu.memory_space<hbm>> -> memref<10240x64xf32, #tpu.memory_space<hbm>>
        %dma_start3A_287 = arith.constant 0 : i32
        %dma_start3A_288 = arith.constant 0 : i32
        %dma_start3A_289 = tpu.memref_slice %dma_start3A_286[%dma_start3A_287, %dma_start3A_288] : memref<10240x64xf32, #tpu.memory_space<hbm>> -> memref<10240x64xf32, #tpu.memory_space<hbm>>
        tpu.enqueue_indirect_dma source(%dma_start3A_289 : memref<10240x64xf32, #tpu.memory_space<hbm>>) target(%dma_start3A_279 : memref<128x64xf32, #tpu.memory_space<vmem>>) offsets(%dma_start3A_282 : memref<128xi32, #tpu.memory_space<vmem>>) semaphore(%arg13 : memref<!tpu.dma_semaphore, #tpu.memory_space<semaphore_mem>>)
      } else {
      }
      %dma_wait3A_255 = arith.constant 3 : i32
      %dma_wait3A_256 = arith.constant 0 : i32
      %dma_wait3A_257 = arith.constant 0 : i32
      %dma_wait3A_258 = tpu.memref_slice %arg9[%dma_wait3A_255, %dma_wait3A_256, %dma_wait3A_257] : memref<4x128x64xf32, #tpu.memory_space<vmem>> -> memref<1x128x64xf32, #tpu.memory_space<vmem>>
      %dma_wait3A_259 = tpu.memref_squeeze %dma_wait3A_258 : memref<1x128x64xf32, #tpu.memory_space<vmem>> -> memref<128x64xf32, #tpu.memory_space<vmem>>
      %dma_wait3A_260 = arith.constant 0 : i32
      %dma_wait3A_261 = tpu.memref_slice %arg8[%add3A_183, %dma_wait3A_260] : memref<160x128xi32, #tpu.memory_space<vmem>> -> memref<1x128xi32, #tpu.memory_space<vmem>>
      %dma_wait3A_262 = tpu.memref_squeeze %dma_wait3A_261 : memref<1x128xi32, #tpu.memory_space<vmem>> -> memref<128xi32, #tpu.memory_space<vmem>>
      %dma_wait3A_263 = arith.constant 0 : i32
      %dma_wait3A_264 = arith.constant 0 : i32
      %dma_wait3A_265 = tpu.memref_slice %arg10[%dma_wait3A_263, %dma_wait3A_264] : memref<10240x64xf32, #tpu.memory_space<vmem_shared>> -> memref<10240x64xf32, #tpu.memory_space<vmem_shared>>
      tpu.wait_indirect_dma semaphore(%arg18 : memref<!tpu.dma_semaphore, #tpu.memory_space<semaphore_mem>>) src(%dma_wait3A_259 : memref<128x64xf32, #tpu.memory_space<vmem>>) dst(%dma_wait3A_265 : memref<10240x64xf32, #tpu.memory_space<vmem_shared>>)
      %lt3A_266 = arith.constant 39 : i32
      %lt3A_267 = arith.cmpi slt, %scan3A_96, %lt3A_266 : i32
      %convert_element_type3A_268 = arith.extui %lt3A_267 : i1 to i32
      %cond3A_269 = arith.constant 0 : i32
      %cond3A_270 = arith.cmpi ne, %convert_element_type3A_268, %cond3A_269 : i32
      scf.if %cond3A_270 {
        %add3A_271 = arith.constant 4 : i32
        %add3A_272 = arith.addi %mul3A_98, %add3A_271 : i32
        %add3A_273 = arith.constant 3 : i32
        %add3A_274 = arith.addi %add3A_272, %add3A_273 : i32
        %dma_start3A_275 = arith.constant 3 : i32
        %dma_start3A_276 = arith.constant 0 : i32
        %dma_start3A_277 = arith.constant 0 : i32
        %dma_start3A_278 = tpu.memref_slice %arg9[%dma_start3A_275, %dma_start3A_276, %dma_start3A_277] : memref<4x128x64xf32, #tpu.memory_space<vmem>> -> memref<1x128x64xf32, #tpu.memory_space<vmem>>
        %dma_start3A_279 = tpu.memref_squeeze %dma_start3A_278 : memref<1x128x64xf32, #tpu.memory_space<vmem>> -> memref<128x64xf32, #tpu.memory_space<vmem>>
        %dma_start3A_280 = arith.constant 0 : i32
        %dma_start3A_281 = tpu.memref_slice %arg7[%add3A_274, %dma_start3A_280] : memref<160x128xi32, #tpu.memory_space<vmem>> -> memref<1x128xi32, #tpu.memory_space<vmem>>
        %dma_start3A_282 = tpu.memref_squeeze %dma_start3A_281 : memref<1x128xi32, #tpu.memory_space<vmem>> -> memref<128xi32, #tpu.memory_space<vmem>>
        %dma_start3A_283 = arith.constant 0 : i32
        %dma_start3A_284 = arith.constant 0 : i32
        %dma_start3A_285 = tpu.memref_slice %arg4[%arg0, %dma_start3A_283, %dma_start3A_284] : memref<2x10240x64xf32, #tpu.memory_space<hbm>> -> memref<1x10240x64xf32, #tpu.memory_space<hbm>>
        %dma_start3A_286 = tpu.memref_squeeze %dma_start3A_285 : memref<1x10240x64xf32, #tpu.memory_space<hbm>> -> memref<10240x64xf32, #tpu.memory_space<hbm>>
        %dma_start3A_287 = arith.constant 0 : i32
        %dma_start3A_288 = arith.constant 0 : i32
        %dma_start3A_289 = tpu.memref_slice %dma_start3A_286[%dma_start3A_287, %dma_start3A_288] : memref<10240x64xf32, #tpu.memory_space<hbm>> -> memref<10240x64xf32, #tpu.memory_space<hbm>>
        tpu.enqueue_indirect_dma source(%dma_start3A_289 : memref<10240x64xf32, #tpu.memory_space<hbm>>) target(%dma_start3A_279 : memref<128x64xf32, #tpu.memory_space<vmem>>) offsets(%dma_start3A_282 : memref<128xi32, #tpu.memory_space<vmem>>) semaphore(%arg14 : memref<!tpu.dma_semaphore, #tpu.memory_space<semaphore_mem>>)
      } else {
      }
    }
    %scan3A_90 = arith.constant 40 : i32
    %barrier3A_91 = arith.constant 0 : index
    tpu.barrier barrier_id(%barrier3A_91)
    %mul3A_92 = arith.constant 640 : i32
    %mul3A_93 = arith.muli %arg1, %mul3A_92 : i32
    %mul3A_94 = arith.constant 640 : i32
    %mul3A_95 = arith.muli %arg1, %mul3A_94 : i32
    "tpu.region"() ({
      %run_scoped3A_96 = tpu.sem_alloc : memref<!tpu.dma_semaphore, #tpu.memory_space<semaphore_mem>>
      %dma_start3A_97 = arith.constant 0 : i32
      %dma_start3A_98 = tpu.memref_slice %arg6[%arg0, %mul3A_95, %dma_start3A_97] : memref<2x10240x64xf32, #tpu.memory_space<hbm>> -> memref<1x640x64xf32, #tpu.memory_space<hbm>>
      %dma_start3A_99 = tpu.memref_squeeze %dma_start3A_98 : memref<1x640x64xf32, #tpu.memory_space<hbm>> -> memref<640x64xf32, #tpu.memory_space<hbm>>
      %dma_start3A_100 = arith.constant 0 : i32
      %dma_start3A_101 = tpu.memref_slice %arg10[%mul3A_93, %dma_start3A_100] : memref<10240x64xf32, #tpu.memory_space<vmem_shared>> -> memref<640x64xf32, #tpu.memory_space<vmem_shared>>
      tpu.enqueue_dma source(%dma_start3A_101 : memref<640x64xf32, #tpu.memory_space<vmem_shared>>) target(%dma_start3A_99 : memref<640x64xf32, #tpu.memory_space<hbm>>) target_semaphore(%run_scoped3A_96 : memref<!tpu.dma_semaphore, #tpu.memory_space<semaphore_mem>>)
      %dma_wait3A = arith.constant 0 : i32
      %dma_wait3A_102 = tpu.memref_slice %arg6[%arg0, %mul3A_95, %dma_wait3A] : memref<2x10240x64xf32, #tpu.memory_space<hbm>> -> memref<1x640x64xf32, #tpu.memory_space<hbm>>
      %dma_wait3A_103 = tpu.memref_squeeze %dma_wait3A_102 : memref<1x640x64xf32, #tpu.memory_space<hbm>> -> memref<640x64xf32, #tpu.memory_space<hbm>>
      %dma_wait3A_104 = arith.constant 0 : i32
      %dma_wait3A_105 = tpu.memref_slice %arg10[%mul3A_93, %dma_wait3A_104] : memref<10240x64xf32, #tpu.memory_space<vmem_shared>> -> memref<640x64xf32, #tpu.memory_space<vmem_shared>>
      tpu.wait_dma2 semaphore(%run_scoped3A_96 : memref<!tpu.dma_semaphore, #tpu.memory_space<semaphore_mem>>) src(%dma_wait3A_105 : memref<640x64xf32, #tpu.memory_space<vmem_shared>>) dst(%dma_wait3A_103 : memref<640x64xf32, #tpu.memory_space<hbm>>)
      tpu.yield
    }) : () -> ()
    return
  }
}

#map = affine_map<(d0, d1) -> (0, 0, 0)>
#map1 = affine_map<(d0, d1) -> (0, 0)>
module attributes {stable_mosaic.version = 14 : i64} {
  func.func @scat_kernel(%arg0: i32, %arg1: i32, %arg2: memref<16x160x128xi32, #tpu.memory_space<hbm>>, %arg3: memref<16x160x128xi32, #tpu.memory_space<hbm>>, %arg4: memref<2x10240x64xf32, #tpu.memory_space<hbm>>, %arg5: memref<128x64xf32, #tpu.memory_space<hbm>>, %arg6: memref<2x10240x64xf32, #tpu.memory_space<hbm>>, %arg7: memref<160x128xi32, #tpu.memory_space<vmem>>, %arg8: memref<160x128xi32, #tpu.memory_space<vmem>>, %arg9: memref<4x128x64xf32, #tpu.memory_space<vmem>>, %arg10: memref<10240x64xf32, #tpu.memory_space<vmem_shared>>, %arg11: memref<!tpu.dma_semaphore, #tpu.memory_space<semaphore_mem>>, %arg12: memref<!tpu.dma_semaphore, #tpu.memory_space<semaphore_mem>>, %arg13: memref<!tpu.dma_semaphore, #tpu.memory_space<semaphore_mem>>, %arg14: memref<!tpu.dma_semaphore, #tpu.memory_space<semaphore_mem>>, %arg15: memref<!tpu.dma_semaphore, #tpu.memory_space<semaphore_mem>>, %arg16: memref<!tpu.dma_semaphore, #tpu.memory_space<semaphore_mem>>, %arg17: memref<!tpu.dma_semaphore, #tpu.memory_space<semaphore_mem>>, %arg18: memref<!tpu.dma_semaphore, #tpu.memory_space<semaphore_mem>>) attributes {dimension_semantics = [#tpu.dimension_semantics<core_parallel>, #tpu.dimension_semantics<subcore_parallel>], iteration_bounds = array<i64: 2, 16>, scalar_prefetch = 0 : i64, scratch_operands = 12 : i64, tpu.core_type = #tpu.core_type<sc_vector_subcore>, window_params = [{transform_indices = #map}, {transform_indices = #map}, {transform_indices = #map}, {transform_indices = #map1}, {transform_indices = #map}]} {
    "tpu.region"() ({
      %run_scoped3A_96 = tpu.sem_alloc : memref<!tpu.dma_semaphore, #tpu.memory_space<semaphore_mem>>
      %dma_start3A_97 = arith.constant 0 : i32
      %dma_start3A_98 = arith.constant 0 : i32
      %dma_start3A_99 = tpu.memref_slice %arg2[%arg1, %dma_start3A_97, %dma_start3A_98] : memref<16x160x128xi32, #tpu.memory_space<hbm>> -> memref<1x160x128xi32, #tpu.memory_space<hbm>>
      %dma_start3A_100 = tpu.memref_squeeze %dma_start3A_99 : memref<1x160x128xi32, #tpu.memory_space<hbm>> -> memref<160x128xi32, #tpu.memory_space<hbm>>
      %dma_start3A_101 = arith.constant 0 : i32
      %dma_start3A_102 = arith.constant 0 : i32
      %dma_start3A_103 = tpu.memref_slice %arg2[%arg1, %dma_start3A_101, %dma_start3A_102] : memref<16x160x128xi32, #tpu.memory_space<hbm>> -> memref<1x160x128xi32, #tpu.memory_space<hbm>>
      %dma_start3A_104 = tpu.memref_squeeze %dma_start3A_103 : memref<1x160x128xi32, #tpu.memory_space<hbm>> -> memref<160x128xi32, #tpu.memory_space<hbm>>
      tpu.enqueue_dma source(%dma_start3A_104 : memref<160x128xi32, #tpu.memory_space<hbm>>) target(%arg7 : memref<160x128xi32, #tpu.memory_space<vmem>>) target_semaphore(%run_scoped3A_96 : memref<!tpu.dma_semaphore, #tpu.memory_space<semaphore_mem>>)
      %dma_wait3A = arith.constant 0 : i32
      %dma_wait3A_105 = arith.constant 0 : i32
      %dma_wait3A_106 = tpu.memref_slice %arg2[%arg1, %dma_wait3A, %dma_wait3A_105] : memref<16x160x128xi32, #tpu.memory_space<hbm>> -> memref<1x160x128xi32, #tpu.memory_space<hbm>>
      %dma_wait3A_107 = tpu.memref_squeeze %dma_wait3A_106 : memref<1x160x128xi32, #tpu.memory_space<hbm>> -> memref<160x128xi32, #tpu.memory_space<hbm>>
      %dma_wait3A_108 = arith.constant 0 : i32
      %dma_wait3A_109 = arith.constant 0 : i32
      %dma_wait3A_110 = tpu.memref_slice %arg2[%arg1, %dma_wait3A_108, %dma_wait3A_109] : memref<16x160x128xi32, #tpu.memory_space<hbm>> -> memref<1x160x128xi32, #tpu.memory_space<hbm>>
      %dma_wait3A_111 = tpu.memref_squeeze %dma_wait3A_110 : memref<1x160x128xi32, #tpu.memory_space<hbm>> -> memref<160x128xi32, #tpu.memory_space<hbm>>
      tpu.wait_dma2 semaphore(%run_scoped3A_96 : memref<!tpu.dma_semaphore, #tpu.memory_space<semaphore_mem>>) src(%dma_wait3A_111 : memref<160x128xi32, #tpu.memory_space<hbm>>) dst(%arg7 : memref<160x128xi32, #tpu.memory_space<vmem>>)
      tpu.yield
    }) : () -> ()
    "tpu.region"() ({
      %run_scoped3A_96 = tpu.sem_alloc : memref<!tpu.dma_semaphore, #tpu.memory_space<semaphore_mem>>
      %dma_start3A_97 = arith.constant 0 : i32
      %dma_start3A_98 = arith.constant 0 : i32
      %dma_start3A_99 = tpu.memref_slice %arg3[%arg1, %dma_start3A_97, %dma_start3A_98] : memref<16x160x128xi32, #tpu.memory_space<hbm>> -> memref<1x160x128xi32, #tpu.memory_space<hbm>>
      %dma_start3A_100 = tpu.memref_squeeze %dma_start3A_99 : memref<1x160x128xi32, #tpu.memory_space<hbm>> -> memref<160x128xi32, #tpu.memory_space<hbm>>
      %dma_start3A_101 = arith.constant 0 : i32
      %dma_start3A_102 = arith.constant 0 : i32
      %dma_start3A_103 = tpu.memref_slice %arg3[%arg1, %dma_start3A_101, %dma_start3A_102] : memref<16x160x128xi32, #tpu.memory_space<hbm>> -> memref<1x160x128xi32, #tpu.memory_space<hbm>>
      %dma_start3A_104 = tpu.memref_squeeze %dma_start3A_103 : memref<1x160x128xi32, #tpu.memory_space<hbm>> -> memref<160x128xi32, #tpu.memory_space<hbm>>
      tpu.enqueue_dma source(%dma_start3A_104 : memref<160x128xi32, #tpu.memory_space<hbm>>) target(%arg8 : memref<160x128xi32, #tpu.memory_space<vmem>>) target_semaphore(%run_scoped3A_96 : memref<!tpu.dma_semaphore, #tpu.memory_space<semaphore_mem>>)
      %dma_wait3A = arith.constant 0 : i32
      %dma_wait3A_105 = arith.constant 0 : i32
      %dma_wait3A_106 = tpu.memref_slice %arg3[%arg1, %dma_wait3A, %dma_wait3A_105] : memref<16x160x128xi32, #tpu.memory_space<hbm>> -> memref<1x160x128xi32, #tpu.memory_space<hbm>>
      %dma_wait3A_107 = tpu.memref_squeeze %dma_wait3A_106 : memref<1x160x128xi32, #tpu.memory_space<hbm>> -> memref<160x128xi32, #tpu.memory_space<hbm>>
      %dma_wait3A_108 = arith.constant 0 : i32
      %dma_wait3A_109 = arith.constant 0 : i32
      %dma_wait3A_110 = tpu.memref_slice %arg3[%arg1, %dma_wait3A_108, %dma_wait3A_109] : memref<16x160x128xi32, #tpu.memory_space<hbm>> -> memref<1x160x128xi32, #tpu.memory_space<hbm>>
      %dma_wait3A_111 = tpu.memref_squeeze %dma_wait3A_110 : memref<1x160x128xi32, #tpu.memory_space<hbm>> -> memref<160x128xi32, #tpu.memory_space<hbm>>
      tpu.wait_dma2 semaphore(%run_scoped3A_96 : memref<!tpu.dma_semaphore, #tpu.memory_space<semaphore_mem>>) src(%dma_wait3A_111 : memref<160x128xi32, #tpu.memory_space<hbm>>) dst(%arg8 : memref<160x128xi32, #tpu.memory_space<vmem>>)
      tpu.yield
    }) : () -> ()
    %run_scoped3A = arith.constant 0 : i32
    "tpu.region"() ({
      %run_scoped3A_96 = tpu.sem_alloc : memref<!tpu.dma_semaphore, #tpu.memory_space<semaphore_mem>>
      %dma_start3A_97 = arith.constant 0 : i32
      %dma_start3A_98 = arith.constant 0 : i32
      %dma_start3A_99 = tpu.memref_slice %arg9[%run_scoped3A, %dma_start3A_97, %dma_start3A_98] : memref<4x128x64xf32, #tpu.memory_space<vmem>> -> memref<1x128x64xf32, #tpu.memory_space<vmem>>
      %dma_start3A_100 = tpu.memref_squeeze %dma_start3A_99 : memref<1x128x64xf32, #tpu.memory_space<vmem>> -> memref<128x64xf32, #tpu.memory_space<vmem>>
      %dma_start3A_101 = arith.constant 0 : i32
      %dma_start3A_102 = arith.constant 0 : i32
      %dma_start3A_103 = tpu.memref_slice %arg9[%run_scoped3A, %dma_start3A_101, %dma_start3A_102] : memref<4x128x64xf32, #tpu.memory_space<vmem>> -> memref<1x128x64xf32, #tpu.memory_space<vmem>>
      %dma_start3A_104 = tpu.memref_squeeze %dma_start3A_103 : memref<1x128x64xf32, #tpu.memory_space<vmem>> -> memref<128x64xf32, #tpu.memory_space<vmem>>
      tpu.enqueue_dma source(%arg5 : memref<128x64xf32, #tpu.memory_space<hbm>>) target(%dma_start3A_104 : memref<128x64xf32, #tpu.memory_space<vmem>>) target_semaphore(%run_scoped3A_96 : memref<!tpu.dma_semaphore, #tpu.memory_space<semaphore_mem>>)
      %dma_wait3A = arith.constant 0 : i32
      %dma_wait3A_105 = arith.constant 0 : i32
      %dma_wait3A_106 = tpu.memref_slice %arg9[%run_scoped3A, %dma_wait3A, %dma_wait3A_105] : memref<4x128x64xf32, #tpu.memory_space<vmem>> -> memref<1x128x64xf32, #tpu.memory_space<vmem>>
      %dma_wait3A_107 = tpu.memref_squeeze %dma_wait3A_106 : memref<1x128x64xf32, #tpu.memory_space<vmem>> -> memref<128x64xf32, #tpu.memory_space<vmem>>
      %dma_wait3A_108 = arith.constant 0 : i32
      %dma_wait3A_109 = arith.constant 0 : i32
      %dma_wait3A_110 = tpu.memref_slice %arg9[%run_scoped3A, %dma_wait3A_108, %dma_wait3A_109] : memref<4x128x64xf32, #tpu.memory_space<vmem>> -> memref<1x128x64xf32, #tpu.memory_space<vmem>>
      %dma_wait3A_111 = tpu.memref_squeeze %dma_wait3A_110 : memref<1x128x64xf32, #tpu.memory_space<vmem>> -> memref<128x64xf32, #tpu.memory_space<vmem>>
      tpu.wait_dma2 semaphore(%run_scoped3A_96 : memref<!tpu.dma_semaphore, #tpu.memory_space<semaphore_mem>>) src(%arg5 : memref<128x64xf32, #tpu.memory_space<hbm>>) dst(%dma_wait3A_111 : memref<128x64xf32, #tpu.memory_space<vmem>>)
      tpu.yield
    }) : () -> ()
    %mul3A = arith.constant 640 : i32
    %mul3A_0 = arith.muli %arg1, %mul3A : i32
    %add3A = arith.constant 0 : i32
    %add3A_1 = arith.addi %mul3A_0, %add3A : i32
    %run_scoped3A_2 = arith.constant 0 : i32
    "tpu.region"() ({
      %run_scoped3A_96 = tpu.sem_alloc : memref<!tpu.dma_semaphore, #tpu.memory_space<semaphore_mem>>
      %dma_start3A_97 = arith.constant 0 : i32
      %dma_start3A_98 = arith.constant 0 : i32
      %dma_start3A_99 = tpu.memref_slice %arg9[%run_scoped3A_2, %dma_start3A_97, %dma_start3A_98] : memref<4x128x64xf32, #tpu.memory_space<vmem>> -> memref<1x128x64xf32, #tpu.memory_space<vmem>>
      %dma_start3A_100 = tpu.memref_squeeze %dma_start3A_99 : memref<1x128x64xf32, #tpu.memory_space<vmem>> -> memref<128x64xf32, #tpu.memory_space<vmem>>
      %dma_start3A_101 = arith.constant 0 : i32
      %dma_start3A_102 = tpu.memref_slice %arg10[%add3A_1, %dma_start3A_101] : memref<10240x64xf32, #tpu.memory_space<vmem_shared>> -> memref<128x64xf32, #tpu.memory_space<vmem_shared>>
      %dma_start3A_103 = arith.constant 0 : i32
      %dma_start3A_104 = tpu.memref_slice %arg10[%add3A_1, %dma_start3A_103] : memref<10240x64xf32, #tpu.memory_space<vmem_shared>> -> memref<128x64xf32, #tpu.memory_space<vmem_shared>>
      %dma_start3A_105 = arith.constant 0 : i32
      %dma_start3A_106 = arith.constant 0 : i32
      %dma_start3A_107 = tpu.memref_slice %arg9[%run_scoped3A_2, %dma_start3A_105, %dma_start3A_106] : memref<4x128x64xf32, #tpu.memory_space<vmem>> -> memref<1x128x64xf32, #tpu.memory_space<vmem>>
      %dma_start3A_108 = tpu.memref_squeeze %dma_start3A_107 : memref<1x128x64xf32, #tpu.memory_space<vmem>> -> memref<128x64xf32, #tpu.memory_space<vmem>>
      tpu.enqueue_dma source(%dma_start3A_108 : memref<128x64xf32, #tpu.memory_space<vmem>>) target(%dma_start3A_104 : memref<128x64xf32, #tpu.memory_space<vmem_shared>>) target_semaphore(%run_scoped3A_96 : memref<!tpu.dma_semaphore, #tpu.memory_space<semaphore_mem>>)
      %dma_wait3A = arith.constant 0 : i32
      %dma_wait3A_109 = arith.constant 0 : i32
      %dma_wait3A_110 = tpu.memref_slice %arg9[%run_scoped3A_2, %dma_wait3A, %dma_wait3A_109] : memref<4x128x64xf32, #tpu.memory_space<vmem>> -> memref<1x128x64xf32, #tpu.memory_space<vmem>>
      %dma_wait3A_111 = tpu.memref_squeeze %dma_wait3A_110 : memref<1x128x64xf32, #tpu.memory_space<vmem>> -> memref<128x64xf32, #tpu.memory_space<vmem>>
      %dma_wait3A_112 = arith.constant 0 : i32
      %dma_wait3A_113 = tpu.memref_slice %arg10[%add3A_1, %dma_wait3A_112] : memref<10240x64xf32, #tpu.memory_space<vmem_shared>> -> memref<128x64xf32, #tpu.memory_space<vmem_shared>>
      %dma_wait3A_114 = arith.constant 0 : i32
      %dma_wait3A_115 = tpu.memref_slice %arg10[%add3A_1, %dma_wait3A_114] : memref<10240x64xf32, #tpu.memory_space<vmem_shared>> -> memref<128x64xf32, #tpu.memory_space<vmem_shared>>
      %dma_wait3A_116 = arith.constant 0 : i32
      %dma_wait3A_117 = arith.constant 0 : i32
      %dma_wait3A_118 = tpu.memref_slice %arg9[%run_scoped3A_2, %dma_wait3A_116, %dma_wait3A_117] : memref<4x128x64xf32, #tpu.memory_space<vmem>> -> memref<1x128x64xf32, #tpu.memory_space<vmem>>
      %dma_wait3A_119 = tpu.memref_squeeze %dma_wait3A_118 : memref<1x128x64xf32, #tpu.memory_space<vmem>> -> memref<128x64xf32, #tpu.memory_space<vmem>>
      tpu.wait_dma2 semaphore(%run_scoped3A_96 : memref<!tpu.dma_semaphore, #tpu.memory_space<semaphore_mem>>) src(%dma_wait3A_119 : memref<128x64xf32, #tpu.memory_space<vmem>>) dst(%dma_wait3A_115 : memref<128x64xf32, #tpu.memory_space<vmem_shared>>)
      tpu.yield
    }) : () -> ()
    %mul3A_3 = arith.constant 640 : i32
    %mul3A_4 = arith.muli %arg1, %mul3A_3 : i32
    %add3A_5 = arith.constant 128 : i32
    %add3A_6 = arith.addi %mul3A_4, %add3A_5 : i32
    %run_scoped3A_7 = arith.constant 0 : i32
    "tpu.region"() ({
      %run_scoped3A_96 = tpu.sem_alloc : memref<!tpu.dma_semaphore, #tpu.memory_space<semaphore_mem>>
      %dma_start3A_97 = arith.constant 0 : i32
      %dma_start3A_98 = arith.constant 0 : i32
      %dma_start3A_99 = tpu.memref_slice %arg9[%run_scoped3A_7, %dma_start3A_97, %dma_start3A_98] : memref<4x128x64xf32, #tpu.memory_space<vmem>> -> memref<1x128x64xf32, #tpu.memory_space<vmem>>
      %dma_start3A_100 = tpu.memref_squeeze %dma_start3A_99 : memref<1x128x64xf32, #tpu.memory_space<vmem>> -> memref<128x64xf32, #tpu.memory_space<vmem>>
      %dma_start3A_101 = arith.constant 0 : i32
      %dma_start3A_102 = tpu.memref_slice %arg10[%add3A_6, %dma_start3A_101] : memref<10240x64xf32, #tpu.memory_space<vmem_shared>> -> memref<128x64xf32, #tpu.memory_space<vmem_shared>>
      %dma_start3A_103 = arith.constant 0 : i32
      %dma_start3A_104 = tpu.memref_slice %arg10[%add3A_6, %dma_start3A_103] : memref<10240x64xf32, #tpu.memory_space<vmem_shared>> -> memref<128x64xf32, #tpu.memory_space<vmem_shared>>
      %dma_start3A_105 = arith.constant 0 : i32
      %dma_start3A_106 = arith.constant 0 : i32
      %dma_start3A_107 = tpu.memref_slice %arg9[%run_scoped3A_7, %dma_start3A_105, %dma_start3A_106] : memref<4x128x64xf32, #tpu.memory_space<vmem>> -> memref<1x128x64xf32, #tpu.memory_space<vmem>>
      %dma_start3A_108 = tpu.memref_squeeze %dma_start3A_107 : memref<1x128x64xf32, #tpu.memory_space<vmem>> -> memref<128x64xf32, #tpu.memory_space<vmem>>
      tpu.enqueue_dma source(%dma_start3A_108 : memref<128x64xf32, #tpu.memory_space<vmem>>) target(%dma_start3A_104 : memref<128x64xf32, #tpu.memory_space<vmem_shared>>) target_semaphore(%run_scoped3A_96 : memref<!tpu.dma_semaphore, #tpu.memory_space<semaphore_mem>>)
      %dma_wait3A = arith.constant 0 : i32
      %dma_wait3A_109 = arith.constant 0 : i32
      %dma_wait3A_110 = tpu.memref_slice %arg9[%run_scoped3A_7, %dma_wait3A, %dma_wait3A_109] : memref<4x128x64xf32, #tpu.memory_space<vmem>> -> memref<1x128x64xf32, #tpu.memory_space<vmem>>
      %dma_wait3A_111 = tpu.memref_squeeze %dma_wait3A_110 : memref<1x128x64xf32, #tpu.memory_space<vmem>> -> memref<128x64xf32, #tpu.memory_space<vmem>>
      %dma_wait3A_112 = arith.constant 0 : i32
      %dma_wait3A_113 = tpu.memref_slice %arg10[%add3A_6, %dma_wait3A_112] : memref<10240x64xf32, #tpu.memory_space<vmem_shared>> -> memref<128x64xf32, #tpu.memory_space<vmem_shared>>
      %dma_wait3A_114 = arith.constant 0 : i32
      %dma_wait3A_115 = tpu.memref_slice %arg10[%add3A_6, %dma_wait3A_114] : memref<10240x64xf32, #tpu.memory_space<vmem_shared>> -> memref<128x64xf32, #tpu.memory_space<vmem_shared>>
      %dma_wait3A_116 = arith.constant 0 : i32
      %dma_wait3A_117 = arith.constant 0 : i32
      %dma_wait3A_118 = tpu.memref_slice %arg9[%run_scoped3A_7, %dma_wait3A_116, %dma_wait3A_117] : memref<4x128x64xf32, #tpu.memory_space<vmem>> -> memref<1x128x64xf32, #tpu.memory_space<vmem>>
      %dma_wait3A_119 = tpu.memref_squeeze %dma_wait3A_118 : memref<1x128x64xf32, #tpu.memory_space<vmem>> -> memref<128x64xf32, #tpu.memory_space<vmem>>
      tpu.wait_dma2 semaphore(%run_scoped3A_96 : memref<!tpu.dma_semaphore, #tpu.memory_space<semaphore_mem>>) src(%dma_wait3A_119 : memref<128x64xf32, #tpu.memory_space<vmem>>) dst(%dma_wait3A_115 : memref<128x64xf32, #tpu.memory_space<vmem_shared>>)
      tpu.yield
    }) : () -> ()
    %mul3A_8 = arith.constant 640 : i32
    %mul3A_9 = arith.muli %arg1, %mul3A_8 : i32
    %add3A_10 = arith.constant 256 : i32
    %add3A_11 = arith.addi %mul3A_9, %add3A_10 : i32
    %run_scoped3A_12 = arith.constant 0 : i32
    "tpu.region"() ({
      %run_scoped3A_96 = tpu.sem_alloc : memref<!tpu.dma_semaphore, #tpu.memory_space<semaphore_mem>>
      %dma_start3A_97 = arith.constant 0 : i32
      %dma_start3A_98 = arith.constant 0 : i32
      %dma_start3A_99 = tpu.memref_slice %arg9[%run_scoped3A_12, %dma_start3A_97, %dma_start3A_98] : memref<4x128x64xf32, #tpu.memory_space<vmem>> -> memref<1x128x64xf32, #tpu.memory_space<vmem>>
      %dma_start3A_100 = tpu.memref_squeeze %dma_start3A_99 : memref<1x128x64xf32, #tpu.memory_space<vmem>> -> memref<128x64xf32, #tpu.memory_space<vmem>>
      %dma_start3A_101 = arith.constant 0 : i32
      %dma_start3A_102 = tpu.memref_slice %arg10[%add3A_11, %dma_start3A_101] : memref<10240x64xf32, #tpu.memory_space<vmem_shared>> -> memref<128x64xf32, #tpu.memory_space<vmem_shared>>
      %dma_start3A_103 = arith.constant 0 : i32
      %dma_start3A_104 = tpu.memref_slice %arg10[%add3A_11, %dma_start3A_103] : memref<10240x64xf32, #tpu.memory_space<vmem_shared>> -> memref<128x64xf32, #tpu.memory_space<vmem_shared>>
      %dma_start3A_105 = arith.constant 0 : i32
      %dma_start3A_106 = arith.constant 0 : i32
      %dma_start3A_107 = tpu.memref_slice %arg9[%run_scoped3A_12, %dma_start3A_105, %dma_start3A_106] : memref<4x128x64xf32, #tpu.memory_space<vmem>> -> memref<1x128x64xf32, #tpu.memory_space<vmem>>
      %dma_start3A_108 = tpu.memref_squeeze %dma_start3A_107 : memref<1x128x64xf32, #tpu.memory_space<vmem>> -> memref<128x64xf32, #tpu.memory_space<vmem>>
      tpu.enqueue_dma source(%dma_start3A_108 : memref<128x64xf32, #tpu.memory_space<vmem>>) target(%dma_start3A_104 : memref<128x64xf32, #tpu.memory_space<vmem_shared>>) target_semaphore(%run_scoped3A_96 : memref<!tpu.dma_semaphore, #tpu.memory_space<semaphore_mem>>)
      %dma_wait3A = arith.constant 0 : i32
      %dma_wait3A_109 = arith.constant 0 : i32
      %dma_wait3A_110 = tpu.memref_slice %arg9[%run_scoped3A_12, %dma_wait3A, %dma_wait3A_109] : memref<4x128x64xf32, #tpu.memory_space<vmem>> -> memref<1x128x64xf32, #tpu.memory_space<vmem>>
      %dma_wait3A_111 = tpu.memref_squeeze %dma_wait3A_110 : memref<1x128x64xf32, #tpu.memory_space<vmem>> -> memref<128x64xf32, #tpu.memory_space<vmem>>
      %dma_wait3A_112 = arith.constant 0 : i32
      %dma_wait3A_113 = tpu.memref_slice %arg10[%add3A_11, %dma_wait3A_112] : memref<10240x64xf32, #tpu.memory_space<vmem_shared>> -> memref<128x64xf32, #tpu.memory_space<vmem_shared>>
      %dma_wait3A_114 = arith.constant 0 : i32
      %dma_wait3A_115 = tpu.memref_slice %arg10[%add3A_11, %dma_wait3A_114] : memref<10240x64xf32, #tpu.memory_space<vmem_shared>> -> memref<128x64xf32, #tpu.memory_space<vmem_shared>>
      %dma_wait3A_116 = arith.constant 0 : i32
      %dma_wait3A_117 = arith.constant 0 : i32
      %dma_wait3A_118 = tpu.memref_slice %arg9[%run_scoped3A_12, %dma_wait3A_116, %dma_wait3A_117] : memref<4x128x64xf32, #tpu.memory_space<vmem>> -> memref<1x128x64xf32, #tpu.memory_space<vmem>>
      %dma_wait3A_119 = tpu.memref_squeeze %dma_wait3A_118 : memref<1x128x64xf32, #tpu.memory_space<vmem>> -> memref<128x64xf32, #tpu.memory_space<vmem>>
      tpu.wait_dma2 semaphore(%run_scoped3A_96 : memref<!tpu.dma_semaphore, #tpu.memory_space<semaphore_mem>>) src(%dma_wait3A_119 : memref<128x64xf32, #tpu.memory_space<vmem>>) dst(%dma_wait3A_115 : memref<128x64xf32, #tpu.memory_space<vmem_shared>>)
      tpu.yield
    }) : () -> ()
    %mul3A_13 = arith.constant 640 : i32
    %mul3A_14 = arith.muli %arg1, %mul3A_13 : i32
    %add3A_15 = arith.constant 384 : i32
    %add3A_16 = arith.addi %mul3A_14, %add3A_15 : i32
    %run_scoped3A_17 = arith.constant 0 : i32
    "tpu.region"() ({
      %run_scoped3A_96 = tpu.sem_alloc : memref<!tpu.dma_semaphore, #tpu.memory_space<semaphore_mem>>
      %dma_start3A_97 = arith.constant 0 : i32
      %dma_start3A_98 = arith.constant 0 : i32
      %dma_start3A_99 = tpu.memref_slice %arg9[%run_scoped3A_17, %dma_start3A_97, %dma_start3A_98] : memref<4x128x64xf32, #tpu.memory_space<vmem>> -> memref<1x128x64xf32, #tpu.memory_space<vmem>>
      %dma_start3A_100 = tpu.memref_squeeze %dma_start3A_99 : memref<1x128x64xf32, #tpu.memory_space<vmem>> -> memref<128x64xf32, #tpu.memory_space<vmem>>
      %dma_start3A_101 = arith.constant 0 : i32
      %dma_start3A_102 = tpu.memref_slice %arg10[%add3A_16, %dma_start3A_101] : memref<10240x64xf32, #tpu.memory_space<vmem_shared>> -> memref<128x64xf32, #tpu.memory_space<vmem_shared>>
      %dma_start3A_103 = arith.constant 0 : i32
      %dma_start3A_104 = tpu.memref_slice %arg10[%add3A_16, %dma_start3A_103] : memref<10240x64xf32, #tpu.memory_space<vmem_shared>> -> memref<128x64xf32, #tpu.memory_space<vmem_shared>>
      %dma_start3A_105 = arith.constant 0 : i32
      %dma_start3A_106 = arith.constant 0 : i32
      %dma_start3A_107 = tpu.memref_slice %arg9[%run_scoped3A_17, %dma_start3A_105, %dma_start3A_106] : memref<4x128x64xf32, #tpu.memory_space<vmem>> -> memref<1x128x64xf32, #tpu.memory_space<vmem>>
      %dma_start3A_108 = tpu.memref_squeeze %dma_start3A_107 : memref<1x128x64xf32, #tpu.memory_space<vmem>> -> memref<128x64xf32, #tpu.memory_space<vmem>>
      tpu.enqueue_dma source(%dma_start3A_108 : memref<128x64xf32, #tpu.memory_space<vmem>>) target(%dma_start3A_104 : memref<128x64xf32, #tpu.memory_space<vmem_shared>>) target_semaphore(%run_scoped3A_96 : memref<!tpu.dma_semaphore, #tpu.memory_space<semaphore_mem>>)
      %dma_wait3A = arith.constant 0 : i32
      %dma_wait3A_109 = arith.constant 0 : i32
      %dma_wait3A_110 = tpu.memref_slice %arg9[%run_scoped3A_17, %dma_wait3A, %dma_wait3A_109] : memref<4x128x64xf32, #tpu.memory_space<vmem>> -> memref<1x128x64xf32, #tpu.memory_space<vmem>>
      %dma_wait3A_111 = tpu.memref_squeeze %dma_wait3A_110 : memref<1x128x64xf32, #tpu.memory_space<vmem>> -> memref<128x64xf32, #tpu.memory_space<vmem>>
      %dma_wait3A_112 = arith.constant 0 : i32
      %dma_wait3A_113 = tpu.memref_slice %arg10[%add3A_16, %dma_wait3A_112] : memref<10240x64xf32, #tpu.memory_space<vmem_shared>> -> memref<128x64xf32, #tpu.memory_space<vmem_shared>>
      %dma_wait3A_114 = arith.constant 0 : i32
      %dma_wait3A_115 = tpu.memref_slice %arg10[%add3A_16, %dma_wait3A_114] : memref<10240x64xf32, #tpu.memory_space<vmem_shared>> -> memref<128x64xf32, #tpu.memory_space<vmem_shared>>
      %dma_wait3A_116 = arith.constant 0 : i32
      %dma_wait3A_117 = arith.constant 0 : i32
      %dma_wait3A_118 = tpu.memref_slice %arg9[%run_scoped3A_17, %dma_wait3A_116, %dma_wait3A_117] : memref<4x128x64xf32, #tpu.memory_space<vmem>> -> memref<1x128x64xf32, #tpu.memory_space<vmem>>
      %dma_wait3A_119 = tpu.memref_squeeze %dma_wait3A_118 : memref<1x128x64xf32, #tpu.memory_space<vmem>> -> memref<128x64xf32, #tpu.memory_space<vmem>>
      tpu.wait_dma2 semaphore(%run_scoped3A_96 : memref<!tpu.dma_semaphore, #tpu.memory_space<semaphore_mem>>) src(%dma_wait3A_119 : memref<128x64xf32, #tpu.memory_space<vmem>>) dst(%dma_wait3A_115 : memref<128x64xf32, #tpu.memory_space<vmem_shared>>)
      tpu.yield
    }) : () -> ()
    %mul3A_18 = arith.constant 640 : i32
    %mul3A_19 = arith.muli %arg1, %mul3A_18 : i32
    %add3A_20 = arith.constant 512 : i32
    %add3A_21 = arith.addi %mul3A_19, %add3A_20 : i32
    %run_scoped3A_22 = arith.constant 0 : i32
    "tpu.region"() ({
      %run_scoped3A_96 = tpu.sem_alloc : memref<!tpu.dma_semaphore, #tpu.memory_space<semaphore_mem>>
      %dma_start3A_97 = arith.constant 0 : i32
      %dma_start3A_98 = arith.constant 0 : i32
      %dma_start3A_99 = tpu.memref_slice %arg9[%run_scoped3A_22, %dma_start3A_97, %dma_start3A_98] : memref<4x128x64xf32, #tpu.memory_space<vmem>> -> memref<1x128x64xf32, #tpu.memory_space<vmem>>
      %dma_start3A_100 = tpu.memref_squeeze %dma_start3A_99 : memref<1x128x64xf32, #tpu.memory_space<vmem>> -> memref<128x64xf32, #tpu.memory_space<vmem>>
      %dma_start3A_101 = arith.constant 0 : i32
      %dma_start3A_102 = tpu.memref_slice %arg10[%add3A_21, %dma_start3A_101] : memref<10240x64xf32, #tpu.memory_space<vmem_shared>> -> memref<128x64xf32, #tpu.memory_space<vmem_shared>>
      %dma_start3A_103 = arith.constant 0 : i32
      %dma_start3A_104 = tpu.memref_slice %arg10[%add3A_21, %dma_start3A_103] : memref<10240x64xf32, #tpu.memory_space<vmem_shared>> -> memref<128x64xf32, #tpu.memory_space<vmem_shared>>
      %dma_start3A_105 = arith.constant 0 : i32
      %dma_start3A_106 = arith.constant 0 : i32
      %dma_start3A_107 = tpu.memref_slice %arg9[%run_scoped3A_22, %dma_start3A_105, %dma_start3A_106] : memref<4x128x64xf32, #tpu.memory_space<vmem>> -> memref<1x128x64xf32, #tpu.memory_space<vmem>>
      %dma_start3A_108 = tpu.memref_squeeze %dma_start3A_107 : memref<1x128x64xf32, #tpu.memory_space<vmem>> -> memref<128x64xf32, #tpu.memory_space<vmem>>
      tpu.enqueue_dma source(%dma_start3A_108 : memref<128x64xf32, #tpu.memory_space<vmem>>) target(%dma_start3A_104 : memref<128x64xf32, #tpu.memory_space<vmem_shared>>) target_semaphore(%run_scoped3A_96 : memref<!tpu.dma_semaphore, #tpu.memory_space<semaphore_mem>>)
      %dma_wait3A = arith.constant 0 : i32
      %dma_wait3A_109 = arith.constant 0 : i32
      %dma_wait3A_110 = tpu.memref_slice %arg9[%run_scoped3A_22, %dma_wait3A, %dma_wait3A_109] : memref<4x128x64xf32, #tpu.memory_space<vmem>> -> memref<1x128x64xf32, #tpu.memory_space<vmem>>
      %dma_wait3A_111 = tpu.memref_squeeze %dma_wait3A_110 : memref<1x128x64xf32, #tpu.memory_space<vmem>> -> memref<128x64xf32, #tpu.memory_space<vmem>>
      %dma_wait3A_112 = arith.constant 0 : i32
      %dma_wait3A_113 = tpu.memref_slice %arg10[%add3A_21, %dma_wait3A_112] : memref<10240x64xf32, #tpu.memory_space<vmem_shared>> -> memref<128x64xf32, #tpu.memory_space<vmem_shared>>
      %dma_wait3A_114 = arith.constant 0 : i32
      %dma_wait3A_115 = tpu.memref_slice %arg10[%add3A_21, %dma_wait3A_114] : memref<10240x64xf32, #tpu.memory_space<vmem_shared>> -> memref<128x64xf32, #tpu.memory_space<vmem_shared>>
      %dma_wait3A_116 = arith.constant 0 : i32
      %dma_wait3A_117 = arith.constant 0 : i32
      %dma_wait3A_118 = tpu.memref_slice %arg9[%run_scoped3A_22, %dma_wait3A_116, %dma_wait3A_117] : memref<4x128x64xf32, #tpu.memory_space<vmem>> -> memref<1x128x64xf32, #tpu.memory_space<vmem>>
      %dma_wait3A_119 = tpu.memref_squeeze %dma_wait3A_118 : memref<1x128x64xf32, #tpu.memory_space<vmem>> -> memref<128x64xf32, #tpu.memory_space<vmem>>
      tpu.wait_dma2 semaphore(%run_scoped3A_96 : memref<!tpu.dma_semaphore, #tpu.memory_space<semaphore_mem>>) src(%dma_wait3A_119 : memref<128x64xf32, #tpu.memory_space<vmem>>) dst(%dma_wait3A_115 : memref<128x64xf32, #tpu.memory_space<vmem_shared>>)
      tpu.yield
    }) : () -> ()
    %barrier3A = arith.constant 0 : index
    tpu.barrier barrier_id(%barrier3A)
    %dma_start3A = arith.constant 0 : i32
    %dma_start3A_23 = arith.constant 0 : i32
    %dma_start3A_24 = arith.constant 0 : i32
    %dma_start3A_25 = arith.constant 0 : i32
    %dma_start3A_26 = tpu.memref_slice %arg9[%dma_start3A_23, %dma_start3A_24, %dma_start3A_25] : memref<4x128x64xf32, #tpu.memory_space<vmem>> -> memref<1x128x64xf32, #tpu.memory_space<vmem>>
    %dma_start3A_27 = tpu.memref_squeeze %dma_start3A_26 : memref<1x128x64xf32, #tpu.memory_space<vmem>> -> memref<128x64xf32, #tpu.memory_space<vmem>>
    %dma_start3A_28 = arith.constant 0 : i32
    %dma_start3A_29 = tpu.memref_slice %arg7[%dma_start3A, %dma_start3A_28] : memref<160x128xi32, #tpu.memory_space<vmem>> -> memref<1x128xi32, #tpu.memory_space<vmem>>
    %dma_start3A_30 = tpu.memref_squeeze %dma_start3A_29 : memref<1x128xi32, #tpu.memory_space<vmem>> -> memref<128xi32, #tpu.memory_space<vmem>>
    %dma_start3A_31 = arith.constant 0 : i32
    %dma_start3A_32 = arith.constant 0 : i32
    %dma_start3A_33 = tpu.memref_slice %arg4[%arg0, %dma_start3A_31, %dma_start3A_32] : memref<2x10240x64xf32, #tpu.memory_space<hbm>> -> memref<1x10240x64xf32, #tpu.memory_space<hbm>>
    %dma_start3A_34 = tpu.memref_squeeze %dma_start3A_33 : memref<1x10240x64xf32, #tpu.memory_space<hbm>> -> memref<10240x64xf32, #tpu.memory_space<hbm>>
    %dma_start3A_35 = arith.constant 0 : i32
    %dma_start3A_36 = arith.constant 0 : i32
    %dma_start3A_37 = tpu.memref_slice %dma_start3A_34[%dma_start3A_35, %dma_start3A_36] : memref<10240x64xf32, #tpu.memory_space<hbm>> -> memref<10240x64xf32, #tpu.memory_space<hbm>>
    tpu.enqueue_indirect_dma source(%dma_start3A_37 : memref<10240x64xf32, #tpu.memory_space<hbm>>) target(%dma_start3A_27 : memref<128x64xf32, #tpu.memory_space<vmem>>) offsets(%dma_start3A_30 : memref<128xi32, #tpu.memory_space<vmem>>) semaphore(%arg11 : memref<!tpu.dma_semaphore, #tpu.memory_space<semaphore_mem>>)
    %dma_start3A_38 = arith.constant 1 : i32
    %dma_start3A_39 = arith.constant 1 : i32
    %dma_start3A_40 = arith.constant 0 : i32
    %dma_start3A_41 = arith.constant 0 : i32
    %dma_start3A_42 = tpu.memref_slice %arg9[%dma_start3A_39, %dma_start3A_40, %dma_start3A_41] : memref<4x128x64xf32, #tpu.memory_space<vmem>> -> memref<1x128x64xf32, #tpu.memory_space<vmem>>
    %dma_start3A_43 = tpu.memref_squeeze %dma_start3A_42 : memref<1x128x64xf32, #tpu.memory_space<vmem>> -> memref<128x64xf32, #tpu.memory_space<vmem>>
    %dma_start3A_44 = arith.constant 0 : i32
    %dma_start3A_45 = tpu.memref_slice %arg7[%dma_start3A_38, %dma_start3A_44] : memref<160x128xi32, #tpu.memory_space<vmem>> -> memref<1x128xi32, #tpu.memory_space<vmem>>
    %dma_start3A_46 = tpu.memref_squeeze %dma_start3A_45 : memref<1x128xi32, #tpu.memory_space<vmem>> -> memref<128xi32, #tpu.memory_space<vmem>>
    %dma_start3A_47 = arith.constant 0 : i32
    %dma_start3A_48 = arith.constant 0 : i32
    %dma_start3A_49 = tpu.memref_slice %arg4[%arg0, %dma_start3A_47, %dma_start3A_48] : memref<2x10240x64xf32, #tpu.memory_space<hbm>> -> memref<1x10240x64xf32, #tpu.memory_space<hbm>>
    %dma_start3A_50 = tpu.memref_squeeze %dma_start3A_49 : memref<1x10240x64xf32, #tpu.memory_space<hbm>> -> memref<10240x64xf32, #tpu.memory_space<hbm>>
    %dma_start3A_51 = arith.constant 0 : i32
    %dma_start3A_52 = arith.constant 0 : i32
    %dma_start3A_53 = tpu.memref_slice %dma_start3A_50[%dma_start3A_51, %dma_start3A_52] : memref<10240x64xf32, #tpu.memory_space<hbm>> -> memref<10240x64xf32, #tpu.memory_space<hbm>>
    tpu.enqueue_indirect_dma source(%dma_start3A_53 : memref<10240x64xf32, #tpu.memory_space<hbm>>) target(%dma_start3A_43 : memref<128x64xf32, #tpu.memory_space<vmem>>) offsets(%dma_start3A_46 : memref<128xi32, #tpu.memory_space<vmem>>) semaphore(%arg12 : memref<!tpu.dma_semaphore, #tpu.memory_space<semaphore_mem>>)
    %dma_start3A_54 = arith.constant 2 : i32
    %dma_start3A_55 = arith.constant 2 : i32
    %dma_start3A_56 = arith.constant 0 : i32
    %dma_start3A_57 = arith.constant 0 : i32
    %dma_start3A_58 = tpu.memref_slice %arg9[%dma_start3A_55, %dma_start3A_56, %dma_start3A_57] : memref<4x128x64xf32, #tpu.memory_space<vmem>> -> memref<1x128x64xf32, #tpu.memory_space<vmem>>
    %dma_start3A_59 = tpu.memref_squeeze %dma_start3A_58 : memref<1x128x64xf32, #tpu.memory_space<vmem>> -> memref<128x64xf32, #tpu.memory_space<vmem>>
    %dma_start3A_60 = arith.constant 0 : i32
    %dma_start3A_61 = tpu.memref_slice %arg7[%dma_start3A_54, %dma_start3A_60] : memref<160x128xi32, #tpu.memory_space<vmem>> -> memref<1x128xi32, #tpu.memory_space<vmem>>
    %dma_start3A_62 = tpu.memref_squeeze %dma_start3A_61 : memref<1x128xi32, #tpu.memory_space<vmem>> -> memref<128xi32, #tpu.memory_space<vmem>>
    %dma_start3A_63 = arith.constant 0 : i32
    %dma_start3A_64 = arith.constant 0 : i32
    %dma_start3A_65 = tpu.memref_slice %arg4[%arg0, %dma_start3A_63, %dma_start3A_64] : memref<2x10240x64xf32, #tpu.memory_space<hbm>> -> memref<1x10240x64xf32, #tpu.memory_space<hbm>>
    %dma_start3A_66 = tpu.memref_squeeze %dma_start3A_65 : memref<1x10240x64xf32, #tpu.memory_space<hbm>> -> memref<10240x64xf32, #tpu.memory_space<hbm>>
    %dma_start3A_67 = arith.constant 0 : i32
    %dma_start3A_68 = arith.constant 0 : i32
    %dma_start3A_69 = tpu.memref_slice %dma_start3A_66[%dma_start3A_67, %dma_start3A_68] : memref<10240x64xf32, #tpu.memory_space<hbm>> -> memref<10240x64xf32, #tpu.memory_space<hbm>>
    tpu.enqueue_indirect_dma source(%dma_start3A_69 : memref<10240x64xf32, #tpu.memory_space<hbm>>) target(%dma_start3A_59 : memref<128x64xf32, #tpu.memory_space<vmem>>) offsets(%dma_start3A_62 : memref<128xi32, #tpu.memory_space<vmem>>) semaphore(%arg13 : memref<!tpu.dma_semaphore, #tpu.memory_space<semaphore_mem>>)
    %dma_start3A_70 = arith.constant 3 : i32
    %dma_start3A_71 = arith.constant 3 : i32
    %dma_start3A_72 = arith.constant 0 : i32
    %dma_start3A_73 = arith.constant 0 : i32
    %dma_start3A_74 = tpu.memref_slice %arg9[%dma_start3A_71, %dma_start3A_72, %dma_start3A_73] : memref<4x128x64xf32, #tpu.memory_space<vmem>> -> memref<1x128x64xf32, #tpu.memory_space<vmem>>
    %dma_start3A_75 = tpu.memref_squeeze %dma_start3A_74 : memref<1x128x64xf32, #tpu.memory_space<vmem>> -> memref<128x64xf32, #tpu.memory_space<vmem>>
    %dma_start3A_76 = arith.constant 0 : i32
    %dma_start3A_77 = tpu.memref_slice %arg7[%dma_start3A_70, %dma_start3A_76] : memref<160x128xi32, #tpu.memory_space<vmem>> -> memref<1x128xi32, #tpu.memory_space<vmem>>
    %dma_start3A_78 = tpu.memref_squeeze %dma_start3A_77 : memref<1x128xi32, #tpu.memory_space<vmem>> -> memref<128xi32, #tpu.memory_space<vmem>>
    %dma_start3A_79 = arith.constant 0 : i32
    %dma_start3A_80 = arith.constant 0 : i32
    %dma_start3A_81 = tpu.memref_slice %arg4[%arg0, %dma_start3A_79, %dma_start3A_80] : memref<2x10240x64xf32, #tpu.memory_space<hbm>> -> memref<1x10240x64xf32, #tpu.memory_space<hbm>>
    %dma_start3A_82 = tpu.memref_squeeze %dma_start3A_81 : memref<1x10240x64xf32, #tpu.memory_space<hbm>> -> memref<10240x64xf32, #tpu.memory_space<hbm>>
    %dma_start3A_83 = arith.constant 0 : i32
    %dma_start3A_84 = arith.constant 0 : i32
    %dma_start3A_85 = tpu.memref_slice %dma_start3A_82[%dma_start3A_83, %dma_start3A_84] : memref<10240x64xf32, #tpu.memory_space<hbm>> -> memref<10240x64xf32, #tpu.memory_space<hbm>>
    tpu.enqueue_indirect_dma source(%dma_start3A_85 : memref<10240x64xf32, #tpu.memory_space<hbm>>) target(%dma_start3A_75 : memref<128x64xf32, #tpu.memory_space<vmem>>) offsets(%dma_start3A_78 : memref<128xi32, #tpu.memory_space<vmem>>) semaphore(%arg14 : memref<!tpu.dma_semaphore, #tpu.memory_space<semaphore_mem>>)
    %scan3A = arith.constant 0 : i32
    %scan3A_86 = arith.constant 0 : i32
    %scan3A_87 = arith.constant 40 : i32
    %scan3A_88 = arith.addi %scan3A_86, %scan3A_87 : i32
    %scan3A_89 = arith.constant 1 : i32
    scf.for %scan3A_96 = %scan3A_86 to %scan3A_88 step %scan3A_89  : i32 {
      %mul3A_97 = arith.constant 4 : i32
      %mul3A_98 = arith.muli %mul3A_97, %scan3A_96 : i32
      %add3A_99 = arith.constant 0 : i32
      %add3A_100 = arith.addi %mul3A_98, %add3A_99 : i32
      %dma_wait3A = arith.constant 0 : i32
      %dma_wait3A_101 = arith.constant 0 : i32
      %dma_wait3A_102 = arith.constant 0 : i32
      %dma_wait3A_103 = tpu.memref_slice %arg9[%dma_wait3A, %dma_wait3A_101, %dma_wait3A_102] : memref<4x128x64xf32, #tpu.memory_space<vmem>> -> memref<1x128x64xf32, #tpu.memory_space<vmem>>
      %dma_wait3A_104 = tpu.memref_squeeze %dma_wait3A_103 : memref<1x128x64xf32, #tpu.memory_space<vmem>> -> memref<128x64xf32, #tpu.memory_space<vmem>>
      %dma_wait3A_105 = arith.constant 0 : i32
      %dma_wait3A_106 = tpu.memref_slice %arg7[%add3A_100, %dma_wait3A_105] : memref<160x128xi32, #tpu.memory_space<vmem>> -> memref<1x128xi32, #tpu.memory_space<vmem>>
      %dma_wait3A_107 = tpu.memref_squeeze %dma_wait3A_106 : memref<1x128xi32, #tpu.memory_space<vmem>> -> memref<128xi32, #tpu.memory_space<vmem>>
      %dma_wait3A_108 = arith.constant 0 : i32
      %dma_wait3A_109 = arith.constant 0 : i32
      %dma_wait3A_110 = tpu.memref_slice %arg4[%arg0, %dma_wait3A_108, %dma_wait3A_109] : memref<2x10240x64xf32, #tpu.memory_space<hbm>> -> memref<1x10240x64xf32, #tpu.memory_space<hbm>>
      %dma_wait3A_111 = tpu.memref_squeeze %dma_wait3A_110 : memref<1x10240x64xf32, #tpu.memory_space<hbm>> -> memref<10240x64xf32, #tpu.memory_space<hbm>>
      %dma_wait3A_112 = arith.constant 0 : i32
      %dma_wait3A_113 = arith.constant 0 : i32
      %dma_wait3A_114 = tpu.memref_slice %dma_wait3A_111[%dma_wait3A_112, %dma_wait3A_113] : memref<10240x64xf32, #tpu.memory_space<hbm>> -> memref<10240x64xf32, #tpu.memory_space<hbm>>
      tpu.wait_indirect_dma semaphore(%arg11 : memref<!tpu.dma_semaphore, #tpu.memory_space<semaphore_mem>>) src(%dma_wait3A_114 : memref<10240x64xf32, #tpu.memory_space<hbm>>) dst(%dma_wait3A_104 : memref<128x64xf32, #tpu.memory_space<vmem>>)
      %dma_start3A_115 = arith.constant 0 : i32
      %dma_start3A_116 = arith.constant 0 : i32
      %dma_start3A_117 = arith.constant 0 : i32
      %dma_start3A_118 = tpu.memref_slice %arg9[%dma_start3A_115, %dma_start3A_116, %dma_start3A_117] : memref<4x128x64xf32, #tpu.memory_space<vmem>> -> memref<1x128x64xf32, #tpu.memory_space<vmem>>
      %dma_start3A_119 = tpu.memref_squeeze %dma_start3A_118 : memref<1x128x64xf32, #tpu.memory_space<vmem>> -> memref<128x64xf32, #tpu.memory_space<vmem>>
      %dma_start3A_120 = arith.constant 0 : i32
      %dma_start3A_121 = tpu.memref_slice %arg8[%add3A_100, %dma_start3A_120] : memref<160x128xi32, #tpu.memory_space<vmem>> -> memref<1x128xi32, #tpu.memory_space<vmem>>
      %dma_start3A_122 = tpu.memref_squeeze %dma_start3A_121 : memref<1x128xi32, #tpu.memory_space<vmem>> -> memref<128xi32, #tpu.memory_space<vmem>>
      %dma_start3A_123 = arith.constant 0 : i32
      %dma_start3A_124 = arith.constant 0 : i32
      %dma_start3A_125 = tpu.memref_slice %arg10[%dma_start3A_123, %dma_start3A_124] : memref<10240x64xf32, #tpu.memory_space<vmem_shared>> -> memref<10240x64xf32, #tpu.memory_space<vmem_shared>>
      tpu.enqueue_indirect_dma source(%dma_start3A_119 : memref<128x64xf32, #tpu.memory_space<vmem>>) target(%dma_start3A_125 : memref<10240x64xf32, #tpu.memory_space<vmem_shared>>) offsets(%dma_start3A_122 : memref<128xi32, #tpu.memory_space<vmem>>) semaphore(%arg15 : memref<!tpu.dma_semaphore, #tpu.memory_space<semaphore_mem>>) {add = true}
      %add3A_126 = arith.constant 1 : i32
      %add3A_127 = arith.addi %mul3A_98, %add3A_126 : i32
      %dma_wait3A_128 = arith.constant 1 : i32
      %dma_wait3A_129 = arith.constant 0 : i32
      %dma_wait3A_130 = arith.constant 0 : i32
      %dma_wait3A_131 = tpu.memref_slice %arg9[%dma_wait3A_128, %dma_wait3A_129, %dma_wait3A_130] : memref<4x128x64xf32, #tpu.memory_space<vmem>> -> memref<1x128x64xf32, #tpu.memory_space<vmem>>
      %dma_wait3A_132 = tpu.memref_squeeze %dma_wait3A_131 : memref<1x128x64xf32, #tpu.memory_space<vmem>> -> memref<128x64xf32, #tpu.memory_space<vmem>>
      %dma_wait3A_133 = arith.constant 0 : i32
      %dma_wait3A_134 = tpu.memref_slice %arg7[%add3A_127, %dma_wait3A_133] : memref<160x128xi32, #tpu.memory_space<vmem>> -> memref<1x128xi32, #tpu.memory_space<vmem>>
      %dma_wait3A_135 = tpu.memref_squeeze %dma_wait3A_134 : memref<1x128xi32, #tpu.memory_space<vmem>> -> memref<128xi32, #tpu.memory_space<vmem>>
      %dma_wait3A_136 = arith.constant 0 : i32
      %dma_wait3A_137 = arith.constant 0 : i32
      %dma_wait3A_138 = tpu.memref_slice %arg4[%arg0, %dma_wait3A_136, %dma_wait3A_137] : memref<2x10240x64xf32, #tpu.memory_space<hbm>> -> memref<1x10240x64xf32, #tpu.memory_space<hbm>>
      %dma_wait3A_139 = tpu.memref_squeeze %dma_wait3A_138 : memref<1x10240x64xf32, #tpu.memory_space<hbm>> -> memref<10240x64xf32, #tpu.memory_space<hbm>>
      %dma_wait3A_140 = arith.constant 0 : i32
      %dma_wait3A_141 = arith.constant 0 : i32
      %dma_wait3A_142 = tpu.memref_slice %dma_wait3A_139[%dma_wait3A_140, %dma_wait3A_141] : memref<10240x64xf32, #tpu.memory_space<hbm>> -> memref<10240x64xf32, #tpu.memory_space<hbm>>
      tpu.wait_indirect_dma semaphore(%arg12 : memref<!tpu.dma_semaphore, #tpu.memory_space<semaphore_mem>>) src(%dma_wait3A_142 : memref<10240x64xf32, #tpu.memory_space<hbm>>) dst(%dma_wait3A_132 : memref<128x64xf32, #tpu.memory_space<vmem>>)
      %dma_start3A_143 = arith.constant 1 : i32
      %dma_start3A_144 = arith.constant 0 : i32
      %dma_start3A_145 = arith.constant 0 : i32
      %dma_start3A_146 = tpu.memref_slice %arg9[%dma_start3A_143, %dma_start3A_144, %dma_start3A_145] : memref<4x128x64xf32, #tpu.memory_space<vmem>> -> memref<1x128x64xf32, #tpu.memory_space<vmem>>
      %dma_start3A_147 = tpu.memref_squeeze %dma_start3A_146 : memref<1x128x64xf32, #tpu.memory_space<vmem>> -> memref<128x64xf32, #tpu.memory_space<vmem>>
      %dma_start3A_148 = arith.constant 0 : i32
      %dma_start3A_149 = tpu.memref_slice %arg8[%add3A_127, %dma_start3A_148] : memref<160x128xi32, #tpu.memory_space<vmem>> -> memref<1x128xi32, #tpu.memory_space<vmem>>
      %dma_start3A_150 = tpu.memref_squeeze %dma_start3A_149 : memref<1x128xi32, #tpu.memory_space<vmem>> -> memref<128xi32, #tpu.memory_space<vmem>>
      %dma_start3A_151 = arith.constant 0 : i32
      %dma_start3A_152 = arith.constant 0 : i32
      %dma_start3A_153 = tpu.memref_slice %arg10[%dma_start3A_151, %dma_start3A_152] : memref<10240x64xf32, #tpu.memory_space<vmem_shared>> -> memref<10240x64xf32, #tpu.memory_space<vmem_shared>>
      tpu.enqueue_indirect_dma source(%dma_start3A_147 : memref<128x64xf32, #tpu.memory_space<vmem>>) target(%dma_start3A_153 : memref<10240x64xf32, #tpu.memory_space<vmem_shared>>) offsets(%dma_start3A_150 : memref<128xi32, #tpu.memory_space<vmem>>) semaphore(%arg16 : memref<!tpu.dma_semaphore, #tpu.memory_space<semaphore_mem>>) {add = true}
      %add3A_154 = arith.constant 2 : i32
      %add3A_155 = arith.addi %mul3A_98, %add3A_154 : i32
      %dma_wait3A_156 = arith.constant 2 : i32
      %dma_wait3A_157 = arith.constant 0 : i32
      %dma_wait3A_158 = arith.constant 0 : i32
      %dma_wait3A_159 = tpu.memref_slice %arg9[%dma_wait3A_156, %dma_wait3A_157, %dma_wait3A_158] : memref<4x128x64xf32, #tpu.memory_space<vmem>> -> memref<1x128x64xf32, #tpu.memory_space<vmem>>
      %dma_wait3A_160 = tpu.memref_squeeze %dma_wait3A_159 : memref<1x128x64xf32, #tpu.memory_space<vmem>> -> memref<128x64xf32, #tpu.memory_space<vmem>>
      %dma_wait3A_161 = arith.constant 0 : i32
      %dma_wait3A_162 = tpu.memref_slice %arg7[%add3A_155, %dma_wait3A_161] : memref<160x128xi32, #tpu.memory_space<vmem>> -> memref<1x128xi32, #tpu.memory_space<vmem>>
      %dma_wait3A_163 = tpu.memref_squeeze %dma_wait3A_162 : memref<1x128xi32, #tpu.memory_space<vmem>> -> memref<128xi32, #tpu.memory_space<vmem>>
      %dma_wait3A_164 = arith.constant 0 : i32
      %dma_wait3A_165 = arith.constant 0 : i32
      %dma_wait3A_166 = tpu.memref_slice %arg4[%arg0, %dma_wait3A_164, %dma_wait3A_165] : memref<2x10240x64xf32, #tpu.memory_space<hbm>> -> memref<1x10240x64xf32, #tpu.memory_space<hbm>>
      %dma_wait3A_167 = tpu.memref_squeeze %dma_wait3A_166 : memref<1x10240x64xf32, #tpu.memory_space<hbm>> -> memref<10240x64xf32, #tpu.memory_space<hbm>>
      %dma_wait3A_168 = arith.constant 0 : i32
      %dma_wait3A_169 = arith.constant 0 : i32
      %dma_wait3A_170 = tpu.memref_slice %dma_wait3A_167[%dma_wait3A_168, %dma_wait3A_169] : memref<10240x64xf32, #tpu.memory_space<hbm>> -> memref<10240x64xf32, #tpu.memory_space<hbm>>
      tpu.wait_indirect_dma semaphore(%arg13 : memref<!tpu.dma_semaphore, #tpu.memory_space<semaphore_mem>>) src(%dma_wait3A_170 : memref<10240x64xf32, #tpu.memory_space<hbm>>) dst(%dma_wait3A_160 : memref<128x64xf32, #tpu.memory_space<vmem>>)
      %dma_start3A_171 = arith.constant 2 : i32
      %dma_start3A_172 = arith.constant 0 : i32
      %dma_start3A_173 = arith.constant 0 : i32
      %dma_start3A_174 = tpu.memref_slice %arg9[%dma_start3A_171, %dma_start3A_172, %dma_start3A_173] : memref<4x128x64xf32, #tpu.memory_space<vmem>> -> memref<1x128x64xf32, #tpu.memory_space<vmem>>
      %dma_start3A_175 = tpu.memref_squeeze %dma_start3A_174 : memref<1x128x64xf32, #tpu.memory_space<vmem>> -> memref<128x64xf32, #tpu.memory_space<vmem>>
      %dma_start3A_176 = arith.constant 0 : i32
      %dma_start3A_177 = tpu.memref_slice %arg8[%add3A_155, %dma_start3A_176] : memref<160x128xi32, #tpu.memory_space<vmem>> -> memref<1x128xi32, #tpu.memory_space<vmem>>
      %dma_start3A_178 = tpu.memref_squeeze %dma_start3A_177 : memref<1x128xi32, #tpu.memory_space<vmem>> -> memref<128xi32, #tpu.memory_space<vmem>>
      %dma_start3A_179 = arith.constant 0 : i32
      %dma_start3A_180 = arith.constant 0 : i32
      %dma_start3A_181 = tpu.memref_slice %arg10[%dma_start3A_179, %dma_start3A_180] : memref<10240x64xf32, #tpu.memory_space<vmem_shared>> -> memref<10240x64xf32, #tpu.memory_space<vmem_shared>>
      tpu.enqueue_indirect_dma source(%dma_start3A_175 : memref<128x64xf32, #tpu.memory_space<vmem>>) target(%dma_start3A_181 : memref<10240x64xf32, #tpu.memory_space<vmem_shared>>) offsets(%dma_start3A_178 : memref<128xi32, #tpu.memory_space<vmem>>) semaphore(%arg17 : memref<!tpu.dma_semaphore, #tpu.memory_space<semaphore_mem>>) {add = true}
      %add3A_182 = arith.constant 3 : i32
      %add3A_183 = arith.addi %mul3A_98, %add3A_182 : i32
      %dma_wait3A_184 = arith.constant 3 : i32
      %dma_wait3A_185 = arith.constant 0 : i32
      %dma_wait3A_186 = arith.constant 0 : i32
      %dma_wait3A_187 = tpu.memref_slice %arg9[%dma_wait3A_184, %dma_wait3A_185, %dma_wait3A_186] : memref<4x128x64xf32, #tpu.memory_space<vmem>> -> memref<1x128x64xf32, #tpu.memory_space<vmem>>
      %dma_wait3A_188 = tpu.memref_squeeze %dma_wait3A_187 : memref<1x128x64xf32, #tpu.memory_space<vmem>> -> memref<128x64xf32, #tpu.memory_space<vmem>>
      %dma_wait3A_189 = arith.constant 0 : i32
      %dma_wait3A_190 = tpu.memref_slice %arg7[%add3A_183, %dma_wait3A_189] : memref<160x128xi32, #tpu.memory_space<vmem>> -> memref<1x128xi32, #tpu.memory_space<vmem>>
      %dma_wait3A_191 = tpu.memref_squeeze %dma_wait3A_190 : memref<1x128xi32, #tpu.memory_space<vmem>> -> memref<128xi32, #tpu.memory_space<vmem>>
      %dma_wait3A_192 = arith.constant 0 : i32
      %dma_wait3A_193 = arith.constant 0 : i32
      %dma_wait3A_194 = tpu.memref_slice %arg4[%arg0, %dma_wait3A_192, %dma_wait3A_193] : memref<2x10240x64xf32, #tpu.memory_space<hbm>> -> memref<1x10240x64xf32, #tpu.memory_space<hbm>>
      %dma_wait3A_195 = tpu.memref_squeeze %dma_wait3A_194 : memref<1x10240x64xf32, #tpu.memory_space<hbm>> -> memref<10240x64xf32, #tpu.memory_space<hbm>>
      %dma_wait3A_196 = arith.constant 0 : i32
      %dma_wait3A_197 = arith.constant 0 : i32
      %dma_wait3A_198 = tpu.memref_slice %dma_wait3A_195[%dma_wait3A_196, %dma_wait3A_197] : memref<10240x64xf32, #tpu.memory_space<hbm>> -> memref<10240x64xf32, #tpu.memory_space<hbm>>
      tpu.wait_indirect_dma semaphore(%arg14 : memref<!tpu.dma_semaphore, #tpu.memory_space<semaphore_mem>>) src(%dma_wait3A_198 : memref<10240x64xf32, #tpu.memory_space<hbm>>) dst(%dma_wait3A_188 : memref<128x64xf32, #tpu.memory_space<vmem>>)
      %dma_start3A_199 = arith.constant 3 : i32
      %dma_start3A_200 = arith.constant 0 : i32
      %dma_start3A_201 = arith.constant 0 : i32
      %dma_start3A_202 = tpu.memref_slice %arg9[%dma_start3A_199, %dma_start3A_200, %dma_start3A_201] : memref<4x128x64xf32, #tpu.memory_space<vmem>> -> memref<1x128x64xf32, #tpu.memory_space<vmem>>
      %dma_start3A_203 = tpu.memref_squeeze %dma_start3A_202 : memref<1x128x64xf32, #tpu.memory_space<vmem>> -> memref<128x64xf32, #tpu.memory_space<vmem>>
      %dma_start3A_204 = arith.constant 0 : i32
      %dma_start3A_205 = tpu.memref_slice %arg8[%add3A_183, %dma_start3A_204] : memref<160x128xi32, #tpu.memory_space<vmem>> -> memref<1x128xi32, #tpu.memory_space<vmem>>
      %dma_start3A_206 = tpu.memref_squeeze %dma_start3A_205 : memref<1x128xi32, #tpu.memory_space<vmem>> -> memref<128xi32, #tpu.memory_space<vmem>>
      %dma_start3A_207 = arith.constant 0 : i32
      %dma_start3A_208 = arith.constant 0 : i32
      %dma_start3A_209 = tpu.memref_slice %arg10[%dma_start3A_207, %dma_start3A_208] : memref<10240x64xf32, #tpu.memory_space<vmem_shared>> -> memref<10240x64xf32, #tpu.memory_space<vmem_shared>>
      tpu.enqueue_indirect_dma source(%dma_start3A_203 : memref<128x64xf32, #tpu.memory_space<vmem>>) target(%dma_start3A_209 : memref<10240x64xf32, #tpu.memory_space<vmem_shared>>) offsets(%dma_start3A_206 : memref<128xi32, #tpu.memory_space<vmem>>) semaphore(%arg18 : memref<!tpu.dma_semaphore, #tpu.memory_space<semaphore_mem>>) {add = true}
      %dma_wait3A_210 = arith.constant 0 : i32
      %dma_wait3A_211 = arith.constant 0 : i32
      %dma_wait3A_212 = arith.constant 0 : i32
      %dma_wait3A_213 = tpu.memref_slice %arg9[%dma_wait3A_210, %dma_wait3A_211, %dma_wait3A_212] : memref<4x128x64xf32, #tpu.memory_space<vmem>> -> memref<1x128x64xf32, #tpu.memory_space<vmem>>
      %dma_wait3A_214 = tpu.memref_squeeze %dma_wait3A_213 : memref<1x128x64xf32, #tpu.memory_space<vmem>> -> memref<128x64xf32, #tpu.memory_space<vmem>>
      %dma_wait3A_215 = arith.constant 0 : i32
      %dma_wait3A_216 = tpu.memref_slice %arg8[%add3A_100, %dma_wait3A_215] : memref<160x128xi32, #tpu.memory_space<vmem>> -> memref<1x128xi32, #tpu.memory_space<vmem>>
      %dma_wait3A_217 = tpu.memref_squeeze %dma_wait3A_216 : memref<1x128xi32, #tpu.memory_space<vmem>> -> memref<128xi32, #tpu.memory_space<vmem>>
      %dma_wait3A_218 = arith.constant 0 : i32
      %dma_wait3A_219 = arith.constant 0 : i32
      %dma_wait3A_220 = tpu.memref_slice %arg10[%dma_wait3A_218, %dma_wait3A_219] : memref<10240x64xf32, #tpu.memory_space<vmem_shared>> -> memref<10240x64xf32, #tpu.memory_space<vmem_shared>>
      tpu.wait_indirect_dma semaphore(%arg15 : memref<!tpu.dma_semaphore, #tpu.memory_space<semaphore_mem>>) src(%dma_wait3A_214 : memref<128x64xf32, #tpu.memory_space<vmem>>) dst(%dma_wait3A_220 : memref<10240x64xf32, #tpu.memory_space<vmem_shared>>)
      %lt3A = arith.constant 39 : i32
      %lt3A_221 = arith.cmpi slt, %scan3A_96, %lt3A : i32
      %convert_element_type3A = arith.extui %lt3A_221 : i1 to i32
      %cond3A = arith.constant 0 : i32
      %cond3A_222 = arith.cmpi ne, %convert_element_type3A, %cond3A : i32
      scf.if %cond3A_222 {
        %add3A_271 = arith.constant 4 : i32
        %add3A_272 = arith.addi %mul3A_98, %add3A_271 : i32
        %add3A_273 = arith.constant 0 : i32
        %add3A_274 = arith.addi %add3A_272, %add3A_273 : i32
        %dma_start3A_275 = arith.constant 0 : i32
        %dma_start3A_276 = arith.constant 0 : i32
        %dma_start3A_277 = arith.constant 0 : i32
        %dma_start3A_278 = tpu.memref_slice %arg9[%dma_start3A_275, %dma_start3A_276, %dma_start3A_277] : memref<4x128x64xf32, #tpu.memory_space<vmem>> -> memref<1x128x64xf32, #tpu.memory_space<vmem>>
        %dma_start3A_279 = tpu.memref_squeeze %dma_start3A_278 : memref<1x128x64xf32, #tpu.memory_space<vmem>> -> memref<128x64xf32, #tpu.memory_space<vmem>>
        %dma_start3A_280 = arith.constant 0 : i32
        %dma_start3A_281 = tpu.memref_slice %arg7[%add3A_274, %dma_start3A_280] : memref<160x128xi32, #tpu.memory_space<vmem>> -> memref<1x128xi32, #tpu.memory_space<vmem>>
        %dma_start3A_282 = tpu.memref_squeeze %dma_start3A_281 : memref<1x128xi32, #tpu.memory_space<vmem>> -> memref<128xi32, #tpu.memory_space<vmem>>
        %dma_start3A_283 = arith.constant 0 : i32
        %dma_start3A_284 = arith.constant 0 : i32
        %dma_start3A_285 = tpu.memref_slice %arg4[%arg0, %dma_start3A_283, %dma_start3A_284] : memref<2x10240x64xf32, #tpu.memory_space<hbm>> -> memref<1x10240x64xf32, #tpu.memory_space<hbm>>
        %dma_start3A_286 = tpu.memref_squeeze %dma_start3A_285 : memref<1x10240x64xf32, #tpu.memory_space<hbm>> -> memref<10240x64xf32, #tpu.memory_space<hbm>>
        %dma_start3A_287 = arith.constant 0 : i32
        %dma_start3A_288 = arith.constant 0 : i32
        %dma_start3A_289 = tpu.memref_slice %dma_start3A_286[%dma_start3A_287, %dma_start3A_288] : memref<10240x64xf32, #tpu.memory_space<hbm>> -> memref<10240x64xf32, #tpu.memory_space<hbm>>
        tpu.enqueue_indirect_dma source(%dma_start3A_289 : memref<10240x64xf32, #tpu.memory_space<hbm>>) target(%dma_start3A_279 : memref<128x64xf32, #tpu.memory_space<vmem>>) offsets(%dma_start3A_282 : memref<128xi32, #tpu.memory_space<vmem>>) semaphore(%arg11 : memref<!tpu.dma_semaphore, #tpu.memory_space<semaphore_mem>>)
      } else {
      }
      %dma_wait3A_223 = arith.constant 1 : i32
      %dma_wait3A_224 = arith.constant 0 : i32
      %dma_wait3A_225 = arith.constant 0 : i32
      %dma_wait3A_226 = tpu.memref_slice %arg9[%dma_wait3A_223, %dma_wait3A_224, %dma_wait3A_225] : memref<4x128x64xf32, #tpu.memory_space<vmem>> -> memref<1x128x64xf32, #tpu.memory_space<vmem>>
      %dma_wait3A_227 = tpu.memref_squeeze %dma_wait3A_226 : memref<1x128x64xf32, #tpu.memory_space<vmem>> -> memref<128x64xf32, #tpu.memory_space<vmem>>
      %dma_wait3A_228 = arith.constant 0 : i32
      %dma_wait3A_229 = tpu.memref_slice %arg8[%add3A_127, %dma_wait3A_228] : memref<160x128xi32, #tpu.memory_space<vmem>> -> memref<1x128xi32, #tpu.memory_space<vmem>>
      %dma_wait3A_230 = tpu.memref_squeeze %dma_wait3A_229 : memref<1x128xi32, #tpu.memory_space<vmem>> -> memref<128xi32, #tpu.memory_space<vmem>>
      %dma_wait3A_231 = arith.constant 0 : i32
      %dma_wait3A_232 = arith.constant 0 : i32
      %dma_wait3A_233 = tpu.memref_slice %arg10[%dma_wait3A_231, %dma_wait3A_232] : memref<10240x64xf32, #tpu.memory_space<vmem_shared>> -> memref<10240x64xf32, #tpu.memory_space<vmem_shared>>
      tpu.wait_indirect_dma semaphore(%arg16 : memref<!tpu.dma_semaphore, #tpu.memory_space<semaphore_mem>>) src(%dma_wait3A_227 : memref<128x64xf32, #tpu.memory_space<vmem>>) dst(%dma_wait3A_233 : memref<10240x64xf32, #tpu.memory_space<vmem_shared>>)
      %lt3A_234 = arith.constant 39 : i32
      %lt3A_235 = arith.cmpi slt, %scan3A_96, %lt3A_234 : i32
      %convert_element_type3A_236 = arith.extui %lt3A_235 : i1 to i32
      %cond3A_237 = arith.constant 0 : i32
      %cond3A_238 = arith.cmpi ne, %convert_element_type3A_236, %cond3A_237 : i32
      scf.if %cond3A_238 {
        %add3A_271 = arith.constant 4 : i32
        %add3A_272 = arith.addi %mul3A_98, %add3A_271 : i32
        %add3A_273 = arith.constant 1 : i32
        %add3A_274 = arith.addi %add3A_272, %add3A_273 : i32
        %dma_start3A_275 = arith.constant 1 : i32
        %dma_start3A_276 = arith.constant 0 : i32
        %dma_start3A_277 = arith.constant 0 : i32
        %dma_start3A_278 = tpu.memref_slice %arg9[%dma_start3A_275, %dma_start3A_276, %dma_start3A_277] : memref<4x128x64xf32, #tpu.memory_space<vmem>> -> memref<1x128x64xf32, #tpu.memory_space<vmem>>
        %dma_start3A_279 = tpu.memref_squeeze %dma_start3A_278 : memref<1x128x64xf32, #tpu.memory_space<vmem>> -> memref<128x64xf32, #tpu.memory_space<vmem>>
        %dma_start3A_280 = arith.constant 0 : i32
        %dma_start3A_281 = tpu.memref_slice %arg7[%add3A_274, %dma_start3A_280] : memref<160x128xi32, #tpu.memory_space<vmem>> -> memref<1x128xi32, #tpu.memory_space<vmem>>
        %dma_start3A_282 = tpu.memref_squeeze %dma_start3A_281 : memref<1x128xi32, #tpu.memory_space<vmem>> -> memref<128xi32, #tpu.memory_space<vmem>>
        %dma_start3A_283 = arith.constant 0 : i32
        %dma_start3A_284 = arith.constant 0 : i32
        %dma_start3A_285 = tpu.memref_slice %arg4[%arg0, %dma_start3A_283, %dma_start3A_284] : memref<2x10240x64xf32, #tpu.memory_space<hbm>> -> memref<1x10240x64xf32, #tpu.memory_space<hbm>>
        %dma_start3A_286 = tpu.memref_squeeze %dma_start3A_285 : memref<1x10240x64xf32, #tpu.memory_space<hbm>> -> memref<10240x64xf32, #tpu.memory_space<hbm>>
        %dma_start3A_287 = arith.constant 0 : i32
        %dma_start3A_288 = arith.constant 0 : i32
        %dma_start3A_289 = tpu.memref_slice %dma_start3A_286[%dma_start3A_287, %dma_start3A_288] : memref<10240x64xf32, #tpu.memory_space<hbm>> -> memref<10240x64xf32, #tpu.memory_space<hbm>>
        tpu.enqueue_indirect_dma source(%dma_start3A_289 : memref<10240x64xf32, #tpu.memory_space<hbm>>) target(%dma_start3A_279 : memref<128x64xf32, #tpu.memory_space<vmem>>) offsets(%dma_start3A_282 : memref<128xi32, #tpu.memory_space<vmem>>) semaphore(%arg12 : memref<!tpu.dma_semaphore, #tpu.memory_space<semaphore_mem>>)
      } else {
      }
      %dma_wait3A_239 = arith.constant 2 : i32
      %dma_wait3A_240 = arith.constant 0 : i32
      %dma_wait3A_241 = arith.constant 0 : i32
      %dma_wait3A_242 = tpu.memref_slice %arg9[%dma_wait3A_239, %dma_wait3A_240, %dma_wait3A_241] : memref<4x128x64xf32, #tpu.memory_space<vmem>> -> memref<1x128x64xf32, #tpu.memory_space<vmem>>
      %dma_wait3A_243 = tpu.memref_squeeze %dma_wait3A_242 : memref<1x128x64xf32, #tpu.memory_space<vmem>> -> memref<128x64xf32, #tpu.memory_space<vmem>>
      %dma_wait3A_244 = arith.constant 0 : i32
      %dma_wait3A_245 = tpu.memref_slice %arg8[%add3A_155, %dma_wait3A_244] : memref<160x128xi32, #tpu.memory_space<vmem>> -> memref<1x128xi32, #tpu.memory_space<vmem>>
      %dma_wait3A_246 = tpu.memref_squeeze %dma_wait3A_245 : memref<1x128xi32, #tpu.memory_space<vmem>> -> memref<128xi32, #tpu.memory_space<vmem>>
      %dma_wait3A_247 = arith.constant 0 : i32
      %dma_wait3A_248 = arith.constant 0 : i32
      %dma_wait3A_249 = tpu.memref_slice %arg10[%dma_wait3A_247, %dma_wait3A_248] : memref<10240x64xf32, #tpu.memory_space<vmem_shared>> -> memref<10240x64xf32, #tpu.memory_space<vmem_shared>>
      tpu.wait_indirect_dma semaphore(%arg17 : memref<!tpu.dma_semaphore, #tpu.memory_space<semaphore_mem>>) src(%dma_wait3A_243 : memref<128x64xf32, #tpu.memory_space<vmem>>) dst(%dma_wait3A_249 : memref<10240x64xf32, #tpu.memory_space<vmem_shared>>)
      %lt3A_250 = arith.constant 39 : i32
      %lt3A_251 = arith.cmpi slt, %scan3A_96, %lt3A_250 : i32
      %convert_element_type3A_252 = arith.extui %lt3A_251 : i1 to i32
      %cond3A_253 = arith.constant 0 : i32
      %cond3A_254 = arith.cmpi ne, %convert_element_type3A_252, %cond3A_253 : i32
      scf.if %cond3A_254 {
        %add3A_271 = arith.constant 4 : i32
        %add3A_272 = arith.addi %mul3A_98, %add3A_271 : i32
        %add3A_273 = arith.constant 2 : i32
        %add3A_274 = arith.addi %add3A_272, %add3A_273 : i32
        %dma_start3A_275 = arith.constant 2 : i32
        %dma_start3A_276 = arith.constant 0 : i32
        %dma_start3A_277 = arith.constant 0 : i32
        %dma_start3A_278 = tpu.memref_slice %arg9[%dma_start3A_275, %dma_start3A_276, %dma_start3A_277] : memref<4x128x64xf32, #tpu.memory_space<vmem>> -> memref<1x128x64xf32, #tpu.memory_space<vmem>>
        %dma_start3A_279 = tpu.memref_squeeze %dma_start3A_278 : memref<1x128x64xf32, #tpu.memory_space<vmem>> -> memref<128x64xf32, #tpu.memory_space<vmem>>
        %dma_start3A_280 = arith.constant 0 : i32
        %dma_start3A_281 = tpu.memref_slice %arg7[%add3A_274, %dma_start3A_280] : memref<160x128xi32, #tpu.memory_space<vmem>> -> memref<1x128xi32, #tpu.memory_space<vmem>>
        %dma_start3A_282 = tpu.memref_squeeze %dma_start3A_281 : memref<1x128xi32, #tpu.memory_space<vmem>> -> memref<128xi32, #tpu.memory_space<vmem>>
        %dma_start3A_283 = arith.constant 0 : i32
        %dma_start3A_284 = arith.constant 0 : i32
        %dma_start3A_285 = tpu.memref_slice %arg4[%arg0, %dma_start3A_283, %dma_start3A_284] : memref<2x10240x64xf32, #tpu.memory_space<hbm>> -> memref<1x10240x64xf32, #tpu.memory_space<hbm>>
        %dma_start3A_286 = tpu.memref_squeeze %dma_start3A_285 : memref<1x10240x64xf32, #tpu.memory_space<hbm>> -> memref<10240x64xf32, #tpu.memory_space<hbm>>
        %dma_start3A_287 = arith.constant 0 : i32
        %dma_start3A_288 = arith.constant 0 : i32
        %dma_start3A_289 = tpu.memref_slice %dma_start3A_286[%dma_start3A_287, %dma_start3A_288] : memref<10240x64xf32, #tpu.memory_space<hbm>> -> memref<10240x64xf32, #tpu.memory_space<hbm>>
        tpu.enqueue_indirect_dma source(%dma_start3A_289 : memref<10240x64xf32, #tpu.memory_space<hbm>>) target(%dma_start3A_279 : memref<128x64xf32, #tpu.memory_space<vmem>>) offsets(%dma_start3A_282 : memref<128xi32, #tpu.memory_space<vmem>>) semaphore(%arg13 : memref<!tpu.dma_semaphore, #tpu.memory_space<semaphore_mem>>)
      } else {
      }
      %dma_wait3A_255 = arith.constant 3 : i32
      %dma_wait3A_256 = arith.constant 0 : i32
      %dma_wait3A_257 = arith.constant 0 : i32
      %dma_wait3A_258 = tpu.memref_slice %arg9[%dma_wait3A_255, %dma_wait3A_256, %dma_wait3A_257] : memref<4x128x64xf32, #tpu.memory_space<vmem>> -> memref<1x128x64xf32, #tpu.memory_space<vmem>>
      %dma_wait3A_259 = tpu.memref_squeeze %dma_wait3A_258 : memref<1x128x64xf32, #tpu.memory_space<vmem>> -> memref<128x64xf32, #tpu.memory_space<vmem>>
      %dma_wait3A_260 = arith.constant 0 : i32
      %dma_wait3A_261 = tpu.memref_slice %arg8[%add3A_183, %dma_wait3A_260] : memref<160x128xi32, #tpu.memory_space<vmem>> -> memref<1x128xi32, #tpu.memory_space<vmem>>
      %dma_wait3A_262 = tpu.memref_squeeze %dma_wait3A_261 : memref<1x128xi32, #tpu.memory_space<vmem>> -> memref<128xi32, #tpu.memory_space<vmem>>
      %dma_wait3A_263 = arith.constant 0 : i32
      %dma_wait3A_264 = arith.constant 0 : i32
      %dma_wait3A_265 = tpu.memref_slice %arg10[%dma_wait3A_263, %dma_wait3A_264] : memref<10240x64xf32, #tpu.memory_space<vmem_shared>> -> memref<10240x64xf32, #tpu.memory_space<vmem_shared>>
      tpu.wait_indirect_dma semaphore(%arg18 : memref<!tpu.dma_semaphore, #tpu.memory_space<semaphore_mem>>) src(%dma_wait3A_259 : memref<128x64xf32, #tpu.memory_space<vmem>>) dst(%dma_wait3A_265 : memref<10240x64xf32, #tpu.memory_space<vmem_shared>>)
      %lt3A_266 = arith.constant 39 : i32
      %lt3A_267 = arith.cmpi slt, %scan3A_96, %lt3A_266 : i32
      %convert_element_type3A_268 = arith.extui %lt3A_267 : i1 to i32
      %cond3A_269 = arith.constant 0 : i32
      %cond3A_270 = arith.cmpi ne, %convert_element_type3A_268, %cond3A_269 : i32
      scf.if %cond3A_270 {
        %add3A_271 = arith.constant 4 : i32
        %add3A_272 = arith.addi %mul3A_98, %add3A_271 : i32
        %add3A_273 = arith.constant 3 : i32
        %add3A_274 = arith.addi %add3A_272, %add3A_273 : i32
        %dma_start3A_275 = arith.constant 3 : i32
        %dma_start3A_276 = arith.constant 0 : i32
        %dma_start3A_277 = arith.constant 0 : i32
        %dma_start3A_278 = tpu.memref_slice %arg9[%dma_start3A_275, %dma_start3A_276, %dma_start3A_277] : memref<4x128x64xf32, #tpu.memory_space<vmem>> -> memref<1x128x64xf32, #tpu.memory_space<vmem>>
        %dma_start3A_279 = tpu.memref_squeeze %dma_start3A_278 : memref<1x128x64xf32, #tpu.memory_space<vmem>> -> memref<128x64xf32, #tpu.memory_space<vmem>>
        %dma_start3A_280 = arith.constant 0 : i32
        %dma_start3A_281 = tpu.memref_slice %arg7[%add3A_274, %dma_start3A_280] : memref<160x128xi32, #tpu.memory_space<vmem>> -> memref<1x128xi32, #tpu.memory_space<vmem>>
        %dma_start3A_282 = tpu.memref_squeeze %dma_start3A_281 : memref<1x128xi32, #tpu.memory_space<vmem>> -> memref<128xi32, #tpu.memory_space<vmem>>
        %dma_start3A_283 = arith.constant 0 : i32
        %dma_start3A_284 = arith.constant 0 : i32
        %dma_start3A_285 = tpu.memref_slice %arg4[%arg0, %dma_start3A_283, %dma_start3A_284] : memref<2x10240x64xf32, #tpu.memory_space<hbm>> -> memref<1x10240x64xf32, #tpu.memory_space<hbm>>
        %dma_start3A_286 = tpu.memref_squeeze %dma_start3A_285 : memref<1x10240x64xf32, #tpu.memory_space<hbm>> -> memref<10240x64xf32, #tpu.memory_space<hbm>>
        %dma_start3A_287 = arith.constant 0 : i32
        %dma_start3A_288 = arith.constant 0 : i32
        %dma_start3A_289 = tpu.memref_slice %dma_start3A_286[%dma_start3A_287, %dma_start3A_288] : memref<10240x64xf32, #tpu.memory_space<hbm>> -> memref<10240x64xf32, #tpu.memory_space<hbm>>
        tpu.enqueue_indirect_dma source(%dma_start3A_289 : memref<10240x64xf32, #tpu.memory_space<hbm>>) target(%dma_start3A_279 : memref<128x64xf32, #tpu.memory_space<vmem>>) offsets(%dma_start3A_282 : memref<128xi32, #tpu.memory_space<vmem>>) semaphore(%arg14 : memref<!tpu.dma_semaphore, #tpu.memory_space<semaphore_mem>>)
      } else {
      }
    }
    %scan3A_90 = arith.constant 40 : i32
    %barrier3A_91 = arith.constant 0 : index
    tpu.barrier barrier_id(%barrier3A_91)
    %mul3A_92 = arith.constant 640 : i32
    %mul3A_93 = arith.muli %arg1, %mul3A_92 : i32
    %mul3A_94 = arith.constant 640 : i32
    %mul3A_95 = arith.muli %arg1, %mul3A_94 : i32
    "tpu.region"() ({
      %run_scoped3A_96 = tpu.sem_alloc : memref<!tpu.dma_semaphore, #tpu.memory_space<semaphore_mem>>
      %dma_start3A_97 = arith.constant 0 : i32
      %dma_start3A_98 = tpu.memref_slice %arg6[%arg0, %mul3A_95, %dma_start3A_97] : memref<2x10240x64xf32, #tpu.memory_space<hbm>> -> memref<1x640x64xf32, #tpu.memory_space<hbm>>
      %dma_start3A_99 = tpu.memref_squeeze %dma_start3A_98 : memref<1x640x64xf32, #tpu.memory_space<hbm>> -> memref<640x64xf32, #tpu.memory_space<hbm>>
      %dma_start3A_100 = arith.constant 0 : i32
      %dma_start3A_101 = tpu.memref_slice %arg10[%mul3A_93, %dma_start3A_100] : memref<10240x64xf32, #tpu.memory_space<vmem_shared>> -> memref<640x64xf32, #tpu.memory_space<vmem_shared>>
      tpu.enqueue_dma source(%dma_start3A_101 : memref<640x64xf32, #tpu.memory_space<vmem_shared>>) target(%dma_start3A_99 : memref<640x64xf32, #tpu.memory_space<hbm>>) target_semaphore(%run_scoped3A_96 : memref<!tpu.dma_semaphore, #tpu.memory_space<semaphore_mem>>)
      %dma_wait3A = arith.constant 0 : i32
      %dma_wait3A_102 = tpu.memref_slice %arg6[%arg0, %mul3A_95, %dma_wait3A] : memref<2x10240x64xf32, #tpu.memory_space<hbm>> -> memref<1x640x64xf32, #tpu.memory_space<hbm>>
      %dma_wait3A_103 = tpu.memref_squeeze %dma_wait3A_102 : memref<1x640x64xf32, #tpu.memory_space<hbm>> -> memref<640x64xf32, #tpu.memory_space<hbm>>
      %dma_wait3A_104 = arith.constant 0 : i32
      %dma_wait3A_105 = tpu.memref_slice %arg10[%mul3A_93, %dma_wait3A_104] : memref<10240x64xf32, #tpu.memory_space<vmem_shared>> -> memref<640x64xf32, #tpu.memory_space<vmem_shared>>
      tpu.wait_dma2 semaphore(%run_scoped3A_96 : memref<!tpu.dma_semaphore, #tpu.memory_space<semaphore_mem>>) src(%dma_wait3A_105 : memref<640x64xf32, #tpu.memory_space<vmem_shared>>) dst(%dma_wait3A_103 : memref<640x64xf32, #tpu.memory_space<hbm>>)
      tpu.yield
    }) : () -> ()
    return
  }
}

#map = affine_map<(d0, d1) -> (0, 0, 0)>
#map1 = affine_map<(d0, d1) -> (0)>
#map2 = affine_map<(d0, d1) -> (0, 0)>
module attributes {stable_mosaic.version = 14 : i64} {
  func.func @deg_kernel(%arg0: i32, %arg1: i32, %arg2: memref<32x80x128xi32, #tpu.memory_space<hbm>>, %arg3: memref<10240xf32, #tpu.memory_space<hbm>>, %arg4: memref<2x10240xf32, #tpu.memory_space<hbm>>, %arg5: memref<80x128xi32, #tpu.memory_space<vmem>>, %arg6: memref<128xf32, #tpu.memory_space<vmem>>, %arg7: memref<10240xf32, #tpu.memory_space<vmem_shared>>) attributes {dimension_semantics = [#tpu.dimension_semantics<core_parallel>, #tpu.dimension_semantics<subcore_parallel>], iteration_bounds = array<i64: 2, 16>, scalar_prefetch = 0 : i64, scratch_operands = 3 : i64, tpu.core_type = #tpu.core_type<sc_vector_subcore>, window_params = [{transform_indices = #map}, {transform_indices = #map1}, {transform_indices = #map2}]} {
    %mul3A = arith.constant 2 : i32
    %mul3A_0 = arith.muli %arg1, %mul3A : i32
    %add3A = arith.addi %mul3A_0, %arg0 : i32
    "tpu.region"() ({
      %run_scoped3A = tpu.sem_alloc : memref<!tpu.dma_semaphore, #tpu.memory_space<semaphore_mem>>
      %dma_start3A = arith.constant 0 : i32
      %dma_start3A_61 = arith.constant 0 : i32
      %dma_start3A_62 = tpu.memref_slice %arg2[%add3A, %dma_start3A, %dma_start3A_61] : memref<32x80x128xi32, #tpu.memory_space<hbm>> -> memref<1x80x128xi32, #tpu.memory_space<hbm>>
      %dma_start3A_63 = tpu.memref_squeeze %dma_start3A_62 : memref<1x80x128xi32, #tpu.memory_space<hbm>> -> memref<80x128xi32, #tpu.memory_space<hbm>>
      %dma_start3A_64 = arith.constant 0 : i32
      %dma_start3A_65 = arith.constant 0 : i32
      %dma_start3A_66 = tpu.memref_slice %arg2[%add3A, %dma_start3A_64, %dma_start3A_65] : memref<32x80x128xi32, #tpu.memory_space<hbm>> -> memref<1x80x128xi32, #tpu.memory_space<hbm>>
      %dma_start3A_67 = tpu.memref_squeeze %dma_start3A_66 : memref<1x80x128xi32, #tpu.memory_space<hbm>> -> memref<80x128xi32, #tpu.memory_space<hbm>>
      tpu.enqueue_dma source(%dma_start3A_67 : memref<80x128xi32, #tpu.memory_space<hbm>>) target(%arg5 : memref<80x128xi32, #tpu.memory_space<vmem>>) target_semaphore(%run_scoped3A : memref<!tpu.dma_semaphore, #tpu.memory_space<semaphore_mem>>)
      %dma_wait3A = arith.constant 0 : i32
      %dma_wait3A_68 = arith.constant 0 : i32
      %dma_wait3A_69 = tpu.memref_slice %arg2[%add3A, %dma_wait3A, %dma_wait3A_68] : memref<32x80x128xi32, #tpu.memory_space<hbm>> -> memref<1x80x128xi32, #tpu.memory_space<hbm>>
      %dma_wait3A_70 = tpu.memref_squeeze %dma_wait3A_69 : memref<1x80x128xi32, #tpu.memory_space<hbm>> -> memref<80x128xi32, #tpu.memory_space<hbm>>
      %dma_wait3A_71 = arith.constant 0 : i32
      %dma_wait3A_72 = arith.constant 0 : i32
      %dma_wait3A_73 = tpu.memref_slice %arg2[%add3A, %dma_wait3A_71, %dma_wait3A_72] : memref<32x80x128xi32, #tpu.memory_space<hbm>> -> memref<1x80x128xi32, #tpu.memory_space<hbm>>
      %dma_wait3A_74 = tpu.memref_squeeze %dma_wait3A_73 : memref<1x80x128xi32, #tpu.memory_space<hbm>> -> memref<80x128xi32, #tpu.memory_space<hbm>>
      tpu.wait_dma2 semaphore(%run_scoped3A : memref<!tpu.dma_semaphore, #tpu.memory_space<semaphore_mem>>) src(%dma_wait3A_74 : memref<80x128xi32, #tpu.memory_space<hbm>>) dst(%arg5 : memref<80x128xi32, #tpu.memory_space<vmem>>)
      tpu.yield
    }) : () -> ()
    %broadcast_in_dim3A = arith.constant 1.000000e+00 : f32
    %broadcast_in_dim3A_1 = vector.broadcast %broadcast_in_dim3A : f32 to vector<16xf32>
    %swap3A = arith.constant 0 : index
    %swap3A_2 = tpu.vector_load %arg6[%swap3A] {strides = array<i32>} : memref<128xf32, #tpu.memory_space<vmem>>, vector<16xf32>,
    %swap3A_3 = vector.shape_cast %swap3A_2 : vector<16xf32> to vector<16xf32>
    %swap3A_4 = vector.shape_cast %broadcast_in_dim3A_1 : vector<16xf32> to vector<16xf32>
    tpu.vector_store %arg6[%swap3A], %swap3A_4 {strides = array<i32>} : memref<128xf32, #tpu.memory_space<vmem>>, vector<16xf32>,
    %broadcast_in_dim3A_5 = arith.constant 1.000000e+00 : f32
    %broadcast_in_dim3A_6 = vector.broadcast %broadcast_in_dim3A_5 : f32 to vector<16xf32>
    %swap3A_7 = arith.constant 16 : index
    %swap3A_8 = tpu.vector_load %arg6[%swap3A_7] {strides = array<i32>} : memref<128xf32, #tpu.memory_space<vmem>>, vector<16xf32>,
    %swap3A_9 = vector.shape_cast %swap3A_8 : vector<16xf32> to vector<16xf32>
    %swap3A_10 = vector.shape_cast %broadcast_in_dim3A_6 : vector<16xf32> to vector<16xf32>
    tpu.vector_store %arg6[%swap3A_7], %swap3A_10 {strides = array<i32>} : memref<128xf32, #tpu.memory_space<vmem>>, vector<16xf32>,
    %broadcast_in_dim3A_11 = arith.constant 1.000000e+00 : f32
    %broadcast_in_dim3A_12 = vector.broadcast %broadcast_in_dim3A_11 : f32 to vector<16xf32>
    %swap3A_13 = arith.constant 32 : index
    %swap3A_14 = tpu.vector_load %arg6[%swap3A_13] {strides = array<i32>} : memref<128xf32, #tpu.memory_space<vmem>>, vector<16xf32>,
    %swap3A_15 = vector.shape_cast %swap3A_14 : vector<16xf32> to vector<16xf32>
    %swap3A_16 = vector.shape_cast %broadcast_in_dim3A_12 : vector<16xf32> to vector<16xf32>
    tpu.vector_store %arg6[%swap3A_13], %swap3A_16 {strides = array<i32>} : memref<128xf32, #tpu.memory_space<vmem>>, vector<16xf32>,
    %broadcast_in_dim3A_17 = arith.constant 1.000000e+00 : f32
    %broadcast_in_dim3A_18 = vector.broadcast %broadcast_in_dim3A_17 : f32 to vector<16xf32>
    %swap3A_19 = arith.constant 48 : index
    %swap3A_20 = tpu.vector_load %arg6[%swap3A_19] {strides = array<i32>} : memref<128xf32, #tpu.memory_space<vmem>>, vector<16xf32>,
    %swap3A_21 = vector.shape_cast %swap3A_20 : vector<16xf32> to vector<16xf32>
    %swap3A_22 = vector.shape_cast %broadcast_in_dim3A_18 : vector<16xf32> to vector<16xf32>
    tpu.vector_store %arg6[%swap3A_19], %swap3A_22 {strides = array<i32>} : memref<128xf32, #tpu.memory_space<vmem>>, vector<16xf32>,
    %broadcast_in_dim3A_23 = arith.constant 1.000000e+00 : f32
    %broadcast_in_dim3A_24 = vector.broadcast %broadcast_in_dim3A_23 : f32 to vector<16xf32>
    %swap3A_25 = arith.constant 64 : index
    %swap3A_26 = tpu.vector_load %arg6[%swap3A_25] {strides = array<i32>} : memref<128xf32, #tpu.memory_space<vmem>>, vector<16xf32>,
    %swap3A_27 = vector.shape_cast %swap3A_26 : vector<16xf32> to vector<16xf32>
    %swap3A_28 = vector.shape_cast %broadcast_in_dim3A_24 : vector<16xf32> to vector<16xf32>
    tpu.vector_store %arg6[%swap3A_25], %swap3A_28 {strides = array<i32>} : memref<128xf32, #tpu.memory_space<vmem>>, vector<16xf32>,
    %broadcast_in_dim3A_29 = arith.constant 1.000000e+00 : f32
    %broadcast_in_dim3A_30 = vector.broadcast %broadcast_in_dim3A_29 : f32 to vector<16xf32>
    %swap3A_31 = arith.constant 80 : index
    %swap3A_32 = tpu.vector_load %arg6[%swap3A_31] {strides = array<i32>} : memref<128xf32, #tpu.memory_space<vmem>>, vector<16xf32>,
    %swap3A_33 = vector.shape_cast %swap3A_32 : vector<16xf32> to vector<16xf32>
    %swap3A_34 = vector.shape_cast %broadcast_in_dim3A_30 : vector<16xf32> to vector<16xf32>
    tpu.vector_store %arg6[%swap3A_31], %swap3A_34 {strides = array<i32>} : memref<128xf32, #tpu.memory_space<vmem>>, vector<16xf32>,
    %broadcast_in_dim3A_35 = arith.constant 1.000000e+00 : f32
    %broadcast_in_dim3A_36 = vector.broadcast %broadcast_in_dim3A_35 : f32 to vector<16xf32>
    %swap3A_37 = arith.constant 96 : index
    %swap3A_38 = tpu.vector_load %arg6[%swap3A_37] {strides = array<i32>} : memref<128xf32, #tpu.memory_space<vmem>>, vector<16xf32>,
    %swap3A_39 = vector.shape_cast %swap3A_38 : vector<16xf32> to vector<16xf32>
    %swap3A_40 = vector.shape_cast %broadcast_in_dim3A_36 : vector<16xf32> to vector<16xf32>
    tpu.vector_store %arg6[%swap3A_37], %swap3A_40 {strides = array<i32>} : memref<128xf32, #tpu.memory_space<vmem>>, vector<16xf32>,
    %broadcast_in_dim3A_41 = arith.constant 1.000000e+00 : f32
    %broadcast_in_dim3A_42 = vector.broadcast %broadcast_in_dim3A_41 : f32 to vector<16xf32>
    %swap3A_43 = arith.constant 112 : index
    %swap3A_44 = tpu.vector_load %arg6[%swap3A_43] {strides = array<i32>} : memref<128xf32, #tpu.memory_space<vmem>>, vector<16xf32>,
    %swap3A_45 = vector.shape_cast %swap3A_44 : vector<16xf32> to vector<16xf32>
    %swap3A_46 = vector.shape_cast %broadcast_in_dim3A_42 : vector<16xf32> to vector<16xf32>
    tpu.vector_store %arg6[%swap3A_43], %swap3A_46 {strides = array<i32>} : memref<128xf32, #tpu.memory_space<vmem>>, vector<16xf32>,
    %mul3A_47 = arith.constant 640 : i32
    %mul3A_48 = arith.muli %arg1, %mul3A_47 : i32
    %mul3A_49 = arith.constant 640 : i32
    %mul3A_50 = arith.muli %arg1, %mul3A_49 : i32
    "tpu.region"() ({
      %run_scoped3A = tpu.sem_alloc : memref<!tpu.dma_semaphore, #tpu.memory_space<semaphore_mem>>
      %dma_start3A = tpu.memref_slice %arg7[%mul3A_50] : memref<10240xf32, #tpu.memory_space<vmem_shared>> -> memref<640xf32, #tpu.memory_space<vmem_shared>>
      %dma_start3A_61 = tpu.memref_slice %arg3[%mul3A_48] : memref<10240xf32, #tpu.memory_space<hbm>> -> memref<640xf32, #tpu.memory_space<hbm>>
      tpu.enqueue_dma source(%dma_start3A_61 : memref<640xf32, #tpu.memory_space<hbm>>) target(%dma_start3A : memref<640xf32, #tpu.memory_space<vmem_shared>>) target_semaphore(%run_scoped3A : memref<!tpu.dma_semaphore, #tpu.memory_space<semaphore_mem>>)
      %dma_wait3A = tpu.memref_slice %arg7[%mul3A_50] : memref<10240xf32, #tpu.memory_space<vmem_shared>> -> memref<640xf32, #tpu.memory_space<vmem_shared>>
      %dma_wait3A_62 = tpu.memref_slice %arg3[%mul3A_48] : memref<10240xf32, #tpu.memory_space<hbm>> -> memref<640xf32, #tpu.memory_space<hbm>>
      tpu.wait_dma2 semaphore(%run_scoped3A : memref<!tpu.dma_semaphore, #tpu.memory_space<semaphore_mem>>) src(%dma_wait3A_62 : memref<640xf32, #tpu.memory_space<hbm>>) dst(%dma_wait3A : memref<640xf32, #tpu.memory_space<vmem_shared>>)
      tpu.yield
    }) : () -> ()
    %barrier3A = arith.constant 0 : index
    tpu.barrier barrier_id(%barrier3A)
    %scan3A = arith.constant 0 : i32
    %scan3A_51 = arith.constant 0 : i32
    %scan3A_52 = arith.constant 80 : i32
    %scan3A_53 = arith.addi %scan3A_51, %scan3A_52 : i32
    %scan3A_54 = arith.constant 1 : i32
    scf.for %scan3A_61 = %scan3A_51 to %scan3A_53 step %scan3A_54  : i32 {
      "tpu.region"() ({
        %run_scoped3A = tpu.sem_alloc : memref<!tpu.dma_semaphore, #tpu.memory_space<semaphore_mem>>
        %dma_start3A = arith.constant 0 : i32
        %dma_start3A_62 = tpu.memref_slice %arg5[%scan3A_61, %dma_start3A] : memref<80x128xi32, #tpu.memory_space<vmem>> -> memref<1x128xi32, #tpu.memory_space<vmem>>
        %dma_start3A_63 = tpu.memref_squeeze %dma_start3A_62 : memref<1x128xi32, #tpu.memory_space<vmem>> -> memref<128xi32, #tpu.memory_space<vmem>>
        %dma_start3A_64 = arith.constant 0 : i32
        %dma_start3A_65 = tpu.memref_slice %arg7[%dma_start3A_64] : memref<10240xf32, #tpu.memory_space<vmem_shared>> -> memref<10240xf32, #tpu.memory_space<vmem_shared>>
        tpu.enqueue_indirect_dma source(%arg6 : memref<128xf32, #tpu.memory_space<vmem>>) target(%dma_start3A_65 : memref<10240xf32, #tpu.memory_space<vmem_shared>>) offsets(%dma_start3A_63 : memref<128xi32, #tpu.memory_space<vmem>>) semaphore(%run_scoped3A : memref<!tpu.dma_semaphore, #tpu.memory_space<semaphore_mem>>) {add = true}
        %dma_wait3A = arith.constant 0 : i32
        %dma_wait3A_66 = tpu.memref_slice %arg5[%scan3A_61, %dma_wait3A] : memref<80x128xi32, #tpu.memory_space<vmem>> -> memref<1x128xi32, #tpu.memory_space<vmem>>
        %dma_wait3A_67 = tpu.memref_squeeze %dma_wait3A_66 : memref<1x128xi32, #tpu.memory_space<vmem>> -> memref<128xi32, #tpu.memory_space<vmem>>
        %dma_wait3A_68 = arith.constant 0 : i32
        %dma_wait3A_69 = tpu.memref_slice %arg7[%dma_wait3A_68] : memref<10240xf32, #tpu.memory_space<vmem_shared>> -> memref<10240xf32, #tpu.memory_space<vmem_shared>>
        tpu.wait_indirect_dma semaphore(%run_scoped3A : memref<!tpu.dma_semaphore, #tpu.memory_space<semaphore_mem>>) src(%arg6 : memref<128xf32, #tpu.memory_space<vmem>>) dst(%dma_wait3A_69 : memref<10240xf32, #tpu.memory_space<vmem_shared>>)
        tpu.yield
      }) : () -> ()
    }
    %scan3A_55 = arith.constant 80 : i32
    %barrier3A_56 = arith.constant 0 : index
    tpu.barrier barrier_id(%barrier3A_56)
    %mul3A_57 = arith.constant 640 : i32
    %mul3A_58 = arith.muli %arg1, %mul3A_57 : i32
    %mul3A_59 = arith.constant 640 : i32
    %mul3A_60 = arith.muli %arg1, %mul3A_59 : i32
    "tpu.region"() ({
      %run_scoped3A = tpu.sem_alloc : memref<!tpu.dma_semaphore, #tpu.memory_space<semaphore_mem>>
      %dma_start3A = tpu.memref_slice %arg4[%arg0, %mul3A_60] : memref<2x10240xf32, #tpu.memory_space<hbm>> -> memref<1x640xf32, #tpu.memory_space<hbm>>
      %dma_start3A_61 = tpu.memref_squeeze %dma_start3A : memref<1x640xf32, #tpu.memory_space<hbm>> -> memref<640xf32, #tpu.memory_space<hbm>>
      %dma_start3A_62 = tpu.memref_slice %arg7[%mul3A_58] : memref<10240xf32, #tpu.memory_space<vmem_shared>> -> memref<640xf32, #tpu.memory_space<vmem_shared>>
      tpu.enqueue_dma source(%dma_start3A_62 : memref<640xf32, #tpu.memory_space<vmem_shared>>) target(%dma_start3A_61 : memref<640xf32, #tpu.memory_space<hbm>>) target_semaphore(%run_scoped3A : memref<!tpu.dma_semaphore, #tpu.memory_space<semaphore_mem>>)
      %dma_wait3A = tpu.memref_slice %arg4[%arg0, %mul3A_60] : memref<2x10240xf32, #tpu.memory_space<hbm>> -> memref<1x640xf32, #tpu.memory_space<hbm>>
      %dma_wait3A_63 = tpu.memref_squeeze %dma_wait3A : memref<1x640xf32, #tpu.memory_space<hbm>> -> memref<640xf32, #tpu.memory_space<hbm>>
      %dma_wait3A_64 = tpu.memref_slice %arg7[%mul3A_58] : memref<10240xf32, #tpu.memory_space<vmem_shared>> -> memref<640xf32, #tpu.memory_space<vmem_shared>>
      tpu.wait_dma2 semaphore(%run_scoped3A : memref<!tpu.dma_semaphore, #tpu.memory_space<semaphore_mem>>) src(%dma_wait3A_64 : memref<640xf32, #tpu.memory_space<vmem_shared>>) dst(%dma_wait3A_63 : memref<640xf32, #tpu.memory_space<hbm>>)
      tpu.yield
    }) : () -> ()
    return
  }
}

#map = affine_map<(d0, d1) -> (0, 0, 0)>
#map1 = affine_map<(d0, d1) -> (0, 0)>
module attributes {stable_mosaic.version = 14 : i64} {
  func.func @scat_kernel(%arg0: i32, %arg1: i32, %arg2: memref<16x160x128xi32, #tpu.memory_space<hbm>>, %arg3: memref<16x160x128xi32, #tpu.memory_space<hbm>>, %arg4: memref<2x10240x64xf32, #tpu.memory_space<hbm>>, %arg5: memref<128x64xf32, #tpu.memory_space<hbm>>, %arg6: memref<2x10240x64xf32, #tpu.memory_space<hbm>>, %arg7: memref<160x128xi32, #tpu.memory_space<vmem>>, %arg8: memref<160x128xi32, #tpu.memory_space<vmem>>, %arg9: memref<4x128x64xf32, #tpu.memory_space<vmem>>, %arg10: memref<10240x64xf32, #tpu.memory_space<vmem_shared>>, %arg11: memref<!tpu.dma_semaphore, #tpu.memory_space<semaphore_mem>>, %arg12: memref<!tpu.dma_semaphore, #tpu.memory_space<semaphore_mem>>, %arg13: memref<!tpu.dma_semaphore, #tpu.memory_space<semaphore_mem>>, %arg14: memref<!tpu.dma_semaphore, #tpu.memory_space<semaphore_mem>>, %arg15: memref<!tpu.dma_semaphore, #tpu.memory_space<semaphore_mem>>, %arg16: memref<!tpu.dma_semaphore, #tpu.memory_space<semaphore_mem>>, %arg17: memref<!tpu.dma_semaphore, #tpu.memory_space<semaphore_mem>>, %arg18: memref<!tpu.dma_semaphore, #tpu.memory_space<semaphore_mem>>) attributes {dimension_semantics = [#tpu.dimension_semantics<core_parallel>, #tpu.dimension_semantics<subcore_parallel>], iteration_bounds = array<i64: 2, 16>, scalar_prefetch = 0 : i64, scratch_operands = 12 : i64, tpu.core_type = #tpu.core_type<sc_vector_subcore>, window_params = [{transform_indices = #map}, {transform_indices = #map}, {transform_indices = #map}, {transform_indices = #map1}, {transform_indices = #map}]} {
    "tpu.region"() ({
      %run_scoped3A_96 = tpu.sem_alloc : memref<!tpu.dma_semaphore, #tpu.memory_space<semaphore_mem>>
      %dma_start3A_97 = arith.constant 0 : i32
      %dma_start3A_98 = arith.constant 0 : i32
      %dma_start3A_99 = tpu.memref_slice %arg2[%arg1, %dma_start3A_97, %dma_start3A_98] : memref<16x160x128xi32, #tpu.memory_space<hbm>> -> memref<1x160x128xi32, #tpu.memory_space<hbm>>
      %dma_start3A_100 = tpu.memref_squeeze %dma_start3A_99 : memref<1x160x128xi32, #tpu.memory_space<hbm>> -> memref<160x128xi32, #tpu.memory_space<hbm>>
      %dma_start3A_101 = arith.constant 0 : i32
      %dma_start3A_102 = arith.constant 0 : i32
      %dma_start3A_103 = tpu.memref_slice %arg2[%arg1, %dma_start3A_101, %dma_start3A_102] : memref<16x160x128xi32, #tpu.memory_space<hbm>> -> memref<1x160x128xi32, #tpu.memory_space<hbm>>
      %dma_start3A_104 = tpu.memref_squeeze %dma_start3A_103 : memref<1x160x128xi32, #tpu.memory_space<hbm>> -> memref<160x128xi32, #tpu.memory_space<hbm>>
      tpu.enqueue_dma source(%dma_start3A_104 : memref<160x128xi32, #tpu.memory_space<hbm>>) target(%arg7 : memref<160x128xi32, #tpu.memory_space<vmem>>) target_semaphore(%run_scoped3A_96 : memref<!tpu.dma_semaphore, #tpu.memory_space<semaphore_mem>>)
      %dma_wait3A = arith.constant 0 : i32
      %dma_wait3A_105 = arith.constant 0 : i32
      %dma_wait3A_106 = tpu.memref_slice %arg2[%arg1, %dma_wait3A, %dma_wait3A_105] : memref<16x160x128xi32, #tpu.memory_space<hbm>> -> memref<1x160x128xi32, #tpu.memory_space<hbm>>
      %dma_wait3A_107 = tpu.memref_squeeze %dma_wait3A_106 : memref<1x160x128xi32, #tpu.memory_space<hbm>> -> memref<160x128xi32, #tpu.memory_space<hbm>>
      %dma_wait3A_108 = arith.constant 0 : i32
      %dma_wait3A_109 = arith.constant 0 : i32
      %dma_wait3A_110 = tpu.memref_slice %arg2[%arg1, %dma_wait3A_108, %dma_wait3A_109] : memref<16x160x128xi32, #tpu.memory_space<hbm>> -> memref<1x160x128xi32, #tpu.memory_space<hbm>>
      %dma_wait3A_111 = tpu.memref_squeeze %dma_wait3A_110 : memref<1x160x128xi32, #tpu.memory_space<hbm>> -> memref<160x128xi32, #tpu.memory_space<hbm>>
      tpu.wait_dma2 semaphore(%run_scoped3A_96 : memref<!tpu.dma_semaphore, #tpu.memory_space<semaphore_mem>>) src(%dma_wait3A_111 : memref<160x128xi32, #tpu.memory_space<hbm>>) dst(%arg7 : memref<160x128xi32, #tpu.memory_space<vmem>>)
      tpu.yield
    }) : () -> ()
    "tpu.region"() ({
      %run_scoped3A_96 = tpu.sem_alloc : memref<!tpu.dma_semaphore, #tpu.memory_space<semaphore_mem>>
      %dma_start3A_97 = arith.constant 0 : i32
      %dma_start3A_98 = arith.constant 0 : i32
      %dma_start3A_99 = tpu.memref_slice %arg3[%arg1, %dma_start3A_97, %dma_start3A_98] : memref<16x160x128xi32, #tpu.memory_space<hbm>> -> memref<1x160x128xi32, #tpu.memory_space<hbm>>
      %dma_start3A_100 = tpu.memref_squeeze %dma_start3A_99 : memref<1x160x128xi32, #tpu.memory_space<hbm>> -> memref<160x128xi32, #tpu.memory_space<hbm>>
      %dma_start3A_101 = arith.constant 0 : i32
      %dma_start3A_102 = arith.constant 0 : i32
      %dma_start3A_103 = tpu.memref_slice %arg3[%arg1, %dma_start3A_101, %dma_start3A_102] : memref<16x160x128xi32, #tpu.memory_space<hbm>> -> memref<1x160x128xi32, #tpu.memory_space<hbm>>
      %dma_start3A_104 = tpu.memref_squeeze %dma_start3A_103 : memref<1x160x128xi32, #tpu.memory_space<hbm>> -> memref<160x128xi32, #tpu.memory_space<hbm>>
      tpu.enqueue_dma source(%dma_start3A_104 : memref<160x128xi32, #tpu.memory_space<hbm>>) target(%arg8 : memref<160x128xi32, #tpu.memory_space<vmem>>) target_semaphore(%run_scoped3A_96 : memref<!tpu.dma_semaphore, #tpu.memory_space<semaphore_mem>>)
      %dma_wait3A = arith.constant 0 : i32
      %dma_wait3A_105 = arith.constant 0 : i32
      %dma_wait3A_106 = tpu.memref_slice %arg3[%arg1, %dma_wait3A, %dma_wait3A_105] : memref<16x160x128xi32, #tpu.memory_space<hbm>> -> memref<1x160x128xi32, #tpu.memory_space<hbm>>
      %dma_wait3A_107 = tpu.memref_squeeze %dma_wait3A_106 : memref<1x160x128xi32, #tpu.memory_space<hbm>> -> memref<160x128xi32, #tpu.memory_space<hbm>>
      %dma_wait3A_108 = arith.constant 0 : i32
      %dma_wait3A_109 = arith.constant 0 : i32
      %dma_wait3A_110 = tpu.memref_slice %arg3[%arg1, %dma_wait3A_108, %dma_wait3A_109] : memref<16x160x128xi32, #tpu.memory_space<hbm>> -> memref<1x160x128xi32, #tpu.memory_space<hbm>>
      %dma_wait3A_111 = tpu.memref_squeeze %dma_wait3A_110 : memref<1x160x128xi32, #tpu.memory_space<hbm>> -> memref<160x128xi32, #tpu.memory_space<hbm>>
      tpu.wait_dma2 semaphore(%run_scoped3A_96 : memref<!tpu.dma_semaphore, #tpu.memory_space<semaphore_mem>>) src(%dma_wait3A_111 : memref<160x128xi32, #tpu.memory_space<hbm>>) dst(%arg8 : memref<160x128xi32, #tpu.memory_space<vmem>>)
      tpu.yield
    }) : () -> ()
    %run_scoped3A = arith.constant 0 : i32
    "tpu.region"() ({
      %run_scoped3A_96 = tpu.sem_alloc : memref<!tpu.dma_semaphore, #tpu.memory_space<semaphore_mem>>
      %dma_start3A_97 = arith.constant 0 : i32
      %dma_start3A_98 = arith.constant 0 : i32
      %dma_start3A_99 = tpu.memref_slice %arg9[%run_scoped3A, %dma_start3A_97, %dma_start3A_98] : memref<4x128x64xf32, #tpu.memory_space<vmem>> -> memref<1x128x64xf32, #tpu.memory_space<vmem>>
      %dma_start3A_100 = tpu.memref_squeeze %dma_start3A_99 : memref<1x128x64xf32, #tpu.memory_space<vmem>> -> memref<128x64xf32, #tpu.memory_space<vmem>>
      %dma_start3A_101 = arith.constant 0 : i32
      %dma_start3A_102 = arith.constant 0 : i32
      %dma_start3A_103 = tpu.memref_slice %arg9[%run_scoped3A, %dma_start3A_101, %dma_start3A_102] : memref<4x128x64xf32, #tpu.memory_space<vmem>> -> memref<1x128x64xf32, #tpu.memory_space<vmem>>
      %dma_start3A_104 = tpu.memref_squeeze %dma_start3A_103 : memref<1x128x64xf32, #tpu.memory_space<vmem>> -> memref<128x64xf32, #tpu.memory_space<vmem>>
      tpu.enqueue_dma source(%arg5 : memref<128x64xf32, #tpu.memory_space<hbm>>) target(%dma_start3A_104 : memref<128x64xf32, #tpu.memory_space<vmem>>) target_semaphore(%run_scoped3A_96 : memref<!tpu.dma_semaphore, #tpu.memory_space<semaphore_mem>>)
      %dma_wait3A = arith.constant 0 : i32
      %dma_wait3A_105 = arith.constant 0 : i32
      %dma_wait3A_106 = tpu.memref_slice %arg9[%run_scoped3A, %dma_wait3A, %dma_wait3A_105] : memref<4x128x64xf32, #tpu.memory_space<vmem>> -> memref<1x128x64xf32, #tpu.memory_space<vmem>>
      %dma_wait3A_107 = tpu.memref_squeeze %dma_wait3A_106 : memref<1x128x64xf32, #tpu.memory_space<vmem>> -> memref<128x64xf32, #tpu.memory_space<vmem>>
      %dma_wait3A_108 = arith.constant 0 : i32
      %dma_wait3A_109 = arith.constant 0 : i32
      %dma_wait3A_110 = tpu.memref_slice %arg9[%run_scoped3A, %dma_wait3A_108, %dma_wait3A_109] : memref<4x128x64xf32, #tpu.memory_space<vmem>> -> memref<1x128x64xf32, #tpu.memory_space<vmem>>
      %dma_wait3A_111 = tpu.memref_squeeze %dma_wait3A_110 : memref<1x128x64xf32, #tpu.memory_space<vmem>> -> memref<128x64xf32, #tpu.memory_space<vmem>>
      tpu.wait_dma2 semaphore(%run_scoped3A_96 : memref<!tpu.dma_semaphore, #tpu.memory_space<semaphore_mem>>) src(%arg5 : memref<128x64xf32, #tpu.memory_space<hbm>>) dst(%dma_wait3A_111 : memref<128x64xf32, #tpu.memory_space<vmem>>)
      tpu.yield
    }) : () -> ()
    %mul3A = arith.constant 640 : i32
    %mul3A_0 = arith.muli %arg1, %mul3A : i32
    %add3A = arith.constant 0 : i32
    %add3A_1 = arith.addi %mul3A_0, %add3A : i32
    %run_scoped3A_2 = arith.constant 0 : i32
    "tpu.region"() ({
      %run_scoped3A_96 = tpu.sem_alloc : memref<!tpu.dma_semaphore, #tpu.memory_space<semaphore_mem>>
      %dma_start3A_97 = arith.constant 0 : i32
      %dma_start3A_98 = arith.constant 0 : i32
      %dma_start3A_99 = tpu.memref_slice %arg9[%run_scoped3A_2, %dma_start3A_97, %dma_start3A_98] : memref<4x128x64xf32, #tpu.memory_space<vmem>> -> memref<1x128x64xf32, #tpu.memory_space<vmem>>
      %dma_start3A_100 = tpu.memref_squeeze %dma_start3A_99 : memref<1x128x64xf32, #tpu.memory_space<vmem>> -> memref<128x64xf32, #tpu.memory_space<vmem>>
      %dma_start3A_101 = arith.constant 0 : i32
      %dma_start3A_102 = tpu.memref_slice %arg10[%add3A_1, %dma_start3A_101] : memref<10240x64xf32, #tpu.memory_space<vmem_shared>> -> memref<128x64xf32, #tpu.memory_space<vmem_shared>>
      %dma_start3A_103 = arith.constant 0 : i32
      %dma_start3A_104 = tpu.memref_slice %arg10[%add3A_1, %dma_start3A_103] : memref<10240x64xf32, #tpu.memory_space<vmem_shared>> -> memref<128x64xf32, #tpu.memory_space<vmem_shared>>
      %dma_start3A_105 = arith.constant 0 : i32
      %dma_start3A_106 = arith.constant 0 : i32
      %dma_start3A_107 = tpu.memref_slice %arg9[%run_scoped3A_2, %dma_start3A_105, %dma_start3A_106] : memref<4x128x64xf32, #tpu.memory_space<vmem>> -> memref<1x128x64xf32, #tpu.memory_space<vmem>>
      %dma_start3A_108 = tpu.memref_squeeze %dma_start3A_107 : memref<1x128x64xf32, #tpu.memory_space<vmem>> -> memref<128x64xf32, #tpu.memory_space<vmem>>
      tpu.enqueue_dma source(%dma_start3A_108 : memref<128x64xf32, #tpu.memory_space<vmem>>) target(%dma_start3A_104 : memref<128x64xf32, #tpu.memory_space<vmem_shared>>) target_semaphore(%run_scoped3A_96 : memref<!tpu.dma_semaphore, #tpu.memory_space<semaphore_mem>>)
      %dma_wait3A = arith.constant 0 : i32
      %dma_wait3A_109 = arith.constant 0 : i32
      %dma_wait3A_110 = tpu.memref_slice %arg9[%run_scoped3A_2, %dma_wait3A, %dma_wait3A_109] : memref<4x128x64xf32, #tpu.memory_space<vmem>> -> memref<1x128x64xf32, #tpu.memory_space<vmem>>
      %dma_wait3A_111 = tpu.memref_squeeze %dma_wait3A_110 : memref<1x128x64xf32, #tpu.memory_space<vmem>> -> memref<128x64xf32, #tpu.memory_space<vmem>>
      %dma_wait3A_112 = arith.constant 0 : i32
      %dma_wait3A_113 = tpu.memref_slice %arg10[%add3A_1, %dma_wait3A_112] : memref<10240x64xf32, #tpu.memory_space<vmem_shared>> -> memref<128x64xf32, #tpu.memory_space<vmem_shared>>
      %dma_wait3A_114 = arith.constant 0 : i32
      %dma_wait3A_115 = tpu.memref_slice %arg10[%add3A_1, %dma_wait3A_114] : memref<10240x64xf32, #tpu.memory_space<vmem_shared>> -> memref<128x64xf32, #tpu.memory_space<vmem_shared>>
      %dma_wait3A_116 = arith.constant 0 : i32
      %dma_wait3A_117 = arith.constant 0 : i32
      %dma_wait3A_118 = tpu.memref_slice %arg9[%run_scoped3A_2, %dma_wait3A_116, %dma_wait3A_117] : memref<4x128x64xf32, #tpu.memory_space<vmem>> -> memref<1x128x64xf32, #tpu.memory_space<vmem>>
      %dma_wait3A_119 = tpu.memref_squeeze %dma_wait3A_118 : memref<1x128x64xf32, #tpu.memory_space<vmem>> -> memref<128x64xf32, #tpu.memory_space<vmem>>
      tpu.wait_dma2 semaphore(%run_scoped3A_96 : memref<!tpu.dma_semaphore, #tpu.memory_space<semaphore_mem>>) src(%dma_wait3A_119 : memref<128x64xf32, #tpu.memory_space<vmem>>) dst(%dma_wait3A_115 : memref<128x64xf32, #tpu.memory_space<vmem_shared>>)
      tpu.yield
    }) : () -> ()
    %mul3A_3 = arith.constant 640 : i32
    %mul3A_4 = arith.muli %arg1, %mul3A_3 : i32
    %add3A_5 = arith.constant 128 : i32
    %add3A_6 = arith.addi %mul3A_4, %add3A_5 : i32
    %run_scoped3A_7 = arith.constant 0 : i32
    "tpu.region"() ({
      %run_scoped3A_96 = tpu.sem_alloc : memref<!tpu.dma_semaphore, #tpu.memory_space<semaphore_mem>>
      %dma_start3A_97 = arith.constant 0 : i32
      %dma_start3A_98 = arith.constant 0 : i32
      %dma_start3A_99 = tpu.memref_slice %arg9[%run_scoped3A_7, %dma_start3A_97, %dma_start3A_98] : memref<4x128x64xf32, #tpu.memory_space<vmem>> -> memref<1x128x64xf32, #tpu.memory_space<vmem>>
      %dma_start3A_100 = tpu.memref_squeeze %dma_start3A_99 : memref<1x128x64xf32, #tpu.memory_space<vmem>> -> memref<128x64xf32, #tpu.memory_space<vmem>>
      %dma_start3A_101 = arith.constant 0 : i32
      %dma_start3A_102 = tpu.memref_slice %arg10[%add3A_6, %dma_start3A_101] : memref<10240x64xf32, #tpu.memory_space<vmem_shared>> -> memref<128x64xf32, #tpu.memory_space<vmem_shared>>
      %dma_start3A_103 = arith.constant 0 : i32
      %dma_start3A_104 = tpu.memref_slice %arg10[%add3A_6, %dma_start3A_103] : memref<10240x64xf32, #tpu.memory_space<vmem_shared>> -> memref<128x64xf32, #tpu.memory_space<vmem_shared>>
      %dma_start3A_105 = arith.constant 0 : i32
      %dma_start3A_106 = arith.constant 0 : i32
      %dma_start3A_107 = tpu.memref_slice %arg9[%run_scoped3A_7, %dma_start3A_105, %dma_start3A_106] : memref<4x128x64xf32, #tpu.memory_space<vmem>> -> memref<1x128x64xf32, #tpu.memory_space<vmem>>
      %dma_start3A_108 = tpu.memref_squeeze %dma_start3A_107 : memref<1x128x64xf32, #tpu.memory_space<vmem>> -> memref<128x64xf32, #tpu.memory_space<vmem>>
      tpu.enqueue_dma source(%dma_start3A_108 : memref<128x64xf32, #tpu.memory_space<vmem>>) target(%dma_start3A_104 : memref<128x64xf32, #tpu.memory_space<vmem_shared>>) target_semaphore(%run_scoped3A_96 : memref<!tpu.dma_semaphore, #tpu.memory_space<semaphore_mem>>)
      %dma_wait3A = arith.constant 0 : i32
      %dma_wait3A_109 = arith.constant 0 : i32
      %dma_wait3A_110 = tpu.memref_slice %arg9[%run_scoped3A_7, %dma_wait3A, %dma_wait3A_109] : memref<4x128x64xf32, #tpu.memory_space<vmem>> -> memref<1x128x64xf32, #tpu.memory_space<vmem>>
      %dma_wait3A_111 = tpu.memref_squeeze %dma_wait3A_110 : memref<1x128x64xf32, #tpu.memory_space<vmem>> -> memref<128x64xf32, #tpu.memory_space<vmem>>
      %dma_wait3A_112 = arith.constant 0 : i32
      %dma_wait3A_113 = tpu.memref_slice %arg10[%add3A_6, %dma_wait3A_112] : memref<10240x64xf32, #tpu.memory_space<vmem_shared>> -> memref<128x64xf32, #tpu.memory_space<vmem_shared>>
      %dma_wait3A_114 = arith.constant 0 : i32
      %dma_wait3A_115 = tpu.memref_slice %arg10[%add3A_6, %dma_wait3A_114] : memref<10240x64xf32, #tpu.memory_space<vmem_shared>> -> memref<128x64xf32, #tpu.memory_space<vmem_shared>>
      %dma_wait3A_116 = arith.constant 0 : i32
      %dma_wait3A_117 = arith.constant 0 : i32
      %dma_wait3A_118 = tpu.memref_slice %arg9[%run_scoped3A_7, %dma_wait3A_116, %dma_wait3A_117] : memref<4x128x64xf32, #tpu.memory_space<vmem>> -> memref<1x128x64xf32, #tpu.memory_space<vmem>>
      %dma_wait3A_119 = tpu.memref_squeeze %dma_wait3A_118 : memref<1x128x64xf32, #tpu.memory_space<vmem>> -> memref<128x64xf32, #tpu.memory_space<vmem>>
      tpu.wait_dma2 semaphore(%run_scoped3A_96 : memref<!tpu.dma_semaphore, #tpu.memory_space<semaphore_mem>>) src(%dma_wait3A_119 : memref<128x64xf32, #tpu.memory_space<vmem>>) dst(%dma_wait3A_115 : memref<128x64xf32, #tpu.memory_space<vmem_shared>>)
      tpu.yield
    }) : () -> ()
    %mul3A_8 = arith.constant 640 : i32
    %mul3A_9 = arith.muli %arg1, %mul3A_8 : i32
    %add3A_10 = arith.constant 256 : i32
    %add3A_11 = arith.addi %mul3A_9, %add3A_10 : i32
    %run_scoped3A_12 = arith.constant 0 : i32
    "tpu.region"() ({
      %run_scoped3A_96 = tpu.sem_alloc : memref<!tpu.dma_semaphore, #tpu.memory_space<semaphore_mem>>
      %dma_start3A_97 = arith.constant 0 : i32
      %dma_start3A_98 = arith.constant 0 : i32
      %dma_start3A_99 = tpu.memref_slice %arg9[%run_scoped3A_12, %dma_start3A_97, %dma_start3A_98] : memref<4x128x64xf32, #tpu.memory_space<vmem>> -> memref<1x128x64xf32, #tpu.memory_space<vmem>>
      %dma_start3A_100 = tpu.memref_squeeze %dma_start3A_99 : memref<1x128x64xf32, #tpu.memory_space<vmem>> -> memref<128x64xf32, #tpu.memory_space<vmem>>
      %dma_start3A_101 = arith.constant 0 : i32
      %dma_start3A_102 = tpu.memref_slice %arg10[%add3A_11, %dma_start3A_101] : memref<10240x64xf32, #tpu.memory_space<vmem_shared>> -> memref<128x64xf32, #tpu.memory_space<vmem_shared>>
      %dma_start3A_103 = arith.constant 0 : i32
      %dma_start3A_104 = tpu.memref_slice %arg10[%add3A_11, %dma_start3A_103] : memref<10240x64xf32, #tpu.memory_space<vmem_shared>> -> memref<128x64xf32, #tpu.memory_space<vmem_shared>>
      %dma_start3A_105 = arith.constant 0 : i32
      %dma_start3A_106 = arith.constant 0 : i32
      %dma_start3A_107 = tpu.memref_slice %arg9[%run_scoped3A_12, %dma_start3A_105, %dma_start3A_106] : memref<4x128x64xf32, #tpu.memory_space<vmem>> -> memref<1x128x64xf32, #tpu.memory_space<vmem>>
      %dma_start3A_108 = tpu.memref_squeeze %dma_start3A_107 : memref<1x128x64xf32, #tpu.memory_space<vmem>> -> memref<128x64xf32, #tpu.memory_space<vmem>>
      tpu.enqueue_dma source(%dma_start3A_108 : memref<128x64xf32, #tpu.memory_space<vmem>>) target(%dma_start3A_104 : memref<128x64xf32, #tpu.memory_space<vmem_shared>>) target_semaphore(%run_scoped3A_96 : memref<!tpu.dma_semaphore, #tpu.memory_space<semaphore_mem>>)
      %dma_wait3A = arith.constant 0 : i32
      %dma_wait3A_109 = arith.constant 0 : i32
      %dma_wait3A_110 = tpu.memref_slice %arg9[%run_scoped3A_12, %dma_wait3A, %dma_wait3A_109] : memref<4x128x64xf32, #tpu.memory_space<vmem>> -> memref<1x128x64xf32, #tpu.memory_space<vmem>>
      %dma_wait3A_111 = tpu.memref_squeeze %dma_wait3A_110 : memref<1x128x64xf32, #tpu.memory_space<vmem>> -> memref<128x64xf32, #tpu.memory_space<vmem>>
      %dma_wait3A_112 = arith.constant 0 : i32
      %dma_wait3A_113 = tpu.memref_slice %arg10[%add3A_11, %dma_wait3A_112] : memref<10240x64xf32, #tpu.memory_space<vmem_shared>> -> memref<128x64xf32, #tpu.memory_space<vmem_shared>>
      %dma_wait3A_114 = arith.constant 0 : i32
      %dma_wait3A_115 = tpu.memref_slice %arg10[%add3A_11, %dma_wait3A_114] : memref<10240x64xf32, #tpu.memory_space<vmem_shared>> -> memref<128x64xf32, #tpu.memory_space<vmem_shared>>
      %dma_wait3A_116 = arith.constant 0 : i32
      %dma_wait3A_117 = arith.constant 0 : i32
      %dma_wait3A_118 = tpu.memref_slice %arg9[%run_scoped3A_12, %dma_wait3A_116, %dma_wait3A_117] : memref<4x128x64xf32, #tpu.memory_space<vmem>> -> memref<1x128x64xf32, #tpu.memory_space<vmem>>
      %dma_wait3A_119 = tpu.memref_squeeze %dma_wait3A_118 : memref<1x128x64xf32, #tpu.memory_space<vmem>> -> memref<128x64xf32, #tpu.memory_space<vmem>>
      tpu.wait_dma2 semaphore(%run_scoped3A_96 : memref<!tpu.dma_semaphore, #tpu.memory_space<semaphore_mem>>) src(%dma_wait3A_119 : memref<128x64xf32, #tpu.memory_space<vmem>>) dst(%dma_wait3A_115 : memref<128x64xf32, #tpu.memory_space<vmem_shared>>)
      tpu.yield
    }) : () -> ()
    %mul3A_13 = arith.constant 640 : i32
    %mul3A_14 = arith.muli %arg1, %mul3A_13 : i32
    %add3A_15 = arith.constant 384 : i32
    %add3A_16 = arith.addi %mul3A_14, %add3A_15 : i32
    %run_scoped3A_17 = arith.constant 0 : i32
    "tpu.region"() ({
      %run_scoped3A_96 = tpu.sem_alloc : memref<!tpu.dma_semaphore, #tpu.memory_space<semaphore_mem>>
      %dma_start3A_97 = arith.constant 0 : i32
      %dma_start3A_98 = arith.constant 0 : i32
      %dma_start3A_99 = tpu.memref_slice %arg9[%run_scoped3A_17, %dma_start3A_97, %dma_start3A_98] : memref<4x128x64xf32, #tpu.memory_space<vmem>> -> memref<1x128x64xf32, #tpu.memory_space<vmem>>
      %dma_start3A_100 = tpu.memref_squeeze %dma_start3A_99 : memref<1x128x64xf32, #tpu.memory_space<vmem>> -> memref<128x64xf32, #tpu.memory_space<vmem>>
      %dma_start3A_101 = arith.constant 0 : i32
      %dma_start3A_102 = tpu.memref_slice %arg10[%add3A_16, %dma_start3A_101] : memref<10240x64xf32, #tpu.memory_space<vmem_shared>> -> memref<128x64xf32, #tpu.memory_space<vmem_shared>>
      %dma_start3A_103 = arith.constant 0 : i32
      %dma_start3A_104 = tpu.memref_slice %arg10[%add3A_16, %dma_start3A_103] : memref<10240x64xf32, #tpu.memory_space<vmem_shared>> -> memref<128x64xf32, #tpu.memory_space<vmem_shared>>
      %dma_start3A_105 = arith.constant 0 : i32
      %dma_start3A_106 = arith.constant 0 : i32
      %dma_start3A_107 = tpu.memref_slice %arg9[%run_scoped3A_17, %dma_start3A_105, %dma_start3A_106] : memref<4x128x64xf32, #tpu.memory_space<vmem>> -> memref<1x128x64xf32, #tpu.memory_space<vmem>>
      %dma_start3A_108 = tpu.memref_squeeze %dma_start3A_107 : memref<1x128x64xf32, #tpu.memory_space<vmem>> -> memref<128x64xf32, #tpu.memory_space<vmem>>
      tpu.enqueue_dma source(%dma_start3A_108 : memref<128x64xf32, #tpu.memory_space<vmem>>) target(%dma_start3A_104 : memref<128x64xf32, #tpu.memory_space<vmem_shared>>) target_semaphore(%run_scoped3A_96 : memref<!tpu.dma_semaphore, #tpu.memory_space<semaphore_mem>>)
      %dma_wait3A = arith.constant 0 : i32
      %dma_wait3A_109 = arith.constant 0 : i32
      %dma_wait3A_110 = tpu.memref_slice %arg9[%run_scoped3A_17, %dma_wait3A, %dma_wait3A_109] : memref<4x128x64xf32, #tpu.memory_space<vmem>> -> memref<1x128x64xf32, #tpu.memory_space<vmem>>
      %dma_wait3A_111 = tpu.memref_squeeze %dma_wait3A_110 : memref<1x128x64xf32, #tpu.memory_space<vmem>> -> memref<128x64xf32, #tpu.memory_space<vmem>>
      %dma_wait3A_112 = arith.constant 0 : i32
      %dma_wait3A_113 = tpu.memref_slice %arg10[%add3A_16, %dma_wait3A_112] : memref<10240x64xf32, #tpu.memory_space<vmem_shared>> -> memref<128x64xf32, #tpu.memory_space<vmem_shared>>
      %dma_wait3A_114 = arith.constant 0 : i32
      %dma_wait3A_115 = tpu.memref_slice %arg10[%add3A_16, %dma_wait3A_114] : memref<10240x64xf32, #tpu.memory_space<vmem_shared>> -> memref<128x64xf32, #tpu.memory_space<vmem_shared>>
      %dma_wait3A_116 = arith.constant 0 : i32
      %dma_wait3A_117 = arith.constant 0 : i32
      %dma_wait3A_118 = tpu.memref_slice %arg9[%run_scoped3A_17, %dma_wait3A_116, %dma_wait3A_117] : memref<4x128x64xf32, #tpu.memory_space<vmem>> -> memref<1x128x64xf32, #tpu.memory_space<vmem>>
      %dma_wait3A_119 = tpu.memref_squeeze %dma_wait3A_118 : memref<1x128x64xf32, #tpu.memory_space<vmem>> -> memref<128x64xf32, #tpu.memory_space<vmem>>
      tpu.wait_dma2 semaphore(%run_scoped3A_96 : memref<!tpu.dma_semaphore, #tpu.memory_space<semaphore_mem>>) src(%dma_wait3A_119 : memref<128x64xf32, #tpu.memory_space<vmem>>) dst(%dma_wait3A_115 : memref<128x64xf32, #tpu.memory_space<vmem_shared>>)
      tpu.yield
    }) : () -> ()
    %mul3A_18 = arith.constant 640 : i32
    %mul3A_19 = arith.muli %arg1, %mul3A_18 : i32
    %add3A_20 = arith.constant 512 : i32
    %add3A_21 = arith.addi %mul3A_19, %add3A_20 : i32
    %run_scoped3A_22 = arith.constant 0 : i32
    "tpu.region"() ({
      %run_scoped3A_96 = tpu.sem_alloc : memref<!tpu.dma_semaphore, #tpu.memory_space<semaphore_mem>>
      %dma_start3A_97 = arith.constant 0 : i32
      %dma_start3A_98 = arith.constant 0 : i32
      %dma_start3A_99 = tpu.memref_slice %arg9[%run_scoped3A_22, %dma_start3A_97, %dma_start3A_98] : memref<4x128x64xf32, #tpu.memory_space<vmem>> -> memref<1x128x64xf32, #tpu.memory_space<vmem>>
      %dma_start3A_100 = tpu.memref_squeeze %dma_start3A_99 : memref<1x128x64xf32, #tpu.memory_space<vmem>> -> memref<128x64xf32, #tpu.memory_space<vmem>>
      %dma_start3A_101 = arith.constant 0 : i32
      %dma_start3A_102 = tpu.memref_slice %arg10[%add3A_21, %dma_start3A_101] : memref<10240x64xf32, #tpu.memory_space<vmem_shared>> -> memref<128x64xf32, #tpu.memory_space<vmem_shared>>
      %dma_start3A_103 = arith.constant 0 : i32
      %dma_start3A_104 = tpu.memref_slice %arg10[%add3A_21, %dma_start3A_103] : memref<10240x64xf32, #tpu.memory_space<vmem_shared>> -> memref<128x64xf32, #tpu.memory_space<vmem_shared>>
      %dma_start3A_105 = arith.constant 0 : i32
      %dma_start3A_106 = arith.constant 0 : i32
      %dma_start3A_107 = tpu.memref_slice %arg9[%run_scoped3A_22, %dma_start3A_105, %dma_start3A_106] : memref<4x128x64xf32, #tpu.memory_space<vmem>> -> memref<1x128x64xf32, #tpu.memory_space<vmem>>
      %dma_start3A_108 = tpu.memref_squeeze %dma_start3A_107 : memref<1x128x64xf32, #tpu.memory_space<vmem>> -> memref<128x64xf32, #tpu.memory_space<vmem>>
      tpu.enqueue_dma source(%dma_start3A_108 : memref<128x64xf32, #tpu.memory_space<vmem>>) target(%dma_start3A_104 : memref<128x64xf32, #tpu.memory_space<vmem_shared>>) target_semaphore(%run_scoped3A_96 : memref<!tpu.dma_semaphore, #tpu.memory_space<semaphore_mem>>)
      %dma_wait3A = arith.constant 0 : i32
      %dma_wait3A_109 = arith.constant 0 : i32
      %dma_wait3A_110 = tpu.memref_slice %arg9[%run_scoped3A_22, %dma_wait3A, %dma_wait3A_109] : memref<4x128x64xf32, #tpu.memory_space<vmem>> -> memref<1x128x64xf32, #tpu.memory_space<vmem>>
      %dma_wait3A_111 = tpu.memref_squeeze %dma_wait3A_110 : memref<1x128x64xf32, #tpu.memory_space<vmem>> -> memref<128x64xf32, #tpu.memory_space<vmem>>
      %dma_wait3A_112 = arith.constant 0 : i32
      %dma_wait3A_113 = tpu.memref_slice %arg10[%add3A_21, %dma_wait3A_112] : memref<10240x64xf32, #tpu.memory_space<vmem_shared>> -> memref<128x64xf32, #tpu.memory_space<vmem_shared>>
      %dma_wait3A_114 = arith.constant 0 : i32
      %dma_wait3A_115 = tpu.memref_slice %arg10[%add3A_21, %dma_wait3A_114] : memref<10240x64xf32, #tpu.memory_space<vmem_shared>> -> memref<128x64xf32, #tpu.memory_space<vmem_shared>>
      %dma_wait3A_116 = arith.constant 0 : i32
      %dma_wait3A_117 = arith.constant 0 : i32
      %dma_wait3A_118 = tpu.memref_slice %arg9[%run_scoped3A_22, %dma_wait3A_116, %dma_wait3A_117] : memref<4x128x64xf32, #tpu.memory_space<vmem>> -> memref<1x128x64xf32, #tpu.memory_space<vmem>>
      %dma_wait3A_119 = tpu.memref_squeeze %dma_wait3A_118 : memref<1x128x64xf32, #tpu.memory_space<vmem>> -> memref<128x64xf32, #tpu.memory_space<vmem>>
      tpu.wait_dma2 semaphore(%run_scoped3A_96 : memref<!tpu.dma_semaphore, #tpu.memory_space<semaphore_mem>>) src(%dma_wait3A_119 : memref<128x64xf32, #tpu.memory_space<vmem>>) dst(%dma_wait3A_115 : memref<128x64xf32, #tpu.memory_space<vmem_shared>>)
      tpu.yield
    }) : () -> ()
    %barrier3A = arith.constant 0 : index
    tpu.barrier barrier_id(%barrier3A)
    %dma_start3A = arith.constant 0 : i32
    %dma_start3A_23 = arith.constant 0 : i32
    %dma_start3A_24 = arith.constant 0 : i32
    %dma_start3A_25 = arith.constant 0 : i32
    %dma_start3A_26 = tpu.memref_slice %arg9[%dma_start3A_23, %dma_start3A_24, %dma_start3A_25] : memref<4x128x64xf32, #tpu.memory_space<vmem>> -> memref<1x128x64xf32, #tpu.memory_space<vmem>>
    %dma_start3A_27 = tpu.memref_squeeze %dma_start3A_26 : memref<1x128x64xf32, #tpu.memory_space<vmem>> -> memref<128x64xf32, #tpu.memory_space<vmem>>
    %dma_start3A_28 = arith.constant 0 : i32
    %dma_start3A_29 = tpu.memref_slice %arg7[%dma_start3A, %dma_start3A_28] : memref<160x128xi32, #tpu.memory_space<vmem>> -> memref<1x128xi32, #tpu.memory_space<vmem>>
    %dma_start3A_30 = tpu.memref_squeeze %dma_start3A_29 : memref<1x128xi32, #tpu.memory_space<vmem>> -> memref<128xi32, #tpu.memory_space<vmem>>
    %dma_start3A_31 = arith.constant 0 : i32
    %dma_start3A_32 = arith.constant 0 : i32
    %dma_start3A_33 = tpu.memref_slice %arg4[%arg0, %dma_start3A_31, %dma_start3A_32] : memref<2x10240x64xf32, #tpu.memory_space<hbm>> -> memref<1x10240x64xf32, #tpu.memory_space<hbm>>
    %dma_start3A_34 = tpu.memref_squeeze %dma_start3A_33 : memref<1x10240x64xf32, #tpu.memory_space<hbm>> -> memref<10240x64xf32, #tpu.memory_space<hbm>>
    %dma_start3A_35 = arith.constant 0 : i32
    %dma_start3A_36 = arith.constant 0 : i32
    %dma_start3A_37 = tpu.memref_slice %dma_start3A_34[%dma_start3A_35, %dma_start3A_36] : memref<10240x64xf32, #tpu.memory_space<hbm>> -> memref<10240x64xf32, #tpu.memory_space<hbm>>
    tpu.enqueue_indirect_dma source(%dma_start3A_37 : memref<10240x64xf32, #tpu.memory_space<hbm>>) target(%dma_start3A_27 : memref<128x64xf32, #tpu.memory_space<vmem>>) offsets(%dma_start3A_30 : memref<128xi32, #tpu.memory_space<vmem>>) semaphore(%arg11 : memref<!tpu.dma_semaphore, #tpu.memory_space<semaphore_mem>>)
    %dma_start3A_38 = arith.constant 1 : i32
    %dma_start3A_39 = arith.constant 1 : i32
    %dma_start3A_40 = arith.constant 0 : i32
    %dma_start3A_41 = arith.constant 0 : i32
    %dma_start3A_42 = tpu.memref_slice %arg9[%dma_start3A_39, %dma_start3A_40, %dma_start3A_41] : memref<4x128x64xf32, #tpu.memory_space<vmem>> -> memref<1x128x64xf32, #tpu.memory_space<vmem>>
    %dma_start3A_43 = tpu.memref_squeeze %dma_start3A_42 : memref<1x128x64xf32, #tpu.memory_space<vmem>> -> memref<128x64xf32, #tpu.memory_space<vmem>>
    %dma_start3A_44 = arith.constant 0 : i32
    %dma_start3A_45 = tpu.memref_slice %arg7[%dma_start3A_38, %dma_start3A_44] : memref<160x128xi32, #tpu.memory_space<vmem>> -> memref<1x128xi32, #tpu.memory_space<vmem>>
    %dma_start3A_46 = tpu.memref_squeeze %dma_start3A_45 : memref<1x128xi32, #tpu.memory_space<vmem>> -> memref<128xi32, #tpu.memory_space<vmem>>
    %dma_start3A_47 = arith.constant 0 : i32
    %dma_start3A_48 = arith.constant 0 : i32
    %dma_start3A_49 = tpu.memref_slice %arg4[%arg0, %dma_start3A_47, %dma_start3A_48] : memref<2x10240x64xf32, #tpu.memory_space<hbm>> -> memref<1x10240x64xf32, #tpu.memory_space<hbm>>
    %dma_start3A_50 = tpu.memref_squeeze %dma_start3A_49 : memref<1x10240x64xf32, #tpu.memory_space<hbm>> -> memref<10240x64xf32, #tpu.memory_space<hbm>>
    %dma_start3A_51 = arith.constant 0 : i32
    %dma_start3A_52 = arith.constant 0 : i32
    %dma_start3A_53 = tpu.memref_slice %dma_start3A_50[%dma_start3A_51, %dma_start3A_52] : memref<10240x64xf32, #tpu.memory_space<hbm>> -> memref<10240x64xf32, #tpu.memory_space<hbm>>
    tpu.enqueue_indirect_dma source(%dma_start3A_53 : memref<10240x64xf32, #tpu.memory_space<hbm>>) target(%dma_start3A_43 : memref<128x64xf32, #tpu.memory_space<vmem>>) offsets(%dma_start3A_46 : memref<128xi32, #tpu.memory_space<vmem>>) semaphore(%arg12 : memref<!tpu.dma_semaphore, #tpu.memory_space<semaphore_mem>>)
    %dma_start3A_54 = arith.constant 2 : i32
    %dma_start3A_55 = arith.constant 2 : i32
    %dma_start3A_56 = arith.constant 0 : i32
    %dma_start3A_57 = arith.constant 0 : i32
    %dma_start3A_58 = tpu.memref_slice %arg9[%dma_start3A_55, %dma_start3A_56, %dma_start3A_57] : memref<4x128x64xf32, #tpu.memory_space<vmem>> -> memref<1x128x64xf32, #tpu.memory_space<vmem>>
    %dma_start3A_59 = tpu.memref_squeeze %dma_start3A_58 : memref<1x128x64xf32, #tpu.memory_space<vmem>> -> memref<128x64xf32, #tpu.memory_space<vmem>>
    %dma_start3A_60 = arith.constant 0 : i32
    %dma_start3A_61 = tpu.memref_slice %arg7[%dma_start3A_54, %dma_start3A_60] : memref<160x128xi32, #tpu.memory_space<vmem>> -> memref<1x128xi32, #tpu.memory_space<vmem>>
    %dma_start3A_62 = tpu.memref_squeeze %dma_start3A_61 : memref<1x128xi32, #tpu.memory_space<vmem>> -> memref<128xi32, #tpu.memory_space<vmem>>
    %dma_start3A_63 = arith.constant 0 : i32
    %dma_start3A_64 = arith.constant 0 : i32
    %dma_start3A_65 = tpu.memref_slice %arg4[%arg0, %dma_start3A_63, %dma_start3A_64] : memref<2x10240x64xf32, #tpu.memory_space<hbm>> -> memref<1x10240x64xf32, #tpu.memory_space<hbm>>
    %dma_start3A_66 = tpu.memref_squeeze %dma_start3A_65 : memref<1x10240x64xf32, #tpu.memory_space<hbm>> -> memref<10240x64xf32, #tpu.memory_space<hbm>>
    %dma_start3A_67 = arith.constant 0 : i32
    %dma_start3A_68 = arith.constant 0 : i32
    %dma_start3A_69 = tpu.memref_slice %dma_start3A_66[%dma_start3A_67, %dma_start3A_68] : memref<10240x64xf32, #tpu.memory_space<hbm>> -> memref<10240x64xf32, #tpu.memory_space<hbm>>
    tpu.enqueue_indirect_dma source(%dma_start3A_69 : memref<10240x64xf32, #tpu.memory_space<hbm>>) target(%dma_start3A_59 : memref<128x64xf32, #tpu.memory_space<vmem>>) offsets(%dma_start3A_62 : memref<128xi32, #tpu.memory_space<vmem>>) semaphore(%arg13 : memref<!tpu.dma_semaphore, #tpu.memory_space<semaphore_mem>>)
    %dma_start3A_70 = arith.constant 3 : i32
    %dma_start3A_71 = arith.constant 3 : i32
    %dma_start3A_72 = arith.constant 0 : i32
    %dma_start3A_73 = arith.constant 0 : i32
    %dma_start3A_74 = tpu.memref_slice %arg9[%dma_start3A_71, %dma_start3A_72, %dma_start3A_73] : memref<4x128x64xf32, #tpu.memory_space<vmem>> -> memref<1x128x64xf32, #tpu.memory_space<vmem>>
    %dma_start3A_75 = tpu.memref_squeeze %dma_start3A_74 : memref<1x128x64xf32, #tpu.memory_space<vmem>> -> memref<128x64xf32, #tpu.memory_space<vmem>>
    %dma_start3A_76 = arith.constant 0 : i32
    %dma_start3A_77 = tpu.memref_slice %arg7[%dma_start3A_70, %dma_start3A_76] : memref<160x128xi32, #tpu.memory_space<vmem>> -> memref<1x128xi32, #tpu.memory_space<vmem>>
    %dma_start3A_78 = tpu.memref_squeeze %dma_start3A_77 : memref<1x128xi32, #tpu.memory_space<vmem>> -> memref<128xi32, #tpu.memory_space<vmem>>
    %dma_start3A_79 = arith.constant 0 : i32
    %dma_start3A_80 = arith.constant 0 : i32
    %dma_start3A_81 = tpu.memref_slice %arg4[%arg0, %dma_start3A_79, %dma_start3A_80] : memref<2x10240x64xf32, #tpu.memory_space<hbm>> -> memref<1x10240x64xf32, #tpu.memory_space<hbm>>
    %dma_start3A_82 = tpu.memref_squeeze %dma_start3A_81 : memref<1x10240x64xf32, #tpu.memory_space<hbm>> -> memref<10240x64xf32, #tpu.memory_space<hbm>>
    %dma_start3A_83 = arith.constant 0 : i32
    %dma_start3A_84 = arith.constant 0 : i32
    %dma_start3A_85 = tpu.memref_slice %dma_start3A_82[%dma_start3A_83, %dma_start3A_84] : memref<10240x64xf32, #tpu.memory_space<hbm>> -> memref<10240x64xf32, #tpu.memory_space<hbm>>
    tpu.enqueue_indirect_dma source(%dma_start3A_85 : memref<10240x64xf32, #tpu.memory_space<hbm>>) target(%dma_start3A_75 : memref<128x64xf32, #tpu.memory_space<vmem>>) offsets(%dma_start3A_78 : memref<128xi32, #tpu.memory_space<vmem>>) semaphore(%arg14 : memref<!tpu.dma_semaphore, #tpu.memory_space<semaphore_mem>>)
    %scan3A = arith.constant 0 : i32
    %scan3A_86 = arith.constant 0 : i32
    %scan3A_87 = arith.constant 40 : i32
    %scan3A_88 = arith.addi %scan3A_86, %scan3A_87 : i32
    %scan3A_89 = arith.constant 1 : i32
    scf.for %scan3A_96 = %scan3A_86 to %scan3A_88 step %scan3A_89  : i32 {
      %mul3A_97 = arith.constant 4 : i32
      %mul3A_98 = arith.muli %mul3A_97, %scan3A_96 : i32
      %add3A_99 = arith.constant 0 : i32
      %add3A_100 = arith.addi %mul3A_98, %add3A_99 : i32
      %dma_wait3A = arith.constant 0 : i32
      %dma_wait3A_101 = arith.constant 0 : i32
      %dma_wait3A_102 = arith.constant 0 : i32
      %dma_wait3A_103 = tpu.memref_slice %arg9[%dma_wait3A, %dma_wait3A_101, %dma_wait3A_102] : memref<4x128x64xf32, #tpu.memory_space<vmem>> -> memref<1x128x64xf32, #tpu.memory_space<vmem>>
      %dma_wait3A_104 = tpu.memref_squeeze %dma_wait3A_103 : memref<1x128x64xf32, #tpu.memory_space<vmem>> -> memref<128x64xf32, #tpu.memory_space<vmem>>
      %dma_wait3A_105 = arith.constant 0 : i32
      %dma_wait3A_106 = tpu.memref_slice %arg7[%add3A_100, %dma_wait3A_105] : memref<160x128xi32, #tpu.memory_space<vmem>> -> memref<1x128xi32, #tpu.memory_space<vmem>>
      %dma_wait3A_107 = tpu.memref_squeeze %dma_wait3A_106 : memref<1x128xi32, #tpu.memory_space<vmem>> -> memref<128xi32, #tpu.memory_space<vmem>>
      %dma_wait3A_108 = arith.constant 0 : i32
      %dma_wait3A_109 = arith.constant 0 : i32
      %dma_wait3A_110 = tpu.memref_slice %arg4[%arg0, %dma_wait3A_108, %dma_wait3A_109] : memref<2x10240x64xf32, #tpu.memory_space<hbm>> -> memref<1x10240x64xf32, #tpu.memory_space<hbm>>
      %dma_wait3A_111 = tpu.memref_squeeze %dma_wait3A_110 : memref<1x10240x64xf32, #tpu.memory_space<hbm>> -> memref<10240x64xf32, #tpu.memory_space<hbm>>
      %dma_wait3A_112 = arith.constant 0 : i32
      %dma_wait3A_113 = arith.constant 0 : i32
      %dma_wait3A_114 = tpu.memref_slice %dma_wait3A_111[%dma_wait3A_112, %dma_wait3A_113] : memref<10240x64xf32, #tpu.memory_space<hbm>> -> memref<10240x64xf32, #tpu.memory_space<hbm>>
      tpu.wait_indirect_dma semaphore(%arg11 : memref<!tpu.dma_semaphore, #tpu.memory_space<semaphore_mem>>) src(%dma_wait3A_114 : memref<10240x64xf32, #tpu.memory_space<hbm>>) dst(%dma_wait3A_104 : memref<128x64xf32, #tpu.memory_space<vmem>>)
      %dma_start3A_115 = arith.constant 0 : i32
      %dma_start3A_116 = arith.constant 0 : i32
      %dma_start3A_117 = arith.constant 0 : i32
      %dma_start3A_118 = tpu.memref_slice %arg9[%dma_start3A_115, %dma_start3A_116, %dma_start3A_117] : memref<4x128x64xf32, #tpu.memory_space<vmem>> -> memref<1x128x64xf32, #tpu.memory_space<vmem>>
      %dma_start3A_119 = tpu.memref_squeeze %dma_start3A_118 : memref<1x128x64xf32, #tpu.memory_space<vmem>> -> memref<128x64xf32, #tpu.memory_space<vmem>>
      %dma_start3A_120 = arith.constant 0 : i32
      %dma_start3A_121 = tpu.memref_slice %arg8[%add3A_100, %dma_start3A_120] : memref<160x128xi32, #tpu.memory_space<vmem>> -> memref<1x128xi32, #tpu.memory_space<vmem>>
      %dma_start3A_122 = tpu.memref_squeeze %dma_start3A_121 : memref<1x128xi32, #tpu.memory_space<vmem>> -> memref<128xi32, #tpu.memory_space<vmem>>
      %dma_start3A_123 = arith.constant 0 : i32
      %dma_start3A_124 = arith.constant 0 : i32
      %dma_start3A_125 = tpu.memref_slice %arg10[%dma_start3A_123, %dma_start3A_124] : memref<10240x64xf32, #tpu.memory_space<vmem_shared>> -> memref<10240x64xf32, #tpu.memory_space<vmem_shared>>
      tpu.enqueue_indirect_dma source(%dma_start3A_119 : memref<128x64xf32, #tpu.memory_space<vmem>>) target(%dma_start3A_125 : memref<10240x64xf32, #tpu.memory_space<vmem_shared>>) offsets(%dma_start3A_122 : memref<128xi32, #tpu.memory_space<vmem>>) semaphore(%arg15 : memref<!tpu.dma_semaphore, #tpu.memory_space<semaphore_mem>>) {add = true}
      %add3A_126 = arith.constant 1 : i32
      %add3A_127 = arith.addi %mul3A_98, %add3A_126 : i32
      %dma_wait3A_128 = arith.constant 1 : i32
      %dma_wait3A_129 = arith.constant 0 : i32
      %dma_wait3A_130 = arith.constant 0 : i32
      %dma_wait3A_131 = tpu.memref_slice %arg9[%dma_wait3A_128, %dma_wait3A_129, %dma_wait3A_130] : memref<4x128x64xf32, #tpu.memory_space<vmem>> -> memref<1x128x64xf32, #tpu.memory_space<vmem>>
      %dma_wait3A_132 = tpu.memref_squeeze %dma_wait3A_131 : memref<1x128x64xf32, #tpu.memory_space<vmem>> -> memref<128x64xf32, #tpu.memory_space<vmem>>
      %dma_wait3A_133 = arith.constant 0 : i32
      %dma_wait3A_134 = tpu.memref_slice %arg7[%add3A_127, %dma_wait3A_133] : memref<160x128xi32, #tpu.memory_space<vmem>> -> memref<1x128xi32, #tpu.memory_space<vmem>>
      %dma_wait3A_135 = tpu.memref_squeeze %dma_wait3A_134 : memref<1x128xi32, #tpu.memory_space<vmem>> -> memref<128xi32, #tpu.memory_space<vmem>>
      %dma_wait3A_136 = arith.constant 0 : i32
      %dma_wait3A_137 = arith.constant 0 : i32
      %dma_wait3A_138 = tpu.memref_slice %arg4[%arg0, %dma_wait3A_136, %dma_wait3A_137] : memref<2x10240x64xf32, #tpu.memory_space<hbm>> -> memref<1x10240x64xf32, #tpu.memory_space<hbm>>
      %dma_wait3A_139 = tpu.memref_squeeze %dma_wait3A_138 : memref<1x10240x64xf32, #tpu.memory_space<hbm>> -> memref<10240x64xf32, #tpu.memory_space<hbm>>
      %dma_wait3A_140 = arith.constant 0 : i32
      %dma_wait3A_141 = arith.constant 0 : i32
      %dma_wait3A_142 = tpu.memref_slice %dma_wait3A_139[%dma_wait3A_140, %dma_wait3A_141] : memref<10240x64xf32, #tpu.memory_space<hbm>> -> memref<10240x64xf32, #tpu.memory_space<hbm>>
      tpu.wait_indirect_dma semaphore(%arg12 : memref<!tpu.dma_semaphore, #tpu.memory_space<semaphore_mem>>) src(%dma_wait3A_142 : memref<10240x64xf32, #tpu.memory_space<hbm>>) dst(%dma_wait3A_132 : memref<128x64xf32, #tpu.memory_space<vmem>>)
      %dma_start3A_143 = arith.constant 1 : i32
      %dma_start3A_144 = arith.constant 0 : i32
      %dma_start3A_145 = arith.constant 0 : i32
      %dma_start3A_146 = tpu.memref_slice %arg9[%dma_start3A_143, %dma_start3A_144, %dma_start3A_145] : memref<4x128x64xf32, #tpu.memory_space<vmem>> -> memref<1x128x64xf32, #tpu.memory_space<vmem>>
      %dma_start3A_147 = tpu.memref_squeeze %dma_start3A_146 : memref<1x128x64xf32, #tpu.memory_space<vmem>> -> memref<128x64xf32, #tpu.memory_space<vmem>>
      %dma_start3A_148 = arith.constant 0 : i32
      %dma_start3A_149 = tpu.memref_slice %arg8[%add3A_127, %dma_start3A_148] : memref<160x128xi32, #tpu.memory_space<vmem>> -> memref<1x128xi32, #tpu.memory_space<vmem>>
      %dma_start3A_150 = tpu.memref_squeeze %dma_start3A_149 : memref<1x128xi32, #tpu.memory_space<vmem>> -> memref<128xi32, #tpu.memory_space<vmem>>
      %dma_start3A_151 = arith.constant 0 : i32
      %dma_start3A_152 = arith.constant 0 : i32
      %dma_start3A_153 = tpu.memref_slice %arg10[%dma_start3A_151, %dma_start3A_152] : memref<10240x64xf32, #tpu.memory_space<vmem_shared>> -> memref<10240x64xf32, #tpu.memory_space<vmem_shared>>
      tpu.enqueue_indirect_dma source(%dma_start3A_147 : memref<128x64xf32, #tpu.memory_space<vmem>>) target(%dma_start3A_153 : memref<10240x64xf32, #tpu.memory_space<vmem_shared>>) offsets(%dma_start3A_150 : memref<128xi32, #tpu.memory_space<vmem>>) semaphore(%arg16 : memref<!tpu.dma_semaphore, #tpu.memory_space<semaphore_mem>>) {add = true}
      %add3A_154 = arith.constant 2 : i32
      %add3A_155 = arith.addi %mul3A_98, %add3A_154 : i32
      %dma_wait3A_156 = arith.constant 2 : i32
      %dma_wait3A_157 = arith.constant 0 : i32
      %dma_wait3A_158 = arith.constant 0 : i32
      %dma_wait3A_159 = tpu.memref_slice %arg9[%dma_wait3A_156, %dma_wait3A_157, %dma_wait3A_158] : memref<4x128x64xf32, #tpu.memory_space<vmem>> -> memref<1x128x64xf32, #tpu.memory_space<vmem>>
      %dma_wait3A_160 = tpu.memref_squeeze %dma_wait3A_159 : memref<1x128x64xf32, #tpu.memory_space<vmem>> -> memref<128x64xf32, #tpu.memory_space<vmem>>
      %dma_wait3A_161 = arith.constant 0 : i32
      %dma_wait3A_162 = tpu.memref_slice %arg7[%add3A_155, %dma_wait3A_161] : memref<160x128xi32, #tpu.memory_space<vmem>> -> memref<1x128xi32, #tpu.memory_space<vmem>>
      %dma_wait3A_163 = tpu.memref_squeeze %dma_wait3A_162 : memref<1x128xi32, #tpu.memory_space<vmem>> -> memref<128xi32, #tpu.memory_space<vmem>>
      %dma_wait3A_164 = arith.constant 0 : i32
      %dma_wait3A_165 = arith.constant 0 : i32
      %dma_wait3A_166 = tpu.memref_slice %arg4[%arg0, %dma_wait3A_164, %dma_wait3A_165] : memref<2x10240x64xf32, #tpu.memory_space<hbm>> -> memref<1x10240x64xf32, #tpu.memory_space<hbm>>
      %dma_wait3A_167 = tpu.memref_squeeze %dma_wait3A_166 : memref<1x10240x64xf32, #tpu.memory_space<hbm>> -> memref<10240x64xf32, #tpu.memory_space<hbm>>
      %dma_wait3A_168 = arith.constant 0 : i32
      %dma_wait3A_169 = arith.constant 0 : i32
      %dma_wait3A_170 = tpu.memref_slice %dma_wait3A_167[%dma_wait3A_168, %dma_wait3A_169] : memref<10240x64xf32, #tpu.memory_space<hbm>> -> memref<10240x64xf32, #tpu.memory_space<hbm>>
      tpu.wait_indirect_dma semaphore(%arg13 : memref<!tpu.dma_semaphore, #tpu.memory_space<semaphore_mem>>) src(%dma_wait3A_170 : memref<10240x64xf32, #tpu.memory_space<hbm>>) dst(%dma_wait3A_160 : memref<128x64xf32, #tpu.memory_space<vmem>>)
      %dma_start3A_171 = arith.constant 2 : i32
      %dma_start3A_172 = arith.constant 0 : i32
      %dma_start3A_173 = arith.constant 0 : i32
      %dma_start3A_174 = tpu.memref_slice %arg9[%dma_start3A_171, %dma_start3A_172, %dma_start3A_173] : memref<4x128x64xf32, #tpu.memory_space<vmem>> -> memref<1x128x64xf32, #tpu.memory_space<vmem>>
      %dma_start3A_175 = tpu.memref_squeeze %dma_start3A_174 : memref<1x128x64xf32, #tpu.memory_space<vmem>> -> memref<128x64xf32, #tpu.memory_space<vmem>>
      %dma_start3A_176 = arith.constant 0 : i32
      %dma_start3A_177 = tpu.memref_slice %arg8[%add3A_155, %dma_start3A_176] : memref<160x128xi32, #tpu.memory_space<vmem>> -> memref<1x128xi32, #tpu.memory_space<vmem>>
      %dma_start3A_178 = tpu.memref_squeeze %dma_start3A_177 : memref<1x128xi32, #tpu.memory_space<vmem>> -> memref<128xi32, #tpu.memory_space<vmem>>
      %dma_start3A_179 = arith.constant 0 : i32
      %dma_start3A_180 = arith.constant 0 : i32
      %dma_start3A_181 = tpu.memref_slice %arg10[%dma_start3A_179, %dma_start3A_180] : memref<10240x64xf32, #tpu.memory_space<vmem_shared>> -> memref<10240x64xf32, #tpu.memory_space<vmem_shared>>
      tpu.enqueue_indirect_dma source(%dma_start3A_175 : memref<128x64xf32, #tpu.memory_space<vmem>>) target(%dma_start3A_181 : memref<10240x64xf32, #tpu.memory_space<vmem_shared>>) offsets(%dma_start3A_178 : memref<128xi32, #tpu.memory_space<vmem>>) semaphore(%arg17 : memref<!tpu.dma_semaphore, #tpu.memory_space<semaphore_mem>>) {add = true}
      %add3A_182 = arith.constant 3 : i32
      %add3A_183 = arith.addi %mul3A_98, %add3A_182 : i32
      %dma_wait3A_184 = arith.constant 3 : i32
      %dma_wait3A_185 = arith.constant 0 : i32
      %dma_wait3A_186 = arith.constant 0 : i32
      %dma_wait3A_187 = tpu.memref_slice %arg9[%dma_wait3A_184, %dma_wait3A_185, %dma_wait3A_186] : memref<4x128x64xf32, #tpu.memory_space<vmem>> -> memref<1x128x64xf32, #tpu.memory_space<vmem>>
      %dma_wait3A_188 = tpu.memref_squeeze %dma_wait3A_187 : memref<1x128x64xf32, #tpu.memory_space<vmem>> -> memref<128x64xf32, #tpu.memory_space<vmem>>
      %dma_wait3A_189 = arith.constant 0 : i32
      %dma_wait3A_190 = tpu.memref_slice %arg7[%add3A_183, %dma_wait3A_189] : memref<160x128xi32, #tpu.memory_space<vmem>> -> memref<1x128xi32, #tpu.memory_space<vmem>>
      %dma_wait3A_191 = tpu.memref_squeeze %dma_wait3A_190 : memref<1x128xi32, #tpu.memory_space<vmem>> -> memref<128xi32, #tpu.memory_space<vmem>>
      %dma_wait3A_192 = arith.constant 0 : i32
      %dma_wait3A_193 = arith.constant 0 : i32
      %dma_wait3A_194 = tpu.memref_slice %arg4[%arg0, %dma_wait3A_192, %dma_wait3A_193] : memref<2x10240x64xf32, #tpu.memory_space<hbm>> -> memref<1x10240x64xf32, #tpu.memory_space<hbm>>
      %dma_wait3A_195 = tpu.memref_squeeze %dma_wait3A_194 : memref<1x10240x64xf32, #tpu.memory_space<hbm>> -> memref<10240x64xf32, #tpu.memory_space<hbm>>
      %dma_wait3A_196 = arith.constant 0 : i32
      %dma_wait3A_197 = arith.constant 0 : i32
      %dma_wait3A_198 = tpu.memref_slice %dma_wait3A_195[%dma_wait3A_196, %dma_wait3A_197] : memref<10240x64xf32, #tpu.memory_space<hbm>> -> memref<10240x64xf32, #tpu.memory_space<hbm>>
      tpu.wait_indirect_dma semaphore(%arg14 : memref<!tpu.dma_semaphore, #tpu.memory_space<semaphore_mem>>) src(%dma_wait3A_198 : memref<10240x64xf32, #tpu.memory_space<hbm>>) dst(%dma_wait3A_188 : memref<128x64xf32, #tpu.memory_space<vmem>>)
      %dma_start3A_199 = arith.constant 3 : i32
      %dma_start3A_200 = arith.constant 0 : i32
      %dma_start3A_201 = arith.constant 0 : i32
      %dma_start3A_202 = tpu.memref_slice %arg9[%dma_start3A_199, %dma_start3A_200, %dma_start3A_201] : memref<4x128x64xf32, #tpu.memory_space<vmem>> -> memref<1x128x64xf32, #tpu.memory_space<vmem>>
      %dma_start3A_203 = tpu.memref_squeeze %dma_start3A_202 : memref<1x128x64xf32, #tpu.memory_space<vmem>> -> memref<128x64xf32, #tpu.memory_space<vmem>>
      %dma_start3A_204 = arith.constant 0 : i32
      %dma_start3A_205 = tpu.memref_slice %arg8[%add3A_183, %dma_start3A_204] : memref<160x128xi32, #tpu.memory_space<vmem>> -> memref<1x128xi32, #tpu.memory_space<vmem>>
      %dma_start3A_206 = tpu.memref_squeeze %dma_start3A_205 : memref<1x128xi32, #tpu.memory_space<vmem>> -> memref<128xi32, #tpu.memory_space<vmem>>
      %dma_start3A_207 = arith.constant 0 : i32
      %dma_start3A_208 = arith.constant 0 : i32
      %dma_start3A_209 = tpu.memref_slice %arg10[%dma_start3A_207, %dma_start3A_208] : memref<10240x64xf32, #tpu.memory_space<vmem_shared>> -> memref<10240x64xf32, #tpu.memory_space<vmem_shared>>
      tpu.enqueue_indirect_dma source(%dma_start3A_203 : memref<128x64xf32, #tpu.memory_space<vmem>>) target(%dma_start3A_209 : memref<10240x64xf32, #tpu.memory_space<vmem_shared>>) offsets(%dma_start3A_206 : memref<128xi32, #tpu.memory_space<vmem>>) semaphore(%arg18 : memref<!tpu.dma_semaphore, #tpu.memory_space<semaphore_mem>>) {add = true}
      %dma_wait3A_210 = arith.constant 0 : i32
      %dma_wait3A_211 = arith.constant 0 : i32
      %dma_wait3A_212 = arith.constant 0 : i32
      %dma_wait3A_213 = tpu.memref_slice %arg9[%dma_wait3A_210, %dma_wait3A_211, %dma_wait3A_212] : memref<4x128x64xf32, #tpu.memory_space<vmem>> -> memref<1x128x64xf32, #tpu.memory_space<vmem>>
      %dma_wait3A_214 = tpu.memref_squeeze %dma_wait3A_213 : memref<1x128x64xf32, #tpu.memory_space<vmem>> -> memref<128x64xf32, #tpu.memory_space<vmem>>
      %dma_wait3A_215 = arith.constant 0 : i32
      %dma_wait3A_216 = tpu.memref_slice %arg8[%add3A_100, %dma_wait3A_215] : memref<160x128xi32, #tpu.memory_space<vmem>> -> memref<1x128xi32, #tpu.memory_space<vmem>>
      %dma_wait3A_217 = tpu.memref_squeeze %dma_wait3A_216 : memref<1x128xi32, #tpu.memory_space<vmem>> -> memref<128xi32, #tpu.memory_space<vmem>>
      %dma_wait3A_218 = arith.constant 0 : i32
      %dma_wait3A_219 = arith.constant 0 : i32
      %dma_wait3A_220 = tpu.memref_slice %arg10[%dma_wait3A_218, %dma_wait3A_219] : memref<10240x64xf32, #tpu.memory_space<vmem_shared>> -> memref<10240x64xf32, #tpu.memory_space<vmem_shared>>
      tpu.wait_indirect_dma semaphore(%arg15 : memref<!tpu.dma_semaphore, #tpu.memory_space<semaphore_mem>>) src(%dma_wait3A_214 : memref<128x64xf32, #tpu.memory_space<vmem>>) dst(%dma_wait3A_220 : memref<10240x64xf32, #tpu.memory_space<vmem_shared>>)
      %lt3A = arith.constant 39 : i32
      %lt3A_221 = arith.cmpi slt, %scan3A_96, %lt3A : i32
      %convert_element_type3A = arith.extui %lt3A_221 : i1 to i32
      %cond3A = arith.constant 0 : i32
      %cond3A_222 = arith.cmpi ne, %convert_element_type3A, %cond3A : i32
      scf.if %cond3A_222 {
        %add3A_271 = arith.constant 4 : i32
        %add3A_272 = arith.addi %mul3A_98, %add3A_271 : i32
        %add3A_273 = arith.constant 0 : i32
        %add3A_274 = arith.addi %add3A_272, %add3A_273 : i32
        %dma_start3A_275 = arith.constant 0 : i32
        %dma_start3A_276 = arith.constant 0 : i32
        %dma_start3A_277 = arith.constant 0 : i32
        %dma_start3A_278 = tpu.memref_slice %arg9[%dma_start3A_275, %dma_start3A_276, %dma_start3A_277] : memref<4x128x64xf32, #tpu.memory_space<vmem>> -> memref<1x128x64xf32, #tpu.memory_space<vmem>>
        %dma_start3A_279 = tpu.memref_squeeze %dma_start3A_278 : memref<1x128x64xf32, #tpu.memory_space<vmem>> -> memref<128x64xf32, #tpu.memory_space<vmem>>
        %dma_start3A_280 = arith.constant 0 : i32
        %dma_start3A_281 = tpu.memref_slice %arg7[%add3A_274, %dma_start3A_280] : memref<160x128xi32, #tpu.memory_space<vmem>> -> memref<1x128xi32, #tpu.memory_space<vmem>>
        %dma_start3A_282 = tpu.memref_squeeze %dma_start3A_281 : memref<1x128xi32, #tpu.memory_space<vmem>> -> memref<128xi32, #tpu.memory_space<vmem>>
        %dma_start3A_283 = arith.constant 0 : i32
        %dma_start3A_284 = arith.constant 0 : i32
        %dma_start3A_285 = tpu.memref_slice %arg4[%arg0, %dma_start3A_283, %dma_start3A_284] : memref<2x10240x64xf32, #tpu.memory_space<hbm>> -> memref<1x10240x64xf32, #tpu.memory_space<hbm>>
        %dma_start3A_286 = tpu.memref_squeeze %dma_start3A_285 : memref<1x10240x64xf32, #tpu.memory_space<hbm>> -> memref<10240x64xf32, #tpu.memory_space<hbm>>
        %dma_start3A_287 = arith.constant 0 : i32
        %dma_start3A_288 = arith.constant 0 : i32
        %dma_start3A_289 = tpu.memref_slice %dma_start3A_286[%dma_start3A_287, %dma_start3A_288] : memref<10240x64xf32, #tpu.memory_space<hbm>> -> memref<10240x64xf32, #tpu.memory_space<hbm>>
        tpu.enqueue_indirect_dma source(%dma_start3A_289 : memref<10240x64xf32, #tpu.memory_space<hbm>>) target(%dma_start3A_279 : memref<128x64xf32, #tpu.memory_space<vmem>>) offsets(%dma_start3A_282 : memref<128xi32, #tpu.memory_space<vmem>>) semaphore(%arg11 : memref<!tpu.dma_semaphore, #tpu.memory_space<semaphore_mem>>)
      } else {
      }
      %dma_wait3A_223 = arith.constant 1 : i32
      %dma_wait3A_224 = arith.constant 0 : i32
      %dma_wait3A_225 = arith.constant 0 : i32
      %dma_wait3A_226 = tpu.memref_slice %arg9[%dma_wait3A_223, %dma_wait3A_224, %dma_wait3A_225] : memref<4x128x64xf32, #tpu.memory_space<vmem>> -> memref<1x128x64xf32, #tpu.memory_space<vmem>>
      %dma_wait3A_227 = tpu.memref_squeeze %dma_wait3A_226 : memref<1x128x64xf32, #tpu.memory_space<vmem>> -> memref<128x64xf32, #tpu.memory_space<vmem>>
      %dma_wait3A_228 = arith.constant 0 : i32
      %dma_wait3A_229 = tpu.memref_slice %arg8[%add3A_127, %dma_wait3A_228] : memref<160x128xi32, #tpu.memory_space<vmem>> -> memref<1x128xi32, #tpu.memory_space<vmem>>
      %dma_wait3A_230 = tpu.memref_squeeze %dma_wait3A_229 : memref<1x128xi32, #tpu.memory_space<vmem>> -> memref<128xi32, #tpu.memory_space<vmem>>
      %dma_wait3A_231 = arith.constant 0 : i32
      %dma_wait3A_232 = arith.constant 0 : i32
      %dma_wait3A_233 = tpu.memref_slice %arg10[%dma_wait3A_231, %dma_wait3A_232] : memref<10240x64xf32, #tpu.memory_space<vmem_shared>> -> memref<10240x64xf32, #tpu.memory_space<vmem_shared>>
      tpu.wait_indirect_dma semaphore(%arg16 : memref<!tpu.dma_semaphore, #tpu.memory_space<semaphore_mem>>) src(%dma_wait3A_227 : memref<128x64xf32, #tpu.memory_space<vmem>>) dst(%dma_wait3A_233 : memref<10240x64xf32, #tpu.memory_space<vmem_shared>>)
      %lt3A_234 = arith.constant 39 : i32
      %lt3A_235 = arith.cmpi slt, %scan3A_96, %lt3A_234 : i32
      %convert_element_type3A_236 = arith.extui %lt3A_235 : i1 to i32
      %cond3A_237 = arith.constant 0 : i32
      %cond3A_238 = arith.cmpi ne, %convert_element_type3A_236, %cond3A_237 : i32
      scf.if %cond3A_238 {
        %add3A_271 = arith.constant 4 : i32
        %add3A_272 = arith.addi %mul3A_98, %add3A_271 : i32
        %add3A_273 = arith.constant 1 : i32
        %add3A_274 = arith.addi %add3A_272, %add3A_273 : i32
        %dma_start3A_275 = arith.constant 1 : i32
        %dma_start3A_276 = arith.constant 0 : i32
        %dma_start3A_277 = arith.constant 0 : i32
        %dma_start3A_278 = tpu.memref_slice %arg9[%dma_start3A_275, %dma_start3A_276, %dma_start3A_277] : memref<4x128x64xf32, #tpu.memory_space<vmem>> -> memref<1x128x64xf32, #tpu.memory_space<vmem>>
        %dma_start3A_279 = tpu.memref_squeeze %dma_start3A_278 : memref<1x128x64xf32, #tpu.memory_space<vmem>> -> memref<128x64xf32, #tpu.memory_space<vmem>>
        %dma_start3A_280 = arith.constant 0 : i32
        %dma_start3A_281 = tpu.memref_slice %arg7[%add3A_274, %dma_start3A_280] : memref<160x128xi32, #tpu.memory_space<vmem>> -> memref<1x128xi32, #tpu.memory_space<vmem>>
        %dma_start3A_282 = tpu.memref_squeeze %dma_start3A_281 : memref<1x128xi32, #tpu.memory_space<vmem>> -> memref<128xi32, #tpu.memory_space<vmem>>
        %dma_start3A_283 = arith.constant 0 : i32
        %dma_start3A_284 = arith.constant 0 : i32
        %dma_start3A_285 = tpu.memref_slice %arg4[%arg0, %dma_start3A_283, %dma_start3A_284] : memref<2x10240x64xf32, #tpu.memory_space<hbm>> -> memref<1x10240x64xf32, #tpu.memory_space<hbm>>
        %dma_start3A_286 = tpu.memref_squeeze %dma_start3A_285 : memref<1x10240x64xf32, #tpu.memory_space<hbm>> -> memref<10240x64xf32, #tpu.memory_space<hbm>>
        %dma_start3A_287 = arith.constant 0 : i32
        %dma_start3A_288 = arith.constant 0 : i32
        %dma_start3A_289 = tpu.memref_slice %dma_start3A_286[%dma_start3A_287, %dma_start3A_288] : memref<10240x64xf32, #tpu.memory_space<hbm>> -> memref<10240x64xf32, #tpu.memory_space<hbm>>
        tpu.enqueue_indirect_dma source(%dma_start3A_289 : memref<10240x64xf32, #tpu.memory_space<hbm>>) target(%dma_start3A_279 : memref<128x64xf32, #tpu.memory_space<vmem>>) offsets(%dma_start3A_282 : memref<128xi32, #tpu.memory_space<vmem>>) semaphore(%arg12 : memref<!tpu.dma_semaphore, #tpu.memory_space<semaphore_mem>>)
      } else {
      }
      %dma_wait3A_239 = arith.constant 2 : i32
      %dma_wait3A_240 = arith.constant 0 : i32
      %dma_wait3A_241 = arith.constant 0 : i32
      %dma_wait3A_242 = tpu.memref_slice %arg9[%dma_wait3A_239, %dma_wait3A_240, %dma_wait3A_241] : memref<4x128x64xf32, #tpu.memory_space<vmem>> -> memref<1x128x64xf32, #tpu.memory_space<vmem>>
      %dma_wait3A_243 = tpu.memref_squeeze %dma_wait3A_242 : memref<1x128x64xf32, #tpu.memory_space<vmem>> -> memref<128x64xf32, #tpu.memory_space<vmem>>
      %dma_wait3A_244 = arith.constant 0 : i32
      %dma_wait3A_245 = tpu.memref_slice %arg8[%add3A_155, %dma_wait3A_244] : memref<160x128xi32, #tpu.memory_space<vmem>> -> memref<1x128xi32, #tpu.memory_space<vmem>>
      %dma_wait3A_246 = tpu.memref_squeeze %dma_wait3A_245 : memref<1x128xi32, #tpu.memory_space<vmem>> -> memref<128xi32, #tpu.memory_space<vmem>>
      %dma_wait3A_247 = arith.constant 0 : i32
      %dma_wait3A_248 = arith.constant 0 : i32
      %dma_wait3A_249 = tpu.memref_slice %arg10[%dma_wait3A_247, %dma_wait3A_248] : memref<10240x64xf32, #tpu.memory_space<vmem_shared>> -> memref<10240x64xf32, #tpu.memory_space<vmem_shared>>
      tpu.wait_indirect_dma semaphore(%arg17 : memref<!tpu.dma_semaphore, #tpu.memory_space<semaphore_mem>>) src(%dma_wait3A_243 : memref<128x64xf32, #tpu.memory_space<vmem>>) dst(%dma_wait3A_249 : memref<10240x64xf32, #tpu.memory_space<vmem_shared>>)
      %lt3A_250 = arith.constant 39 : i32
      %lt3A_251 = arith.cmpi slt, %scan3A_96, %lt3A_250 : i32
      %convert_element_type3A_252 = arith.extui %lt3A_251 : i1 to i32
      %cond3A_253 = arith.constant 0 : i32
      %cond3A_254 = arith.cmpi ne, %convert_element_type3A_252, %cond3A_253 : i32
      scf.if %cond3A_254 {
        %add3A_271 = arith.constant 4 : i32
        %add3A_272 = arith.addi %mul3A_98, %add3A_271 : i32
        %add3A_273 = arith.constant 2 : i32
        %add3A_274 = arith.addi %add3A_272, %add3A_273 : i32
        %dma_start3A_275 = arith.constant 2 : i32
        %dma_start3A_276 = arith.constant 0 : i32
        %dma_start3A_277 = arith.constant 0 : i32
        %dma_start3A_278 = tpu.memref_slice %arg9[%dma_start3A_275, %dma_start3A_276, %dma_start3A_277] : memref<4x128x64xf32, #tpu.memory_space<vmem>> -> memref<1x128x64xf32, #tpu.memory_space<vmem>>
        %dma_start3A_279 = tpu.memref_squeeze %dma_start3A_278 : memref<1x128x64xf32, #tpu.memory_space<vmem>> -> memref<128x64xf32, #tpu.memory_space<vmem>>
        %dma_start3A_280 = arith.constant 0 : i32
        %dma_start3A_281 = tpu.memref_slice %arg7[%add3A_274, %dma_start3A_280] : memref<160x128xi32, #tpu.memory_space<vmem>> -> memref<1x128xi32, #tpu.memory_space<vmem>>
        %dma_start3A_282 = tpu.memref_squeeze %dma_start3A_281 : memref<1x128xi32, #tpu.memory_space<vmem>> -> memref<128xi32, #tpu.memory_space<vmem>>
        %dma_start3A_283 = arith.constant 0 : i32
        %dma_start3A_284 = arith.constant 0 : i32
        %dma_start3A_285 = tpu.memref_slice %arg4[%arg0, %dma_start3A_283, %dma_start3A_284] : memref<2x10240x64xf32, #tpu.memory_space<hbm>> -> memref<1x10240x64xf32, #tpu.memory_space<hbm>>
        %dma_start3A_286 = tpu.memref_squeeze %dma_start3A_285 : memref<1x10240x64xf32, #tpu.memory_space<hbm>> -> memref<10240x64xf32, #tpu.memory_space<hbm>>
        %dma_start3A_287 = arith.constant 0 : i32
        %dma_start3A_288 = arith.constant 0 : i32
        %dma_start3A_289 = tpu.memref_slice %dma_start3A_286[%dma_start3A_287, %dma_start3A_288] : memref<10240x64xf32, #tpu.memory_space<hbm>> -> memref<10240x64xf32, #tpu.memory_space<hbm>>
        tpu.enqueue_indirect_dma source(%dma_start3A_289 : memref<10240x64xf32, #tpu.memory_space<hbm>>) target(%dma_start3A_279 : memref<128x64xf32, #tpu.memory_space<vmem>>) offsets(%dma_start3A_282 : memref<128xi32, #tpu.memory_space<vmem>>) semaphore(%arg13 : memref<!tpu.dma_semaphore, #tpu.memory_space<semaphore_mem>>)
      } else {
      }
      %dma_wait3A_255 = arith.constant 3 : i32
      %dma_wait3A_256 = arith.constant 0 : i32
      %dma_wait3A_257 = arith.constant 0 : i32
      %dma_wait3A_258 = tpu.memref_slice %arg9[%dma_wait3A_255, %dma_wait3A_256, %dma_wait3A_257] : memref<4x128x64xf32, #tpu.memory_space<vmem>> -> memref<1x128x64xf32, #tpu.memory_space<vmem>>
      %dma_wait3A_259 = tpu.memref_squeeze %dma_wait3A_258 : memref<1x128x64xf32, #tpu.memory_space<vmem>> -> memref<128x64xf32, #tpu.memory_space<vmem>>
      %dma_wait3A_260 = arith.constant 0 : i32
      %dma_wait3A_261 = tpu.memref_slice %arg8[%add3A_183, %dma_wait3A_260] : memref<160x128xi32, #tpu.memory_space<vmem>> -> memref<1x128xi32, #tpu.memory_space<vmem>>
      %dma_wait3A_262 = tpu.memref_squeeze %dma_wait3A_261 : memref<1x128xi32, #tpu.memory_space<vmem>> -> memref<128xi32, #tpu.memory_space<vmem>>
      %dma_wait3A_263 = arith.constant 0 : i32
      %dma_wait3A_264 = arith.constant 0 : i32
      %dma_wait3A_265 = tpu.memref_slice %arg10[%dma_wait3A_263, %dma_wait3A_264] : memref<10240x64xf32, #tpu.memory_space<vmem_shared>> -> memref<10240x64xf32, #tpu.memory_space<vmem_shared>>
      tpu.wait_indirect_dma semaphore(%arg18 : memref<!tpu.dma_semaphore, #tpu.memory_space<semaphore_mem>>) src(%dma_wait3A_259 : memref<128x64xf32, #tpu.memory_space<vmem>>) dst(%dma_wait3A_265 : memref<10240x64xf32, #tpu.memory_space<vmem_shared>>)
      %lt3A_266 = arith.constant 39 : i32
      %lt3A_267 = arith.cmpi slt, %scan3A_96, %lt3A_266 : i32
      %convert_element_type3A_268 = arith.extui %lt3A_267 : i1 to i32
      %cond3A_269 = arith.constant 0 : i32
      %cond3A_270 = arith.cmpi ne, %convert_element_type3A_268, %cond3A_269 : i32
      scf.if %cond3A_270 {
        %add3A_271 = arith.constant 4 : i32
        %add3A_272 = arith.addi %mul3A_98, %add3A_271 : i32
        %add3A_273 = arith.constant 3 : i32
        %add3A_274 = arith.addi %add3A_272, %add3A_273 : i32
        %dma_start3A_275 = arith.constant 3 : i32
        %dma_start3A_276 = arith.constant 0 : i32
        %dma_start3A_277 = arith.constant 0 : i32
        %dma_start3A_278 = tpu.memref_slice %arg9[%dma_start3A_275, %dma_start3A_276, %dma_start3A_277] : memref<4x128x64xf32, #tpu.memory_space<vmem>> -> memref<1x128x64xf32, #tpu.memory_space<vmem>>
        %dma_start3A_279 = tpu.memref_squeeze %dma_start3A_278 : memref<1x128x64xf32, #tpu.memory_space<vmem>> -> memref<128x64xf32, #tpu.memory_space<vmem>>
        %dma_start3A_280 = arith.constant 0 : i32
        %dma_start3A_281 = tpu.memref_slice %arg7[%add3A_274, %dma_start3A_280] : memref<160x128xi32, #tpu.memory_space<vmem>> -> memref<1x128xi32, #tpu.memory_space<vmem>>
        %dma_start3A_282 = tpu.memref_squeeze %dma_start3A_281 : memref<1x128xi32, #tpu.memory_space<vmem>> -> memref<128xi32, #tpu.memory_space<vmem>>
        %dma_start3A_283 = arith.constant 0 : i32
        %dma_start3A_284 = arith.constant 0 : i32
        %dma_start3A_285 = tpu.memref_slice %arg4[%arg0, %dma_start3A_283, %dma_start3A_284] : memref<2x10240x64xf32, #tpu.memory_space<hbm>> -> memref<1x10240x64xf32, #tpu.memory_space<hbm>>
        %dma_start3A_286 = tpu.memref_squeeze %dma_start3A_285 : memref<1x10240x64xf32, #tpu.memory_space<hbm>> -> memref<10240x64xf32, #tpu.memory_space<hbm>>
        %dma_start3A_287 = arith.constant 0 : i32
        %dma_start3A_288 = arith.constant 0 : i32
        %dma_start3A_289 = tpu.memref_slice %dma_start3A_286[%dma_start3A_287, %dma_start3A_288] : memref<10240x64xf32, #tpu.memory_space<hbm>> -> memref<10240x64xf32, #tpu.memory_space<hbm>>
        tpu.enqueue_indirect_dma source(%dma_start3A_289 : memref<10240x64xf32, #tpu.memory_space<hbm>>) target(%dma_start3A_279 : memref<128x64xf32, #tpu.memory_space<vmem>>) offsets(%dma_start3A_282 : memref<128xi32, #tpu.memory_space<vmem>>) semaphore(%arg14 : memref<!tpu.dma_semaphore, #tpu.memory_space<semaphore_mem>>)
      } else {
      }
    }
    %scan3A_90 = arith.constant 40 : i32
    %barrier3A_91 = arith.constant 0 : index
    tpu.barrier barrier_id(%barrier3A_91)
    %mul3A_92 = arith.constant 640 : i32
    %mul3A_93 = arith.muli %arg1, %mul3A_92 : i32
    %mul3A_94 = arith.constant 640 : i32
    %mul3A_95 = arith.muli %arg1, %mul3A_94 : i32
    "tpu.region"() ({
      %run_scoped3A_96 = tpu.sem_alloc : memref<!tpu.dma_semaphore, #tpu.memory_space<semaphore_mem>>
      %dma_start3A_97 = arith.constant 0 : i32
      %dma_start3A_98 = tpu.memref_slice %arg6[%arg0, %mul3A_95, %dma_start3A_97] : memref<2x10240x64xf32, #tpu.memory_space<hbm>> -> memref<1x640x64xf32, #tpu.memory_space<hbm>>
      %dma_start3A_99 = tpu.memref_squeeze %dma_start3A_98 : memref<1x640x64xf32, #tpu.memory_space<hbm>> -> memref<640x64xf32, #tpu.memory_space<hbm>>
      %dma_start3A_100 = arith.constant 0 : i32
      %dma_start3A_101 = tpu.memref_slice %arg10[%mul3A_93, %dma_start3A_100] : memref<10240x64xf32, #tpu.memory_space<vmem_shared>> -> memref<640x64xf32, #tpu.memory_space<vmem_shared>>
      tpu.enqueue_dma source(%dma_start3A_101 : memref<640x64xf32, #tpu.memory_space<vmem_shared>>) target(%dma_start3A_99 : memref<640x64xf32, #tpu.memory_space<hbm>>) target_semaphore(%run_scoped3A_96 : memref<!tpu.dma_semaphore, #tpu.memory_space<semaphore_mem>>)
      %dma_wait3A = arith.constant 0 : i32
      %dma_wait3A_102 = tpu.memref_slice %arg6[%arg0, %mul3A_95, %dma_wait3A] : memref<2x10240x64xf32, #tpu.memory_space<hbm>> -> memref<1x640x64xf32, #tpu.memory_space<hbm>>
      %dma_wait3A_103 = tpu.memref_squeeze %dma_wait3A_102 : memref<1x640x64xf32, #tpu.memory_space<hbm>> -> memref<640x64xf32, #tpu.memory_space<hbm>>
      %dma_wait3A_104 = arith.constant 0 : i32
      %dma_wait3A_105 = tpu.memref_slice %arg10[%mul3A_93, %dma_wait3A_104] : memref<10240x64xf32, #tpu.memory_space<vmem_shared>> -> memref<640x64xf32, #tpu.memory_space<vmem_shared>>
      tpu.wait_dma2 semaphore(%run_scoped3A_96 : memref<!tpu.dma_semaphore, #tpu.memory_space<semaphore_mem>>) src(%dma_wait3A_105 : memref<640x64xf32, #tpu.memory_space<vmem_shared>>) dst(%dma_wait3A_103 : memref<640x64xf32, #tpu.memory_space<hbm>>)
      tpu.yield
    }) : () -> ()
    return
  }
}

#map = affine_map<(d0, d1) -> (0, 0, 0)>
#map1 = affine_map<(d0, d1) -> (0, 0)>
module attributes {stable_mosaic.version = 14 : i64} {
  func.func @scat_kernel(%arg0: i32, %arg1: i32, %arg2: memref<16x160x128xi32, #tpu.memory_space<hbm>>, %arg3: memref<16x160x128xi32, #tpu.memory_space<hbm>>, %arg4: memref<2x10240x64xf32, #tpu.memory_space<hbm>>, %arg5: memref<128x64xf32, #tpu.memory_space<hbm>>, %arg6: memref<2x10240x64xf32, #tpu.memory_space<hbm>>, %arg7: memref<160x128xi32, #tpu.memory_space<vmem>>, %arg8: memref<160x128xi32, #tpu.memory_space<vmem>>, %arg9: memref<4x128x64xf32, #tpu.memory_space<vmem>>, %arg10: memref<10240x64xf32, #tpu.memory_space<vmem_shared>>, %arg11: memref<!tpu.dma_semaphore, #tpu.memory_space<semaphore_mem>>, %arg12: memref<!tpu.dma_semaphore, #tpu.memory_space<semaphore_mem>>, %arg13: memref<!tpu.dma_semaphore, #tpu.memory_space<semaphore_mem>>, %arg14: memref<!tpu.dma_semaphore, #tpu.memory_space<semaphore_mem>>, %arg15: memref<!tpu.dma_semaphore, #tpu.memory_space<semaphore_mem>>, %arg16: memref<!tpu.dma_semaphore, #tpu.memory_space<semaphore_mem>>, %arg17: memref<!tpu.dma_semaphore, #tpu.memory_space<semaphore_mem>>, %arg18: memref<!tpu.dma_semaphore, #tpu.memory_space<semaphore_mem>>) attributes {dimension_semantics = [#tpu.dimension_semantics<core_parallel>, #tpu.dimension_semantics<subcore_parallel>], iteration_bounds = array<i64: 2, 16>, scalar_prefetch = 0 : i64, scratch_operands = 12 : i64, tpu.core_type = #tpu.core_type<sc_vector_subcore>, window_params = [{transform_indices = #map}, {transform_indices = #map}, {transform_indices = #map}, {transform_indices = #map1}, {transform_indices = #map}]} {
    "tpu.region"() ({
      %run_scoped3A_96 = tpu.sem_alloc : memref<!tpu.dma_semaphore, #tpu.memory_space<semaphore_mem>>
      %dma_start3A_97 = arith.constant 0 : i32
      %dma_start3A_98 = arith.constant 0 : i32
      %dma_start3A_99 = tpu.memref_slice %arg2[%arg1, %dma_start3A_97, %dma_start3A_98] : memref<16x160x128xi32, #tpu.memory_space<hbm>> -> memref<1x160x128xi32, #tpu.memory_space<hbm>>
      %dma_start3A_100 = tpu.memref_squeeze %dma_start3A_99 : memref<1x160x128xi32, #tpu.memory_space<hbm>> -> memref<160x128xi32, #tpu.memory_space<hbm>>
      %dma_start3A_101 = arith.constant 0 : i32
      %dma_start3A_102 = arith.constant 0 : i32
      %dma_start3A_103 = tpu.memref_slice %arg2[%arg1, %dma_start3A_101, %dma_start3A_102] : memref<16x160x128xi32, #tpu.memory_space<hbm>> -> memref<1x160x128xi32, #tpu.memory_space<hbm>>
      %dma_start3A_104 = tpu.memref_squeeze %dma_start3A_103 : memref<1x160x128xi32, #tpu.memory_space<hbm>> -> memref<160x128xi32, #tpu.memory_space<hbm>>
      tpu.enqueue_dma source(%dma_start3A_104 : memref<160x128xi32, #tpu.memory_space<hbm>>) target(%arg7 : memref<160x128xi32, #tpu.memory_space<vmem>>) target_semaphore(%run_scoped3A_96 : memref<!tpu.dma_semaphore, #tpu.memory_space<semaphore_mem>>)
      %dma_wait3A = arith.constant 0 : i32
      %dma_wait3A_105 = arith.constant 0 : i32
      %dma_wait3A_106 = tpu.memref_slice %arg2[%arg1, %dma_wait3A, %dma_wait3A_105] : memref<16x160x128xi32, #tpu.memory_space<hbm>> -> memref<1x160x128xi32, #tpu.memory_space<hbm>>
      %dma_wait3A_107 = tpu.memref_squeeze %dma_wait3A_106 : memref<1x160x128xi32, #tpu.memory_space<hbm>> -> memref<160x128xi32, #tpu.memory_space<hbm>>
      %dma_wait3A_108 = arith.constant 0 : i32
      %dma_wait3A_109 = arith.constant 0 : i32
      %dma_wait3A_110 = tpu.memref_slice %arg2[%arg1, %dma_wait3A_108, %dma_wait3A_109] : memref<16x160x128xi32, #tpu.memory_space<hbm>> -> memref<1x160x128xi32, #tpu.memory_space<hbm>>
      %dma_wait3A_111 = tpu.memref_squeeze %dma_wait3A_110 : memref<1x160x128xi32, #tpu.memory_space<hbm>> -> memref<160x128xi32, #tpu.memory_space<hbm>>
      tpu.wait_dma2 semaphore(%run_scoped3A_96 : memref<!tpu.dma_semaphore, #tpu.memory_space<semaphore_mem>>) src(%dma_wait3A_111 : memref<160x128xi32, #tpu.memory_space<hbm>>) dst(%arg7 : memref<160x128xi32, #tpu.memory_space<vmem>>)
      tpu.yield
    }) : () -> ()
    "tpu.region"() ({
      %run_scoped3A_96 = tpu.sem_alloc : memref<!tpu.dma_semaphore, #tpu.memory_space<semaphore_mem>>
      %dma_start3A_97 = arith.constant 0 : i32
      %dma_start3A_98 = arith.constant 0 : i32
      %dma_start3A_99 = tpu.memref_slice %arg3[%arg1, %dma_start3A_97, %dma_start3A_98] : memref<16x160x128xi32, #tpu.memory_space<hbm>> -> memref<1x160x128xi32, #tpu.memory_space<hbm>>
      %dma_start3A_100 = tpu.memref_squeeze %dma_start3A_99 : memref<1x160x128xi32, #tpu.memory_space<hbm>> -> memref<160x128xi32, #tpu.memory_space<hbm>>
      %dma_start3A_101 = arith.constant 0 : i32
      %dma_start3A_102 = arith.constant 0 : i32
      %dma_start3A_103 = tpu.memref_slice %arg3[%arg1, %dma_start3A_101, %dma_start3A_102] : memref<16x160x128xi32, #tpu.memory_space<hbm>> -> memref<1x160x128xi32, #tpu.memory_space<hbm>>
      %dma_start3A_104 = tpu.memref_squeeze %dma_start3A_103 : memref<1x160x128xi32, #tpu.memory_space<hbm>> -> memref<160x128xi32, #tpu.memory_space<hbm>>
      tpu.enqueue_dma source(%dma_start3A_104 : memref<160x128xi32, #tpu.memory_space<hbm>>) target(%arg8 : memref<160x128xi32, #tpu.memory_space<vmem>>) target_semaphore(%run_scoped3A_96 : memref<!tpu.dma_semaphore, #tpu.memory_space<semaphore_mem>>)
      %dma_wait3A = arith.constant 0 : i32
      %dma_wait3A_105 = arith.constant 0 : i32
      %dma_wait3A_106 = tpu.memref_slice %arg3[%arg1, %dma_wait3A, %dma_wait3A_105] : memref<16x160x128xi32, #tpu.memory_space<hbm>> -> memref<1x160x128xi32, #tpu.memory_space<hbm>>
      %dma_wait3A_107 = tpu.memref_squeeze %dma_wait3A_106 : memref<1x160x128xi32, #tpu.memory_space<hbm>> -> memref<160x128xi32, #tpu.memory_space<hbm>>
      %dma_wait3A_108 = arith.constant 0 : i32
      %dma_wait3A_109 = arith.constant 0 : i32
      %dma_wait3A_110 = tpu.memref_slice %arg3[%arg1, %dma_wait3A_108, %dma_wait3A_109] : memref<16x160x128xi32, #tpu.memory_space<hbm>> -> memref<1x160x128xi32, #tpu.memory_space<hbm>>
      %dma_wait3A_111 = tpu.memref_squeeze %dma_wait3A_110 : memref<1x160x128xi32, #tpu.memory_space<hbm>> -> memref<160x128xi32, #tpu.memory_space<hbm>>
      tpu.wait_dma2 semaphore(%run_scoped3A_96 : memref<!tpu.dma_semaphore, #tpu.memory_space<semaphore_mem>>) src(%dma_wait3A_111 : memref<160x128xi32, #tpu.memory_space<hbm>>) dst(%arg8 : memref<160x128xi32, #tpu.memory_space<vmem>>)
      tpu.yield
    }) : () -> ()
    %run_scoped3A = arith.constant 0 : i32
    "tpu.region"() ({
      %run_scoped3A_96 = tpu.sem_alloc : memref<!tpu.dma_semaphore, #tpu.memory_space<semaphore_mem>>
      %dma_start3A_97 = arith.constant 0 : i32
      %dma_start3A_98 = arith.constant 0 : i32
      %dma_start3A_99 = tpu.memref_slice %arg9[%run_scoped3A, %dma_start3A_97, %dma_start3A_98] : memref<4x128x64xf32, #tpu.memory_space<vmem>> -> memref<1x128x64xf32, #tpu.memory_space<vmem>>
      %dma_start3A_100 = tpu.memref_squeeze %dma_start3A_99 : memref<1x128x64xf32, #tpu.memory_space<vmem>> -> memref<128x64xf32, #tpu.memory_space<vmem>>
      %dma_start3A_101 = arith.constant 0 : i32
      %dma_start3A_102 = arith.constant 0 : i32
      %dma_start3A_103 = tpu.memref_slice %arg9[%run_scoped3A, %dma_start3A_101, %dma_start3A_102] : memref<4x128x64xf32, #tpu.memory_space<vmem>> -> memref<1x128x64xf32, #tpu.memory_space<vmem>>
      %dma_start3A_104 = tpu.memref_squeeze %dma_start3A_103 : memref<1x128x64xf32, #tpu.memory_space<vmem>> -> memref<128x64xf32, #tpu.memory_space<vmem>>
      tpu.enqueue_dma source(%arg5 : memref<128x64xf32, #tpu.memory_space<hbm>>) target(%dma_start3A_104 : memref<128x64xf32, #tpu.memory_space<vmem>>) target_semaphore(%run_scoped3A_96 : memref<!tpu.dma_semaphore, #tpu.memory_space<semaphore_mem>>)
      %dma_wait3A = arith.constant 0 : i32
      %dma_wait3A_105 = arith.constant 0 : i32
      %dma_wait3A_106 = tpu.memref_slice %arg9[%run_scoped3A, %dma_wait3A, %dma_wait3A_105] : memref<4x128x64xf32, #tpu.memory_space<vmem>> -> memref<1x128x64xf32, #tpu.memory_space<vmem>>
      %dma_wait3A_107 = tpu.memref_squeeze %dma_wait3A_106 : memref<1x128x64xf32, #tpu.memory_space<vmem>> -> memref<128x64xf32, #tpu.memory_space<vmem>>
      %dma_wait3A_108 = arith.constant 0 : i32
      %dma_wait3A_109 = arith.constant 0 : i32
      %dma_wait3A_110 = tpu.memref_slice %arg9[%run_scoped3A, %dma_wait3A_108, %dma_wait3A_109] : memref<4x128x64xf32, #tpu.memory_space<vmem>> -> memref<1x128x64xf32, #tpu.memory_space<vmem>>
      %dma_wait3A_111 = tpu.memref_squeeze %dma_wait3A_110 : memref<1x128x64xf32, #tpu.memory_space<vmem>> -> memref<128x64xf32, #tpu.memory_space<vmem>>
      tpu.wait_dma2 semaphore(%run_scoped3A_96 : memref<!tpu.dma_semaphore, #tpu.memory_space<semaphore_mem>>) src(%arg5 : memref<128x64xf32, #tpu.memory_space<hbm>>) dst(%dma_wait3A_111 : memref<128x64xf32, #tpu.memory_space<vmem>>)
      tpu.yield
    }) : () -> ()
    %mul3A = arith.constant 640 : i32
    %mul3A_0 = arith.muli %arg1, %mul3A : i32
    %add3A = arith.constant 0 : i32
    %add3A_1 = arith.addi %mul3A_0, %add3A : i32
    %run_scoped3A_2 = arith.constant 0 : i32
    "tpu.region"() ({
      %run_scoped3A_96 = tpu.sem_alloc : memref<!tpu.dma_semaphore, #tpu.memory_space<semaphore_mem>>
      %dma_start3A_97 = arith.constant 0 : i32
      %dma_start3A_98 = arith.constant 0 : i32
      %dma_start3A_99 = tpu.memref_slice %arg9[%run_scoped3A_2, %dma_start3A_97, %dma_start3A_98] : memref<4x128x64xf32, #tpu.memory_space<vmem>> -> memref<1x128x64xf32, #tpu.memory_space<vmem>>
      %dma_start3A_100 = tpu.memref_squeeze %dma_start3A_99 : memref<1x128x64xf32, #tpu.memory_space<vmem>> -> memref<128x64xf32, #tpu.memory_space<vmem>>
      %dma_start3A_101 = arith.constant 0 : i32
      %dma_start3A_102 = tpu.memref_slice %arg10[%add3A_1, %dma_start3A_101] : memref<10240x64xf32, #tpu.memory_space<vmem_shared>> -> memref<128x64xf32, #tpu.memory_space<vmem_shared>>
      %dma_start3A_103 = arith.constant 0 : i32
      %dma_start3A_104 = tpu.memref_slice %arg10[%add3A_1, %dma_start3A_103] : memref<10240x64xf32, #tpu.memory_space<vmem_shared>> -> memref<128x64xf32, #tpu.memory_space<vmem_shared>>
      %dma_start3A_105 = arith.constant 0 : i32
      %dma_start3A_106 = arith.constant 0 : i32
      %dma_start3A_107 = tpu.memref_slice %arg9[%run_scoped3A_2, %dma_start3A_105, %dma_start3A_106] : memref<4x128x64xf32, #tpu.memory_space<vmem>> -> memref<1x128x64xf32, #tpu.memory_space<vmem>>
      %dma_start3A_108 = tpu.memref_squeeze %dma_start3A_107 : memref<1x128x64xf32, #tpu.memory_space<vmem>> -> memref<128x64xf32, #tpu.memory_space<vmem>>
      tpu.enqueue_dma source(%dma_start3A_108 : memref<128x64xf32, #tpu.memory_space<vmem>>) target(%dma_start3A_104 : memref<128x64xf32, #tpu.memory_space<vmem_shared>>) target_semaphore(%run_scoped3A_96 : memref<!tpu.dma_semaphore, #tpu.memory_space<semaphore_mem>>)
      %dma_wait3A = arith.constant 0 : i32
      %dma_wait3A_109 = arith.constant 0 : i32
      %dma_wait3A_110 = tpu.memref_slice %arg9[%run_scoped3A_2, %dma_wait3A, %dma_wait3A_109] : memref<4x128x64xf32, #tpu.memory_space<vmem>> -> memref<1x128x64xf32, #tpu.memory_space<vmem>>
      %dma_wait3A_111 = tpu.memref_squeeze %dma_wait3A_110 : memref<1x128x64xf32, #tpu.memory_space<vmem>> -> memref<128x64xf32, #tpu.memory_space<vmem>>
      %dma_wait3A_112 = arith.constant 0 : i32
      %dma_wait3A_113 = tpu.memref_slice %arg10[%add3A_1, %dma_wait3A_112] : memref<10240x64xf32, #tpu.memory_space<vmem_shared>> -> memref<128x64xf32, #tpu.memory_space<vmem_shared>>
      %dma_wait3A_114 = arith.constant 0 : i32
      %dma_wait3A_115 = tpu.memref_slice %arg10[%add3A_1, %dma_wait3A_114] : memref<10240x64xf32, #tpu.memory_space<vmem_shared>> -> memref<128x64xf32, #tpu.memory_space<vmem_shared>>
      %dma_wait3A_116 = arith.constant 0 : i32
      %dma_wait3A_117 = arith.constant 0 : i32
      %dma_wait3A_118 = tpu.memref_slice %arg9[%run_scoped3A_2, %dma_wait3A_116, %dma_wait3A_117] : memref<4x128x64xf32, #tpu.memory_space<vmem>> -> memref<1x128x64xf32, #tpu.memory_space<vmem>>
      %dma_wait3A_119 = tpu.memref_squeeze %dma_wait3A_118 : memref<1x128x64xf32, #tpu.memory_space<vmem>> -> memref<128x64xf32, #tpu.memory_space<vmem>>
      tpu.wait_dma2 semaphore(%run_scoped3A_96 : memref<!tpu.dma_semaphore, #tpu.memory_space<semaphore_mem>>) src(%dma_wait3A_119 : memref<128x64xf32, #tpu.memory_space<vmem>>) dst(%dma_wait3A_115 : memref<128x64xf32, #tpu.memory_space<vmem_shared>>)
      tpu.yield
    }) : () -> ()
    %mul3A_3 = arith.constant 640 : i32
    %mul3A_4 = arith.muli %arg1, %mul3A_3 : i32
    %add3A_5 = arith.constant 128 : i32
    %add3A_6 = arith.addi %mul3A_4, %add3A_5 : i32
    %run_scoped3A_7 = arith.constant 0 : i32
    "tpu.region"() ({
      %run_scoped3A_96 = tpu.sem_alloc : memref<!tpu.dma_semaphore, #tpu.memory_space<semaphore_mem>>
      %dma_start3A_97 = arith.constant 0 : i32
      %dma_start3A_98 = arith.constant 0 : i32
      %dma_start3A_99 = tpu.memref_slice %arg9[%run_scoped3A_7, %dma_start3A_97, %dma_start3A_98] : memref<4x128x64xf32, #tpu.memory_space<vmem>> -> memref<1x128x64xf32, #tpu.memory_space<vmem>>
      %dma_start3A_100 = tpu.memref_squeeze %dma_start3A_99 : memref<1x128x64xf32, #tpu.memory_space<vmem>> -> memref<128x64xf32, #tpu.memory_space<vmem>>
      %dma_start3A_101 = arith.constant 0 : i32
      %dma_start3A_102 = tpu.memref_slice %arg10[%add3A_6, %dma_start3A_101] : memref<10240x64xf32, #tpu.memory_space<vmem_shared>> -> memref<128x64xf32, #tpu.memory_space<vmem_shared>>
      %dma_start3A_103 = arith.constant 0 : i32
      %dma_start3A_104 = tpu.memref_slice %arg10[%add3A_6, %dma_start3A_103] : memref<10240x64xf32, #tpu.memory_space<vmem_shared>> -> memref<128x64xf32, #tpu.memory_space<vmem_shared>>
      %dma_start3A_105 = arith.constant 0 : i32
      %dma_start3A_106 = arith.constant 0 : i32
      %dma_start3A_107 = tpu.memref_slice %arg9[%run_scoped3A_7, %dma_start3A_105, %dma_start3A_106] : memref<4x128x64xf32, #tpu.memory_space<vmem>> -> memref<1x128x64xf32, #tpu.memory_space<vmem>>
      %dma_start3A_108 = tpu.memref_squeeze %dma_start3A_107 : memref<1x128x64xf32, #tpu.memory_space<vmem>> -> memref<128x64xf32, #tpu.memory_space<vmem>>
      tpu.enqueue_dma source(%dma_start3A_108 : memref<128x64xf32, #tpu.memory_space<vmem>>) target(%dma_start3A_104 : memref<128x64xf32, #tpu.memory_space<vmem_shared>>) target_semaphore(%run_scoped3A_96 : memref<!tpu.dma_semaphore, #tpu.memory_space<semaphore_mem>>)
      %dma_wait3A = arith.constant 0 : i32
      %dma_wait3A_109 = arith.constant 0 : i32
      %dma_wait3A_110 = tpu.memref_slice %arg9[%run_scoped3A_7, %dma_wait3A, %dma_wait3A_109] : memref<4x128x64xf32, #tpu.memory_space<vmem>> -> memref<1x128x64xf32, #tpu.memory_space<vmem>>
      %dma_wait3A_111 = tpu.memref_squeeze %dma_wait3A_110 : memref<1x128x64xf32, #tpu.memory_space<vmem>> -> memref<128x64xf32, #tpu.memory_space<vmem>>
      %dma_wait3A_112 = arith.constant 0 : i32
      %dma_wait3A_113 = tpu.memref_slice %arg10[%add3A_6, %dma_wait3A_112] : memref<10240x64xf32, #tpu.memory_space<vmem_shared>> -> memref<128x64xf32, #tpu.memory_space<vmem_shared>>
      %dma_wait3A_114 = arith.constant 0 : i32
      %dma_wait3A_115 = tpu.memref_slice %arg10[%add3A_6, %dma_wait3A_114] : memref<10240x64xf32, #tpu.memory_space<vmem_shared>> -> memref<128x64xf32, #tpu.memory_space<vmem_shared>>
      %dma_wait3A_116 = arith.constant 0 : i32
      %dma_wait3A_117 = arith.constant 0 : i32
      %dma_wait3A_118 = tpu.memref_slice %arg9[%run_scoped3A_7, %dma_wait3A_116, %dma_wait3A_117] : memref<4x128x64xf32, #tpu.memory_space<vmem>> -> memref<1x128x64xf32, #tpu.memory_space<vmem>>
      %dma_wait3A_119 = tpu.memref_squeeze %dma_wait3A_118 : memref<1x128x64xf32, #tpu.memory_space<vmem>> -> memref<128x64xf32, #tpu.memory_space<vmem>>
      tpu.wait_dma2 semaphore(%run_scoped3A_96 : memref<!tpu.dma_semaphore, #tpu.memory_space<semaphore_mem>>) src(%dma_wait3A_119 : memref<128x64xf32, #tpu.memory_space<vmem>>) dst(%dma_wait3A_115 : memref<128x64xf32, #tpu.memory_space<vmem_shared>>)
      tpu.yield
    }) : () -> ()
    %mul3A_8 = arith.constant 640 : i32
    %mul3A_9 = arith.muli %arg1, %mul3A_8 : i32
    %add3A_10 = arith.constant 256 : i32
    %add3A_11 = arith.addi %mul3A_9, %add3A_10 : i32
    %run_scoped3A_12 = arith.constant 0 : i32
    "tpu.region"() ({
      %run_scoped3A_96 = tpu.sem_alloc : memref<!tpu.dma_semaphore, #tpu.memory_space<semaphore_mem>>
      %dma_start3A_97 = arith.constant 0 : i32
      %dma_start3A_98 = arith.constant 0 : i32
      %dma_start3A_99 = tpu.memref_slice %arg9[%run_scoped3A_12, %dma_start3A_97, %dma_start3A_98] : memref<4x128x64xf32, #tpu.memory_space<vmem>> -> memref<1x128x64xf32, #tpu.memory_space<vmem>>
      %dma_start3A_100 = tpu.memref_squeeze %dma_start3A_99 : memref<1x128x64xf32, #tpu.memory_space<vmem>> -> memref<128x64xf32, #tpu.memory_space<vmem>>
      %dma_start3A_101 = arith.constant 0 : i32
      %dma_start3A_102 = tpu.memref_slice %arg10[%add3A_11, %dma_start3A_101] : memref<10240x64xf32, #tpu.memory_space<vmem_shared>> -> memref<128x64xf32, #tpu.memory_space<vmem_shared>>
      %dma_start3A_103 = arith.constant 0 : i32
      %dma_start3A_104 = tpu.memref_slice %arg10[%add3A_11, %dma_start3A_103] : memref<10240x64xf32, #tpu.memory_space<vmem_shared>> -> memref<128x64xf32, #tpu.memory_space<vmem_shared>>
      %dma_start3A_105 = arith.constant 0 : i32
      %dma_start3A_106 = arith.constant 0 : i32
      %dma_start3A_107 = tpu.memref_slice %arg9[%run_scoped3A_12, %dma_start3A_105, %dma_start3A_106] : memref<4x128x64xf32, #tpu.memory_space<vmem>> -> memref<1x128x64xf32, #tpu.memory_space<vmem>>
      %dma_start3A_108 = tpu.memref_squeeze %dma_start3A_107 : memref<1x128x64xf32, #tpu.memory_space<vmem>> -> memref<128x64xf32, #tpu.memory_space<vmem>>
      tpu.enqueue_dma source(%dma_start3A_108 : memref<128x64xf32, #tpu.memory_space<vmem>>) target(%dma_start3A_104 : memref<128x64xf32, #tpu.memory_space<vmem_shared>>) target_semaphore(%run_scoped3A_96 : memref<!tpu.dma_semaphore, #tpu.memory_space<semaphore_mem>>)
      %dma_wait3A = arith.constant 0 : i32
      %dma_wait3A_109 = arith.constant 0 : i32
      %dma_wait3A_110 = tpu.memref_slice %arg9[%run_scoped3A_12, %dma_wait3A, %dma_wait3A_109] : memref<4x128x64xf32, #tpu.memory_space<vmem>> -> memref<1x128x64xf32, #tpu.memory_space<vmem>>
      %dma_wait3A_111 = tpu.memref_squeeze %dma_wait3A_110 : memref<1x128x64xf32, #tpu.memory_space<vmem>> -> memref<128x64xf32, #tpu.memory_space<vmem>>
      %dma_wait3A_112 = arith.constant 0 : i32
      %dma_wait3A_113 = tpu.memref_slice %arg10[%add3A_11, %dma_wait3A_112] : memref<10240x64xf32, #tpu.memory_space<vmem_shared>> -> memref<128x64xf32, #tpu.memory_space<vmem_shared>>
      %dma_wait3A_114 = arith.constant 0 : i32
      %dma_wait3A_115 = tpu.memref_slice %arg10[%add3A_11, %dma_wait3A_114] : memref<10240x64xf32, #tpu.memory_space<vmem_shared>> -> memref<128x64xf32, #tpu.memory_space<vmem_shared>>
      %dma_wait3A_116 = arith.constant 0 : i32
      %dma_wait3A_117 = arith.constant 0 : i32
      %dma_wait3A_118 = tpu.memref_slice %arg9[%run_scoped3A_12, %dma_wait3A_116, %dma_wait3A_117] : memref<4x128x64xf32, #tpu.memory_space<vmem>> -> memref<1x128x64xf32, #tpu.memory_space<vmem>>
      %dma_wait3A_119 = tpu.memref_squeeze %dma_wait3A_118 : memref<1x128x64xf32, #tpu.memory_space<vmem>> -> memref<128x64xf32, #tpu.memory_space<vmem>>
      tpu.wait_dma2 semaphore(%run_scoped3A_96 : memref<!tpu.dma_semaphore, #tpu.memory_space<semaphore_mem>>) src(%dma_wait3A_119 : memref<128x64xf32, #tpu.memory_space<vmem>>) dst(%dma_wait3A_115 : memref<128x64xf32, #tpu.memory_space<vmem_shared>>)
      tpu.yield
    }) : () -> ()
    %mul3A_13 = arith.constant 640 : i32
    %mul3A_14 = arith.muli %arg1, %mul3A_13 : i32
    %add3A_15 = arith.constant 384 : i32
    %add3A_16 = arith.addi %mul3A_14, %add3A_15 : i32
    %run_scoped3A_17 = arith.constant 0 : i32
    "tpu.region"() ({
      %run_scoped3A_96 = tpu.sem_alloc : memref<!tpu.dma_semaphore, #tpu.memory_space<semaphore_mem>>
      %dma_start3A_97 = arith.constant 0 : i32
      %dma_start3A_98 = arith.constant 0 : i32
      %dma_start3A_99 = tpu.memref_slice %arg9[%run_scoped3A_17, %dma_start3A_97, %dma_start3A_98] : memref<4x128x64xf32, #tpu.memory_space<vmem>> -> memref<1x128x64xf32, #tpu.memory_space<vmem>>
      %dma_start3A_100 = tpu.memref_squeeze %dma_start3A_99 : memref<1x128x64xf32, #tpu.memory_space<vmem>> -> memref<128x64xf32, #tpu.memory_space<vmem>>
      %dma_start3A_101 = arith.constant 0 : i32
      %dma_start3A_102 = tpu.memref_slice %arg10[%add3A_16, %dma_start3A_101] : memref<10240x64xf32, #tpu.memory_space<vmem_shared>> -> memref<128x64xf32, #tpu.memory_space<vmem_shared>>
      %dma_start3A_103 = arith.constant 0 : i32
      %dma_start3A_104 = tpu.memref_slice %arg10[%add3A_16, %dma_start3A_103] : memref<10240x64xf32, #tpu.memory_space<vmem_shared>> -> memref<128x64xf32, #tpu.memory_space<vmem_shared>>
      %dma_start3A_105 = arith.constant 0 : i32
      %dma_start3A_106 = arith.constant 0 : i32
      %dma_start3A_107 = tpu.memref_slice %arg9[%run_scoped3A_17, %dma_start3A_105, %dma_start3A_106] : memref<4x128x64xf32, #tpu.memory_space<vmem>> -> memref<1x128x64xf32, #tpu.memory_space<vmem>>
      %dma_start3A_108 = tpu.memref_squeeze %dma_start3A_107 : memref<1x128x64xf32, #tpu.memory_space<vmem>> -> memref<128x64xf32, #tpu.memory_space<vmem>>
      tpu.enqueue_dma source(%dma_start3A_108 : memref<128x64xf32, #tpu.memory_space<vmem>>) target(%dma_start3A_104 : memref<128x64xf32, #tpu.memory_space<vmem_shared>>) target_semaphore(%run_scoped3A_96 : memref<!tpu.dma_semaphore, #tpu.memory_space<semaphore_mem>>)
      %dma_wait3A = arith.constant 0 : i32
      %dma_wait3A_109 = arith.constant 0 : i32
      %dma_wait3A_110 = tpu.memref_slice %arg9[%run_scoped3A_17, %dma_wait3A, %dma_wait3A_109] : memref<4x128x64xf32, #tpu.memory_space<vmem>> -> memref<1x128x64xf32, #tpu.memory_space<vmem>>
      %dma_wait3A_111 = tpu.memref_squeeze %dma_wait3A_110 : memref<1x128x64xf32, #tpu.memory_space<vmem>> -> memref<128x64xf32, #tpu.memory_space<vmem>>
      %dma_wait3A_112 = arith.constant 0 : i32
      %dma_wait3A_113 = tpu.memref_slice %arg10[%add3A_16, %dma_wait3A_112] : memref<10240x64xf32, #tpu.memory_space<vmem_shared>> -> memref<128x64xf32, #tpu.memory_space<vmem_shared>>
      %dma_wait3A_114 = arith.constant 0 : i32
      %dma_wait3A_115 = tpu.memref_slice %arg10[%add3A_16, %dma_wait3A_114] : memref<10240x64xf32, #tpu.memory_space<vmem_shared>> -> memref<128x64xf32, #tpu.memory_space<vmem_shared>>
      %dma_wait3A_116 = arith.constant 0 : i32
      %dma_wait3A_117 = arith.constant 0 : i32
      %dma_wait3A_118 = tpu.memref_slice %arg9[%run_scoped3A_17, %dma_wait3A_116, %dma_wait3A_117] : memref<4x128x64xf32, #tpu.memory_space<vmem>> -> memref<1x128x64xf32, #tpu.memory_space<vmem>>
      %dma_wait3A_119 = tpu.memref_squeeze %dma_wait3A_118 : memref<1x128x64xf32, #tpu.memory_space<vmem>> -> memref<128x64xf32, #tpu.memory_space<vmem>>
      tpu.wait_dma2 semaphore(%run_scoped3A_96 : memref<!tpu.dma_semaphore, #tpu.memory_space<semaphore_mem>>) src(%dma_wait3A_119 : memref<128x64xf32, #tpu.memory_space<vmem>>) dst(%dma_wait3A_115 : memref<128x64xf32, #tpu.memory_space<vmem_shared>>)
      tpu.yield
    }) : () -> ()
    %mul3A_18 = arith.constant 640 : i32
    %mul3A_19 = arith.muli %arg1, %mul3A_18 : i32
    %add3A_20 = arith.constant 512 : i32
    %add3A_21 = arith.addi %mul3A_19, %add3A_20 : i32
    %run_scoped3A_22 = arith.constant 0 : i32
    "tpu.region"() ({
      %run_scoped3A_96 = tpu.sem_alloc : memref<!tpu.dma_semaphore, #tpu.memory_space<semaphore_mem>>
      %dma_start3A_97 = arith.constant 0 : i32
      %dma_start3A_98 = arith.constant 0 : i32
      %dma_start3A_99 = tpu.memref_slice %arg9[%run_scoped3A_22, %dma_start3A_97, %dma_start3A_98] : memref<4x128x64xf32, #tpu.memory_space<vmem>> -> memref<1x128x64xf32, #tpu.memory_space<vmem>>
      %dma_start3A_100 = tpu.memref_squeeze %dma_start3A_99 : memref<1x128x64xf32, #tpu.memory_space<vmem>> -> memref<128x64xf32, #tpu.memory_space<vmem>>
      %dma_start3A_101 = arith.constant 0 : i32
      %dma_start3A_102 = tpu.memref_slice %arg10[%add3A_21, %dma_start3A_101] : memref<10240x64xf32, #tpu.memory_space<vmem_shared>> -> memref<128x64xf32, #tpu.memory_space<vmem_shared>>
      %dma_start3A_103 = arith.constant 0 : i32
      %dma_start3A_104 = tpu.memref_slice %arg10[%add3A_21, %dma_start3A_103] : memref<10240x64xf32, #tpu.memory_space<vmem_shared>> -> memref<128x64xf32, #tpu.memory_space<vmem_shared>>
      %dma_start3A_105 = arith.constant 0 : i32
      %dma_start3A_106 = arith.constant 0 : i32
      %dma_start3A_107 = tpu.memref_slice %arg9[%run_scoped3A_22, %dma_start3A_105, %dma_start3A_106] : memref<4x128x64xf32, #tpu.memory_space<vmem>> -> memref<1x128x64xf32, #tpu.memory_space<vmem>>
      %dma_start3A_108 = tpu.memref_squeeze %dma_start3A_107 : memref<1x128x64xf32, #tpu.memory_space<vmem>> -> memref<128x64xf32, #tpu.memory_space<vmem>>
      tpu.enqueue_dma source(%dma_start3A_108 : memref<128x64xf32, #tpu.memory_space<vmem>>) target(%dma_start3A_104 : memref<128x64xf32, #tpu.memory_space<vmem_shared>>) target_semaphore(%run_scoped3A_96 : memref<!tpu.dma_semaphore, #tpu.memory_space<semaphore_mem>>)
      %dma_wait3A = arith.constant 0 : i32
      %dma_wait3A_109 = arith.constant 0 : i32
      %dma_wait3A_110 = tpu.memref_slice %arg9[%run_scoped3A_22, %dma_wait3A, %dma_wait3A_109] : memref<4x128x64xf32, #tpu.memory_space<vmem>> -> memref<1x128x64xf32, #tpu.memory_space<vmem>>
      %dma_wait3A_111 = tpu.memref_squeeze %dma_wait3A_110 : memref<1x128x64xf32, #tpu.memory_space<vmem>> -> memref<128x64xf32, #tpu.memory_space<vmem>>
      %dma_wait3A_112 = arith.constant 0 : i32
      %dma_wait3A_113 = tpu.memref_slice %arg10[%add3A_21, %dma_wait3A_112] : memref<10240x64xf32, #tpu.memory_space<vmem_shared>> -> memref<128x64xf32, #tpu.memory_space<vmem_shared>>
      %dma_wait3A_114 = arith.constant 0 : i32
      %dma_wait3A_115 = tpu.memref_slice %arg10[%add3A_21, %dma_wait3A_114] : memref<10240x64xf32, #tpu.memory_space<vmem_shared>> -> memref<128x64xf32, #tpu.memory_space<vmem_shared>>
      %dma_wait3A_116 = arith.constant 0 : i32
      %dma_wait3A_117 = arith.constant 0 : i32
      %dma_wait3A_118 = tpu.memref_slice %arg9[%run_scoped3A_22, %dma_wait3A_116, %dma_wait3A_117] : memref<4x128x64xf32, #tpu.memory_space<vmem>> -> memref<1x128x64xf32, #tpu.memory_space<vmem>>
      %dma_wait3A_119 = tpu.memref_squeeze %dma_wait3A_118 : memref<1x128x64xf32, #tpu.memory_space<vmem>> -> memref<128x64xf32, #tpu.memory_space<vmem>>
      tpu.wait_dma2 semaphore(%run_scoped3A_96 : memref<!tpu.dma_semaphore, #tpu.memory_space<semaphore_mem>>) src(%dma_wait3A_119 : memref<128x64xf32, #tpu.memory_space<vmem>>) dst(%dma_wait3A_115 : memref<128x64xf32, #tpu.memory_space<vmem_shared>>)
      tpu.yield
    }) : () -> ()
    %barrier3A = arith.constant 0 : index
    tpu.barrier barrier_id(%barrier3A)
    %dma_start3A = arith.constant 0 : i32
    %dma_start3A_23 = arith.constant 0 : i32
    %dma_start3A_24 = arith.constant 0 : i32
    %dma_start3A_25 = arith.constant 0 : i32
    %dma_start3A_26 = tpu.memref_slice %arg9[%dma_start3A_23, %dma_start3A_24, %dma_start3A_25] : memref<4x128x64xf32, #tpu.memory_space<vmem>> -> memref<1x128x64xf32, #tpu.memory_space<vmem>>
    %dma_start3A_27 = tpu.memref_squeeze %dma_start3A_26 : memref<1x128x64xf32, #tpu.memory_space<vmem>> -> memref<128x64xf32, #tpu.memory_space<vmem>>
    %dma_start3A_28 = arith.constant 0 : i32
    %dma_start3A_29 = tpu.memref_slice %arg7[%dma_start3A, %dma_start3A_28] : memref<160x128xi32, #tpu.memory_space<vmem>> -> memref<1x128xi32, #tpu.memory_space<vmem>>
    %dma_start3A_30 = tpu.memref_squeeze %dma_start3A_29 : memref<1x128xi32, #tpu.memory_space<vmem>> -> memref<128xi32, #tpu.memory_space<vmem>>
    %dma_start3A_31 = arith.constant 0 : i32
    %dma_start3A_32 = arith.constant 0 : i32
    %dma_start3A_33 = tpu.memref_slice %arg4[%arg0, %dma_start3A_31, %dma_start3A_32] : memref<2x10240x64xf32, #tpu.memory_space<hbm>> -> memref<1x10240x64xf32, #tpu.memory_space<hbm>>
    %dma_start3A_34 = tpu.memref_squeeze %dma_start3A_33 : memref<1x10240x64xf32, #tpu.memory_space<hbm>> -> memref<10240x64xf32, #tpu.memory_space<hbm>>
    %dma_start3A_35 = arith.constant 0 : i32
    %dma_start3A_36 = arith.constant 0 : i32
    %dma_start3A_37 = tpu.memref_slice %dma_start3A_34[%dma_start3A_35, %dma_start3A_36] : memref<10240x64xf32, #tpu.memory_space<hbm>> -> memref<10240x64xf32, #tpu.memory_space<hbm>>
    tpu.enqueue_indirect_dma source(%dma_start3A_37 : memref<10240x64xf32, #tpu.memory_space<hbm>>) target(%dma_start3A_27 : memref<128x64xf32, #tpu.memory_space<vmem>>) offsets(%dma_start3A_30 : memref<128xi32, #tpu.memory_space<vmem>>) semaphore(%arg11 : memref<!tpu.dma_semaphore, #tpu.memory_space<semaphore_mem>>)
    %dma_start3A_38 = arith.constant 1 : i32
    %dma_start3A_39 = arith.constant 1 : i32
    %dma_start3A_40 = arith.constant 0 : i32
    %dma_start3A_41 = arith.constant 0 : i32
    %dma_start3A_42 = tpu.memref_slice %arg9[%dma_start3A_39, %dma_start3A_40, %dma_start3A_41] : memref<4x128x64xf32, #tpu.memory_space<vmem>> -> memref<1x128x64xf32, #tpu.memory_space<vmem>>
    %dma_start3A_43 = tpu.memref_squeeze %dma_start3A_42 : memref<1x128x64xf32, #tpu.memory_space<vmem>> -> memref<128x64xf32, #tpu.memory_space<vmem>>
    %dma_start3A_44 = arith.constant 0 : i32
    %dma_start3A_45 = tpu.memref_slice %arg7[%dma_start3A_38, %dma_start3A_44] : memref<160x128xi32, #tpu.memory_space<vmem>> -> memref<1x128xi32, #tpu.memory_space<vmem>>
    %dma_start3A_46 = tpu.memref_squeeze %dma_start3A_45 : memref<1x128xi32, #tpu.memory_space<vmem>> -> memref<128xi32, #tpu.memory_space<vmem>>
    %dma_start3A_47 = arith.constant 0 : i32
    %dma_start3A_48 = arith.constant 0 : i32
    %dma_start3A_49 = tpu.memref_slice %arg4[%arg0, %dma_start3A_47, %dma_start3A_48] : memref<2x10240x64xf32, #tpu.memory_space<hbm>> -> memref<1x10240x64xf32, #tpu.memory_space<hbm>>
    %dma_start3A_50 = tpu.memref_squeeze %dma_start3A_49 : memref<1x10240x64xf32, #tpu.memory_space<hbm>> -> memref<10240x64xf32, #tpu.memory_space<hbm>>
    %dma_start3A_51 = arith.constant 0 : i32
    %dma_start3A_52 = arith.constant 0 : i32
    %dma_start3A_53 = tpu.memref_slice %dma_start3A_50[%dma_start3A_51, %dma_start3A_52] : memref<10240x64xf32, #tpu.memory_space<hbm>> -> memref<10240x64xf32, #tpu.memory_space<hbm>>
    tpu.enqueue_indirect_dma source(%dma_start3A_53 : memref<10240x64xf32, #tpu.memory_space<hbm>>) target(%dma_start3A_43 : memref<128x64xf32, #tpu.memory_space<vmem>>) offsets(%dma_start3A_46 : memref<128xi32, #tpu.memory_space<vmem>>) semaphore(%arg12 : memref<!tpu.dma_semaphore, #tpu.memory_space<semaphore_mem>>)
    %dma_start3A_54 = arith.constant 2 : i32
    %dma_start3A_55 = arith.constant 2 : i32
    %dma_start3A_56 = arith.constant 0 : i32
    %dma_start3A_57 = arith.constant 0 : i32
    %dma_start3A_58 = tpu.memref_slice %arg9[%dma_start3A_55, %dma_start3A_56, %dma_start3A_57] : memref<4x128x64xf32, #tpu.memory_space<vmem>> -> memref<1x128x64xf32, #tpu.memory_space<vmem>>
    %dma_start3A_59 = tpu.memref_squeeze %dma_start3A_58 : memref<1x128x64xf32, #tpu.memory_space<vmem>> -> memref<128x64xf32, #tpu.memory_space<vmem>>
    %dma_start3A_60 = arith.constant 0 : i32
    %dma_start3A_61 = tpu.memref_slice %arg7[%dma_start3A_54, %dma_start3A_60] : memref<160x128xi32, #tpu.memory_space<vmem>> -> memref<1x128xi32, #tpu.memory_space<vmem>>
    %dma_start3A_62 = tpu.memref_squeeze %dma_start3A_61 : memref<1x128xi32, #tpu.memory_space<vmem>> -> memref<128xi32, #tpu.memory_space<vmem>>
    %dma_start3A_63 = arith.constant 0 : i32
    %dma_start3A_64 = arith.constant 0 : i32
    %dma_start3A_65 = tpu.memref_slice %arg4[%arg0, %dma_start3A_63, %dma_start3A_64] : memref<2x10240x64xf32, #tpu.memory_space<hbm>> -> memref<1x10240x64xf32, #tpu.memory_space<hbm>>
    %dma_start3A_66 = tpu.memref_squeeze %dma_start3A_65 : memref<1x10240x64xf32, #tpu.memory_space<hbm>> -> memref<10240x64xf32, #tpu.memory_space<hbm>>
    %dma_start3A_67 = arith.constant 0 : i32
    %dma_start3A_68 = arith.constant 0 : i32
    %dma_start3A_69 = tpu.memref_slice %dma_start3A_66[%dma_start3A_67, %dma_start3A_68] : memref<10240x64xf32, #tpu.memory_space<hbm>> -> memref<10240x64xf32, #tpu.memory_space<hbm>>
    tpu.enqueue_indirect_dma source(%dma_start3A_69 : memref<10240x64xf32, #tpu.memory_space<hbm>>) target(%dma_start3A_59 : memref<128x64xf32, #tpu.memory_space<vmem>>) offsets(%dma_start3A_62 : memref<128xi32, #tpu.memory_space<vmem>>) semaphore(%arg13 : memref<!tpu.dma_semaphore, #tpu.memory_space<semaphore_mem>>)
    %dma_start3A_70 = arith.constant 3 : i32
    %dma_start3A_71 = arith.constant 3 : i32
    %dma_start3A_72 = arith.constant 0 : i32
    %dma_start3A_73 = arith.constant 0 : i32
    %dma_start3A_74 = tpu.memref_slice %arg9[%dma_start3A_71, %dma_start3A_72, %dma_start3A_73] : memref<4x128x64xf32, #tpu.memory_space<vmem>> -> memref<1x128x64xf32, #tpu.memory_space<vmem>>
    %dma_start3A_75 = tpu.memref_squeeze %dma_start3A_74 : memref<1x128x64xf32, #tpu.memory_space<vmem>> -> memref<128x64xf32, #tpu.memory_space<vmem>>
    %dma_start3A_76 = arith.constant 0 : i32
    %dma_start3A_77 = tpu.memref_slice %arg7[%dma_start3A_70, %dma_start3A_76] : memref<160x128xi32, #tpu.memory_space<vmem>> -> memref<1x128xi32, #tpu.memory_space<vmem>>
    %dma_start3A_78 = tpu.memref_squeeze %dma_start3A_77 : memref<1x128xi32, #tpu.memory_space<vmem>> -> memref<128xi32, #tpu.memory_space<vmem>>
    %dma_start3A_79 = arith.constant 0 : i32
    %dma_start3A_80 = arith.constant 0 : i32
    %dma_start3A_81 = tpu.memref_slice %arg4[%arg0, %dma_start3A_79, %dma_start3A_80] : memref<2x10240x64xf32, #tpu.memory_space<hbm>> -> memref<1x10240x64xf32, #tpu.memory_space<hbm>>
    %dma_start3A_82 = tpu.memref_squeeze %dma_start3A_81 : memref<1x10240x64xf32, #tpu.memory_space<hbm>> -> memref<10240x64xf32, #tpu.memory_space<hbm>>
    %dma_start3A_83 = arith.constant 0 : i32
    %dma_start3A_84 = arith.constant 0 : i32
    %dma_start3A_85 = tpu.memref_slice %dma_start3A_82[%dma_start3A_83, %dma_start3A_84] : memref<10240x64xf32, #tpu.memory_space<hbm>> -> memref<10240x64xf32, #tpu.memory_space<hbm>>
    tpu.enqueue_indirect_dma source(%dma_start3A_85 : memref<10240x64xf32, #tpu.memory_space<hbm>>) target(%dma_start3A_75 : memref<128x64xf32, #tpu.memory_space<vmem>>) offsets(%dma_start3A_78 : memref<128xi32, #tpu.memory_space<vmem>>) semaphore(%arg14 : memref<!tpu.dma_semaphore, #tpu.memory_space<semaphore_mem>>)
    %scan3A = arith.constant 0 : i32
    %scan3A_86 = arith.constant 0 : i32
    %scan3A_87 = arith.constant 40 : i32
    %scan3A_88 = arith.addi %scan3A_86, %scan3A_87 : i32
    %scan3A_89 = arith.constant 1 : i32
    scf.for %scan3A_96 = %scan3A_86 to %scan3A_88 step %scan3A_89  : i32 {
      %mul3A_97 = arith.constant 4 : i32
      %mul3A_98 = arith.muli %mul3A_97, %scan3A_96 : i32
      %add3A_99 = arith.constant 0 : i32
      %add3A_100 = arith.addi %mul3A_98, %add3A_99 : i32
      %dma_wait3A = arith.constant 0 : i32
      %dma_wait3A_101 = arith.constant 0 : i32
      %dma_wait3A_102 = arith.constant 0 : i32
      %dma_wait3A_103 = tpu.memref_slice %arg9[%dma_wait3A, %dma_wait3A_101, %dma_wait3A_102] : memref<4x128x64xf32, #tpu.memory_space<vmem>> -> memref<1x128x64xf32, #tpu.memory_space<vmem>>
      %dma_wait3A_104 = tpu.memref_squeeze %dma_wait3A_103 : memref<1x128x64xf32, #tpu.memory_space<vmem>> -> memref<128x64xf32, #tpu.memory_space<vmem>>
      %dma_wait3A_105 = arith.constant 0 : i32
      %dma_wait3A_106 = tpu.memref_slice %arg7[%add3A_100, %dma_wait3A_105] : memref<160x128xi32, #tpu.memory_space<vmem>> -> memref<1x128xi32, #tpu.memory_space<vmem>>
      %dma_wait3A_107 = tpu.memref_squeeze %dma_wait3A_106 : memref<1x128xi32, #tpu.memory_space<vmem>> -> memref<128xi32, #tpu.memory_space<vmem>>
      %dma_wait3A_108 = arith.constant 0 : i32
      %dma_wait3A_109 = arith.constant 0 : i32
      %dma_wait3A_110 = tpu.memref_slice %arg4[%arg0, %dma_wait3A_108, %dma_wait3A_109] : memref<2x10240x64xf32, #tpu.memory_space<hbm>> -> memref<1x10240x64xf32, #tpu.memory_space<hbm>>
      %dma_wait3A_111 = tpu.memref_squeeze %dma_wait3A_110 : memref<1x10240x64xf32, #tpu.memory_space<hbm>> -> memref<10240x64xf32, #tpu.memory_space<hbm>>
      %dma_wait3A_112 = arith.constant 0 : i32
      %dma_wait3A_113 = arith.constant 0 : i32
      %dma_wait3A_114 = tpu.memref_slice %dma_wait3A_111[%dma_wait3A_112, %dma_wait3A_113] : memref<10240x64xf32, #tpu.memory_space<hbm>> -> memref<10240x64xf32, #tpu.memory_space<hbm>>
      tpu.wait_indirect_dma semaphore(%arg11 : memref<!tpu.dma_semaphore, #tpu.memory_space<semaphore_mem>>) src(%dma_wait3A_114 : memref<10240x64xf32, #tpu.memory_space<hbm>>) dst(%dma_wait3A_104 : memref<128x64xf32, #tpu.memory_space<vmem>>)
      %dma_start3A_115 = arith.constant 0 : i32
      %dma_start3A_116 = arith.constant 0 : i32
      %dma_start3A_117 = arith.constant 0 : i32
      %dma_start3A_118 = tpu.memref_slice %arg9[%dma_start3A_115, %dma_start3A_116, %dma_start3A_117] : memref<4x128x64xf32, #tpu.memory_space<vmem>> -> memref<1x128x64xf32, #tpu.memory_space<vmem>>
      %dma_start3A_119 = tpu.memref_squeeze %dma_start3A_118 : memref<1x128x64xf32, #tpu.memory_space<vmem>> -> memref<128x64xf32, #tpu.memory_space<vmem>>
      %dma_start3A_120 = arith.constant 0 : i32
      %dma_start3A_121 = tpu.memref_slice %arg8[%add3A_100, %dma_start3A_120] : memref<160x128xi32, #tpu.memory_space<vmem>> -> memref<1x128xi32, #tpu.memory_space<vmem>>
      %dma_start3A_122 = tpu.memref_squeeze %dma_start3A_121 : memref<1x128xi32, #tpu.memory_space<vmem>> -> memref<128xi32, #tpu.memory_space<vmem>>
      %dma_start3A_123 = arith.constant 0 : i32
      %dma_start3A_124 = arith.constant 0 : i32
      %dma_start3A_125 = tpu.memref_slice %arg10[%dma_start3A_123, %dma_start3A_124] : memref<10240x64xf32, #tpu.memory_space<vmem_shared>> -> memref<10240x64xf32, #tpu.memory_space<vmem_shared>>
      tpu.enqueue_indirect_dma source(%dma_start3A_119 : memref<128x64xf32, #tpu.memory_space<vmem>>) target(%dma_start3A_125 : memref<10240x64xf32, #tpu.memory_space<vmem_shared>>) offsets(%dma_start3A_122 : memref<128xi32, #tpu.memory_space<vmem>>) semaphore(%arg15 : memref<!tpu.dma_semaphore, #tpu.memory_space<semaphore_mem>>) {add = true}
      %add3A_126 = arith.constant 1 : i32
      %add3A_127 = arith.addi %mul3A_98, %add3A_126 : i32
      %dma_wait3A_128 = arith.constant 1 : i32
      %dma_wait3A_129 = arith.constant 0 : i32
      %dma_wait3A_130 = arith.constant 0 : i32
      %dma_wait3A_131 = tpu.memref_slice %arg9[%dma_wait3A_128, %dma_wait3A_129, %dma_wait3A_130] : memref<4x128x64xf32, #tpu.memory_space<vmem>> -> memref<1x128x64xf32, #tpu.memory_space<vmem>>
      %dma_wait3A_132 = tpu.memref_squeeze %dma_wait3A_131 : memref<1x128x64xf32, #tpu.memory_space<vmem>> -> memref<128x64xf32, #tpu.memory_space<vmem>>
      %dma_wait3A_133 = arith.constant 0 : i32
      %dma_wait3A_134 = tpu.memref_slice %arg7[%add3A_127, %dma_wait3A_133] : memref<160x128xi32, #tpu.memory_space<vmem>> -> memref<1x128xi32, #tpu.memory_space<vmem>>
      %dma_wait3A_135 = tpu.memref_squeeze %dma_wait3A_134 : memref<1x128xi32, #tpu.memory_space<vmem>> -> memref<128xi32, #tpu.memory_space<vmem>>
      %dma_wait3A_136 = arith.constant 0 : i32
      %dma_wait3A_137 = arith.constant 0 : i32
      %dma_wait3A_138 = tpu.memref_slice %arg4[%arg0, %dma_wait3A_136, %dma_wait3A_137] : memref<2x10240x64xf32, #tpu.memory_space<hbm>> -> memref<1x10240x64xf32, #tpu.memory_space<hbm>>
      %dma_wait3A_139 = tpu.memref_squeeze %dma_wait3A_138 : memref<1x10240x64xf32, #tpu.memory_space<hbm>> -> memref<10240x64xf32, #tpu.memory_space<hbm>>
      %dma_wait3A_140 = arith.constant 0 : i32
      %dma_wait3A_141 = arith.constant 0 : i32
      %dma_wait3A_142 = tpu.memref_slice %dma_wait3A_139[%dma_wait3A_140, %dma_wait3A_141] : memref<10240x64xf32, #tpu.memory_space<hbm>> -> memref<10240x64xf32, #tpu.memory_space<hbm>>
      tpu.wait_indirect_dma semaphore(%arg12 : memref<!tpu.dma_semaphore, #tpu.memory_space<semaphore_mem>>) src(%dma_wait3A_142 : memref<10240x64xf32, #tpu.memory_space<hbm>>) dst(%dma_wait3A_132 : memref<128x64xf32, #tpu.memory_space<vmem>>)
      %dma_start3A_143 = arith.constant 1 : i32
      %dma_start3A_144 = arith.constant 0 : i32
      %dma_start3A_145 = arith.constant 0 : i32
      %dma_start3A_146 = tpu.memref_slice %arg9[%dma_start3A_143, %dma_start3A_144, %dma_start3A_145] : memref<4x128x64xf32, #tpu.memory_space<vmem>> -> memref<1x128x64xf32, #tpu.memory_space<vmem>>
      %dma_start3A_147 = tpu.memref_squeeze %dma_start3A_146 : memref<1x128x64xf32, #tpu.memory_space<vmem>> -> memref<128x64xf32, #tpu.memory_space<vmem>>
      %dma_start3A_148 = arith.constant 0 : i32
      %dma_start3A_149 = tpu.memref_slice %arg8[%add3A_127, %dma_start3A_148] : memref<160x128xi32, #tpu.memory_space<vmem>> -> memref<1x128xi32, #tpu.memory_space<vmem>>
      %dma_start3A_150 = tpu.memref_squeeze %dma_start3A_149 : memref<1x128xi32, #tpu.memory_space<vmem>> -> memref<128xi32, #tpu.memory_space<vmem>>
      %dma_start3A_151 = arith.constant 0 : i32
      %dma_start3A_152 = arith.constant 0 : i32
      %dma_start3A_153 = tpu.memref_slice %arg10[%dma_start3A_151, %dma_start3A_152] : memref<10240x64xf32, #tpu.memory_space<vmem_shared>> -> memref<10240x64xf32, #tpu.memory_space<vmem_shared>>
      tpu.enqueue_indirect_dma source(%dma_start3A_147 : memref<128x64xf32, #tpu.memory_space<vmem>>) target(%dma_start3A_153 : memref<10240x64xf32, #tpu.memory_space<vmem_shared>>) offsets(%dma_start3A_150 : memref<128xi32, #tpu.memory_space<vmem>>) semaphore(%arg16 : memref<!tpu.dma_semaphore, #tpu.memory_space<semaphore_mem>>) {add = true}
      %add3A_154 = arith.constant 2 : i32
      %add3A_155 = arith.addi %mul3A_98, %add3A_154 : i32
      %dma_wait3A_156 = arith.constant 2 : i32
      %dma_wait3A_157 = arith.constant 0 : i32
      %dma_wait3A_158 = arith.constant 0 : i32
      %dma_wait3A_159 = tpu.memref_slice %arg9[%dma_wait3A_156, %dma_wait3A_157, %dma_wait3A_158] : memref<4x128x64xf32, #tpu.memory_space<vmem>> -> memref<1x128x64xf32, #tpu.memory_space<vmem>>
      %dma_wait3A_160 = tpu.memref_squeeze %dma_wait3A_159 : memref<1x128x64xf32, #tpu.memory_space<vmem>> -> memref<128x64xf32, #tpu.memory_space<vmem>>
      %dma_wait3A_161 = arith.constant 0 : i32
      %dma_wait3A_162 = tpu.memref_slice %arg7[%add3A_155, %dma_wait3A_161] : memref<160x128xi32, #tpu.memory_space<vmem>> -> memref<1x128xi32, #tpu.memory_space<vmem>>
      %dma_wait3A_163 = tpu.memref_squeeze %dma_wait3A_162 : memref<1x128xi32, #tpu.memory_space<vmem>> -> memref<128xi32, #tpu.memory_space<vmem>>
      %dma_wait3A_164 = arith.constant 0 : i32
      %dma_wait3A_165 = arith.constant 0 : i32
      %dma_wait3A_166 = tpu.memref_slice %arg4[%arg0, %dma_wait3A_164, %dma_wait3A_165] : memref<2x10240x64xf32, #tpu.memory_space<hbm>> -> memref<1x10240x64xf32, #tpu.memory_space<hbm>>
      %dma_wait3A_167 = tpu.memref_squeeze %dma_wait3A_166 : memref<1x10240x64xf32, #tpu.memory_space<hbm>> -> memref<10240x64xf32, #tpu.memory_space<hbm>>
      %dma_wait3A_168 = arith.constant 0 : i32
      %dma_wait3A_169 = arith.constant 0 : i32
      %dma_wait3A_170 = tpu.memref_slice %dma_wait3A_167[%dma_wait3A_168, %dma_wait3A_169] : memref<10240x64xf32, #tpu.memory_space<hbm>> -> memref<10240x64xf32, #tpu.memory_space<hbm>>
      tpu.wait_indirect_dma semaphore(%arg13 : memref<!tpu.dma_semaphore, #tpu.memory_space<semaphore_mem>>) src(%dma_wait3A_170 : memref<10240x64xf32, #tpu.memory_space<hbm>>) dst(%dma_wait3A_160 : memref<128x64xf32, #tpu.memory_space<vmem>>)
      %dma_start3A_171 = arith.constant 2 : i32
      %dma_start3A_172 = arith.constant 0 : i32
      %dma_start3A_173 = arith.constant 0 : i32
      %dma_start3A_174 = tpu.memref_slice %arg9[%dma_start3A_171, %dma_start3A_172, %dma_start3A_173] : memref<4x128x64xf32, #tpu.memory_space<vmem>> -> memref<1x128x64xf32, #tpu.memory_space<vmem>>
      %dma_start3A_175 = tpu.memref_squeeze %dma_start3A_174 : memref<1x128x64xf32, #tpu.memory_space<vmem>> -> memref<128x64xf32, #tpu.memory_space<vmem>>
      %dma_start3A_176 = arith.constant 0 : i32
      %dma_start3A_177 = tpu.memref_slice %arg8[%add3A_155, %dma_start3A_176] : memref<160x128xi32, #tpu.memory_space<vmem>> -> memref<1x128xi32, #tpu.memory_space<vmem>>
      %dma_start3A_178 = tpu.memref_squeeze %dma_start3A_177 : memref<1x128xi32, #tpu.memory_space<vmem>> -> memref<128xi32, #tpu.memory_space<vmem>>
      %dma_start3A_179 = arith.constant 0 : i32
      %dma_start3A_180 = arith.constant 0 : i32
      %dma_start3A_181 = tpu.memref_slice %arg10[%dma_start3A_179, %dma_start3A_180] : memref<10240x64xf32, #tpu.memory_space<vmem_shared>> -> memref<10240x64xf32, #tpu.memory_space<vmem_shared>>
      tpu.enqueue_indirect_dma source(%dma_start3A_175 : memref<128x64xf32, #tpu.memory_space<vmem>>) target(%dma_start3A_181 : memref<10240x64xf32, #tpu.memory_space<vmem_shared>>) offsets(%dma_start3A_178 : memref<128xi32, #tpu.memory_space<vmem>>) semaphore(%arg17 : memref<!tpu.dma_semaphore, #tpu.memory_space<semaphore_mem>>) {add = true}
      %add3A_182 = arith.constant 3 : i32
      %add3A_183 = arith.addi %mul3A_98, %add3A_182 : i32
      %dma_wait3A_184 = arith.constant 3 : i32
      %dma_wait3A_185 = arith.constant 0 : i32
      %dma_wait3A_186 = arith.constant 0 : i32
      %dma_wait3A_187 = tpu.memref_slice %arg9[%dma_wait3A_184, %dma_wait3A_185, %dma_wait3A_186] : memref<4x128x64xf32, #tpu.memory_space<vmem>> -> memref<1x128x64xf32, #tpu.memory_space<vmem>>
      %dma_wait3A_188 = tpu.memref_squeeze %dma_wait3A_187 : memref<1x128x64xf32, #tpu.memory_space<vmem>> -> memref<128x64xf32, #tpu.memory_space<vmem>>
      %dma_wait3A_189 = arith.constant 0 : i32
      %dma_wait3A_190 = tpu.memref_slice %arg7[%add3A_183, %dma_wait3A_189] : memref<160x128xi32, #tpu.memory_space<vmem>> -> memref<1x128xi32, #tpu.memory_space<vmem>>
      %dma_wait3A_191 = tpu.memref_squeeze %dma_wait3A_190 : memref<1x128xi32, #tpu.memory_space<vmem>> -> memref<128xi32, #tpu.memory_space<vmem>>
      %dma_wait3A_192 = arith.constant 0 : i32
      %dma_wait3A_193 = arith.constant 0 : i32
      %dma_wait3A_194 = tpu.memref_slice %arg4[%arg0, %dma_wait3A_192, %dma_wait3A_193] : memref<2x10240x64xf32, #tpu.memory_space<hbm>> -> memref<1x10240x64xf32, #tpu.memory_space<hbm>>
      %dma_wait3A_195 = tpu.memref_squeeze %dma_wait3A_194 : memref<1x10240x64xf32, #tpu.memory_space<hbm>> -> memref<10240x64xf32, #tpu.memory_space<hbm>>
      %dma_wait3A_196 = arith.constant 0 : i32
      %dma_wait3A_197 = arith.constant 0 : i32
      %dma_wait3A_198 = tpu.memref_slice %dma_wait3A_195[%dma_wait3A_196, %dma_wait3A_197] : memref<10240x64xf32, #tpu.memory_space<hbm>> -> memref<10240x64xf32, #tpu.memory_space<hbm>>
      tpu.wait_indirect_dma semaphore(%arg14 : memref<!tpu.dma_semaphore, #tpu.memory_space<semaphore_mem>>) src(%dma_wait3A_198 : memref<10240x64xf32, #tpu.memory_space<hbm>>) dst(%dma_wait3A_188 : memref<128x64xf32, #tpu.memory_space<vmem>>)
      %dma_start3A_199 = arith.constant 3 : i32
      %dma_start3A_200 = arith.constant 0 : i32
      %dma_start3A_201 = arith.constant 0 : i32
      %dma_start3A_202 = tpu.memref_slice %arg9[%dma_start3A_199, %dma_start3A_200, %dma_start3A_201] : memref<4x128x64xf32, #tpu.memory_space<vmem>> -> memref<1x128x64xf32, #tpu.memory_space<vmem>>
      %dma_start3A_203 = tpu.memref_squeeze %dma_start3A_202 : memref<1x128x64xf32, #tpu.memory_space<vmem>> -> memref<128x64xf32, #tpu.memory_space<vmem>>
      %dma_start3A_204 = arith.constant 0 : i32
      %dma_start3A_205 = tpu.memref_slice %arg8[%add3A_183, %dma_start3A_204] : memref<160x128xi32, #tpu.memory_space<vmem>> -> memref<1x128xi32, #tpu.memory_space<vmem>>
      %dma_start3A_206 = tpu.memref_squeeze %dma_start3A_205 : memref<1x128xi32, #tpu.memory_space<vmem>> -> memref<128xi32, #tpu.memory_space<vmem>>
      %dma_start3A_207 = arith.constant 0 : i32
      %dma_start3A_208 = arith.constant 0 : i32
      %dma_start3A_209 = tpu.memref_slice %arg10[%dma_start3A_207, %dma_start3A_208] : memref<10240x64xf32, #tpu.memory_space<vmem_shared>> -> memref<10240x64xf32, #tpu.memory_space<vmem_shared>>
      tpu.enqueue_indirect_dma source(%dma_start3A_203 : memref<128x64xf32, #tpu.memory_space<vmem>>) target(%dma_start3A_209 : memref<10240x64xf32, #tpu.memory_space<vmem_shared>>) offsets(%dma_start3A_206 : memref<128xi32, #tpu.memory_space<vmem>>) semaphore(%arg18 : memref<!tpu.dma_semaphore, #tpu.memory_space<semaphore_mem>>) {add = true}
      %dma_wait3A_210 = arith.constant 0 : i32
      %dma_wait3A_211 = arith.constant 0 : i32
      %dma_wait3A_212 = arith.constant 0 : i32
      %dma_wait3A_213 = tpu.memref_slice %arg9[%dma_wait3A_210, %dma_wait3A_211, %dma_wait3A_212] : memref<4x128x64xf32, #tpu.memory_space<vmem>> -> memref<1x128x64xf32, #tpu.memory_space<vmem>>
      %dma_wait3A_214 = tpu.memref_squeeze %dma_wait3A_213 : memref<1x128x64xf32, #tpu.memory_space<vmem>> -> memref<128x64xf32, #tpu.memory_space<vmem>>
      %dma_wait3A_215 = arith.constant 0 : i32
      %dma_wait3A_216 = tpu.memref_slice %arg8[%add3A_100, %dma_wait3A_215] : memref<160x128xi32, #tpu.memory_space<vmem>> -> memref<1x128xi32, #tpu.memory_space<vmem>>
      %dma_wait3A_217 = tpu.memref_squeeze %dma_wait3A_216 : memref<1x128xi32, #tpu.memory_space<vmem>> -> memref<128xi32, #tpu.memory_space<vmem>>
      %dma_wait3A_218 = arith.constant 0 : i32
      %dma_wait3A_219 = arith.constant 0 : i32
      %dma_wait3A_220 = tpu.memref_slice %arg10[%dma_wait3A_218, %dma_wait3A_219] : memref<10240x64xf32, #tpu.memory_space<vmem_shared>> -> memref<10240x64xf32, #tpu.memory_space<vmem_shared>>
      tpu.wait_indirect_dma semaphore(%arg15 : memref<!tpu.dma_semaphore, #tpu.memory_space<semaphore_mem>>) src(%dma_wait3A_214 : memref<128x64xf32, #tpu.memory_space<vmem>>) dst(%dma_wait3A_220 : memref<10240x64xf32, #tpu.memory_space<vmem_shared>>)
      %lt3A = arith.constant 39 : i32
      %lt3A_221 = arith.cmpi slt, %scan3A_96, %lt3A : i32
      %convert_element_type3A = arith.extui %lt3A_221 : i1 to i32
      %cond3A = arith.constant 0 : i32
      %cond3A_222 = arith.cmpi ne, %convert_element_type3A, %cond3A : i32
      scf.if %cond3A_222 {
        %add3A_271 = arith.constant 4 : i32
        %add3A_272 = arith.addi %mul3A_98, %add3A_271 : i32
        %add3A_273 = arith.constant 0 : i32
        %add3A_274 = arith.addi %add3A_272, %add3A_273 : i32
        %dma_start3A_275 = arith.constant 0 : i32
        %dma_start3A_276 = arith.constant 0 : i32
        %dma_start3A_277 = arith.constant 0 : i32
        %dma_start3A_278 = tpu.memref_slice %arg9[%dma_start3A_275, %dma_start3A_276, %dma_start3A_277] : memref<4x128x64xf32, #tpu.memory_space<vmem>> -> memref<1x128x64xf32, #tpu.memory_space<vmem>>
        %dma_start3A_279 = tpu.memref_squeeze %dma_start3A_278 : memref<1x128x64xf32, #tpu.memory_space<vmem>> -> memref<128x64xf32, #tpu.memory_space<vmem>>
        %dma_start3A_280 = arith.constant 0 : i32
        %dma_start3A_281 = tpu.memref_slice %arg7[%add3A_274, %dma_start3A_280] : memref<160x128xi32, #tpu.memory_space<vmem>> -> memref<1x128xi32, #tpu.memory_space<vmem>>
        %dma_start3A_282 = tpu.memref_squeeze %dma_start3A_281 : memref<1x128xi32, #tpu.memory_space<vmem>> -> memref<128xi32, #tpu.memory_space<vmem>>
        %dma_start3A_283 = arith.constant 0 : i32
        %dma_start3A_284 = arith.constant 0 : i32
        %dma_start3A_285 = tpu.memref_slice %arg4[%arg0, %dma_start3A_283, %dma_start3A_284] : memref<2x10240x64xf32, #tpu.memory_space<hbm>> -> memref<1x10240x64xf32, #tpu.memory_space<hbm>>
        %dma_start3A_286 = tpu.memref_squeeze %dma_start3A_285 : memref<1x10240x64xf32, #tpu.memory_space<hbm>> -> memref<10240x64xf32, #tpu.memory_space<hbm>>
        %dma_start3A_287 = arith.constant 0 : i32
        %dma_start3A_288 = arith.constant 0 : i32
        %dma_start3A_289 = tpu.memref_slice %dma_start3A_286[%dma_start3A_287, %dma_start3A_288] : memref<10240x64xf32, #tpu.memory_space<hbm>> -> memref<10240x64xf32, #tpu.memory_space<hbm>>
        tpu.enqueue_indirect_dma source(%dma_start3A_289 : memref<10240x64xf32, #tpu.memory_space<hbm>>) target(%dma_start3A_279 : memref<128x64xf32, #tpu.memory_space<vmem>>) offsets(%dma_start3A_282 : memref<128xi32, #tpu.memory_space<vmem>>) semaphore(%arg11 : memref<!tpu.dma_semaphore, #tpu.memory_space<semaphore_mem>>)
      } else {
      }
      %dma_wait3A_223 = arith.constant 1 : i32
      %dma_wait3A_224 = arith.constant 0 : i32
      %dma_wait3A_225 = arith.constant 0 : i32
      %dma_wait3A_226 = tpu.memref_slice %arg9[%dma_wait3A_223, %dma_wait3A_224, %dma_wait3A_225] : memref<4x128x64xf32, #tpu.memory_space<vmem>> -> memref<1x128x64xf32, #tpu.memory_space<vmem>>
      %dma_wait3A_227 = tpu.memref_squeeze %dma_wait3A_226 : memref<1x128x64xf32, #tpu.memory_space<vmem>> -> memref<128x64xf32, #tpu.memory_space<vmem>>
      %dma_wait3A_228 = arith.constant 0 : i32
      %dma_wait3A_229 = tpu.memref_slice %arg8[%add3A_127, %dma_wait3A_228] : memref<160x128xi32, #tpu.memory_space<vmem>> -> memref<1x128xi32, #tpu.memory_space<vmem>>
      %dma_wait3A_230 = tpu.memref_squeeze %dma_wait3A_229 : memref<1x128xi32, #tpu.memory_space<vmem>> -> memref<128xi32, #tpu.memory_space<vmem>>
      %dma_wait3A_231 = arith.constant 0 : i32
      %dma_wait3A_232 = arith.constant 0 : i32
      %dma_wait3A_233 = tpu.memref_slice %arg10[%dma_wait3A_231, %dma_wait3A_232] : memref<10240x64xf32, #tpu.memory_space<vmem_shared>> -> memref<10240x64xf32, #tpu.memory_space<vmem_shared>>
      tpu.wait_indirect_dma semaphore(%arg16 : memref<!tpu.dma_semaphore, #tpu.memory_space<semaphore_mem>>) src(%dma_wait3A_227 : memref<128x64xf32, #tpu.memory_space<vmem>>) dst(%dma_wait3A_233 : memref<10240x64xf32, #tpu.memory_space<vmem_shared>>)
      %lt3A_234 = arith.constant 39 : i32
      %lt3A_235 = arith.cmpi slt, %scan3A_96, %lt3A_234 : i32
      %convert_element_type3A_236 = arith.extui %lt3A_235 : i1 to i32
      %cond3A_237 = arith.constant 0 : i32
      %cond3A_238 = arith.cmpi ne, %convert_element_type3A_236, %cond3A_237 : i32
      scf.if %cond3A_238 {
        %add3A_271 = arith.constant 4 : i32
        %add3A_272 = arith.addi %mul3A_98, %add3A_271 : i32
        %add3A_273 = arith.constant 1 : i32
        %add3A_274 = arith.addi %add3A_272, %add3A_273 : i32
        %dma_start3A_275 = arith.constant 1 : i32
        %dma_start3A_276 = arith.constant 0 : i32
        %dma_start3A_277 = arith.constant 0 : i32
        %dma_start3A_278 = tpu.memref_slice %arg9[%dma_start3A_275, %dma_start3A_276, %dma_start3A_277] : memref<4x128x64xf32, #tpu.memory_space<vmem>> -> memref<1x128x64xf32, #tpu.memory_space<vmem>>
        %dma_start3A_279 = tpu.memref_squeeze %dma_start3A_278 : memref<1x128x64xf32, #tpu.memory_space<vmem>> -> memref<128x64xf32, #tpu.memory_space<vmem>>
        %dma_start3A_280 = arith.constant 0 : i32
        %dma_start3A_281 = tpu.memref_slice %arg7[%add3A_274, %dma_start3A_280] : memref<160x128xi32, #tpu.memory_space<vmem>> -> memref<1x128xi32, #tpu.memory_space<vmem>>
        %dma_start3A_282 = tpu.memref_squeeze %dma_start3A_281 : memref<1x128xi32, #tpu.memory_space<vmem>> -> memref<128xi32, #tpu.memory_space<vmem>>
        %dma_start3A_283 = arith.constant 0 : i32
        %dma_start3A_284 = arith.constant 0 : i32
        %dma_start3A_285 = tpu.memref_slice %arg4[%arg0, %dma_start3A_283, %dma_start3A_284] : memref<2x10240x64xf32, #tpu.memory_space<hbm>> -> memref<1x10240x64xf32, #tpu.memory_space<hbm>>
        %dma_start3A_286 = tpu.memref_squeeze %dma_start3A_285 : memref<1x10240x64xf32, #tpu.memory_space<hbm>> -> memref<10240x64xf32, #tpu.memory_space<hbm>>
        %dma_start3A_287 = arith.constant 0 : i32
        %dma_start3A_288 = arith.constant 0 : i32
        %dma_start3A_289 = tpu.memref_slice %dma_start3A_286[%dma_start3A_287, %dma_start3A_288] : memref<10240x64xf32, #tpu.memory_space<hbm>> -> memref<10240x64xf32, #tpu.memory_space<hbm>>
        tpu.enqueue_indirect_dma source(%dma_start3A_289 : memref<10240x64xf32, #tpu.memory_space<hbm>>) target(%dma_start3A_279 : memref<128x64xf32, #tpu.memory_space<vmem>>) offsets(%dma_start3A_282 : memref<128xi32, #tpu.memory_space<vmem>>) semaphore(%arg12 : memref<!tpu.dma_semaphore, #tpu.memory_space<semaphore_mem>>)
      } else {
      }
      %dma_wait3A_239 = arith.constant 2 : i32
      %dma_wait3A_240 = arith.constant 0 : i32
      %dma_wait3A_241 = arith.constant 0 : i32
      %dma_wait3A_242 = tpu.memref_slice %arg9[%dma_wait3A_239, %dma_wait3A_240, %dma_wait3A_241] : memref<4x128x64xf32, #tpu.memory_space<vmem>> -> memref<1x128x64xf32, #tpu.memory_space<vmem>>
      %dma_wait3A_243 = tpu.memref_squeeze %dma_wait3A_242 : memref<1x128x64xf32, #tpu.memory_space<vmem>> -> memref<128x64xf32, #tpu.memory_space<vmem>>
      %dma_wait3A_244 = arith.constant 0 : i32
      %dma_wait3A_245 = tpu.memref_slice %arg8[%add3A_155, %dma_wait3A_244] : memref<160x128xi32, #tpu.memory_space<vmem>> -> memref<1x128xi32, #tpu.memory_space<vmem>>
      %dma_wait3A_246 = tpu.memref_squeeze %dma_wait3A_245 : memref<1x128xi32, #tpu.memory_space<vmem>> -> memref<128xi32, #tpu.memory_space<vmem>>
      %dma_wait3A_247 = arith.constant 0 : i32
      %dma_wait3A_248 = arith.constant 0 : i32
      %dma_wait3A_249 = tpu.memref_slice %arg10[%dma_wait3A_247, %dma_wait3A_248] : memref<10240x64xf32, #tpu.memory_space<vmem_shared>> -> memref<10240x64xf32, #tpu.memory_space<vmem_shared>>
      tpu.wait_indirect_dma semaphore(%arg17 : memref<!tpu.dma_semaphore, #tpu.memory_space<semaphore_mem>>) src(%dma_wait3A_243 : memref<128x64xf32, #tpu.memory_space<vmem>>) dst(%dma_wait3A_249 : memref<10240x64xf32, #tpu.memory_space<vmem_shared>>)
      %lt3A_250 = arith.constant 39 : i32
      %lt3A_251 = arith.cmpi slt, %scan3A_96, %lt3A_250 : i32
      %convert_element_type3A_252 = arith.extui %lt3A_251 : i1 to i32
      %cond3A_253 = arith.constant 0 : i32
      %cond3A_254 = arith.cmpi ne, %convert_element_type3A_252, %cond3A_253 : i32
      scf.if %cond3A_254 {
        %add3A_271 = arith.constant 4 : i32
        %add3A_272 = arith.addi %mul3A_98, %add3A_271 : i32
        %add3A_273 = arith.constant 2 : i32
        %add3A_274 = arith.addi %add3A_272, %add3A_273 : i32
        %dma_start3A_275 = arith.constant 2 : i32
        %dma_start3A_276 = arith.constant 0 : i32
        %dma_start3A_277 = arith.constant 0 : i32
        %dma_start3A_278 = tpu.memref_slice %arg9[%dma_start3A_275, %dma_start3A_276, %dma_start3A_277] : memref<4x128x64xf32, #tpu.memory_space<vmem>> -> memref<1x128x64xf32, #tpu.memory_space<vmem>>
        %dma_start3A_279 = tpu.memref_squeeze %dma_start3A_278 : memref<1x128x64xf32, #tpu.memory_space<vmem>> -> memref<128x64xf32, #tpu.memory_space<vmem>>
        %dma_start3A_280 = arith.constant 0 : i32
        %dma_start3A_281 = tpu.memref_slice %arg7[%add3A_274, %dma_start3A_280] : memref<160x128xi32, #tpu.memory_space<vmem>> -> memref<1x128xi32, #tpu.memory_space<vmem>>
        %dma_start3A_282 = tpu.memref_squeeze %dma_start3A_281 : memref<1x128xi32, #tpu.memory_space<vmem>> -> memref<128xi32, #tpu.memory_space<vmem>>
        %dma_start3A_283 = arith.constant 0 : i32
        %dma_start3A_284 = arith.constant 0 : i32
        %dma_start3A_285 = tpu.memref_slice %arg4[%arg0, %dma_start3A_283, %dma_start3A_284] : memref<2x10240x64xf32, #tpu.memory_space<hbm>> -> memref<1x10240x64xf32, #tpu.memory_space<hbm>>
        %dma_start3A_286 = tpu.memref_squeeze %dma_start3A_285 : memref<1x10240x64xf32, #tpu.memory_space<hbm>> -> memref<10240x64xf32, #tpu.memory_space<hbm>>
        %dma_start3A_287 = arith.constant 0 : i32
        %dma_start3A_288 = arith.constant 0 : i32
        %dma_start3A_289 = tpu.memref_slice %dma_start3A_286[%dma_start3A_287, %dma_start3A_288] : memref<10240x64xf32, #tpu.memory_space<hbm>> -> memref<10240x64xf32, #tpu.memory_space<hbm>>
        tpu.enqueue_indirect_dma source(%dma_start3A_289 : memref<10240x64xf32, #tpu.memory_space<hbm>>) target(%dma_start3A_279 : memref<128x64xf32, #tpu.memory_space<vmem>>) offsets(%dma_start3A_282 : memref<128xi32, #tpu.memory_space<vmem>>) semaphore(%arg13 : memref<!tpu.dma_semaphore, #tpu.memory_space<semaphore_mem>>)
      } else {
      }
      %dma_wait3A_255 = arith.constant 3 : i32
      %dma_wait3A_256 = arith.constant 0 : i32
      %dma_wait3A_257 = arith.constant 0 : i32
      %dma_wait3A_258 = tpu.memref_slice %arg9[%dma_wait3A_255, %dma_wait3A_256, %dma_wait3A_257] : memref<4x128x64xf32, #tpu.memory_space<vmem>> -> memref<1x128x64xf32, #tpu.memory_space<vmem>>
      %dma_wait3A_259 = tpu.memref_squeeze %dma_wait3A_258 : memref<1x128x64xf32, #tpu.memory_space<vmem>> -> memref<128x64xf32, #tpu.memory_space<vmem>>
      %dma_wait3A_260 = arith.constant 0 : i32
      %dma_wait3A_261 = tpu.memref_slice %arg8[%add3A_183, %dma_wait3A_260] : memref<160x128xi32, #tpu.memory_space<vmem>> -> memref<1x128xi32, #tpu.memory_space<vmem>>
      %dma_wait3A_262 = tpu.memref_squeeze %dma_wait3A_261 : memref<1x128xi32, #tpu.memory_space<vmem>> -> memref<128xi32, #tpu.memory_space<vmem>>
      %dma_wait3A_263 = arith.constant 0 : i32
      %dma_wait3A_264 = arith.constant 0 : i32
      %dma_wait3A_265 = tpu.memref_slice %arg10[%dma_wait3A_263, %dma_wait3A_264] : memref<10240x64xf32, #tpu.memory_space<vmem_shared>> -> memref<10240x64xf32, #tpu.memory_space<vmem_shared>>
      tpu.wait_indirect_dma semaphore(%arg18 : memref<!tpu.dma_semaphore, #tpu.memory_space<semaphore_mem>>) src(%dma_wait3A_259 : memref<128x64xf32, #tpu.memory_space<vmem>>) dst(%dma_wait3A_265 : memref<10240x64xf32, #tpu.memory_space<vmem_shared>>)
      %lt3A_266 = arith.constant 39 : i32
      %lt3A_267 = arith.cmpi slt, %scan3A_96, %lt3A_266 : i32
      %convert_element_type3A_268 = arith.extui %lt3A_267 : i1 to i32
      %cond3A_269 = arith.constant 0 : i32
      %cond3A_270 = arith.cmpi ne, %convert_element_type3A_268, %cond3A_269 : i32
      scf.if %cond3A_270 {
        %add3A_271 = arith.constant 4 : i32
        %add3A_272 = arith.addi %mul3A_98, %add3A_271 : i32
        %add3A_273 = arith.constant 3 : i32
        %add3A_274 = arith.addi %add3A_272, %add3A_273 : i32
        %dma_start3A_275 = arith.constant 3 : i32
        %dma_start3A_276 = arith.constant 0 : i32
        %dma_start3A_277 = arith.constant 0 : i32
        %dma_start3A_278 = tpu.memref_slice %arg9[%dma_start3A_275, %dma_start3A_276, %dma_start3A_277] : memref<4x128x64xf32, #tpu.memory_space<vmem>> -> memref<1x128x64xf32, #tpu.memory_space<vmem>>
        %dma_start3A_279 = tpu.memref_squeeze %dma_start3A_278 : memref<1x128x64xf32, #tpu.memory_space<vmem>> -> memref<128x64xf32, #tpu.memory_space<vmem>>
        %dma_start3A_280 = arith.constant 0 : i32
        %dma_start3A_281 = tpu.memref_slice %arg7[%add3A_274, %dma_start3A_280] : memref<160x128xi32, #tpu.memory_space<vmem>> -> memref<1x128xi32, #tpu.memory_space<vmem>>
        %dma_start3A_282 = tpu.memref_squeeze %dma_start3A_281 : memref<1x128xi32, #tpu.memory_space<vmem>> -> memref<128xi32, #tpu.memory_space<vmem>>
        %dma_start3A_283 = arith.constant 0 : i32
        %dma_start3A_284 = arith.constant 0 : i32
        %dma_start3A_285 = tpu.memref_slice %arg4[%arg0, %dma_start3A_283, %dma_start3A_284] : memref<2x10240x64xf32, #tpu.memory_space<hbm>> -> memref<1x10240x64xf32, #tpu.memory_space<hbm>>
        %dma_start3A_286 = tpu.memref_squeeze %dma_start3A_285 : memref<1x10240x64xf32, #tpu.memory_space<hbm>> -> memref<10240x64xf32, #tpu.memory_space<hbm>>
        %dma_start3A_287 = arith.constant 0 : i32
        %dma_start3A_288 = arith.constant 0 : i32
        %dma_start3A_289 = tpu.memref_slice %dma_start3A_286[%dma_start3A_287, %dma_start3A_288] : memref<10240x64xf32, #tpu.memory_space<hbm>> -> memref<10240x64xf32, #tpu.memory_space<hbm>>
        tpu.enqueue_indirect_dma source(%dma_start3A_289 : memref<10240x64xf32, #tpu.memory_space<hbm>>) target(%dma_start3A_279 : memref<128x64xf32, #tpu.memory_space<vmem>>) offsets(%dma_start3A_282 : memref<128xi32, #tpu.memory_space<vmem>>) semaphore(%arg14 : memref<!tpu.dma_semaphore, #tpu.memory_space<semaphore_mem>>)
      } else {
      }
    }
    %scan3A_90 = arith.constant 40 : i32
    %barrier3A_91 = arith.constant 0 : index
    tpu.barrier barrier_id(%barrier3A_91)
    %mul3A_92 = arith.constant 640 : i32
    %mul3A_93 = arith.muli %arg1, %mul3A_92 : i32
    %mul3A_94 = arith.constant 640 : i32
    %mul3A_95 = arith.muli %arg1, %mul3A_94 : i32
    "tpu.region"() ({
      %run_scoped3A_96 = tpu.sem_alloc : memref<!tpu.dma_semaphore, #tpu.memory_space<semaphore_mem>>
      %dma_start3A_97 = arith.constant 0 : i32
      %dma_start3A_98 = tpu.memref_slice %arg6[%arg0, %mul3A_95, %dma_start3A_97] : memref<2x10240x64xf32, #tpu.memory_space<hbm>> -> memref<1x640x64xf32, #tpu.memory_space<hbm>>
      %dma_start3A_99 = tpu.memref_squeeze %dma_start3A_98 : memref<1x640x64xf32, #tpu.memory_space<hbm>> -> memref<640x64xf32, #tpu.memory_space<hbm>>
      %dma_start3A_100 = arith.constant 0 : i32
      %dma_start3A_101 = tpu.memref_slice %arg10[%mul3A_93, %dma_start3A_100] : memref<10240x64xf32, #tpu.memory_space<vmem_shared>> -> memref<640x64xf32, #tpu.memory_space<vmem_shared>>
      tpu.enqueue_dma source(%dma_start3A_101 : memref<640x64xf32, #tpu.memory_space<vmem_shared>>) target(%dma_start3A_99 : memref<640x64xf32, #tpu.memory_space<hbm>>) target_semaphore(%run_scoped3A_96 : memref<!tpu.dma_semaphore, #tpu.memory_space<semaphore_mem>>)
      %dma_wait3A = arith.constant 0 : i32
      %dma_wait3A_102 = tpu.memref_slice %arg6[%arg0, %mul3A_95, %dma_wait3A] : memref<2x10240x64xf32, #tpu.memory_space<hbm>> -> memref<1x640x64xf32, #tpu.memory_space<hbm>>
      %dma_wait3A_103 = tpu.memref_squeeze %dma_wait3A_102 : memref<1x640x64xf32, #tpu.memory_space<hbm>> -> memref<640x64xf32, #tpu.memory_space<hbm>>
      %dma_wait3A_104 = arith.constant 0 : i32
      %dma_wait3A_105 = tpu.memref_slice %arg10[%mul3A_93, %dma_wait3A_104] : memref<10240x64xf32, #tpu.memory_space<vmem_shared>> -> memref<640x64xf32, #tpu.memory_space<vmem_shared>>
      tpu.wait_dma2 semaphore(%run_scoped3A_96 : memref<!tpu.dma_semaphore, #tpu.memory_space<semaphore_mem>>) src(%dma_wait3A_105 : memref<640x64xf32, #tpu.memory_space<vmem_shared>>) dst(%dma_wait3A_103 : memref<640x64xf32, #tpu.memory_space<hbm>>)
      tpu.yield
    }) : () -> ()
    return
  }
}

module attributes {stable_mosaic.version = 14 : i64} {
  func.func @_mm0_body(%arg0: i32, %arg1: memref<1024x1xf32, #tpu.memory_space<vmem>>, %arg2: memref<1024x1xf32, #tpu.memory_space<vmem>>, %arg3: memref<1024x128xf32, #tpu.memory_space<vmem>>, %arg4: memref<128x128xf32, #tpu.memory_space<vmem>>, %arg5: memref<2x1024x64xf32, #tpu.memory_space<vmem>>, %arg6: memref<1024x1xf32, #tpu.memory_space<vmem>>) attributes {dimension_semantics = [#tpu.dimension_semantics<arbitrary>], iteration_bounds = array<i64: 10>, scalar_prefetch = 0 : i64, scratch_operands = 0 : i64, tpu.core_type = #tpu.core_type<tc>, window_params = [{transform_indices = @transform_0, window_bounds = array<i64: 1024, 1>}, {transform_indices = @transform_1, window_bounds = array<i64: 1024, 1>}, {transform_indices = @transform_2, window_bounds = array<i64: 1024, 128>}, {pipeline_mode = #tpu.pipeline_mode<synchronous>, transform_indices = @transform_3, window_bounds = array<i64: 128, 128>}, {transform_indices = @transform_4, window_bounds = array<i64: 2, 1024, 64>}, {transform_indices = @transform_5, window_bounds = array<i64: 1024, 1>}]} {
    %get3A = arith.constant 0 : index
    %get3A_0 = arith.constant 0 : index
    %get3A_1 = vector.load %arg1[%get3A, %get3A_0] : memref<1024x1xf32, #tpu.memory_space<vmem>>, vector<1024x1xf32>
    %get3A_2 = arith.constant 0 : index
    %get3A_3 = arith.constant 0 : index
    %get3A_4 = vector.load %arg2[%get3A_2, %get3A_3] : memref<1024x1xf32, #tpu.memory_space<vmem>>, vector<1024x1xf32>
    %add3A = arith.addf %get3A_1, %get3A_4 : vector<1024x1xf32>
    %add3A_5 = arith.constant 1.000000e+00 : f32
    %add3A_6 = vector.broadcast %add3A_5 : f32 to vector<1024x1xf32>
    %add3A_7 = arith.addf %add3A, %add3A_6 : vector<1024x1xf32>
    %rsqrt3A = math.rsqrt %add3A_7 : vector<1024x1xf32>
    %swap3A = arith.constant 0 : index
    %swap3A_8 = arith.constant 0 : index
    %swap3A_9 = vector.load %arg6[%swap3A, %swap3A_8] : memref<1024x1xf32, #tpu.memory_space<vmem>>, vector<1024x1xf32>
    tpu.vector_store %arg6[%swap3A, %swap3A_8], %rsqrt3A {strides = array<i32>} : memref<1024x1xf32, #tpu.memory_space<vmem>>, vector<1024x1xf32>,
    %get3A_10 = arith.constant 0 : index
    %get3A_11 = arith.constant 0 : index
    %get3A_12 = vector.load %arg3[%get3A_10, %get3A_11] : memref<1024x128xf32, #tpu.memory_space<vmem>>, vector<1024x128xf32>
    %get3A_13 = arith.constant 0 : index
    %get3A_14 = arith.constant 0 : index
    %get3A_15 = vector.load %arg4[%get3A_13, %get3A_14] : memref<128x128xf32, #tpu.memory_space<vmem>>, vector<128x128xf32>
    %dot_general3A = arith.constant dense<0.000000e+00> : vector<1024x128xf32>
    %dot_general3A_16 = tpu.matmul %get3A_12, %get3A_15, %dot_general3A {dimension_numbers = #tpu.dot_dimension_numbers<[1], [0], [0], [1], [0, 0, 1, 1], [], []>, transpose_lhs_hint = false} : vector<1024x128xf32>, vector<128x128xf32>, vector<1024x128xf32> -> vector<1024x128xf32>
    %mul3A = vector.broadcast %rsqrt3A : vector<1024x1xf32> to vector<1024x128xf32>
    %mul3A_17 = arith.mulf %mul3A, %dot_general3A_16 : vector<1024x128xf32>
    %slice3A = vector.extract_strided_slice %mul3A_17 {offsets = [0, 0], sizes = [1024, 64], strides = [1, 1]} : vector<1024x128xf32> to vector<1024x64xf32>
    %swap3A_18 = arith.constant 0 : index
    %swap3A_19 = arith.constant 0 : index
    %swap3A_20 = arith.constant 0 : index
    %swap3A_21 = vector.load %arg5[%swap3A_18, %swap3A_19, %swap3A_20] : memref<2x1024x64xf32, #tpu.memory_space<vmem>>, vector<1x1024x64xf32>
    %swap3A_22 = vector.shape_cast %swap3A_21 : vector<1x1024x64xf32> to vector<1024x64xf32>
    %swap3A_23 = vector.shape_cast %slice3A : vector<1024x64xf32> to vector<1x1024x64xf32>
    tpu.vector_store %arg5[%swap3A_18, %swap3A_19, %swap3A_20], %swap3A_23 {strides = array<i32>} : memref<2x1024x64xf32, #tpu.memory_space<vmem>>, vector<1x1024x64xf32>,
    %slice3A_24 = vector.extract_strided_slice %mul3A_17 {offsets = [0, 64], sizes = [1024, 64], strides = [1, 1]} : vector<1024x128xf32> to vector<1024x64xf32>
    %swap3A_25 = arith.constant 1 : index
    %swap3A_26 = arith.constant 0 : index
    %swap3A_27 = arith.constant 0 : index
    %swap3A_28 = vector.load %arg5[%swap3A_25, %swap3A_26, %swap3A_27] : memref<2x1024x64xf32, #tpu.memory_space<vmem>>, vector<1x1024x64xf32>
    %swap3A_29 = vector.shape_cast %swap3A_28 : vector<1x1024x64xf32> to vector<1024x64xf32>
    %swap3A_30 = vector.shape_cast %slice3A_24 : vector<1024x64xf32> to vector<1x1024x64xf32>
    tpu.vector_store %arg5[%swap3A_25, %swap3A_26, %swap3A_27], %swap3A_30 {strides = array<i32>} : memref<2x1024x64xf32, #tpu.memory_space<vmem>>, vector<1x1024x64xf32>,
    return
  }
  func.func @transform_0(%arg0: i32) -> (i32, i32) {
    %c0_i32 = arith.constant 0 : i32
    %c0_i32_0 = arith.constant 0 : i32
    return %arg0, %c0_i32 : i32, i32
  }
  func.func @transform_1(%arg0: i32) -> (i32, i32) {
    %c0_i32 = arith.constant 0 : i32
    %c0_i32_0 = arith.constant 0 : i32
    return %arg0, %c0_i32 : i32, i32
  }
  func.func @transform_2(%arg0: i32) -> (i32, i32) {
    %c0_i32 = arith.constant 0 : i32
    %c0_i32_0 = arith.constant 0 : i32
    return %arg0, %c0_i32 : i32, i32
  }
  func.func @transform_3(%arg0: i32) -> (i32, i32) {
    %c0_i32 = arith.constant 0 : i32
    %c0_i32_0 = arith.constant 0 : i32
    %c0_i32_1 = arith.constant 0 : i32
    return %c0_i32, %c0_i32_0 : i32, i32
  }
  func.func @transform_4(%arg0: i32) -> (i32, i32, i32) {
    %c0_i32 = arith.constant 0 : i32
    %c0_i32_0 = arith.constant 0 : i32
    %c0_i32_1 = arith.constant 0 : i32
    return %c0_i32, %arg0, %c0_i32_0 : i32, i32, i32
  }
  func.func @transform_5(%arg0: i32) -> (i32, i32) {
    %c0_i32 = arith.constant 0 : i32
    %c0_i32_0 = arith.constant 0 : i32
    return %arg0, %c0_i32 : i32, i32
  }
}

module attributes {stable_mosaic.version = 14 : i64} {
  func.func @_bnd_body(%arg0: i32, %arg1: memref<1024x1xf32, #tpu.memory_space<vmem>>, %arg2: memref<2x1024x64xf32, #tpu.memory_space<vmem>>, %arg3: memref<2x1024x64xf32, #tpu.memory_space<vmem>>, %arg4: memref<1x128xf32, #tpu.memory_space<vmem>>, %arg5: memref<128x128xf32, #tpu.memory_space<vmem>>, %arg6: memref<2x1024x64xf32, #tpu.memory_space<vmem>>) attributes {dimension_semantics = [#tpu.dimension_semantics<arbitrary>], iteration_bounds = array<i64: 10>, scalar_prefetch = 0 : i64, scratch_operands = 0 : i64, tpu.core_type = #tpu.core_type<tc>, window_params = [{transform_indices = @transform_0, window_bounds = array<i64: 1024, 1>}, {transform_indices = @transform_1, window_bounds = array<i64: 2, 1024, 64>}, {transform_indices = @transform_2, window_bounds = array<i64: 2, 1024, 64>}, {pipeline_mode = #tpu.pipeline_mode<synchronous>, transform_indices = @transform_3, window_bounds = array<i64: 1, 128>}, {pipeline_mode = #tpu.pipeline_mode<synchronous>, transform_indices = @transform_4, window_bounds = array<i64: 128, 128>}, {transform_indices = @transform_5, window_bounds = array<i64: 2, 1024, 64>}]} {
    %get3A = arith.constant 0 : index
    %get3A_0 = arith.constant 0 : index
    %get3A_1 = vector.load %arg1[%get3A, %get3A_0] : memref<1024x1xf32, #tpu.memory_space<vmem>>, vector<1024x1xf32>
    %get3A_2 = arith.constant 0 : index
    %get3A_3 = arith.constant 0 : index
    %get3A_4 = arith.constant 0 : index
    %get3A_5 = vector.load %arg2[%get3A_2, %get3A_3, %get3A_4] : memref<2x1024x64xf32, #tpu.memory_space<vmem>>, vector<1x1024x64xf32>
    %get3A_6 = vector.shape_cast %get3A_5 : vector<1x1024x64xf32> to vector<1024x64xf32>
    %get3A_7 = arith.constant 0 : index
    %get3A_8 = arith.constant 0 : index
    %get3A_9 = arith.constant 0 : index
    %get3A_10 = vector.load %arg3[%get3A_7, %get3A_8, %get3A_9] : memref<2x1024x64xf32, #tpu.memory_space<vmem>>, vector<1x1024x64xf32>
    %get3A_11 = vector.shape_cast %get3A_10 : vector<1x1024x64xf32> to vector<1024x64xf32>
    %add3A = arith.addf %get3A_6, %get3A_11 : vector<1024x64xf32>
    %mul3A = vector.broadcast %get3A_1 : vector<1024x1xf32> to vector<1024x64xf32>
    %mul3A_12 = arith.mulf %mul3A, %add3A : vector<1024x64xf32>
    %get3A_13 = arith.constant 0 : index
    %get3A_14 = arith.constant 0 : index
    %get3A_15 = vector.load %arg4[%get3A_13, %get3A_14] : memref<1x128xf32, #tpu.memory_space<vmem>>, vector<1x64xf32>
    %add3A_16 = vector.broadcast %get3A_15 : vector<1x64xf32> to vector<1024x64xf32>
    %add3A_17 = arith.addf %mul3A_12, %add3A_16 : vector<1024x64xf32>
    %max3A = arith.constant 0.000000e+00 : f32
    %max3A_18 = vector.broadcast %max3A : f32 to vector<1024x64xf32>
    %max3A_19 = arith.maximumf %add3A_17, %max3A_18 : vector<1024x64xf32>
    %get3A_20 = arith.constant 1 : index
    %get3A_21 = arith.constant 0 : index
    %get3A_22 = arith.constant 0 : index
    %get3A_23 = vector.load %arg2[%get3A_20, %get3A_21, %get3A_22] : memref<2x1024x64xf32, #tpu.memory_space<vmem>>, vector<1x1024x64xf32>
    %get3A_24 = vector.shape_cast %get3A_23 : vector<1x1024x64xf32> to vector<1024x64xf32>
    %get3A_25 = arith.constant 1 : index
    %get3A_26 = arith.constant 0 : index
    %get3A_27 = arith.constant 0 : index
    %get3A_28 = vector.load %arg3[%get3A_25, %get3A_26, %get3A_27] : memref<2x1024x64xf32, #tpu.memory_space<vmem>>, vector<1x1024x64xf32>
    %get3A_29 = vector.shape_cast %get3A_28 : vector<1x1024x64xf32> to vector<1024x64xf32>
    %add3A_30 = arith.addf %get3A_24, %get3A_29 : vector<1024x64xf32>
    %mul3A_31 = vector.broadcast %get3A_1 : vector<1024x1xf32> to vector<1024x64xf32>
    %mul3A_32 = arith.mulf %mul3A_31, %add3A_30 : vector<1024x64xf32>
    %get3A_33 = arith.constant 0 : index
    %get3A_34 = arith.constant 64 : index
    %get3A_35 = vector.load %arg4[%get3A_33, %get3A_34] : memref<1x128xf32, #tpu.memory_space<vmem>>, vector<1x64xf32>
    %add3A_36 = vector.broadcast %get3A_35 : vector<1x64xf32> to vector<1024x64xf32>
    %add3A_37 = arith.addf %mul3A_32, %add3A_36 : vector<1024x64xf32>
    %max3A_38 = arith.constant 0.000000e+00 : f32
    %max3A_39 = vector.broadcast %max3A_38 : f32 to vector<1024x64xf32>
    %max3A_40 = arith.maximumf %add3A_37, %max3A_39 : vector<1024x64xf32>
    %concatenate3A = tpu.concatenate %max3A_19, %max3A_40 in 1 : vector<1024x64xf32>, vector<1024x64xf32> -> vector<1024x128xf32>
    %get3A_41 = arith.constant 0 : index
    %get3A_42 = arith.constant 0 : index
    %get3A_43 = vector.load %arg5[%get3A_41, %get3A_42] : memref<128x128xf32, #tpu.memory_space<vmem>>, vector<128x128xf32>
    %dot_general3A = arith.constant dense<0.000000e+00> : vector<1024x128xf32>
    %dot_general3A_44 = tpu.matmul %concatenate3A, %get3A_43, %dot_general3A {dimension_numbers = #tpu.dot_dimension_numbers<[1], [0], [0], [1], [0, 0, 1, 1], [], []>, transpose_lhs_hint = false} : vector<1024x128xf32>, vector<128x128xf32>, vector<1024x128xf32> -> vector<1024x128xf32>
    %mul3A_45 = vector.broadcast %get3A_1 : vector<1024x1xf32> to vector<1024x128xf32>
    %mul3A_46 = arith.mulf %mul3A_45, %dot_general3A_44 : vector<1024x128xf32>
    %slice3A = vector.extract_strided_slice %mul3A_46 {offsets = [0, 0], sizes = [1024, 64], strides = [1, 1]} : vector<1024x128xf32> to vector<1024x64xf32>
    %swap3A = arith.constant 0 : index
    %swap3A_47 = arith.constant 0 : index
    %swap3A_48 = arith.constant 0 : index
    %swap3A_49 = vector.load %arg6[%swap3A, %swap3A_47, %swap3A_48] : memref<2x1024x64xf32, #tpu.memory_space<vmem>>, vector<1x1024x64xf32>
    %swap3A_50 = vector.shape_cast %swap3A_49 : vector<1x1024x64xf32> to vector<1024x64xf32>
    %swap3A_51 = vector.shape_cast %slice3A : vector<1024x64xf32> to vector<1x1024x64xf32>
    tpu.vector_store %arg6[%swap3A, %swap3A_47, %swap3A_48], %swap3A_51 {strides = array<i32>} : memref<2x1024x64xf32, #tpu.memory_space<vmem>>, vector<1x1024x64xf32>,
    %slice3A_52 = vector.extract_strided_slice %mul3A_46 {offsets = [0, 64], sizes = [1024, 64], strides = [1, 1]} : vector<1024x128xf32> to vector<1024x64xf32>
    %swap3A_53 = arith.constant 1 : index
    %swap3A_54 = arith.constant 0 : index
    %swap3A_55 = arith.constant 0 : index
    %swap3A_56 = vector.load %arg6[%swap3A_53, %swap3A_54, %swap3A_55] : memref<2x1024x64xf32, #tpu.memory_space<vmem>>, vector<1x1024x64xf32>
    %swap3A_57 = vector.shape_cast %swap3A_56 : vector<1x1024x64xf32> to vector<1024x64xf32>
    %swap3A_58 = vector.shape_cast %slice3A_52 : vector<1024x64xf32> to vector<1x1024x64xf32>
    tpu.vector_store %arg6[%swap3A_53, %swap3A_54, %swap3A_55], %swap3A_58 {strides = array<i32>} : memref<2x1024x64xf32, #tpu.memory_space<vmem>>, vector<1x1024x64xf32>,
    return
  }
  func.func @transform_0(%arg0: i32) -> (i32, i32) {
    %c0_i32 = arith.constant 0 : i32
    %c0_i32_0 = arith.constant 0 : i32
    return %arg0, %c0_i32 : i32, i32
  }
  func.func @transform_1(%arg0: i32) -> (i32, i32, i32) {
    %c0_i32 = arith.constant 0 : i32
    %c0_i32_0 = arith.constant 0 : i32
    %c0_i32_1 = arith.constant 0 : i32
    return %c0_i32, %arg0, %c0_i32_0 : i32, i32, i32
  }
  func.func @transform_2(%arg0: i32) -> (i32, i32, i32) {
    %c0_i32 = arith.constant 0 : i32
    %c0_i32_0 = arith.constant 0 : i32
    %c0_i32_1 = arith.constant 0 : i32
    return %c0_i32, %arg0, %c0_i32_0 : i32, i32, i32
  }
  func.func @transform_3(%arg0: i32) -> (i32, i32) {
    %c0_i32 = arith.constant 0 : i32
    %c0_i32_0 = arith.constant 0 : i32
    %c0_i32_1 = arith.constant 0 : i32
    return %c0_i32, %c0_i32_0 : i32, i32
  }
  func.func @transform_4(%arg0: i32) -> (i32, i32) {
    %c0_i32 = arith.constant 0 : i32
    %c0_i32_0 = arith.constant 0 : i32
    %c0_i32_1 = arith.constant 0 : i32
    return %c0_i32, %c0_i32_0 : i32, i32
  }
  func.func @transform_5(%arg0: i32) -> (i32, i32, i32) {
    %c0_i32 = arith.constant 0 : i32
    %c0_i32_0 = arith.constant 0 : i32
    %c0_i32_1 = arith.constant 0 : i32
    return %c0_i32, %arg0, %c0_i32_0 : i32, i32, i32
  }
}

module attributes {stable_mosaic.version = 14 : i64} {
  func.func @_fin_body(%arg0: i32, %arg1: memref<1024x1xf32, #tpu.memory_space<vmem>>, %arg2: memref<2x1024x64xf32, #tpu.memory_space<vmem>>, %arg3: memref<2x1024x64xf32, #tpu.memory_space<vmem>>, %arg4: memref<1x128xf32, #tpu.memory_space<vmem>>, %arg5: memref<1024x128xf32, #tpu.memory_space<vmem>>) attributes {dimension_semantics = [#tpu.dimension_semantics<arbitrary>], iteration_bounds = array<i64: 10>, scalar_prefetch = 0 : i64, scratch_operands = 0 : i64, tpu.core_type = #tpu.core_type<tc>, window_params = [{transform_indices = @transform_0, window_bounds = array<i64: 1024, 1>}, {transform_indices = @transform_1, window_bounds = array<i64: 2, 1024, 64>}, {transform_indices = @transform_2, window_bounds = array<i64: 2, 1024, 64>}, {pipeline_mode = #tpu.pipeline_mode<synchronous>, transform_indices = @transform_3, window_bounds = array<i64: 1, 128>}, {transform_indices = @transform_4, window_bounds = array<i64: 1024, 128>}]} {
    %get3A = arith.constant 0 : index
    %get3A_0 = arith.constant 0 : index
    %get3A_1 = vector.load %arg1[%get3A, %get3A_0] : memref<1024x1xf32, #tpu.memory_space<vmem>>, vector<1024x1xf32>
    %get3A_2 = arith.constant 0 : index
    %get3A_3 = arith.constant 0 : index
    %get3A_4 = arith.constant 0 : index
    %get3A_5 = vector.load %arg2[%get3A_2, %get3A_3, %get3A_4] : memref<2x1024x64xf32, #tpu.memory_space<vmem>>, vector<1x1024x64xf32>
    %get3A_6 = vector.shape_cast %get3A_5 : vector<1x1024x64xf32> to vector<1024x64xf32>
    %get3A_7 = arith.constant 0 : index
    %get3A_8 = arith.constant 0 : index
    %get3A_9 = arith.constant 0 : index
    %get3A_10 = vector.load %arg3[%get3A_7, %get3A_8, %get3A_9] : memref<2x1024x64xf32, #tpu.memory_space<vmem>>, vector<1x1024x64xf32>
    %get3A_11 = vector.shape_cast %get3A_10 : vector<1x1024x64xf32> to vector<1024x64xf32>
    %add3A = arith.addf %get3A_6, %get3A_11 : vector<1024x64xf32>
    %mul3A = vector.broadcast %get3A_1 : vector<1024x1xf32> to vector<1024x64xf32>
    %mul3A_12 = arith.mulf %mul3A, %add3A : vector<1024x64xf32>
    %get3A_13 = arith.constant 0 : index
    %get3A_14 = arith.constant 0 : index
    %get3A_15 = vector.load %arg4[%get3A_13, %get3A_14] : memref<1x128xf32, #tpu.memory_space<vmem>>, vector<1x64xf32>
    %add3A_16 = vector.broadcast %get3A_15 : vector<1x64xf32> to vector<1024x64xf32>
    %add3A_17 = arith.addf %mul3A_12, %add3A_16 : vector<1024x64xf32>
    %max3A = arith.constant 0.000000e+00 : f32
    %max3A_18 = vector.broadcast %max3A : f32 to vector<1024x64xf32>
    %max3A_19 = arith.maximumf %add3A_17, %max3A_18 : vector<1024x64xf32>
    %swap3A = arith.constant 0 : index
    %swap3A_20 = arith.constant 0 : index
    %swap3A_21 = vector.load %arg5[%swap3A, %swap3A_20] : memref<1024x128xf32, #tpu.memory_space<vmem>>, vector<1024x64xf32>
    tpu.vector_store %arg5[%swap3A, %swap3A_20], %max3A_19 {strides = array<i32>} : memref<1024x128xf32, #tpu.memory_space<vmem>>, vector<1024x64xf32>,
    %get3A_22 = arith.constant 1 : index
    %get3A_23 = arith.constant 0 : index
    %get3A_24 = arith.constant 0 : index
    %get3A_25 = vector.load %arg2[%get3A_22, %get3A_23, %get3A_24] : memref<2x1024x64xf32, #tpu.memory_space<vmem>>, vector<1x1024x64xf32>
    %get3A_26 = vector.shape_cast %get3A_25 : vector<1x1024x64xf32> to vector<1024x64xf32>
    %get3A_27 = arith.constant 1 : index
    %get3A_28 = arith.constant 0 : index
    %get3A_29 = arith.constant 0 : index
    %get3A_30 = vector.load %arg3[%get3A_27, %get3A_28, %get3A_29] : memref<2x1024x64xf32, #tpu.memory_space<vmem>>, vector<1x1024x64xf32>
    %get3A_31 = vector.shape_cast %get3A_30 : vector<1x1024x64xf32> to vector<1024x64xf32>
    %add3A_32 = arith.addf %get3A_26, %get3A_31 : vector<1024x64xf32>
    %mul3A_33 = vector.broadcast %get3A_1 : vector<1024x1xf32> to vector<1024x64xf32>
    %mul3A_34 = arith.mulf %mul3A_33, %add3A_32 : vector<1024x64xf32>
    %get3A_35 = arith.constant 0 : index
    %get3A_36 = arith.constant 64 : index
    %get3A_37 = vector.load %arg4[%get3A_35, %get3A_36] : memref<1x128xf32, #tpu.memory_space<vmem>>, vector<1x64xf32>
    %add3A_38 = vector.broadcast %get3A_37 : vector<1x64xf32> to vector<1024x64xf32>
    %add3A_39 = arith.addf %mul3A_34, %add3A_38 : vector<1024x64xf32>
    %max3A_40 = arith.constant 0.000000e+00 : f32
    %max3A_41 = vector.broadcast %max3A_40 : f32 to vector<1024x64xf32>
    %max3A_42 = arith.maximumf %add3A_39, %max3A_41 : vector<1024x64xf32>
    %swap3A_43 = arith.constant 0 : index
    %swap3A_44 = arith.constant 64 : index
    %swap3A_45 = vector.load %arg5[%swap3A_43, %swap3A_44] : memref<1024x128xf32, #tpu.memory_space<vmem>>, vector<1024x64xf32>
    tpu.vector_store %arg5[%swap3A_43, %swap3A_44], %max3A_42 {strides = array<i32>} : memref<1024x128xf32, #tpu.memory_space<vmem>>, vector<1024x64xf32>,
    return
  }
  func.func @transform_0(%arg0: i32) -> (i32, i32) {
    %c0_i32 = arith.constant 0 : i32
    %c0_i32_0 = arith.constant 0 : i32
    return %arg0, %c0_i32 : i32, i32
  }
  func.func @transform_1(%arg0: i32) -> (i32, i32, i32) {
    %c0_i32 = arith.constant 0 : i32
    %c0_i32_0 = arith.constant 0 : i32
    %c0_i32_1 = arith.constant 0 : i32
    return %c0_i32, %arg0, %c0_i32_0 : i32, i32, i32
  }
  func.func @transform_2(%arg0: i32) -> (i32, i32, i32) {
    %c0_i32 = arith.constant 0 : i32
    %c0_i32_0 = arith.constant 0 : i32
    %c0_i32_1 = arith.constant 0 : i32
    return %c0_i32, %arg0, %c0_i32_0 : i32, i32, i32
  }
  func.func @transform_3(%arg0: i32) -> (i32, i32) {
    %c0_i32 = arith.constant 0 : i32
    %c0_i32_0 = arith.constant 0 : i32
    %c0_i32_1 = arith.constant 0 : i32
    return %c0_i32, %c0_i32_0 : i32, i32
  }
  func.func @transform_4(%arg0: i32) -> (i32, i32) {
    %c0_i32 = arith.constant 0 : i32
    %c0_i32_0 = arith.constant 0 : i32
    return %arg0, %c0_i32 : i32, i32
  }
}

</mosaic_0001>

<sc_bundles>
// kernel: kernel.12.cloned.1.call-start
scs
__scs_entry_jumppad:
0x0: {  	(pc) =	sbr.rel $0x88, $3  }
0x1: {  	(tag) =	ssettag $0x0;
	lr =	simm.s32 $0x1  }
0x2: {  	[smem:$0x3F97] =	sst lr;
	_ =	strace $0xD0000000  }
0x3: {  	_ = 	snop  }
0x4: {  	_ = 	snop  }
0x5: {  	_ = 	snop  }
0x6: {  	_ = 	snop  }
0x7: {  	_ = 	snop  }
__scs_overlays_trampoline_lowered:
0x8: {  	[smem:$0x3FA6] =	sst s0  }
0x9: {  	[smem:$0x3FA7] =	sst s1  }
0xa: {  	[smem:$0x3FA8] =	sst s2  }
0xb: {  	[smem:$0x3FA9] =	sst s3  }
0xc: {  	[smem:$0x3FAA] =	sst s4  }
0xd: {  	[smem:$0x3FAB] =	sst s5  }
0xe: {  	[smem:$0x3FAC] =	sst s6  }
0xf: {  	[smem:$0x3FAD] =	sst s7  }
0x10: {  	[smem:$0x3FAE] =	sst s8  }
0x11: {  	[smem:$0x3FAF] =	sst s9;
	s0 =	simm.s32 @!p0 $0x0  }
0x12: {  	s1 =	sld [smem:$0x3F95];
	s0 =	simm.s32 @p0 $0x1  }
0x13: {  	[smem:$0x3FB0] =	sst s0;
	s0 =	simm.s32 @!p1 $0x0  }
0x14: {  	s2 =	sld [smem:$0x3F94];
	s0 =	simm.s32 @p1 $0x1  }
0x15: {  	[smem:$0x3FB1] =	sst s0;
	s0 =	simm.s32 @!p2 $0x0  }
0x16: {  	s3 =	sld [smem:$0x3FDB];
	s0 =	simm.s32 @p2 $0x1  }
0x17: {  	s4 =	simm.s32 $0x1BF5;
	[smem:$0x3FB3] =	sst s0  }
0x18: {  	s0 =	sld [smem:$0x3F96];
	_ =	swait.ge [sflag:s4], $0x0  }
0x19: {  	s7 =	sld [smem:$0x3F97]  }
0x1a: {  	s8 =	sadd.s32 $0xFFFFE003, lr  }
0x1b: {  	s9 =	sadd.s32 $0xFFFFFEF7, lr;
	s5 =	simm.s32 $0xFFFFFFFF;
	p2 =	slt.u32 s8, $0xFFFFF086  }
0x1c: {  	p1 =	slt.u32 s9, $0xF7A;
	s5 =	simm.s32 @!p2 $0x0  }
0x1d: {  	s5 =	simm.s32 @p1 $0x1;
	p0 =	seq.s32 s7, s2  }
0x1e: {  	s7 =	smul.u32 @!p0 $0xF7A, s2;
	p2 =	seq.s32 @!p0 s5, $0x0  }
0x1f: {  	s9 =	smul.u32 $0xF7A, s1;
	s8 =	simm.s32 @!p0 $0x1BF5;
	p2 =	por !p2, p0  }
0x20: {  	[sflag:s8] =	ssyncset.s32 @!p0 $0xFFFFF086;
	s6 =	sadd.s32 @!p0 s3, s7;
	s7 =	simm.s32 @!p0 $0x108  }
0x21: {  	s3 =	sadd.s32 s3, s9;
	s6 =	sadd.s32 @!p0 $0x88, s6;
	s7 =	simm.s32 @p2 $0x1082  }
0x22: {  	[simem:s7], [sflag:s8] =	dma.local @!p0 [hbm:s6], $0xF7A  }
0x23: {  	s9 =	sor.u32 $0xD0000000, s2;
	s6 =	simm.s32 $0x108;
	_ =	swait.ge @!p0 [sflag:s8], $0x0  }
0x24: {  	s3 =	sadd.s32 $0x88, s3;
	s6 =	simm.s32 @!p1 $0x1082;
	[sflag:s4] =	ssyncset.s32 $0xFFFFF086  }
0x25: {  	[simem:s6], [sflag:s4] =	dma.local [hbm:s3], $0xF7A  }
0x26: {  	[smem:$0x3F97] =	sst s1;
	(tag) =	ssettag s2;
	_ =	strace s9  }
0x27: {  	s1 =	sld [smem:$0x3FA7]  }
0x28: {  	s2 =	sld [smem:$0x3FA8]  }
0x29: {  	s4 =	sld [smem:$0x3FAA]  }
0x2a: {  	p0 =	seq.s32 s5, $0x0;
	s5 =	sld [smem:$0x3FAB]  }
0x2b: {  	s6 =	sld [smem:$0x3FAC]  }
0x2c: {  	s7 =	sld [smem:$0x3FAD]  }
0x2d: {  	s3 =	simm.s32 $0x108;
	s8 =	sld [smem:$0x3FAE]  }
0x2e: {  	s3 =	simm.s32 @!p0 $0x1082;
	s9 =	sld [smem:$0x3FAF]  }
0x2f: {  	lr =	sadd.s32 s0, s3;
	s0 =	sld [smem:$0x3FA6]  }
0x30: {  	s3 =	sld [smem:$0x3FA9]  }
0x31: {  	[smem:$0x3FB2] =	sst s10  }
0x32: {  	s10 =	sld [smem:$0x3FB0];
	_ =	sdelay $0x3  }
0x33: {  	p0 =	seq.s32 s10, $0x1;
	s10 =	sld [smem:$0x3FB2];
	_ =	sdelay $0x3  }
0x34: {  	[smem:$0x3FB2] =	sst s10  }
0x35: {  	s10 =	sld [smem:$0x3FB1];
	_ =	sdelay $0x3  }
0x36: {  	p1 =	seq.s32 s10, $0x1;
	s10 =	sld [smem:$0x3FB2];
	_ =	sdelay $0x3  }
0x37: {  	[smem:$0x3FB2] =	sst s10  }
0x38: {  	s10 =	sld [smem:$0x3FB3]  }
0x39: {  	_ = 	snop;
	(pc) =	sbr.ind lr, $3  }
0x3a: {  	_ = 	snop  }
0x3b: {  	_ = 	snop  }
0x3c: {  	p2 =	seq.s32 s10, $0x1;
	s10 =	sld [smem:$0x3FB2]  }
0x3d: {  	_ =	shalt  }
0x3e: {  	_ =	shalt  }
0x3f: {  	_ =	shalt  }
0x40: {  	_ =	shalt  }
0x41: {  	_ =	shalt  }
0x42: {  	_ =	shalt  }
0x43: {  	_ =	shalt  }
0x44: {  	_ =	shalt  }
0x45: {  	_ =	shalt  }
0x46: {  	_ =	shalt  }
0x47: {  	_ =	shalt  }
0x48: {  	_ =	shalt  }
0x49: {  	_ =	shalt  }
0x4a: {  	_ =	shalt  }
0x4b: {  	_ =	shalt  }
0x4c: {  	_ =	shalt  }
0x4d: {  	_ =	shalt  }
0x4e: {  	_ =	shalt  }
0x4f: {  	_ =	shalt  }
0x50: {  	_ =	shalt  }
0x51: {  	_ =	shalt  }
0x52: {  	_ =	shalt  }
0x53: {  	_ =	shalt  }
0x54: {  	_ =	shalt  }
0x55: {  	_ =	shalt  }
0x56: {  	_ =	shalt  }
0x57: {  	_ =	shalt  }
0x58: {  	_ =	shalt  }
0x59: {  	_ =	shalt  }
0x5a: {  	_ =	shalt  }
0x5b: {  	_ =	shalt  }
0x5c: {  	_ =	shalt  }
0x5d: {  	_ =	shalt  }
0x5e: {  	_ =	shalt  }
0x5f: {  	_ =	shalt  }
0x60: {  	_ =	shalt  }
0x61: {  	_ =	shalt  }
0x62: {  	_ =	shalt  }
0x63: {  	_ =	shalt  }
0x64: {  	_ =	shalt  }
0x65: {  	_ =	shalt  }
0x66: {  	_ =	shalt  }
0x67: {  	_ =	shalt  }
0x68: {  	_ =	shalt  }
0x69: {  	_ =	shalt  }
0x6a: {  	_ =	shalt  }
0x6b: {  	_ =	shalt  }
0x6c: {  	_ =	shalt  }
0x6d: {  	_ =	shalt  }
0x6e: {  	_ =	shalt  }
0x6f: {  	_ =	shalt  }
0x70: {  	_ =	shalt  }
0x71: {  	_ =	shalt  }
0x72: {  	_ =	shalt  }
0x73: {  	_ =	shalt  }
0x74: {  	_ =	shalt  }
0x75: {  	_ =	shalt  }
0x76: {  	_ =	shalt  }
0x77: {  	_ =	shalt  }
0x78: {  	_ =	shalt  }
0x79: {  	_ =	shalt  }
0x7a: {  	_ =	shalt  }
0x7b: {  	_ =	shalt  }
0x7c: {  	_ =	shalt  }
0x7d: {  	_ =	shalt  }
0x7e: {  	_ =	shalt  }
0x7f: {  	_ =	shalt  }
0x80: {  	_ =	shalt  }
0x81: {  	_ =	shalt  }
0x82: {  	_ =	shalt  }
0x83: {  	_ =	shalt  }
0x84: {  	_ =	shalt  }
0x85: {  	_ =	shalt  }
0x86: {  	_ =	shalt  }
0x87: {  	_ =	shalt  }
.Lfunc_end0:
.L_simem_size_0:
called_computation_lowered:
.L_overlay_start_0:
0x88: {  	s2 =	sld [smem:$0x3FD9]  }
0x89: {  	s3 =	sld [smem:$0x3FFE];
	_ =	sdelay $0x1  }
0x8a: {  	s1 =	srdreg.scid  }
0x8b: {  	s0 =	sand.u32 $0x1, s1  }
0x8c: {  	s17 =	sshll.u32 s0, $0xA;
	s2 =	sadd.s32 s3, s2  }
0x8d: {  	s2 =	sadd.s32 s2, s17  }
0x8e: {  	[smem:$0x3FBE] =	sst s2  }
0x8f: {  	_ = 	snop  }
0x90: {  	s2 =	sld [smem:$0x3FD0];
	(tm) =	ssettm $0x1  }
0x91: {  	s18 =	sld [smem:$0x3FFB];
	_ =	sdelay $0x3  }
0x92: {  	_ =	strace s18  }
0x93: {  	s3 =	sld [smem:$0x3FFC];
	_ =	sdelay $0x3  }
0x94: {  	_ =	strace s3  }
0x95: {  	s3 =	sld [smem:$0x3FFD];
	_ =	sdelay $0x3  }
0x96: {  	_ =	strace s3  }
0x97: {  	_ =	strace $0x8FFFFFFF  }
0x98: {  	s19 =	sld [smem:$0x3FDB];
	_ =	sdelay $0x1  }
0x99: {  	s4 =	simm.s32 $_scs_section_size  }
0x9a: {  	s5 =	simm.s32 $_size__tile_overlayer_lowered;
	s6 =	simm.s32 $_tile_overlayer_lowered  }
0x9b: {  	s22 =	simm.s32 $0x1BFF;
	s21 =	sshll.u32 s6, $0x1;
	s3 =	sadd.s32 s4, s19  }
0x9c: {  	s7 =	simm.s32 $0x0;
	s20 =	sshll.u32 s5, $0x1;
	s5 =	sadd.s32 s21, s3  }
0x9d: {  	[timem:s7], [sflag:s22] =	dma.local [hbm:s5], s20  }
0x9e: {  	_ =	swait.ge [sflag:s22], s20  }
0x9f: {  	s4 =	ssub.s32 $0x0, s20;
	[sflag:s22] =	ssyncset.done $0x0  }
0xa0: {  	[sflag:s22] =	ssyncadd.s32 s4;
	_ =	sdelay $0x1  }
0xa1: {  	s23 =	simm.s32 $0x1B8B  }
0xa2: {  	_ =	swait.ge [sflag:s23], $0x1  }
0xa3: {  	[sflag:s23] =	ssyncset.done $0x0  }
0xa4: {  	s25 =	simm.s32 $0x1B8E;
	s24 =	sld [smem:$0x3FFE];
	[sflag:s23] =	ssyncadd.s32 $0xFFFFFFFF  }
0xa5: {  	s26 =	simm.s32 $execute0_lowered;
	[smem:$0x3FD2] =	sst s25  }
0xa6: {  	s5 =	sshll.u32 s26, $0x1;
	_ =	strace $0x80000046;
	[dreg:$0x1] =	wrdreg $0xFFFFFFFF  }
0xa7: {  	s28 =	simm.s32 $_size_execute0_lowered;
	s3 =	sadd.s32 s3, s5;
	[dreg:$0x0] =	wrdreg $0x0  }
0xa8: {  	s5 =	sshll.u32 s28, $0x1;
	[dreg:$0x2] =	wrdreg s3  }
0xa9: {  	[dreg:$0x3] =	wrdreg s5  }
0xaa: {  	[dreg:$0x4] =	wrdreg $0xC0  }
0xab: {  	_ =	task [dreg:s7], $0x5FFFF  }
0xac: {  	[dreg:$0x1] =	wrdreg $0xFFFFFFFF  }
0xad: {  	[dreg:$0x0] =	wrdreg $0x60  }
0xae: {  	[dreg:$0x2] =	wrdreg s2  }
0xaf: {  	[dreg:$0x3] =	wrdreg s24  }
0xb0: {  	[dreg:$0x4] =	wrdreg $0x28800  }
0xb1: {  	[dreg:$0x5] =	wrdreg $0x9  }
0xb2: {  	_ =	task.clear_ibuf [dreg:s7], $0x6FFFF;
	_ =	strace $0x90000046  }
0xb3: {  	s29 =	simm.s32 $0x9;
	_ =	strace $0x80000048  }
0xb4: {  	_ =	swait.ge [sflag:s29], $0x1  }
0xb5: {  	[sflag:s29] =	ssyncadd.s32 $0xFFFFFFFF  }
0xb6: {  	_ =	strace $0x90000048  }
0xb7: {  	_ =	sfence  }
0xb8: {  	s30 =	sld [smem:$0x0];
	_ =	sdelay $0x2  }
0xb9: {  	s31 =	sshll.u32 s1, $0xD;
	s1 =	sshrl.u32 s1, $0x2  }
0xba: {  	s3 =	sand.u32 $0x4000, s31;
	s1 =	sadd.s32 s1, s30  }
0xbb: {  	s0 =	sor.u32 s3, s0;
	s1 =	sshll.u32 s1, $0x11  }
0xbc: {  	s0 =	sor.u32 s1, s0  }
0xbd: {  	s0 =	sadd.s32 $0x8F2B, s0  }
0xbe: {  	[sflag:s0] =	ssyncadd.remote.s32 $0x1  }
0xbf: {  	_ =	sfence.sel $0xFFFF  }
0xc0: {  	[dreg:$0x0] =	wrdreg $0xFFFFFFFF;
	(pc) =	sbr.abs _section_cstart, $3  }
0xc1: {  	[dreg:$0x1] =	wrdreg $0xFFFFFFFF  }
0xc2: {  	_ =	task.clear_ibuf [dreg:s7], $0x2FFFF;
	_ =	strace $0x9FFFFFFF  }
0xc3: {  	(tm) =	ssettm $0x7FFFFFFF  }
tec
execute0_lowered:
.L_overlay_start_1:
0x0: {  	(tag) =	ssettag $0x1  }
0x1: {  	s4 =	rddreg [dreg:$0x0]  }
0x2: {  	s5 =	rddreg [dreg:$0x1]  }
0x3: {  	s2 =	rddreg [dreg:$0x2]  }
0x4: {  	s0 =	rddreg [dreg:$0x3];
	s1 =	stileid.u32  }
0x5: {  	s3 =	simm.s32 $0x0;
	s7 =	srdreg.scid;
	s12 =	simm.s32 $0x2800  }
0x6: {  	s13 =	simm.s32 $0x20;
	s14 =	simm.s32 $0x10;
	s15 =	simm.s32 $0x0  }
0x7: {  	s6 =	smul.u32 $0x280, s1;
	[smem:$0x7FF] =	sst s3;
	s7 =	sand.u32 $0x1, s7  }
0x8: {  	s8 =	smul.u32 $0x500, s1;
	s10 =	sshll.u32 s1, $0x1;
	s31 =	sshll.u32 s1, $0x6  }
0x9: {  	_ =	strace $0x80000047;
	s9 =	sshll.u32 s7, $0x7;
	s26 =	sor.u32 s7, s10  }
0xa: {  	s7 =	ssub.s32 $0x2, s7;
	s11 =	sshrl.u32 s6, $0x3;
	s8 =	sor.u32 s9, s8  }
0xb: {  	s9 =	smul.u32 $0x500, s26;
	s29 =	sshrl.u32 s7, $0x1;
	s30 =	sadd.s32 s6, s2  }
0xc: {  	s8 =	sshrl.u32 s8, $0x3;
	s28 =	sadd.s32 s11, s5;
	s7 =	ssub.s32 s7, s29  }
0xd: {  	s10 =	sshrl.u32 s30, $0x3;
	s11 =	simm.s32 $0x80;
	s8 =	sadd.s32 s8, s5  }
0xe: {  	s4 =	sadd.s32 s4, s9;
	s5 =	sadd.s32 $0x3200, s28;
	s7 =	smax.u32 s7, $0x1  }
0xf: {  	v0 =	vimm.f32 $1.000000000e+00;
	s9 =	sor.u32 $0x1C01, s31;
	s6 =	sadd.s32 $0x3800, s8;
	s8 =	simm.s32 $0x1  }
.LBB2_1:
0x10: {  	[tilespmem:s3], [sflag:$0x1] =	stream.linear.gather [hbm4b:s4+s3], $0x2800, $0x38;
	[tilespmem:$0x2B00] =	vst v63  }
0x11: {  	_ =	swait.ge [sflag:s8], $0x2800  }
0x12: {  	[sflag:s8] =	ssyncset.done $0x0  }
0x13: {  	[sflag:s8] =	ssyncadd.s32 $0xFFFFD800  }
0x14: {  	[tilespmem:$0x2800] =	vst v0  }
0x15: {  	[tilespmem:$0x2810] =	vst v0  }
0x16: {  	[tilespmem:$0x2820] =	vst v0  }
0x17: {  	[tilespmem:$0x2830] =	vst v0  }
0x18: {  	[tilespmem:$0x2840] =	vst v0  }
0x19: {  	[tilespmem:$0x2850] =	vst v0  }
0x1a: {  	[tilespmem:$0x2860] =	vst v0  }
0x1b: {  	[tilespmem:$0x2870] =	vst v0  }
0x1c: {  	[spmem:s10], [sflag:s9] =	dma.local [hbm:s5], $0x50  }
0x1d: {  	_ =	swait.ge [sflag:s8], $0x50  }
0x1e: {  	[sflag:s8] =	ssyncset.done $0x0  }
0x1f: {  	[sflag:s8] =	ssyncadd.s32 $0xFFFFFFB0  }
0x20: {  	s16 =	simm.s32 $0x0;
	[bflag:$0x0] =	sbarrier.arrive $0xFFFF  }
0x21: {  	[spmem:s2] =	stream.indirect.scatter.add.f32 [tilespmem:s12], [sflag:$0x1], $0x1, s16, s11, $0xb8;
	[tilespmem:$0x2B00] =	vst v63  }
0x22: {  	_ =	swait.ge [sflag:s8], $0x80  }
0x23: {  	s16 =	simm.s32 $0x200;
	[sflag:s8] =	ssyncset.done $0x0  }
.LBB2_2:
0x24: {  	s17 =	sshra.s32 s16, $0x2;
	[sflag:s8] =	ssyncadd.s32 $0xFFFFFF80;
	p0 =	sne.s32 s16, $0x9E00  }
0x25: {  	[spmem:s2] =	stream.indirect.scatter.add.f32 [tilespmem:s12], [sflag:$0x1], $0x1, s17, s11, $0xb8;
	[tilespmem:$0x2B00] =	vst v63  }
.Ltmp0:
0x26: {  	_ = 	snop;
	(pc) =	sbr.rel @p0 .LBB2_2-.Ltmp0, $4  }
0x27: {  	_ = 	snop  }
0x28: {  	s16 =	sadd.s32 $0x200, s16  }
0x29: {  	_ =	swait.ge [sflag:s8], $0x80  }
0x2a: {  	[sflag:s8] =	ssyncset.done $0x0  }
0x2b: {  	s15 =	sadd.s32 $0x1, s15  }
0x2c: {  	[sflag:s8] =	ssyncadd.s32 $0xFFFFFF80;
	p0 =	sne.s32 s15, s7  }
.Ltmp1:
0x2d: {  	[bflag:$0x0] =	sbarrier.arrive $0xFFFF;
	(pc) =	sbr.rel @p0 .LBB2_1-.Ltmp1, $4  }
0x2e: {  	[hbm:s6@s13], [sflag:s9] =	dma.strided [spmem:s10@s14], $0x50, s8, $0x10   }
0x2f: {  	_ =	swait.ge [sflag:s8], $0x50  }
0x30: {  	[sflag:s8] =	ssyncset.done $0x0  }
0x31: {  	[sflag:s8] =	ssyncadd.s32 $0xFFFFFFB0  }
0x32: {  	_ =	sfence.sel $0x180000  }
0x33: {  	[bflag:$0x0] =	sbarrier.arrive $0xFFFF  }
0x34: {  	p0 =	sne.s32 s1, $0x0;
	_ =	strace $0x90000047  }
0x35: {  	s0 =	sadd.s32 @!p0 $0x100000, s0;
	[bflag:$0x2] =	sbarrier.arrive $0xFFFF  }
0x36: {  	[sflag:s0] =	ssyncadd.tile.s32 @!p0 $0x1;
	_ =	shalt  }
.Lfunc_end2:
_tile_overlayer_lowered:
.L_overlay_start_2:
0x37: {  	(tag) =	ssettag $0x2  }
0x38: {  	s0 =	rddreg [dreg:$0x0];
	s2 =	stileid.u32  }
0x39: {  	s1 =	rddreg [dreg:$0x1];
	p0 =	sne.s32 s2, $0x0  }
0x3a: {  	s3 =	rddreg [dreg:$0x2];
	[bflag:$0x3] =	sbarrier.arrive $0xFFFF;
	s2 =	simm.s32 @!p0 $0x1C01  }
0x3b: {  	[timem:s3], [sflag:s2] =	dma.local @!p0 [hbm:s0], s1  }
0x3c: {  	s0 =	simm.s32 @!p0 $0x1  }
0x3d: {  	_ =	swait.ge @!p0 [sflag:s0], s1  }
0x3e: {  	s1 =	ssub.s32 @!p0 $0x0, s1;
	[sflag:s0] =	ssyncset.done @!p0 $0x0  }
0x3f: {  	[sflag:s0] =	ssyncadd.s32 @!p0 s1  }
0x40: {  	[bflag:$0x3] =	sbarrier.arrive $0xFFFF  }
0x41: {  	_ =	shalt  }

// kernel: kernel.15.cloned.1.call-start
scs
__scs_entry_jumppad:
0x0: {  	(pc) =	sbr.rel $0x88, $3  }
0x1: {  	(tag) =	ssettag $0x0;
	lr =	simm.s32 $0x1  }
0x2: {  	[smem:$0x3F97] =	sst lr;
	_ =	strace $0xD0000000  }
0x3: {  	_ = 	snop  }
0x4: {  	_ = 	snop  }
0x5: {  	_ = 	snop  }
0x6: {  	_ = 	snop  }
0x7: {  	_ = 	snop  }
__scs_overlays_trampoline_lowered:
0x8: {  	[smem:$0x3FA6] =	sst s0  }
0x9: {  	[smem:$0x3FA7] =	sst s1  }
0xa: {  	[smem:$0x3FA8] =	sst s2  }
0xb: {  	[smem:$0x3FA9] =	sst s3  }
0xc: {  	[smem:$0x3FAA] =	sst s4  }
0xd: {  	[smem:$0x3FAB] =	sst s5  }
0xe: {  	[smem:$0x3FAC] =	sst s6  }
0xf: {  	[smem:$0x3FAD] =	sst s7  }
0x10: {  	[smem:$0x3FAE] =	sst s8  }
0x11: {  	[smem:$0x3FAF] =	sst s9;
	s0 =	simm.s32 @!p0 $0x0  }
0x12: {  	s1 =	sld [smem:$0x3F95];
	s0 =	simm.s32 @p0 $0x1  }
0x13: {  	[smem:$0x3FB0] =	sst s0;
	s0 =	simm.s32 @!p1 $0x0  }
0x14: {  	s2 =	sld [smem:$0x3F94];
	s0 =	simm.s32 @p1 $0x1  }
0x15: {  	[smem:$0x3FB1] =	sst s0;
	s0 =	simm.s32 @!p2 $0x0  }
0x16: {  	s3 =	sld [smem:$0x3FDB];
	s0 =	simm.s32 @p2 $0x1  }
0x17: {  	s4 =	simm.s32 $0x1BF5;
	[smem:$0x3FB3] =	sst s0  }
0x18: {  	s0 =	sld [smem:$0x3F96];
	_ =	swait.ge [sflag:s4], $0x0  }
0x19: {  	s7 =	sld [smem:$0x3F97]  }
0x1a: {  	s8 =	sadd.s32 $0xFFFFE003, lr  }
0x1b: {  	s9 =	sadd.s32 $0xFFFFFEF7, lr;
	s5 =	simm.s32 $0xFFFFFFFF;
	p2 =	slt.u32 s8, $0xFFFFF086  }
0x1c: {  	p1 =	slt.u32 s9, $0xF7A;
	s5 =	simm.s32 @!p2 $0x0  }
0x1d: {  	s5 =	simm.s32 @p1 $0x1;
	p0 =	seq.s32 s7, s2  }
0x1e: {  	s7 =	smul.u32 @!p0 $0xF7A, s2;
	p2 =	seq.s32 @!p0 s5, $0x0  }
0x1f: {  	s9 =	smul.u32 $0xF7A, s1;
	s8 =	simm.s32 @!p0 $0x1BF5;
	p2 =	por !p2, p0  }
0x20: {  	[sflag:s8] =	ssyncset.s32 @!p0 $0xFFFFF086;
	s6 =	sadd.s32 @!p0 s3, s7;
	s7 =	simm.s32 @!p0 $0x108  }
0x21: {  	s3 =	sadd.s32 s3, s9;
	s6 =	sadd.s32 @!p0 $0x88, s6;
	s7 =	simm.s32 @p2 $0x1082  }
0x22: {  	[simem:s7], [sflag:s8] =	dma.local @!p0 [hbm:s6], $0xF7A  }
0x23: {  	s9 =	sor.u32 $0xD0000000, s2;
	s6 =	simm.s32 $0x108;
	_ =	swait.ge @!p0 [sflag:s8], $0x0  }
0x24: {  	s3 =	sadd.s32 $0x88, s3;
	s6 =	simm.s32 @!p1 $0x1082;
	[sflag:s4] =	ssyncset.s32 $0xFFFFF086  }
0x25: {  	[simem:s6], [sflag:s4] =	dma.local [hbm:s3], $0xF7A  }
0x26: {  	[smem:$0x3F97] =	sst s1;
	(tag) =	ssettag s2;
	_ =	strace s9  }
0x27: {  	s1 =	sld [smem:$0x3FA7]  }
0x28: {  	s2 =	sld [smem:$0x3FA8]  }
0x29: {  	s4 =	sld [smem:$0x3FAA]  }
0x2a: {  	p0 =	seq.s32 s5, $0x0;
	s5 =	sld [smem:$0x3FAB]  }
0x2b: {  	s6 =	sld [smem:$0x3FAC]  }
0x2c: {  	s7 =	sld [smem:$0x3FAD]  }
0x2d: {  	s3 =	simm.s32 $0x108;
	s8 =	sld [smem:$0x3FAE]  }
0x2e: {  	s3 =	simm.s32 @!p0 $0x1082;
	s9 =	sld [smem:$0x3FAF]  }
0x2f: {  	lr =	sadd.s32 s0, s3;
	s0 =	sld [smem:$0x3FA6]  }
0x30: {  	s3 =	sld [smem:$0x3FA9]  }
0x31: {  	[smem:$0x3FB2] =	sst s10  }
0x32: {  	s10 =	sld [smem:$0x3FB0];
	_ =	sdelay $0x3  }
0x33: {  	p0 =	seq.s32 s10, $0x1;
	s10 =	sld [smem:$0x3FB2];
	_ =	sdelay $0x3  }
0x34: {  	[smem:$0x3FB2] =	sst s10  }
0x35: {  	s10 =	sld [smem:$0x3FB1];
	_ =	sdelay $0x3  }
0x36: {  	p1 =	seq.s32 s10, $0x1;
	s10 =	sld [smem:$0x3FB2];
	_ =	sdelay $0x3  }
0x37: {  	[smem:$0x3FB2] =	sst s10  }
0x38: {  	s10 =	sld [smem:$0x3FB3]  }
0x39: {  	_ = 	snop;
	(pc) =	sbr.ind lr, $3  }
0x3a: {  	_ = 	snop  }
0x3b: {  	_ = 	snop  }
0x3c: {  	p2 =	seq.s32 s10, $0x1;
	s10 =	sld [smem:$0x3FB2]  }
0x3d: {  	_ =	shalt  }
0x3e: {  	_ =	shalt  }
0x3f: {  	_ =	shalt  }
0x40: {  	_ =	shalt  }
0x41: {  	_ =	shalt  }
0x42: {  	_ =	shalt  }
0x43: {  	_ =	shalt  }
0x44: {  	_ =	shalt  }
0x45: {  	_ =	shalt  }
0x46: {  	_ =	shalt  }
0x47: {  	_ =	shalt  }
0x48: {  	_ =	shalt  }
0x49: {  	_ =	shalt  }
0x4a: {  	_ =	shalt  }
0x4b: {  	_ =	shalt  }
0x4c: {  	_ =	shalt  }
0x4d: {  	_ =	shalt  }
0x4e: {  	_ =	shalt  }
0x4f: {  	_ =	shalt  }
0x50: {  	_ =	shalt  }
0x51: {  	_ =	shalt  }
0x52: {  	_ =	shalt  }
0x53: {  	_ =	shalt  }
0x54: {  	_ =	shalt  }
0x55: {  	_ =	shalt  }
0x56: {  	_ =	shalt  }
0x57: {  	_ =	shalt  }
0x58: {  	_ =	shalt  }
0x59: {  	_ =	shalt  }
0x5a: {  	_ =	shalt  }
0x5b: {  	_ =	shalt  }
0x5c: {  	_ =	shalt  }
0x5d: {  	_ =	shalt  }
0x5e: {  	_ =	shalt  }
0x5f: {  	_ =	shalt  }
0x60: {  	_ =	shalt  }
0x61: {  	_ =	shalt  }
0x62: {  	_ =	shalt  }
0x63: {  	_ =	shalt  }
0x64: {  	_ =	shalt  }
0x65: {  	_ =	shalt  }
0x66: {  	_ =	shalt  }
0x67: {  	_ =	shalt  }
0x68: {  	_ =	shalt  }
0x69: {  	_ =	shalt  }
0x6a: {  	_ =	shalt  }
0x6b: {  	_ =	shalt  }
0x6c: {  	_ =	shalt  }
0x6d: {  	_ =	shalt  }
0x6e: {  	_ =	shalt  }
0x6f: {  	_ =	shalt  }
0x70: {  	_ =	shalt  }
0x71: {  	_ =	shalt  }
0x72: {  	_ =	shalt  }
0x73: {  	_ =	shalt  }
0x74: {  	_ =	shalt  }
0x75: {  	_ =	shalt  }
0x76: {  	_ =	shalt  }
0x77: {  	_ =	shalt  }
0x78: {  	_ =	shalt  }
0x79: {  	_ =	shalt  }
0x7a: {  	_ =	shalt  }
0x7b: {  	_ =	shalt  }
0x7c: {  	_ =	shalt  }
0x7d: {  	_ =	shalt  }
0x7e: {  	_ =	shalt  }
0x7f: {  	_ =	shalt  }
0x80: {  	_ =	shalt  }
0x81: {  	_ =	shalt  }
0x82: {  	_ =	shalt  }
0x83: {  	_ =	shalt  }
0x84: {  	_ =	shalt  }
0x85: {  	_ =	shalt  }
0x86: {  	_ =	shalt  }
0x87: {  	_ =	shalt  }
.Lfunc_end0:
.L_simem_size_0:
called_computation.1_lowered:
.L_overlay_start_0:
0x88: {  	s2 =	sld [smem:$0x3FD9]  }
0x89: {  	s3 =	sld [smem:$0x3FFE];
	_ =	sdelay $0x1  }
0x8a: {  	s1 =	srdreg.scid  }
0x8b: {  	s0 =	sand.u32 $0x1, s1  }
0x8c: {  	s17 =	sshll.u32 s0, $0xA;
	s2 =	sadd.s32 s3, s2  }
0x8d: {  	s2 =	sadd.s32 s2, s17  }
0x8e: {  	[smem:$0x3FBE] =	sst s2  }
0x8f: {  	_ = 	snop  }
0x90: {  	s2 =	sld [smem:$0x3FD0];
	(tm) =	ssettm $0x1  }
0x91: {  	s18 =	sld [smem:$0x3FFB];
	_ =	sdelay $0x3  }
0x92: {  	_ =	strace s18  }
0x93: {  	s3 =	sld [smem:$0x3FFC];
	_ =	sdelay $0x3  }
0x94: {  	_ =	strace s3  }
0x95: {  	s3 =	sld [smem:$0x3FFD];
	_ =	sdelay $0x3  }
0x96: {  	_ =	strace s3  }
0x97: {  	_ =	strace $0x8FFFFFFF  }
0x98: {  	s19 =	sld [smem:$0x3FDB];
	_ =	sdelay $0x1  }
0x99: {  	s4 =	simm.s32 $_scs_section_size  }
0x9a: {  	s5 =	simm.s32 $_size__tile_overlayer_lowered;
	s6 =	simm.s32 $_tile_overlayer_lowered  }
0x9b: {  	s22 =	simm.s32 $0x1BFF;
	s21 =	sshll.u32 s6, $0x1;
	s3 =	sadd.s32 s4, s19  }
0x9c: {  	s7 =	simm.s32 $0x0;
	s20 =	sshll.u32 s5, $0x1;
	s5 =	sadd.s32 s21, s3  }
0x9d: {  	[timem:s7], [sflag:s22] =	dma.local [hbm:s5], s20  }
0x9e: {  	_ =	swait.ge [sflag:s22], s20  }
0x9f: {  	s4 =	ssub.s32 $0x0, s20;
	[sflag:s22] =	ssyncset.done $0x0  }
0xa0: {  	[sflag:s22] =	ssyncadd.s32 s4;
	_ =	sdelay $0x1  }
0xa1: {  	s23 =	simm.s32 $0x1B8B  }
0xa2: {  	_ =	swait.ge [sflag:s23], $0x1  }
0xa3: {  	[sflag:s23] =	ssyncset.done $0x0  }
0xa4: {  	s25 =	simm.s32 $0x1B8E;
	s24 =	sld [smem:$0x3FFE];
	[sflag:s23] =	ssyncadd.s32 $0xFFFFFFFF  }
0xa5: {  	s26 =	simm.s32 $execute0_lowered;
	[smem:$0x3FD2] =	sst s25  }
0xa6: {  	s5 =	sshll.u32 s26, $0x1;
	_ =	strace $0x80000049;
	[dreg:$0x1] =	wrdreg $0xFFFFFFFF  }
0xa7: {  	s28 =	simm.s32 $_size_execute0_lowered;
	s3 =	sadd.s32 s3, s5;
	[dreg:$0x0] =	wrdreg $0x0  }
0xa8: {  	s5 =	sshll.u32 s28, $0x1;
	[dreg:$0x2] =	wrdreg s3  }
0xa9: {  	[dreg:$0x3] =	wrdreg s5  }
0xaa: {  	[dreg:$0x4] =	wrdreg $0xC0  }
0xab: {  	_ =	task [dreg:s7], $0x5FFFF  }
0xac: {  	[dreg:$0x1] =	wrdreg $0xFFFFFFFF  }
0xad: {  	[dreg:$0x0] =	wrdreg $0x60  }
0xae: {  	[dreg:$0x2] =	wrdreg s24  }
0xaf: {  	[dreg:$0x3] =	wrdreg s2  }
0xb0: {  	[dreg:$0x4] =	wrdreg $0x120000  }
0xb1: {  	[dreg:$0x5] =	wrdreg $0x9  }
0xb2: {  	_ =	task.clear_ibuf [dreg:s7], $0x6FFFF;
	_ =	strace $0x90000049  }
0xb3: {  	s29 =	simm.s32 $0x9;
	_ =	strace $0x8000004B  }
0xb4: {  	_ =	swait.ge [sflag:s29], $0x1  }
0xb5: {  	[sflag:s29] =	ssyncadd.s32 $0xFFFFFFFF  }
0xb6: {  	_ =	strace $0x9000004B  }
0xb7: {  	_ =	sfence  }
0xb8: {  	s30 =	sld [smem:$0x0];
	_ =	sdelay $0x2  }
0xb9: {  	s31 =	sshll.u32 s1, $0xD;
	s1 =	sshrl.u32 s1, $0x2  }
0xba: {  	s3 =	sand.u32 $0x4000, s31;
	s1 =	sadd.s32 s1, s30  }
0xbb: {  	s0 =	sor.u32 s3, s0;
	s1 =	sshll.u32 s1, $0x11  }
0xbc: {  	s0 =	sor.u32 s1, s0  }
0xbd: {  	s0 =	sadd.s32 $0x8F2B, s0  }
0xbe: {  	[sflag:s0] =	ssyncadd.remote.s32 $0x1  }
0xbf: {  	_ =	sfence.sel $0xFFFF  }
0xc0: {  	[dreg:$0x0] =	wrdreg $0xFFFFFFFF;
	(pc) =	sbr.abs _section_cstart, $3  }
0xc1: {  	[dreg:$0x1] =	wrdreg $0xFFFFFFFF  }
0xc2: {  	_ =	task.clear_ibuf [dreg:s7], $0x2FFFF;
	_ =	strace $0x9FFFFFFF  }
0xc3: {  	(tm) =	ssettm $0x7FFFFFFF  }
tec
execute0_lowered:
.L_overlay_start_1:
0x0: {  	(tag) =	ssettag $0x1  }
0x1: {  	s0 =	rddreg [dreg:$0x0]  }
0x2: {  	s1 =	rddreg [dreg:$0x1];
	s3 =	srdreg.scid  }
0x3: {  	s2 =	rddreg [dreg:$0x2];
	s10 =	stileid.u32  }
0x4: {  	s15 =	simm.s32 $0x9;
	s17 =	simm.s32 $0xA000;
	s18 =	simm.s32 $0x80  }
0x5: {  	s19 =	simm.s32 $0xC000;
	s21 =	simm.s32 $0xE000;
	s23 =	simm.s32 $0x10000  }
0x6: {  	s28 =	simm.s32 $0x4;
	s29 =	simm.s32 $0x5;
	s6 =	smul.u32 $0xA00, s10  }
0x7: {  	s30 =	simm.s32 $0x6;
	s31 =	simm.s32 $0x7;
	s8 =	smul.u32 $0xA000, s10  }
0x8: {  	s4 =	sand.u32 $0x1, s3;
	s3 =	simm.s32 $0x0;
	s10 =	smul.u32 $0x28000, s10  }
0x9: {  	s5 =	smul.u32 $0xA0000, s4;
	[smem:$0x7FF] =	sst s3;
	s24 =	ssub.s32 $0x2, s4  }
0xa: {  	s4 =	sadd.s32 $0x3200, s0;
	_ =	strace $0x8000004A;
	s9 =	sadd.s32 s6, s0  }
0xb: {  	s11 =	sshrl.u32 s24, $0x1;
	s25 =	sshrl.u32 s10, $0x2;
	s6 =	sadd.s32 s1, s6  }
0xc: {  	s1 =	simm.s32 $0x0;
	s7 =	sshrl.u32 s5, $0x3;
	s5 =	sadd.s32 s8, s5  }
0xd: {  	s14 =	ssub.s32 s24, s11;
	s26 =	sadd.s32 s25, s2;
	s24 =	simm.s32 $0x1  }
0xe: {  	s25 =	simm.s32 $0x2;
	s12 =	sadd.s32 s7, s0;
	s5 =	sshrl.u32 s5, $0x3  }
0xf: {  	s7 =	sadd.s32 s8, s2;
	s8 =	sadd.s32 $0x2000, s26;
	s10 =	sadd.s32 $0x6000, s26  }
0x10: {  	s11 =	sadd.s32 $0x8000, s26;
	s14 =	smax.u32 s14, $0x1;
	s0 =	sadd.s32 s5, s0  }
0x11: {  	s5 =	sadd.s32 $0x4200, s9;
	s9 =	sadd.s32 $0x4000, s26;
	s12 =	sadd.s32 $0x86200, s12  }
0x12: {  	s26 =	simm.s32 $0x3;
	s13 =	sadd.s32 $0xAE200, s0;
	s0 =	simm.s32 $0x8  }
.LBB2_1:
0x13: {  	[tilespmem:s3], [sflag:$0x9] =	stream.linear.gather [hbm4b:s5+s3], $0x5000, $0x38;
	[tilespmem:$0x1C000] =	vst v63  }
0x14: {  	_ =	swait.ge [sflag:s15], $0x5000  }
0x15: {  	[sflag:s15] =	ssyncset.done $0x0  }
0x16: {  	s16 =	simm.s32 $0x5000;
	[sflag:s15] =	ssyncadd.s32 $0xFFFFB000  }
0x17: {  	[tilespmem:s16], [sflag:$0x9] =	stream.linear.gather [hbm4b:s6+s3], $0x5000, $0x38;
	[tilespmem:$0x1C000] =	vst v63  }
0x18: {  	_ =	swait.ge [sflag:s15], $0x5000  }
0x19: {  	[sflag:s15] =	ssyncset.done $0x0  }
0x1a: {  	[sflag:s15] =	ssyncadd.s32 $0xFFFFB000  }
0x1b: {  	[tilespmem:s17], [sflag:$0x9] =	stream.linear.gather [hbm4b:s4+s3], $0x2000, $0x38;
	[tilespmem:$0x1C000] =	vst v63  }
0x1c: {  	_ =	swait.ge [sflag:s15], $0x2000  }
0x1d: {  	[sflag:s15] =	ssyncset.done $0x0  }
0x1e: {  	[sflag:s15] =	ssyncadd.s32 $0xFFFFE000  }
0x1f: {  	[spmem:s7] =	stream.linear.scatter [tilespmem:s17], [sflag:$0x9], $0x2000, $0x38;
	[tilespmem:$0x1C000] =	vst v63  }
0x20: {  	_ =	swait.ge [sflag:s15], $0x2000  }
0x21: {  	[sflag:s15] =	ssyncset.done $0x0  }
0x22: {  	[sflag:s15] =	ssyncadd.s32 $0xFFFFE000  }
0x23: {  	[spmem:s8] =	stream.linear.scatter [tilespmem:s17], [sflag:$0x9], $0x2000, $0x38;
	[tilespmem:$0x1C000] =	vst v63  }
0x24: {  	_ =	swait.ge [sflag:s15], $0x2000  }
0x25: {  	[sflag:s15] =	ssyncset.done $0x0  }
0x26: {  	[sflag:s15] =	ssyncadd.s32 $0xFFFFE000  }
0x27: {  	[spmem:s9] =	stream.linear.scatter [tilespmem:s17], [sflag:$0x9], $0x2000, $0x38;
	[tilespmem:$0x1C000] =	vst v63  }
0x28: {  	_ =	swait.ge [sflag:s15], $0x2000  }
0x29: {  	[sflag:s15] =	ssyncset.done $0x0  }
0x2a: {  	[sflag:s15] =	ssyncadd.s32 $0xFFFFE000  }
0x2b: {  	[spmem:s10] =	stream.linear.scatter [tilespmem:s17], [sflag:$0x9], $0x2000, $0x38;
	[tilespmem:$0x1C000] =	vst v63  }
0x2c: {  	_ =	swait.ge [sflag:s15], $0x2000  }
0x2d: {  	[sflag:s15] =	ssyncset.done $0x0  }
0x2e: {  	[sflag:s15] =	ssyncadd.s32 $0xFFFFE000  }
0x2f: {  	[spmem:s11] =	stream.linear.scatter [tilespmem:s17], [sflag:$0x9], $0x2000, $0x38;
	[tilespmem:$0x1C000] =	vst v63  }
0x30: {  	_ =	swait.ge [sflag:s15], $0x2000  }
0x31: {  	[sflag:s15] =	ssyncset.done $0x0  }
0x32: {  	[sflag:s15] =	ssyncadd.s32 $0xFFFFE000  }
0x33: {  	[bflag:$0x0] =	sbarrier.arrive $0xFFFF  }
0x34: {  	[tilespmem:s17], [sflag:$0x1] =	stream.indirect.gather [hbm4b:s12+s18], $0x40, s3, s18, $0xb8;
	[tilespmem:$0x1C000] =	vst v63  }
0x35: {  	_ = 	snop  }
0x36: {  	[tilespmem:s19], [sflag:$0x2] =	stream.indirect.gather [hbm4b:s12+s18], $0x40, s18, s18, $0xb8;
	[tilespmem:$0x1C000] =	vst v63  }
0x37: {  	s22 =	simm.s32 $0x100  }
0x38: {  	[tilespmem:s21], [sflag:$0x3] =	stream.indirect.gather [hbm4b:s12+s18], $0x40, s22, s18, $0xb8;
	[tilespmem:$0x1C000] =	vst v63  }
0x39: {  	s20 =	simm.s32 $0x180  }
0x3a: {  	[tilespmem:s23], [sflag:$0x4] =	stream.indirect.gather [hbm4b:s12+s18], $0x40, s20, s18, $0xb8;
	[tilespmem:$0x1C000] =	vst v63  }
0x3b: {  	_ =	swait.ge [sflag:s24], $0x2000  }
0x3c: {  	[sflag:s24] =	ssyncset.done $0x0  }
0x3d: {  	s22 =	simm.s32 $0x5000;
	[sflag:s24] =	ssyncadd.s32 $0xFFFFE000  }
0x3e: {  	[spmem:s2] =	stream.indirect.scatter.add.f32 [tilespmem:s17], [sflag:$0x5], $0x40, s22, s18, $0xb8;
	[tilespmem:$0x1C000] =	vst v63  }
0x3f: {  	_ =	swait.ge [sflag:s25], $0x2000  }
0x40: {  	[sflag:s25] =	ssyncset.done $0x0  }
0x41: {  	s20 =	simm.s32 $0x5080;
	[sflag:s25] =	ssyncadd.s32 $0xFFFFE000  }
0x42: {  	[spmem:s2] =	stream.indirect.scatter.add.f32 [tilespmem:s19], [sflag:$0x6], $0x40, s20, s18, $0xb8;
	[tilespmem:$0x1C000] =	vst v63  }
0x43: {  	_ =	swait.ge [sflag:s26], $0x2000  }
0x44: {  	[sflag:s26] =	ssyncset.done $0x0  }
0x45: {  	s22 =	simm.s32 $0x5100;
	[sflag:s26] =	ssyncadd.s32 $0xFFFFE000  }
0x46: {  	[spmem:s2] =	stream.indirect.scatter.add.f32 [tilespmem:s21], [sflag:$0x7], $0x40, s22, s18, $0xb8;
	[tilespmem:$0x1C000] =	vst v63  }
0x47: {  	_ =	swait.ge [sflag:s28], $0x2000  }
0x48: {  	[sflag:s28] =	ssyncset.done $0x0  }
0x49: {  	s20 =	simm.s32 $0x5180;
	[sflag:s28] =	ssyncadd.s32 $0xFFFFE000  }
0x4a: {  	[spmem:s2] =	stream.indirect.scatter.add.f32 [tilespmem:s23], [sflag:$0x8], $0x40, s20, s18, $0xb8;
	[tilespmem:$0x1C000] =	vst v63  }
0x4b: {  	_ =	swait.ge [sflag:s29], $0x2000  }
0x4c: {  	[sflag:s29] =	ssyncset.done $0x0  }
0x4d: {  	s22 =	simm.s32 $0x200;
	[sflag:s29] =	ssyncadd.s32 $0xFFFFE000  }
0x4e: {  	[tilespmem:s17], [sflag:$0x1] =	stream.indirect.gather [hbm4b:s12+s18], $0x40, s22, s18, $0xb8;
	[tilespmem:$0x1C000] =	vst v63  }
0x4f: {  	_ =	swait.ge [sflag:s30], $0x2000  }
0x50: {  	[sflag:s30] =	ssyncset.done $0x0  }
0x51: {  	s20 =	simm.s32 $0x280;
	[sflag:s30] =	ssyncadd.s32 $0xFFFFE000  }
0x52: {  	[tilespmem:s19], [sflag:$0x2] =	stream.indirect.gather [hbm4b:s12+s18], $0x40, s20, s18, $0xb8;
	[tilespmem:$0x1C000] =	vst v63  }
0x53: {  	_ =	swait.ge [sflag:s31], $0x2000  }
0x54: {  	[sflag:s31] =	ssyncset.done $0x0  }
0x55: {  	s22 =	simm.s32 $0x300;
	[sflag:s31] =	ssyncadd.s32 $0xFFFFE000  }
0x56: {  	[tilespmem:s21], [sflag:$0x3] =	stream.indirect.gather [hbm4b:s12+s18], $0x40, s22, s18, $0xb8;
	[tilespmem:$0x1C000] =	vst v63  }
0x57: {  	_ =	swait.ge [sflag:s0], $0x2000  }
0x58: {  	[sflag:s0] =	ssyncset.done $0x0  }
0x59: {  	s16 =	simm.s32 $0x800;
	s20 =	simm.s32 $0x380;
	[sflag:s0] =	ssyncadd.s32 $0xFFFFE000  }
.LBB2_2:
0x5a: {  	[tilespmem:s23], [sflag:$0x4] =	stream.indirect.gather [hbm4b:s12+s18], $0x40, s20, s18, $0xb8;
	[tilespmem:$0x1C000] =	vst v63  }
0x5b: {  	s20 =	smov.u32 s16  }
0x5c: {  	p0 =	sne.s32 s16, $0x13000;
	s16 =	sadd.s32 $0x800, s16;
	_ =	swait.ge [sflag:s24], $0x2000  }
0x5d: {  	s20 =	sshra.s32 s20, $0x2;
	[sflag:s24] =	ssyncset.done $0x0  }
0x5e: {  	s22 =	sadd.s32 $0x5000, s20;
	[sflag:s24] =	ssyncadd.s32 $0xFFFFE000  }
0x5f: {  	[spmem:s2] =	stream.indirect.scatter.add.f32 [tilespmem:s17], [sflag:$0x5], $0x40, s22, s18, $0xb8;
	[tilespmem:$0x1C000] =	vst v63  }
0x60: {  	_ =	swait.ge [sflag:s25], $0x2000  }
0x61: {  	[sflag:s25] =	ssyncset.done $0x0  }
0x62: {  	s22 =	sadd.s32 $0x5080, s20;
	[sflag:s25] =	ssyncadd.s32 $0xFFFFE000  }
0x63: {  	[spmem:s2] =	stream.indirect.scatter.add.f32 [tilespmem:s19], [sflag:$0x6], $0x40, s22, s18, $0xb8;
	[tilespmem:$0x1C000] =	vst v63  }
0x64: {  	_ =	swait.ge [sflag:s26], $0x2000  }
0x65: {  	[sflag:s26] =	ssyncset.done $0x0  }
0x66: {  	s22 =	sadd.s32 $0x5100, s20;
	[sflag:s26] =	ssyncadd.s32 $0xFFFFE000  }
0x67: {  	[spmem:s2] =	stream.indirect.scatter.add.f32 [tilespmem:s21], [sflag:$0x7], $0x40, s22, s18, $0xb8;
	[tilespmem:$0x1C000] =	vst v63  }
0x68: {  	_ =	swait.ge [sflag:s28], $0x2000  }
0x69: {  	[sflag:s28] =	ssyncset.done $0x0  }
0x6a: {  	s22 =	sadd.s32 $0x5180, s20;
	[sflag:s28] =	ssyncadd.s32 $0xFFFFE000  }
0x6b: {  	[spmem:s2] =	stream.indirect.scatter.add.f32 [tilespmem:s23], [sflag:$0x8], $0x40, s22, s18, $0xb8;
	[tilespmem:$0x1C000] =	vst v63  }
0x6c: {  	_ =	swait.ge [sflag:s29], $0x2000  }
0x6d: {  	[sflag:s29] =	ssyncset.done $0x0  }
0x6e: {  	s22 =	sadd.s32 $0x200, s20;
	[sflag:s29] =	ssyncadd.s32 $0xFFFFE000  }
0x6f: {  	[tilespmem:s17], [sflag:$0x1] =	stream.indirect.gather [hbm4b:s12+s18], $0x40, s22, s18, $0xb8;
	[tilespmem:$0x1C000] =	vst v63  }
0x70: {  	_ =	swait.ge [sflag:s30], $0x2000  }
0x71: {  	[sflag:s30] =	ssyncset.done $0x0  }
0x72: {  	s22 =	sadd.s32 $0x280, s20;
	[sflag:s30] =	ssyncadd.s32 $0xFFFFE000  }
0x73: {  	[tilespmem:s19], [sflag:$0x2] =	stream.indirect.gather [hbm4b:s12+s18], $0x40, s22, s18, $0xb8;
	[tilespmem:$0x1C000] =	vst v63  }
0x74: {  	_ =	swait.ge [sflag:s31], $0x2000  }
0x75: {  	[sflag:s31] =	ssyncset.done $0x0  }
.Ltmp0:
0x76: {  	s22 =	sadd.s32 $0x300, s20;
	[sflag:s31] =	ssyncadd.s32 $0xFFFFE000;
	(pc) =	sbr.rel @p0 .LBB2_2-.Ltmp0, $4  }
0x77: {  	[tilespmem:s21], [sflag:$0x3] =	stream.indirect.gather [hbm4b:s12+s18], $0x40, s22, s18, $0xb8;
	[tilespmem:$0x1C000] =	vst v63  }
0x78: {  	_ =	swait.ge [sflag:s0], $0x2000  }
0x79: {  	[sflag:s0] =	ssyncset.done $0x0  }
0x7a: {  	s20 =	sadd.s32 $0x380, s20;
	[sflag:s0] =	ssyncadd.s32 $0xFFFFE000  }
0x7b: {  	[tilespmem:s23], [sflag:$0x4] =	stream.indirect.gather [hbm4b:s12+s18], $0x40, s20, s18, $0xb8;
	[tilespmem:$0x1C000] =	vst v63  }
0x7c: {  	_ =	swait.ge [sflag:s24], $0x2000  }
0x7d: {  	[sflag:s24] =	ssyncset.done $0x0  }
0x7e: {  	s16 =	simm.s32 $0x9E00;
	[sflag:s24] =	ssyncadd.s32 $0xFFFFE000  }
0x7f: {  	[spmem:s2] =	stream.indirect.scatter.add.f32 [tilespmem:s17], [sflag:$0x5], $0x40, s16, s18, $0xb8;
	[tilespmem:$0x1C000] =	vst v63  }
0x80: {  	_ =	swait.ge [sflag:s25], $0x2000  }
0x81: {  	[sflag:s25] =	ssyncset.done $0x0  }
0x82: {  	s22 =	simm.s32 $0x9E80;
	[sflag:s25] =	ssyncadd.s32 $0xFFFFE000  }
0x83: {  	[spmem:s2] =	stream.indirect.scatter.add.f32 [tilespmem:s19], [sflag:$0x6], $0x40, s22, s18, $0xb8;
	[tilespmem:$0x1C000] =	vst v63  }
0x84: {  	_ =	swait.ge [sflag:s26], $0x2000  }
0x85: {  	[sflag:s26] =	ssyncset.done $0x0  }
0x86: {  	s20 =	simm.s32 $0x9F00;
	[sflag:s26] =	ssyncadd.s32 $0xFFFFE000  }
0x87: {  	[spmem:s2] =	stream.indirect.scatter.add.f32 [tilespmem:s21], [sflag:$0x7], $0x40, s20, s18, $0xb8;
	[tilespmem:$0x1C000] =	vst v63  }
0x88: {  	_ =	swait.ge [sflag:s28], $0x2000  }
0x89: {  	[sflag:s28] =	ssyncset.done $0x0  }
0x8a: {  	s22 =	simm.s32 $0x9F80;
	[sflag:s28] =	ssyncadd.s32 $0xFFFFE000  }
0x8b: {  	[spmem:s2] =	stream.indirect.scatter.add.f32 [tilespmem:s23], [sflag:$0x8], $0x40, s22, s18, $0xb8;
	[tilespmem:$0x1C000] =	vst v63  }
0x8c: {  	_ =	swait.ge [sflag:s29], $0x2000  }
0x8d: {  	[sflag:s29] =	ssyncset.done $0x0  }
0x8e: {  	[sflag:s29] =	ssyncadd.s32 $0xFFFFE000  }
0x8f: {  	_ =	swait.ge [sflag:s30], $0x2000  }
0x90: {  	[sflag:s30] =	ssyncset.done $0x0  }
0x91: {  	[sflag:s30] =	ssyncadd.s32 $0xFFFFE000  }
0x92: {  	_ =	swait.ge [sflag:s31], $0x2000  }
0x93: {  	[sflag:s31] =	ssyncset.done $0x0  }
0x94: {  	[sflag:s31] =	ssyncadd.s32 $0xFFFFE000  }
0x95: {  	s20 =	stileid.u32;
	_ =	swait.ge [sflag:s0], $0x2000  }
0x96: {  	s1 =	sadd.s32 $0x1, s1;
	s16 =	sshll.u32 s20, $0x6;
	[sflag:s0] =	ssyncset.done $0x0  }
0x97: {  	p0 =	sne.s32 s1, s14;
	s16 =	sor.u32 $0x1C09, s16;
	[sflag:s0] =	ssyncadd.s32 $0xFFFFE000  }
.Ltmp1:
0x98: {  	s22 =	sshrl.u32 s7, $0x3;
	[bflag:$0x0] =	sbarrier.arrive $0xFFFF;
	(pc) =	sbr.rel @p0 .LBB2_1-.Ltmp1, $4  }
0x99: {  	[hbm:s13], [sflag:s16] =	dma.local [spmem:s22], $0x1400  }
0x9a: {  	_ =	swait.ge [sflag:s15], $0x1400  }
0x9b: {  	[sflag:s15] =	ssyncset.done $0x0  }
0x9c: {  	[sflag:s15] =	ssyncadd.s32 $0xFFFFEC00  }
0x9d: {  	_ =	sfence.sel $0x180000  }
0x9e: {  	[bflag:$0x0] =	sbarrier.arrive $0xFFFF  }
0x9f: {  	_ =	strace $0x9000004A  }
0xa0: {  	s0 =	stileid.u32;
	[bflag:$0x2] =	sbarrier.arrive $0xFFFF  }
0xa1: {  	p0 =	sne.s32 s0, $0x0;
	s0 =	rddreg [dreg:$0x3]  }
0xa2: {  	s0 =	sadd.s32 @!p0 $0x100000, s0  }
0xa3: {  	[sflag:s0] =	ssyncadd.tile.s32 @!p0 $0x1;
	_ =	shalt  }
.Lfunc_end2:
_tile_overlayer_lowered:
.L_overlay_start_2:
0xa4: {  	(tag) =	ssettag $0x2  }
0xa5: {  	s0 =	rddreg [dreg:$0x0];
	s2 =	stileid.u32  }
0xa6: {  	s1 =	rddreg [dreg:$0x1];
	p0 =	sne.s32 s2, $0x0  }
0xa7: {  	s3 =	rddreg [dreg:$0x2];
	[bflag:$0x3] =	sbarrier.arrive $0xFFFF;
	s2 =	simm.s32 @!p0 $0x1C09  }
0xa8: {  	[timem:s3], [sflag:s2] =	dma.local @!p0 [hbm:s0], s1  }
0xa9: {  	s0 =	simm.s32 @!p0 $0x9  }
0xaa: {  	_ =	swait.ge @!p0 [sflag:s0], s1  }
0xab: {  	s1 =	ssub.s32 @!p0 $0x0, s1;
	[sflag:s0] =	ssyncset.done @!p0 $0x0  }
0xac: {  	[sflag:s0] =	ssyncadd.s32 @!p0 s1  }
0xad: {  	[bflag:$0x3] =	sbarrier.arrive $0xFFFF  }
0xae: {  	_ =	shalt  }

// kernel: kernel.18.cloned.1.call-start
scs
__scs_entry_jumppad:
0x0: {  	(pc) =	sbr.rel $0x88, $3  }
0x1: {  	(tag) =	ssettag $0x0;
	lr =	simm.s32 $0x1  }
0x2: {  	[smem:$0x3F97] =	sst lr;
	_ =	strace $0xD0000000  }
0x3: {  	_ = 	snop  }
0x4: {  	_ = 	snop  }
0x5: {  	_ = 	snop  }
0x6: {  	_ = 	snop  }
0x7: {  	_ = 	snop  }
__scs_overlays_trampoline_lowered:
0x8: {  	[smem:$0x3FA6] =	sst s0  }
0x9: {  	[smem:$0x3FA7] =	sst s1  }
0xa: {  	[smem:$0x3FA8] =	sst s2  }
0xb: {  	[smem:$0x3FA9] =	sst s3  }
0xc: {  	[smem:$0x3FAA] =	sst s4  }
0xd: {  	[smem:$0x3FAB] =	sst s5  }
0xe: {  	[smem:$0x3FAC] =	sst s6  }
0xf: {  	[smem:$0x3FAD] =	sst s7  }
0x10: {  	[smem:$0x3FAE] =	sst s8  }
0x11: {  	[smem:$0x3FAF] =	sst s9;
	s0 =	simm.s32 @!p0 $0x0  }
0x12: {  	s1 =	sld [smem:$0x3F95];
	s0 =	simm.s32 @p0 $0x1  }
0x13: {  	[smem:$0x3FB0] =	sst s0;
	s0 =	simm.s32 @!p1 $0x0  }
0x14: {  	s2 =	sld [smem:$0x3F94];
	s0 =	simm.s32 @p1 $0x1  }
0x15: {  	[smem:$0x3FB1] =	sst s0;
	s0 =	simm.s32 @!p2 $0x0  }
0x16: {  	s3 =	sld [smem:$0x3FDB];
	s0 =	simm.s32 @p2 $0x1  }
0x17: {  	s4 =	simm.s32 $0x1BF5;
	[smem:$0x3FB3] =	sst s0  }
0x18: {  	s0 =	sld [smem:$0x3F96];
	_ =	swait.ge [sflag:s4], $0x0  }
0x19: {  	s7 =	sld [smem:$0x3F97]  }
0x1a: {  	s8 =	sadd.s32 $0xFFFFE003, lr  }
0x1b: {  	s9 =	sadd.s32 $0xFFFFFEF7, lr;
	s5 =	simm.s32 $0xFFFFFFFF;
	p2 =	slt.u32 s8, $0xFFFFF086  }
0x1c: {  	p1 =	slt.u32 s9, $0xF7A;
	s5 =	simm.s32 @!p2 $0x0  }
0x1d: {  	s5 =	simm.s32 @p1 $0x1;
	p0 =	seq.s32 s7, s2  }
0x1e: {  	s7 =	smul.u32 @!p0 $0xF7A, s2;
	p2 =	seq.s32 @!p0 s5, $0x0  }
0x1f: {  	s9 =	smul.u32 $0xF7A, s1;
	s8 =	simm.s32 @!p0 $0x1BF5;
	p2 =	por !p2, p0  }
0x20: {  	[sflag:s8] =	ssyncset.s32 @!p0 $0xFFFFF086;
	s6 =	sadd.s32 @!p0 s3, s7;
	s7 =	simm.s32 @!p0 $0x108  }
0x21: {  	s3 =	sadd.s32 s3, s9;
	s6 =	sadd.s32 @!p0 $0x88, s6;
	s7 =	simm.s32 @p2 $0x1082  }
0x22: {  	[simem:s7], [sflag:s8] =	dma.local @!p0 [hbm:s6], $0xF7A  }
0x23: {  	s9 =	sor.u32 $0xD0000000, s2;
	s6 =	simm.s32 $0x108;
	_ =	swait.ge @!p0 [sflag:s8], $0x0  }
0x24: {  	s3 =	sadd.s32 $0x88, s3;
	s6 =	simm.s32 @!p1 $0x1082;
	[sflag:s4] =	ssyncset.s32 $0xFFFFF086  }
0x25: {  	[simem:s6], [sflag:s4] =	dma.local [hbm:s3], $0xF7A  }
0x26: {  	[smem:$0x3F97] =	sst s1;
	(tag) =	ssettag s2;
	_ =	strace s9  }
0x27: {  	s1 =	sld [smem:$0x3FA7]  }
0x28: {  	s2 =	sld [smem:$0x3FA8]  }
0x29: {  	s4 =	sld [smem:$0x3FAA]  }
0x2a: {  	p0 =	seq.s32 s5, $0x0;
	s5 =	sld [smem:$0x3FAB]  }
0x2b: {  	s6 =	sld [smem:$0x3FAC]  }
0x2c: {  	s7 =	sld [smem:$0x3FAD]  }
0x2d: {  	s3 =	simm.s32 $0x108;
	s8 =	sld [smem:$0x3FAE]  }
0x2e: {  	s3 =	simm.s32 @!p0 $0x1082;
	s9 =	sld [smem:$0x3FAF]  }
0x2f: {  	lr =	sadd.s32 s0, s3;
	s0 =	sld [smem:$0x3FA6]  }
0x30: {  	s3 =	sld [smem:$0x3FA9]  }
0x31: {  	[smem:$0x3FB2] =	sst s10  }
0x32: {  	s10 =	sld [smem:$0x3FB0];
	_ =	sdelay $0x3  }
0x33: {  	p0 =	seq.s32 s10, $0x1;
	s10 =	sld [smem:$0x3FB2];
	_ =	sdelay $0x3  }
0x34: {  	[smem:$0x3FB2] =	sst s10  }
0x35: {  	s10 =	sld [smem:$0x3FB1];
	_ =	sdelay $0x3  }
0x36: {  	p1 =	seq.s32 s10, $0x1;
	s10 =	sld [smem:$0x3FB2];
	_ =	sdelay $0x3  }
0x37: {  	[smem:$0x3FB2] =	sst s10  }
0x38: {  	s10 =	sld [smem:$0x3FB3]  }
0x39: {  	_ = 	snop;
	(pc) =	sbr.ind lr, $3  }
0x3a: {  	_ = 	snop  }
0x3b: {  	_ = 	snop  }
0x3c: {  	p2 =	seq.s32 s10, $0x1;
	s10 =	sld [smem:$0x3FB2]  }
0x3d: {  	_ =	shalt  }
0x3e: {  	_ =	shalt  }
0x3f: {  	_ =	shalt  }
0x40: {  	_ =	shalt  }
0x41: {  	_ =	shalt  }
0x42: {  	_ =	shalt  }
0x43: {  	_ =	shalt  }
0x44: {  	_ =	shalt  }
0x45: {  	_ =	shalt  }
0x46: {  	_ =	shalt  }
0x47: {  	_ =	shalt  }
0x48: {  	_ =	shalt  }
0x49: {  	_ =	shalt  }
0x4a: {  	_ =	shalt  }
0x4b: {  	_ =	shalt  }
0x4c: {  	_ =	shalt  }
0x4d: {  	_ =	shalt  }
0x4e: {  	_ =	shalt  }
0x4f: {  	_ =	shalt  }
0x50: {  	_ =	shalt  }
0x51: {  	_ =	shalt  }
0x52: {  	_ =	shalt  }
0x53: {  	_ =	shalt  }
0x54: {  	_ =	shalt  }
0x55: {  	_ =	shalt  }
0x56: {  	_ =	shalt  }
0x57: {  	_ =	shalt  }
0x58: {  	_ =	shalt  }
0x59: {  	_ =	shalt  }
0x5a: {  	_ =	shalt  }
0x5b: {  	_ =	shalt  }
0x5c: {  	_ =	shalt  }
0x5d: {  	_ =	shalt  }
0x5e: {  	_ =	shalt  }
0x5f: {  	_ =	shalt  }
0x60: {  	_ =	shalt  }
0x61: {  	_ =	shalt  }
0x62: {  	_ =	shalt  }
0x63: {  	_ =	shalt  }
0x64: {  	_ =	shalt  }
0x65: {  	_ =	shalt  }
0x66: {  	_ =	shalt  }
0x67: {  	_ =	shalt  }
0x68: {  	_ =	shalt  }
0x69: {  	_ =	shalt  }
0x6a: {  	_ =	shalt  }
0x6b: {  	_ =	shalt  }
0x6c: {  	_ =	shalt  }
0x6d: {  	_ =	shalt  }
0x6e: {  	_ =	shalt  }
0x6f: {  	_ =	shalt  }
0x70: {  	_ =	shalt  }
0x71: {  	_ =	shalt  }
0x72: {  	_ =	shalt  }
0x73: {  	_ =	shalt  }
0x74: {  	_ =	shalt  }
0x75: {  	_ =	shalt  }
0x76: {  	_ =	shalt  }
0x77: {  	_ =	shalt  }
0x78: {  	_ =	shalt  }
0x79: {  	_ =	shalt  }
0x7a: {  	_ =	shalt  }
0x7b: {  	_ =	shalt  }
0x7c: {  	_ =	shalt  }
0x7d: {  	_ =	shalt  }
0x7e: {  	_ =	shalt  }
0x7f: {  	_ =	shalt  }
0x80: {  	_ =	shalt  }
0x81: {  	_ =	shalt  }
0x82: {  	_ =	shalt  }
0x83: {  	_ =	shalt  }
0x84: {  	_ =	shalt  }
0x85: {  	_ =	shalt  }
0x86: {  	_ =	shalt  }
0x87: {  	_ =	shalt  }
.Lfunc_end0:
.L_simem_size_0:
called_computation.2_lowered:
.L_overlay_start_0:
0x88: {  	s2 =	sld [smem:$0x3FD9]  }
0x89: {  	s3 =	sld [smem:$0x3FFE];
	_ =	sdelay $0x1  }
0x8a: {  	s1 =	srdreg.scid  }
0x8b: {  	s0 =	sand.u32 $0x1, s1  }
0x8c: {  	s17 =	sshll.u32 s0, $0xA;
	s2 =	sadd.s32 s3, s2  }
0x8d: {  	s2 =	sadd.s32 s2, s17  }
0x8e: {  	[smem:$0x3FBE] =	sst s2  }
0x8f: {  	_ = 	snop  }
0x90: {  	s2 =	sld [smem:$0x3FD0];
	(tm) =	ssettm $0x1  }
0x91: {  	s18 =	sld [smem:$0x3FFB];
	_ =	sdelay $0x3  }
0x92: {  	_ =	strace s18  }
0x93: {  	s3 =	sld [smem:$0x3FFC];
	_ =	sdelay $0x3  }
0x94: {  	_ =	strace s3  }
0x95: {  	s3 =	sld [smem:$0x3FFD];
	_ =	sdelay $0x3  }
0x96: {  	_ =	strace s3  }
0x97: {  	_ =	strace $0x8FFFFFFF  }
0x98: {  	s19 =	sld [smem:$0x3FDB];
	_ =	sdelay $0x1  }
0x99: {  	s4 =	simm.s32 $_scs_section_size  }
0x9a: {  	s5 =	simm.s32 $_size__tile_overlayer_lowered;
	s6 =	simm.s32 $_tile_overlayer_lowered  }
0x9b: {  	s22 =	simm.s32 $0x1BFF;
	s21 =	sshll.u32 s6, $0x1;
	s3 =	sadd.s32 s4, s19  }
0x9c: {  	s7 =	simm.s32 $0x0;
	s20 =	sshll.u32 s5, $0x1;
	s5 =	sadd.s32 s21, s3  }
0x9d: {  	[timem:s7], [sflag:s22] =	dma.local [hbm:s5], s20  }
0x9e: {  	_ =	swait.ge [sflag:s22], s20  }
0x9f: {  	s4 =	ssub.s32 $0x0, s20;
	[sflag:s22] =	ssyncset.done $0x0  }
0xa0: {  	[sflag:s22] =	ssyncadd.s32 s4;
	_ =	sdelay $0x1  }
0xa1: {  	s23 =	simm.s32 $0x1B8B  }
0xa2: {  	_ =	swait.ge [sflag:s23], $0x1  }
0xa3: {  	[sflag:s23] =	ssyncset.done $0x0  }
0xa4: {  	s25 =	simm.s32 $0x1B8E;
	s24 =	sld [smem:$0x3FFE];
	[sflag:s23] =	ssyncadd.s32 $0xFFFFFFFF  }
0xa5: {  	s26 =	simm.s32 $execute0_lowered;
	[smem:$0x3FD2] =	sst s25  }
0xa6: {  	s5 =	sshll.u32 s26, $0x1;
	_ =	strace $0x8000004C;
	[dreg:$0x1] =	wrdreg $0xFFFFFFFF  }
0xa7: {  	s28 =	simm.s32 $_size_execute0_lowered;
	s3 =	sadd.s32 s3, s5;
	[dreg:$0x0] =	wrdreg $0x0  }
0xa8: {  	s5 =	sshll.u32 s28, $0x1;
	[dreg:$0x2] =	wrdreg s3  }
0xa9: {  	[dreg:$0x3] =	wrdreg s5  }
0xaa: {  	[dreg:$0x4] =	wrdreg $0xC0  }
0xab: {  	_ =	task [dreg:s7], $0x5FFFF  }
0xac: {  	[dreg:$0x1] =	wrdreg $0xFFFFFFFF  }
0xad: {  	[dreg:$0x0] =	wrdreg $0x60  }
0xae: {  	[dreg:$0x2] =	wrdreg s24  }
0xaf: {  	[dreg:$0x3] =	wrdreg s2  }
0xb0: {  	[dreg:$0x4] =	wrdreg $0x120000  }
0xb1: {  	[dreg:$0x5] =	wrdreg $0x9  }
0xb2: {  	_ =	task.clear_ibuf [dreg:s7], $0x6FFFF;
	_ =	strace $0x9000004C  }
0xb3: {  	s29 =	simm.s32 $0x9;
	_ =	strace $0x8000004E  }
0xb4: {  	_ =	swait.ge [sflag:s29], $0x1  }
0xb5: {  	[sflag:s29] =	ssyncadd.s32 $0xFFFFFFFF  }
0xb6: {  	_ =	strace $0x9000004E  }
0xb7: {  	_ =	sfence  }
0xb8: {  	s30 =	sld [smem:$0x0];
	_ =	sdelay $0x2  }
0xb9: {  	s31 =	sshll.u32 s1, $0xD;
	s1 =	sshrl.u32 s1, $0x2  }
0xba: {  	s3 =	sand.u32 $0x4000, s31;
	s1 =	sadd.s32 s1, s30  }
0xbb: {  	s0 =	sor.u32 s3, s0;
	s1 =	sshll.u32 s1, $0x11  }
0xbc: {  	s0 =	sor.u32 s1, s0  }
0xbd: {  	s0 =	sadd.s32 $0x8F2B, s0  }
0xbe: {  	[sflag:s0] =	ssyncadd.remote.s32 $0x1  }
0xbf: {  	_ =	sfence.sel $0xFFFF  }
0xc0: {  	[dreg:$0x0] =	wrdreg $0xFFFFFFFF;
	(pc) =	sbr.abs _section_cstart, $3  }
0xc1: {  	[dreg:$0x1] =	wrdreg $0xFFFFFFFF  }
0xc2: {  	_ =	task.clear_ibuf [dreg:s7], $0x2FFFF;
	_ =	strace $0x9FFFFFFF  }
0xc3: {  	(tm) =	ssettm $0x7FFFFFFF  }
tec
execute0_lowered:
.L_overlay_start_1:
0x0: {  	(tag) =	ssettag $0x1  }
0x1: {  	s0 =	rddreg [dreg:$0x0]  }
0x2: {  	s1 =	rddreg [dreg:$0x1];
	s3 =	srdreg.scid  }
0x3: {  	s2 =	rddreg [dreg:$0x2];
	s10 =	stileid.u32  }
0x4: {  	s15 =	simm.s32 $0x9;
	s17 =	simm.s32 $0xA000;
	s18 =	simm.s32 $0x80  }
0x5: {  	s19 =	simm.s32 $0xC000;
	s21 =	simm.s32 $0xE000;
	s23 =	simm.s32 $0x10000  }
0x6: {  	s28 =	simm.s32 $0x4;
	s29 =	simm.s32 $0x5;
	s6 =	smul.u32 $0xA00, s10  }
0x7: {  	s30 =	simm.s32 $0x6;
	s31 =	simm.s32 $0x7;
	s8 =	smul.u32 $0xA000, s10  }
0x8: {  	s4 =	sand.u32 $0x1, s3;
	s3 =	simm.s32 $0x0;
	s10 =	smul.u32 $0x28000, s10  }
0x9: {  	s5 =	smul.u32 $0xA0000, s4;
	[smem:$0x7FF] =	sst s3;
	s24 =	ssub.s32 $0x2, s4  }
0xa: {  	s4 =	sadd.s32 $0x3200, s0;
	_ =	strace $0x8000004D;
	s9 =	sadd.s32 s6, s0  }
0xb: {  	s11 =	sshrl.u32 s24, $0x1;
	s25 =	sshrl.u32 s10, $0x2;
	s6 =	sadd.s32 s1, s6  }
0xc: {  	s1 =	simm.s32 $0x0;
	s7 =	sshrl.u32 s5, $0x3;
	s5 =	sadd.s32 s8, s5  }
0xd: {  	s14 =	ssub.s32 s24, s11;
	s26 =	sadd.s32 s25, s2;
	s24 =	simm.s32 $0x1  }
0xe: {  	s25 =	simm.s32 $0x2;
	s12 =	sadd.s32 s7, s0;
	s5 =	sshrl.u32 s5, $0x3  }
0xf: {  	s7 =	sadd.s32 s8, s2;
	s8 =	sadd.s32 $0x2000, s26;
	s10 =	sadd.s32 $0x6000, s26  }
0x10: {  	s11 =	sadd.s32 $0x8000, s26;
	s14 =	smax.u32 s14, $0x1;
	s0 =	sadd.s32 s5, s0  }
0x11: {  	s5 =	sadd.s32 $0x4200, s9;
	s9 =	sadd.s32 $0x4000, s26;
	s12 =	sadd.s32 $0x86200, s12  }
0x12: {  	s26 =	simm.s32 $0x3;
	s13 =	sadd.s32 $0xAE200, s0;
	s0 =	simm.s32 $0x8  }
.LBB2_1:
0x13: {  	[tilespmem:s3], [sflag:$0x9] =	stream.linear.gather [hbm4b:s5+s3], $0x5000, $0x38;
	[tilespmem:$0x1C000] =	vst v63  }
0x14: {  	_ =	swait.ge [sflag:s15], $0x5000  }
0x15: {  	[sflag:s15] =	ssyncset.done $0x0  }
0x16: {  	s16 =	simm.s32 $0x5000;
	[sflag:s15] =	ssyncadd.s32 $0xFFFFB000  }
0x17: {  	[tilespmem:s16], [sflag:$0x9] =	stream.linear.gather [hbm4b:s6+s3], $0x5000, $0x38;
	[tilespmem:$0x1C000] =	vst v63  }
0x18: {  	_ =	swait.ge [sflag:s15], $0x5000  }
0x19: {  	[sflag:s15] =	ssyncset.done $0x0  }
0x1a: {  	[sflag:s15] =	ssyncadd.s32 $0xFFFFB000  }
0x1b: {  	[tilespmem:s17], [sflag:$0x9] =	stream.linear.gather [hbm4b:s4+s3], $0x2000, $0x38;
	[tilespmem:$0x1C000] =	vst v63  }
0x1c: {  	_ =	swait.ge [sflag:s15], $0x2000  }
0x1d: {  	[sflag:s15] =	ssyncset.done $0x0  }
0x1e: {  	[sflag:s15] =	ssyncadd.s32 $0xFFFFE000  }
0x1f: {  	[spmem:s7] =	stream.linear.scatter [tilespmem:s17], [sflag:$0x9], $0x2000, $0x38;
	[tilespmem:$0x1C000] =	vst v63  }
0x20: {  	_ =	swait.ge [sflag:s15], $0x2000  }
0x21: {  	[sflag:s15] =	ssyncset.done $0x0  }
0x22: {  	[sflag:s15] =	ssyncadd.s32 $0xFFFFE000  }
0x23: {  	[spmem:s8] =	stream.linear.scatter [tilespmem:s17], [sflag:$0x9], $0x2000, $0x38;
	[tilespmem:$0x1C000] =	vst v63  }
0x24: {  	_ =	swait.ge [sflag:s15], $0x2000  }
0x25: {  	[sflag:s15] =	ssyncset.done $0x0  }
0x26: {  	[sflag:s15] =	ssyncadd.s32 $0xFFFFE000  }
0x27: {  	[spmem:s9] =	stream.linear.scatter [tilespmem:s17], [sflag:$0x9], $0x2000, $0x38;
	[tilespmem:$0x1C000] =	vst v63  }
0x28: {  	_ =	swait.ge [sflag:s15], $0x2000  }
0x29: {  	[sflag:s15] =	ssyncset.done $0x0  }
0x2a: {  	[sflag:s15] =	ssyncadd.s32 $0xFFFFE000  }
0x2b: {  	[spmem:s10] =	stream.linear.scatter [tilespmem:s17], [sflag:$0x9], $0x2000, $0x38;
	[tilespmem:$0x1C000] =	vst v63  }
0x2c: {  	_ =	swait.ge [sflag:s15], $0x2000  }
0x2d: {  	[sflag:s15] =	ssyncset.done $0x0  }
0x2e: {  	[sflag:s15] =	ssyncadd.s32 $0xFFFFE000  }
0x2f: {  	[spmem:s11] =	stream.linear.scatter [tilespmem:s17], [sflag:$0x9], $0x2000, $0x38;
	[tilespmem:$0x1C000] =	vst v63  }
0x30: {  	_ =	swait.ge [sflag:s15], $0x2000  }
0x31: {  	[sflag:s15] =	ssyncset.done $0x0  }
0x32: {  	[sflag:s15] =	ssyncadd.s32 $0xFFFFE000  }
0x33: {  	[bflag:$0x0] =	sbarrier.arrive $0xFFFF  }
0x34: {  	[tilespmem:s17], [sflag:$0x1] =	stream.indirect.gather [hbm4b:s12+s18], $0x40, s3, s18, $0xb8;
	[tilespmem:$0x1C000] =	vst v63  }
0x35: {  	_ = 	snop  }
0x36: {  	[tilespmem:s19], [sflag:$0x2] =	stream.indirect.gather [hbm4b:s12+s18], $0x40, s18, s18, $0xb8;
	[tilespmem:$0x1C000] =	vst v63  }
0x37: {  	s22 =	simm.s32 $0x100  }
0x38: {  	[tilespmem:s21], [sflag:$0x3] =	stream.indirect.gather [hbm4b:s12+s18], $0x40, s22, s18, $0xb8;
	[tilespmem:$0x1C000] =	vst v63  }
0x39: {  	s20 =	simm.s32 $0x180  }
0x3a: {  	[tilespmem:s23], [sflag:$0x4] =	stream.indirect.gather [hbm4b:s12+s18], $0x40, s20, s18, $0xb8;
	[tilespmem:$0x1C000] =	vst v63  }
0x3b: {  	_ =	swait.ge [sflag:s24], $0x2000  }
0x3c: {  	[sflag:s24] =	ssyncset.done $0x0  }
0x3d: {  	s22 =	simm.s32 $0x5000;
	[sflag:s24] =	ssyncadd.s32 $0xFFFFE000  }
0x3e: {  	[spmem:s2] =	stream.indirect.scatter.add.f32 [tilespmem:s17], [sflag:$0x5], $0x40, s22, s18, $0xb8;
	[tilespmem:$0x1C000] =	vst v63  }
0x3f: {  	_ =	swait.ge [sflag:s25], $0x2000  }
0x40: {  	[sflag:s25] =	ssyncset.done $0x0  }
0x41: {  	s20 =	simm.s32 $0x5080;
	[sflag:s25] =	ssyncadd.s32 $0xFFFFE000  }
0x42: {  	[spmem:s2] =	stream.indirect.scatter.add.f32 [tilespmem:s19], [sflag:$0x6], $0x40, s20, s18, $0xb8;
	[tilespmem:$0x1C000] =	vst v63  }
0x43: {  	_ =	swait.ge [sflag:s26], $0x2000  }
0x44: {  	[sflag:s26] =	ssyncset.done $0x0  }
0x45: {  	s22 =	simm.s32 $0x5100;
	[sflag:s26] =	ssyncadd.s32 $0xFFFFE000  }
0x46: {  	[spmem:s2] =	stream.indirect.scatter.add.f32 [tilespmem:s21], [sflag:$0x7], $0x40, s22, s18, $0xb8;
	[tilespmem:$0x1C000] =	vst v63  }
0x47: {  	_ =	swait.ge [sflag:s28], $0x2000  }
0x48: {  	[sflag:s28] =	ssyncset.done $0x0  }
0x49: {  	s20 =	simm.s32 $0x5180;
	[sflag:s28] =	ssyncadd.s32 $0xFFFFE000  }
0x4a: {  	[spmem:s2] =	stream.indirect.scatter.add.f32 [tilespmem:s23], [sflag:$0x8], $0x40, s20, s18, $0xb8;
	[tilespmem:$0x1C000] =	vst v63  }
0x4b: {  	_ =	swait.ge [sflag:s29], $0x2000  }
0x4c: {  	[sflag:s29] =	ssyncset.done $0x0  }
0x4d: {  	s22 =	simm.s32 $0x200;
	[sflag:s29] =	ssyncadd.s32 $0xFFFFE000  }
0x4e: {  	[tilespmem:s17], [sflag:$0x1] =	stream.indirect.gather [hbm4b:s12+s18], $0x40, s22, s18, $0xb8;
	[tilespmem:$0x1C000] =	vst v63  }
0x4f: {  	_ =	swait.ge [sflag:s30], $0x2000  }
0x50: {  	[sflag:s30] =	ssyncset.done $0x0  }
0x51: {  	s20 =	simm.s32 $0x280;
	[sflag:s30] =	ssyncadd.s32 $0xFFFFE000  }
0x52: {  	[tilespmem:s19], [sflag:$0x2] =	stream.indirect.gather [hbm4b:s12+s18], $0x40, s20, s18, $0xb8;
	[tilespmem:$0x1C000] =	vst v63  }
0x53: {  	_ =	swait.ge [sflag:s31], $0x2000  }
0x54: {  	[sflag:s31] =	ssyncset.done $0x0  }
0x55: {  	s22 =	simm.s32 $0x300;
	[sflag:s31] =	ssyncadd.s32 $0xFFFFE000  }
0x56: {  	[tilespmem:s21], [sflag:$0x3] =	stream.indirect.gather [hbm4b:s12+s18], $0x40, s22, s18, $0xb8;
	[tilespmem:$0x1C000] =	vst v63  }
0x57: {  	_ =	swait.ge [sflag:s0], $0x2000  }
0x58: {  	[sflag:s0] =	ssyncset.done $0x0  }
0x59: {  	s16 =	simm.s32 $0x800;
	s20 =	simm.s32 $0x380;
	[sflag:s0] =	ssyncadd.s32 $0xFFFFE000  }
.LBB2_2:
0x5a: {  	[tilespmem:s23], [sflag:$0x4] =	stream.indirect.gather [hbm4b:s12+s18], $0x40, s20, s18, $0xb8;
	[tilespmem:$0x1C000] =	vst v63  }
0x5b: {  	s20 =	smov.u32 s16  }
0x5c: {  	p0 =	sne.s32 s16, $0x13000;
	s16 =	sadd.s32 $0x800, s16;
	_ =	swait.ge [sflag:s24], $0x2000  }
0x5d: {  	s20 =	sshra.s32 s20, $0x2;
	[sflag:s24] =	ssyncset.done $0x0  }
0x5e: {  	s22 =	sadd.s32 $0x5000, s20;
	[sflag:s24] =	ssyncadd.s32 $0xFFFFE000  }
0x5f: {  	[spmem:s2] =	stream.indirect.scatter.add.f32 [tilespmem:s17], [sflag:$0x5], $0x40, s22, s18, $0xb8;
	[tilespmem:$0x1C000] =	vst v63  }
0x60: {  	_ =	swait.ge [sflag:s25], $0x2000  }
0x61: {  	[sflag:s25] =	ssyncset.done $0x0  }
0x62: {  	s22 =	sadd.s32 $0x5080, s20;
	[sflag:s25] =	ssyncadd.s32 $0xFFFFE000  }
0x63: {  	[spmem:s2] =	stream.indirect.scatter.add.f32 [tilespmem:s19], [sflag:$0x6], $0x40, s22, s18, $0xb8;
	[tilespmem:$0x1C000] =	vst v63  }
0x64: {  	_ =	swait.ge [sflag:s26], $0x2000  }
0x65: {  	[sflag:s26] =	ssyncset.done $0x0  }
0x66: {  	s22 =	sadd.s32 $0x5100, s20;
	[sflag:s26] =	ssyncadd.s32 $0xFFFFE000  }
0x67: {  	[spmem:s2] =	stream.indirect.scatter.add.f32 [tilespmem:s21], [sflag:$0x7], $0x40, s22, s18, $0xb8;
	[tilespmem:$0x1C000] =	vst v63  }
0x68: {  	_ =	swait.ge [sflag:s28], $0x2000  }
0x69: {  	[sflag:s28] =	ssyncset.done $0x0  }
0x6a: {  	s22 =	sadd.s32 $0x5180, s20;
	[sflag:s28] =	ssyncadd.s32 $0xFFFFE000  }
0x6b: {  	[spmem:s2] =	stream.indirect.scatter.add.f32 [tilespmem:s23], [sflag:$0x8], $0x40, s22, s18, $0xb8;
	[tilespmem:$0x1C000] =	vst v63  }
0x6c: {  	_ =	swait.ge [sflag:s29], $0x2000  }
0x6d: {  	[sflag:s29] =	ssyncset.done $0x0  }
0x6e: {  	s22 =	sadd.s32 $0x200, s20;
	[sflag:s29] =	ssyncadd.s32 $0xFFFFE000  }
0x6f: {  	[tilespmem:s17], [sflag:$0x1] =	stream.indirect.gather [hbm4b:s12+s18], $0x40, s22, s18, $0xb8;
	[tilespmem:$0x1C000] =	vst v63  }
0x70: {  	_ =	swait.ge [sflag:s30], $0x2000  }
0x71: {  	[sflag:s30] =	ssyncset.done $0x0  }
0x72: {  	s22 =	sadd.s32 $0x280, s20;
	[sflag:s30] =	ssyncadd.s32 $0xFFFFE000  }
0x73: {  	[tilespmem:s19], [sflag:$0x2] =	stream.indirect.gather [hbm4b:s12+s18], $0x40, s22, s18, $0xb8;
	[tilespmem:$0x1C000] =	vst v63  }
0x74: {  	_ =	swait.ge [sflag:s31], $0x2000  }
0x75: {  	[sflag:s31] =	ssyncset.done $0x0  }
.Ltmp0:
0x76: {  	s22 =	sadd.s32 $0x300, s20;
	[sflag:s31] =	ssyncadd.s32 $0xFFFFE000;
	(pc) =	sbr.rel @p0 .LBB2_2-.Ltmp0, $4  }
0x77: {  	[tilespmem:s21], [sflag:$0x3] =	stream.indirect.gather [hbm4b:s12+s18], $0x40, s22, s18, $0xb8;
	[tilespmem:$0x1C000] =	vst v63  }
0x78: {  	_ =	swait.ge [sflag:s0], $0x2000  }
0x79: {  	[sflag:s0] =	ssyncset.done $0x0  }
0x7a: {  	s20 =	sadd.s32 $0x380, s20;
	[sflag:s0] =	ssyncadd.s32 $0xFFFFE000  }
0x7b: {  	[tilespmem:s23], [sflag:$0x4] =	stream.indirect.gather [hbm4b:s12+s18], $0x40, s20, s18, $0xb8;
	[tilespmem:$0x1C000] =	vst v63  }
0x7c: {  	_ =	swait.ge [sflag:s24], $0x2000  }
0x7d: {  	[sflag:s24] =	ssyncset.done $0x0  }
0x7e: {  	s16 =	simm.s32 $0x9E00;
	[sflag:s24] =	ssyncadd.s32 $0xFFFFE000  }
0x7f: {  	[spmem:s2] =	stream.indirect.scatter.add.f32 [tilespmem:s17], [sflag:$0x5], $0x40, s16, s18, $0xb8;
	[tilespmem:$0x1C000] =	vst v63  }
0x80: {  	_ =	swait.ge [sflag:s25], $0x2000  }
0x81: {  	[sflag:s25] =	ssyncset.done $0x0  }
0x82: {  	s22 =	simm.s32 $0x9E80;
	[sflag:s25] =	ssyncadd.s32 $0xFFFFE000  }
0x83: {  	[spmem:s2] =	stream.indirect.scatter.add.f32 [tilespmem:s19], [sflag:$0x6], $0x40, s22, s18, $0xb8;
	[tilespmem:$0x1C000] =	vst v63  }
0x84: {  	_ =	swait.ge [sflag:s26], $0x2000  }
0x85: {  	[sflag:s26] =	ssyncset.done $0x0  }
0x86: {  	s20 =	simm.s32 $0x9F00;
	[sflag:s26] =	ssyncadd.s32 $0xFFFFE000  }
0x87: {  	[spmem:s2] =	stream.indirect.scatter.add.f32 [tilespmem:s21], [sflag:$0x7], $0x40, s20, s18, $0xb8;
	[tilespmem:$0x1C000] =	vst v63  }
0x88: {  	_ =	swait.ge [sflag:s28], $0x2000  }
0x89: {  	[sflag:s28] =	ssyncset.done $0x0  }
0x8a: {  	s22 =	simm.s32 $0x9F80;
	[sflag:s28] =	ssyncadd.s32 $0xFFFFE000  }
0x8b: {  	[spmem:s2] =	stream.indirect.scatter.add.f32 [tilespmem:s23], [sflag:$0x8], $0x40, s22, s18, $0xb8;
	[tilespmem:$0x1C000] =	vst v63  }
0x8c: {  	_ =	swait.ge [sflag:s29], $0x2000  }
0x8d: {  	[sflag:s29] =	ssyncset.done $0x0  }
0x8e: {  	[sflag:s29] =	ssyncadd.s32 $0xFFFFE000  }
0x8f: {  	_ =	swait.ge [sflag:s30], $0x2000  }
0x90: {  	[sflag:s30] =	ssyncset.done $0x0  }
0x91: {  	[sflag:s30] =	ssyncadd.s32 $0xFFFFE000  }
0x92: {  	_ =	swait.ge [sflag:s31], $0x2000  }
0x93: {  	[sflag:s31] =	ssyncset.done $0x0  }
0x94: {  	[sflag:s31] =	ssyncadd.s32 $0xFFFFE000  }
0x95: {  	s20 =	stileid.u32;
	_ =	swait.ge [sflag:s0], $0x2000  }
0x96: {  	s1 =	sadd.s32 $0x1, s1;
	s16 =	sshll.u32 s20, $0x6;
	[sflag:s0] =	ssyncset.done $0x0  }
0x97: {  	p0 =	sne.s32 s1, s14;
	s16 =	sor.u32 $0x1C09, s16;
	[sflag:s0] =	ssyncadd.s32 $0xFFFFE000  }
.Ltmp1:
0x98: {  	s22 =	sshrl.u32 s7, $0x3;
	[bflag:$0x0] =	sbarrier.arrive $0xFFFF;
	(pc) =	sbr.rel @p0 .LBB2_1-.Ltmp1, $4  }
0x99: {  	[hbm:s13], [sflag:s16] =	dma.local [spmem:s22], $0x1400  }
0x9a: {  	_ =	swait.ge [sflag:s15], $0x1400  }
0x9b: {  	[sflag:s15] =	ssyncset.done $0x0  }
0x9c: {  	[sflag:s15] =	ssyncadd.s32 $0xFFFFEC00  }
0x9d: {  	_ =	sfence.sel $0x180000  }
0x9e: {  	[bflag:$0x0] =	sbarrier.arrive $0xFFFF  }
0x9f: {  	_ =	strace $0x9000004D  }
0xa0: {  	s0 =	stileid.u32;
	[bflag:$0x2] =	sbarrier.arrive $0xFFFF  }
0xa1: {  	p0 =	sne.s32 s0, $0x0;
	s0 =	rddreg [dreg:$0x3]  }
0xa2: {  	s0 =	sadd.s32 @!p0 $0x100000, s0  }
0xa3: {  	[sflag:s0] =	ssyncadd.tile.s32 @!p0 $0x1;
	_ =	shalt  }
.Lfunc_end2:
_tile_overlayer_lowered:
.L_overlay_start_2:
0xa4: {  	(tag) =	ssettag $0x2  }
0xa5: {  	s0 =	rddreg [dreg:$0x0];
	s2 =	stileid.u32  }
0xa6: {  	s1 =	rddreg [dreg:$0x1];
	p0 =	sne.s32 s2, $0x0  }
0xa7: {  	s3 =	rddreg [dreg:$0x2];
	[bflag:$0x3] =	sbarrier.arrive $0xFFFF;
	s2 =	simm.s32 @!p0 $0x1C09  }
0xa8: {  	[timem:s3], [sflag:s2] =	dma.local @!p0 [hbm:s0], s1  }
0xa9: {  	s0 =	simm.s32 @!p0 $0x9  }
0xaa: {  	_ =	swait.ge @!p0 [sflag:s0], s1  }
0xab: {  	s1 =	ssub.s32 @!p0 $0x0, s1;
	[sflag:s0] =	ssyncset.done @!p0 $0x0  }
0xac: {  	[sflag:s0] =	ssyncadd.s32 @!p0 s1  }
0xad: {  	[bflag:$0x3] =	sbarrier.arrive $0xFFFF  }
0xae: {  	_ =	shalt  }

// kernel: kernel.21.cloned.1.call-start
scs
__scs_entry_jumppad:
0x0: {  	(pc) =	sbr.rel $0x88, $3  }
0x1: {  	(tag) =	ssettag $0x0;
	lr =	simm.s32 $0x1  }
0x2: {  	[smem:$0x3F97] =	sst lr;
	_ =	strace $0xD0000000  }
0x3: {  	_ = 	snop  }
0x4: {  	_ = 	snop  }
0x5: {  	_ = 	snop  }
0x6: {  	_ = 	snop  }
0x7: {  	_ = 	snop  }
__scs_overlays_trampoline_lowered:
0x8: {  	[smem:$0x3FA6] =	sst s0  }
0x9: {  	[smem:$0x3FA7] =	sst s1  }
0xa: {  	[smem:$0x3FA8] =	sst s2  }
0xb: {  	[smem:$0x3FA9] =	sst s3  }
0xc: {  	[smem:$0x3FAA] =	sst s4  }
0xd: {  	[smem:$0x3FAB] =	sst s5  }
0xe: {  	[smem:$0x3FAC] =	sst s6  }
0xf: {  	[smem:$0x3FAD] =	sst s7  }
0x10: {  	[smem:$0x3FAE] =	sst s8  }
0x11: {  	[smem:$0x3FAF] =	sst s9;
	s0 =	simm.s32 @!p0 $0x0  }
0x12: {  	s1 =	sld [smem:$0x3F95];
	s0 =	simm.s32 @p0 $0x1  }
0x13: {  	[smem:$0x3FB0] =	sst s0;
	s0 =	simm.s32 @!p1 $0x0  }
0x14: {  	s2 =	sld [smem:$0x3F94];
	s0 =	simm.s32 @p1 $0x1  }
0x15: {  	[smem:$0x3FB1] =	sst s0;
	s0 =	simm.s32 @!p2 $0x0  }
0x16: {  	s3 =	sld [smem:$0x3FDB];
	s0 =	simm.s32 @p2 $0x1  }
0x17: {  	s4 =	simm.s32 $0x1BF5;
	[smem:$0x3FB3] =	sst s0  }
0x18: {  	s0 =	sld [smem:$0x3F96];
	_ =	swait.ge [sflag:s4], $0x0  }
0x19: {  	s7 =	sld [smem:$0x3F97]  }
0x1a: {  	s8 =	sadd.s32 $0xFFFFE003, lr  }
0x1b: {  	s9 =	sadd.s32 $0xFFFFFEF7, lr;
	s5 =	simm.s32 $0xFFFFFFFF;
	p2 =	slt.u32 s8, $0xFFFFF086  }
0x1c: {  	p1 =	slt.u32 s9, $0xF7A;
	s5 =	simm.s32 @!p2 $0x0  }
0x1d: {  	s5 =	simm.s32 @p1 $0x1;
	p0 =	seq.s32 s7, s2  }
0x1e: {  	s7 =	smul.u32 @!p0 $0xF7A, s2;
	p2 =	seq.s32 @!p0 s5, $0x0  }
0x1f: {  	s9 =	smul.u32 $0xF7A, s1;
	s8 =	simm.s32 @!p0 $0x1BF5;
	p2 =	por !p2, p0  }
0x20: {  	[sflag:s8] =	ssyncset.s32 @!p0 $0xFFFFF086;
	s6 =	sadd.s32 @!p0 s3, s7;
	s7 =	simm.s32 @!p0 $0x108  }
0x21: {  	s3 =	sadd.s32 s3, s9;
	s6 =	sadd.s32 @!p0 $0x88, s6;
	s7 =	simm.s32 @p2 $0x1082  }
0x22: {  	[simem:s7], [sflag:s8] =	dma.local @!p0 [hbm:s6], $0xF7A  }
0x23: {  	s9 =	sor.u32 $0xD0000000, s2;
	s6 =	simm.s32 $0x108;
	_ =	swait.ge @!p0 [sflag:s8], $0x0  }
0x24: {  	s3 =	sadd.s32 $0x88, s3;
	s6 =	simm.s32 @!p1 $0x1082;
	[sflag:s4] =	ssyncset.s32 $0xFFFFF086  }
0x25: {  	[simem:s6], [sflag:s4] =	dma.local [hbm:s3], $0xF7A  }
0x26: {  	[smem:$0x3F97] =	sst s1;
	(tag) =	ssettag s2;
	_ =	strace s9  }
0x27: {  	s1 =	sld [smem:$0x3FA7]  }
0x28: {  	s2 =	sld [smem:$0x3FA8]  }
0x29: {  	s4 =	sld [smem:$0x3FAA]  }
0x2a: {  	p0 =	seq.s32 s5, $0x0;
	s5 =	sld [smem:$0x3FAB]  }
0x2b: {  	s6 =	sld [smem:$0x3FAC]  }
0x2c: {  	s7 =	sld [smem:$0x3FAD]  }
0x2d: {  	s3 =	simm.s32 $0x108;
	s8 =	sld [smem:$0x3FAE]  }
0x2e: {  	s3 =	simm.s32 @!p0 $0x1082;
	s9 =	sld [smem:$0x3FAF]  }
0x2f: {  	lr =	sadd.s32 s0, s3;
	s0 =	sld [smem:$0x3FA6]  }
0x30: {  	s3 =	sld [smem:$0x3FA9]  }
0x31: {  	[smem:$0x3FB2] =	sst s10  }
0x32: {  	s10 =	sld [smem:$0x3FB0];
	_ =	sdelay $0x3  }
0x33: {  	p0 =	seq.s32 s10, $0x1;
	s10 =	sld [smem:$0x3FB2];
	_ =	sdelay $0x3  }
0x34: {  	[smem:$0x3FB2] =	sst s10  }
0x35: {  	s10 =	sld [smem:$0x3FB1];
	_ =	sdelay $0x3  }
0x36: {  	p1 =	seq.s32 s10, $0x1;
	s10 =	sld [smem:$0x3FB2];
	_ =	sdelay $0x3  }
0x37: {  	[smem:$0x3FB2] =	sst s10  }
0x38: {  	s10 =	sld [smem:$0x3FB3]  }
0x39: {  	_ = 	snop;
	(pc) =	sbr.ind lr, $3  }
0x3a: {  	_ = 	snop  }
0x3b: {  	_ = 	snop  }
0x3c: {  	p2 =	seq.s32 s10, $0x1;
	s10 =	sld [smem:$0x3FB2]  }
0x3d: {  	_ =	shalt  }
0x3e: {  	_ =	shalt  }
0x3f: {  	_ =	shalt  }
0x40: {  	_ =	shalt  }
0x41: {  	_ =	shalt  }
0x42: {  	_ =	shalt  }
0x43: {  	_ =	shalt  }
0x44: {  	_ =	shalt  }
0x45: {  	_ =	shalt  }
0x46: {  	_ =	shalt  }
0x47: {  	_ =	shalt  }
0x48: {  	_ =	shalt  }
0x49: {  	_ =	shalt  }
0x4a: {  	_ =	shalt  }
0x4b: {  	_ =	shalt  }
0x4c: {  	_ =	shalt  }
0x4d: {  	_ =	shalt  }
0x4e: {  	_ =	shalt  }
0x4f: {  	_ =	shalt  }
0x50: {  	_ =	shalt  }
0x51: {  	_ =	shalt  }
0x52: {  	_ =	shalt  }
0x53: {  	_ =	shalt  }
0x54: {  	_ =	shalt  }
0x55: {  	_ =	shalt  }
0x56: {  	_ =	shalt  }
0x57: {  	_ =	shalt  }
0x58: {  	_ =	shalt  }
0x59: {  	_ =	shalt  }
0x5a: {  	_ =	shalt  }
0x5b: {  	_ =	shalt  }
0x5c: {  	_ =	shalt  }
0x5d: {  	_ =	shalt  }
0x5e: {  	_ =	shalt  }
0x5f: {  	_ =	shalt  }
0x60: {  	_ =	shalt  }
0x61: {  	_ =	shalt  }
0x62: {  	_ =	shalt  }
0x63: {  	_ =	shalt  }
0x64: {  	_ =	shalt  }
0x65: {  	_ =	shalt  }
0x66: {  	_ =	shalt  }
0x67: {  	_ =	shalt  }
0x68: {  	_ =	shalt  }
0x69: {  	_ =	shalt  }
0x6a: {  	_ =	shalt  }
0x6b: {  	_ =	shalt  }
0x6c: {  	_ =	shalt  }
0x6d: {  	_ =	shalt  }
0x6e: {  	_ =	shalt  }
0x6f: {  	_ =	shalt  }
0x70: {  	_ =	shalt  }
0x71: {  	_ =	shalt  }
0x72: {  	_ =	shalt  }
0x73: {  	_ =	shalt  }
0x74: {  	_ =	shalt  }
0x75: {  	_ =	shalt  }
0x76: {  	_ =	shalt  }
0x77: {  	_ =	shalt  }
0x78: {  	_ =	shalt  }
0x79: {  	_ =	shalt  }
0x7a: {  	_ =	shalt  }
0x7b: {  	_ =	shalt  }
0x7c: {  	_ =	shalt  }
0x7d: {  	_ =	shalt  }
0x7e: {  	_ =	shalt  }
0x7f: {  	_ =	shalt  }
0x80: {  	_ =	shalt  }
0x81: {  	_ =	shalt  }
0x82: {  	_ =	shalt  }
0x83: {  	_ =	shalt  }
0x84: {  	_ =	shalt  }
0x85: {  	_ =	shalt  }
0x86: {  	_ =	shalt  }
0x87: {  	_ =	shalt  }
.Lfunc_end0:
.L_simem_size_0:
called_computation.3_lowered:
.L_overlay_start_0:
0x88: {  	s2 =	sld [smem:$0x3FD9]  }
0x89: {  	s3 =	sld [smem:$0x3FFE];
	_ =	sdelay $0x1  }
0x8a: {  	s1 =	srdreg.scid  }
0x8b: {  	s0 =	sand.u32 $0x1, s1  }
0x8c: {  	s17 =	sshll.u32 s0, $0xA;
	s2 =	sadd.s32 s3, s2  }
0x8d: {  	s2 =	sadd.s32 s2, s17  }
0x8e: {  	[smem:$0x3FBE] =	sst s2  }
0x8f: {  	_ = 	snop  }
0x90: {  	s2 =	sld [smem:$0x3FD0];
	(tm) =	ssettm $0x1  }
0x91: {  	s18 =	sld [smem:$0x3FFB];
	_ =	sdelay $0x3  }
0x92: {  	_ =	strace s18  }
0x93: {  	s3 =	sld [smem:$0x3FFC];
	_ =	sdelay $0x3  }
0x94: {  	_ =	strace s3  }
0x95: {  	s3 =	sld [smem:$0x3FFD];
	_ =	sdelay $0x3  }
0x96: {  	_ =	strace s3  }
0x97: {  	_ =	strace $0x8FFFFFFF  }
0x98: {  	s19 =	sld [smem:$0x3FDB];
	_ =	sdelay $0x1  }
0x99: {  	s4 =	simm.s32 $_scs_section_size  }
0x9a: {  	s5 =	simm.s32 $_size__tile_overlayer_lowered;
	s6 =	simm.s32 $_tile_overlayer_lowered  }
0x9b: {  	s22 =	simm.s32 $0x1BFF;
	s21 =	sshll.u32 s6, $0x1;
	s3 =	sadd.s32 s4, s19  }
0x9c: {  	s7 =	simm.s32 $0x0;
	s20 =	sshll.u32 s5, $0x1;
	s5 =	sadd.s32 s21, s3  }
0x9d: {  	[timem:s7], [sflag:s22] =	dma.local [hbm:s5], s20  }
0x9e: {  	_ =	swait.ge [sflag:s22], s20  }
0x9f: {  	s4 =	ssub.s32 $0x0, s20;
	[sflag:s22] =	ssyncset.done $0x0  }
0xa0: {  	[sflag:s22] =	ssyncadd.s32 s4;
	_ =	sdelay $0x1  }
0xa1: {  	s23 =	simm.s32 $0x1B8B  }
0xa2: {  	_ =	swait.ge [sflag:s23], $0x1  }
0xa3: {  	[sflag:s23] =	ssyncset.done $0x0  }
0xa4: {  	s25 =	simm.s32 $0x1B8E;
	s24 =	sld [smem:$0x3FFE];
	[sflag:s23] =	ssyncadd.s32 $0xFFFFFFFF  }
0xa5: {  	s26 =	simm.s32 $execute0_lowered;
	[smem:$0x3FD2] =	sst s25  }
0xa6: {  	s5 =	sshll.u32 s26, $0x1;
	_ =	strace $0x8000004F;
	[dreg:$0x1] =	wrdreg $0xFFFFFFFF  }
0xa7: {  	s28 =	simm.s32 $_size_execute0_lowered;
	s3 =	sadd.s32 s3, s5;
	[dreg:$0x0] =	wrdreg $0x0  }
0xa8: {  	s5 =	sshll.u32 s28, $0x1;
	[dreg:$0x2] =	wrdreg s3  }
0xa9: {  	[dreg:$0x3] =	wrdreg s5  }
0xaa: {  	[dreg:$0x4] =	wrdreg $0xC0  }
0xab: {  	_ =	task [dreg:s7], $0x5FFFF  }
0xac: {  	[dreg:$0x1] =	wrdreg $0xFFFFFFFF  }
0xad: {  	[dreg:$0x0] =	wrdreg $0x60  }
0xae: {  	[dreg:$0x2] =	wrdreg s24  }
0xaf: {  	[dreg:$0x3] =	wrdreg s2  }
0xb0: {  	[dreg:$0x4] =	wrdreg $0x120000  }
0xb1: {  	[dreg:$0x5] =	wrdreg $0x9  }
0xb2: {  	_ =	task.clear_ibuf [dreg:s7], $0x6FFFF;
	_ =	strace $0x9000004F  }
0xb3: {  	s29 =	simm.s32 $0x9;
	_ =	strace $0x80000051  }
0xb4: {  	_ =	swait.ge [sflag:s29], $0x1  }
0xb5: {  	[sflag:s29] =	ssyncadd.s32 $0xFFFFFFFF  }
0xb6: {  	_ =	strace $0x90000051  }
0xb7: {  	_ =	sfence  }
0xb8: {  	s30 =	sld [smem:$0x0];
	_ =	sdelay $0x2  }
0xb9: {  	s31 =	sshll.u32 s1, $0xD;
	s1 =	sshrl.u32 s1, $0x2  }
0xba: {  	s3 =	sand.u32 $0x4000, s31;
	s1 =	sadd.s32 s1, s30  }
0xbb: {  	s0 =	sor.u32 s3, s0;
	s1 =	sshll.u32 s1, $0x11  }
0xbc: {  	s0 =	sor.u32 s1, s0  }
0xbd: {  	s0 =	sadd.s32 $0x8F2B, s0  }
0xbe: {  	[sflag:s0] =	ssyncadd.remote.s32 $0x1  }
0xbf: {  	_ =	sfence.sel $0xFFFF  }
0xc0: {  	[dreg:$0x0] =	wrdreg $0xFFFFFFFF;
	(pc) =	sbr.abs _section_cstart, $3  }
0xc1: {  	[dreg:$0x1] =	wrdreg $0xFFFFFFFF  }
0xc2: {  	_ =	task.clear_ibuf [dreg:s7], $0x2FFFF;
	_ =	strace $0x9FFFFFFF  }
0xc3: {  	(tm) =	ssettm $0x7FFFFFFF  }
tec
execute0_lowered:
.L_overlay_start_1:
0x0: {  	(tag) =	ssettag $0x1  }
0x1: {  	s0 =	rddreg [dreg:$0x0]  }
0x2: {  	s1 =	rddreg [dreg:$0x1];
	s3 =	srdreg.scid  }
0x3: {  	s2 =	rddreg [dreg:$0x2];
	s10 =	stileid.u32  }
0x4: {  	s15 =	simm.s32 $0x9;
	s17 =	simm.s32 $0xA000;
	s18 =	simm.s32 $0x80  }
0x5: {  	s19 =	simm.s32 $0xC000;
	s21 =	simm.s32 $0xE000;
	s23 =	simm.s32 $0x10000  }
0x6: {  	s28 =	simm.s32 $0x4;
	s29 =	simm.s32 $0x5;
	s6 =	smul.u32 $0xA00, s10  }
0x7: {  	s30 =	simm.s32 $0x6;
	s31 =	simm.s32 $0x7;
	s8 =	smul.u32 $0xA000, s10  }
0x8: {  	s4 =	sand.u32 $0x1, s3;
	s3 =	simm.s32 $0x0;
	s10 =	smul.u32 $0x28000, s10  }
0x9: {  	s5 =	smul.u32 $0xA0000, s4;
	[smem:$0x7FF] =	sst s3;
	s24 =	ssub.s32 $0x2, s4  }
0xa: {  	s4 =	sadd.s32 $0x3200, s0;
	_ =	strace $0x80000050;
	s9 =	sadd.s32 s6, s0  }
0xb: {  	s11 =	sshrl.u32 s24, $0x1;
	s25 =	sshrl.u32 s10, $0x2;
	s6 =	sadd.s32 s1, s6  }
0xc: {  	s1 =	simm.s32 $0x0;
	s7 =	sshrl.u32 s5, $0x3;
	s5 =	sadd.s32 s8, s5  }
0xd: {  	s14 =	ssub.s32 s24, s11;
	s26 =	sadd.s32 s25, s2;
	s24 =	simm.s32 $0x1  }
0xe: {  	s25 =	simm.s32 $0x2;
	s12 =	sadd.s32 s7, s0;
	s5 =	sshrl.u32 s5, $0x3  }
0xf: {  	s7 =	sadd.s32 s8, s2;
	s8 =	sadd.s32 $0x2000, s26;
	s10 =	sadd.s32 $0x6000, s26  }
0x10: {  	s11 =	sadd.s32 $0x8000, s26;
	s14 =	smax.u32 s14, $0x1;
	s0 =	sadd.s32 s5, s0  }
0x11: {  	s5 =	sadd.s32 $0x4200, s9;
	s9 =	sadd.s32 $0x4000, s26;
	s12 =	sadd.s32 $0x86200, s12  }
0x12: {  	s26 =	simm.s32 $0x3;
	s13 =	sadd.s32 $0xAE200, s0;
	s0 =	simm.s32 $0x8  }
.LBB2_1:
0x13: {  	[tilespmem:s3], [sflag:$0x9] =	stream.linear.gather [hbm4b:s5+s3], $0x5000, $0x38;
	[tilespmem:$0x1C000] =	vst v63  }
0x14: {  	_ =	swait.ge [sflag:s15], $0x5000  }
0x15: {  	[sflag:s15] =	ssyncset.done $0x0  }
0x16: {  	s16 =	simm.s32 $0x5000;
	[sflag:s15] =	ssyncadd.s32 $0xFFFFB000  }
0x17: {  	[tilespmem:s16], [sflag:$0x9] =	stream.linear.gather [hbm4b:s6+s3], $0x5000, $0x38;
	[tilespmem:$0x1C000] =	vst v63  }
0x18: {  	_ =	swait.ge [sflag:s15], $0x5000  }
0x19: {  	[sflag:s15] =	ssyncset.done $0x0  }
0x1a: {  	[sflag:s15] =	ssyncadd.s32 $0xFFFFB000  }
0x1b: {  	[tilespmem:s17], [sflag:$0x9] =	stream.linear.gather [hbm4b:s4+s3], $0x2000, $0x38;
	[tilespmem:$0x1C000] =	vst v63  }
0x1c: {  	_ =	swait.ge [sflag:s15], $0x2000  }
0x1d: {  	[sflag:s15] =	ssyncset.done $0x0  }
0x1e: {  	[sflag:s15] =	ssyncadd.s32 $0xFFFFE000  }
0x1f: {  	[spmem:s7] =	stream.linear.scatter [tilespmem:s17], [sflag:$0x9], $0x2000, $0x38;
	[tilespmem:$0x1C000] =	vst v63  }
0x20: {  	_ =	swait.ge [sflag:s15], $0x2000  }
0x21: {  	[sflag:s15] =	ssyncset.done $0x0  }
0x22: {  	[sflag:s15] =	ssyncadd.s32 $0xFFFFE000  }
0x23: {  	[spmem:s8] =	stream.linear.scatter [tilespmem:s17], [sflag:$0x9], $0x2000, $0x38;
	[tilespmem:$0x1C000] =	vst v63  }
0x24: {  	_ =	swait.ge [sflag:s15], $0x2000  }
0x25: {  	[sflag:s15] =	ssyncset.done $0x0  }
0x26: {  	[sflag:s15] =	ssyncadd.s32 $0xFFFFE000  }
0x27: {  	[spmem:s9] =	stream.linear.scatter [tilespmem:s17], [sflag:$0x9], $0x2000, $0x38;
	[tilespmem:$0x1C000] =	vst v63  }
0x28: {  	_ =	swait.ge [sflag:s15], $0x2000  }
0x29: {  	[sflag:s15] =	ssyncset.done $0x0  }
0x2a: {  	[sflag:s15] =	ssyncadd.s32 $0xFFFFE000  }
0x2b: {  	[spmem:s10] =	stream.linear.scatter [tilespmem:s17], [sflag:$0x9], $0x2000, $0x38;
	[tilespmem:$0x1C000] =	vst v63  }
0x2c: {  	_ =	swait.ge [sflag:s15], $0x2000  }
0x2d: {  	[sflag:s15] =	ssyncset.done $0x0  }
0x2e: {  	[sflag:s15] =	ssyncadd.s32 $0xFFFFE000  }
0x2f: {  	[spmem:s11] =	stream.linear.scatter [tilespmem:s17], [sflag:$0x9], $0x2000, $0x38;
	[tilespmem:$0x1C000] =	vst v63  }
0x30: {  	_ =	swait.ge [sflag:s15], $0x2000  }
0x31: {  	[sflag:s15] =	ssyncset.done $0x0  }
0x32: {  	[sflag:s15] =	ssyncadd.s32 $0xFFFFE000  }
0x33: {  	[bflag:$0x0] =	sbarrier.arrive $0xFFFF  }
0x34: {  	[tilespmem:s17], [sflag:$0x1] =	stream.indirect.gather [hbm4b:s12+s18], $0x40, s3, s18, $0xb8;
	[tilespmem:$0x1C000] =	vst v63  }
0x35: {  	_ = 	snop  }
0x36: {  	[tilespmem:s19], [sflag:$0x2] =	stream.indirect.gather [hbm4b:s12+s18], $0x40, s18, s18, $0xb8;
	[tilespmem:$0x1C000] =	vst v63  }
0x37: {  	s22 =	simm.s32 $0x100  }
0x38: {  	[tilespmem:s21], [sflag:$0x3] =	stream.indirect.gather [hbm4b:s12+s18], $0x40, s22, s18, $0xb8;
	[tilespmem:$0x1C000] =	vst v63  }
0x39: {  	s20 =	simm.s32 $0x180  }
0x3a: {  	[tilespmem:s23], [sflag:$0x4] =	stream.indirect.gather [hbm4b:s12+s18], $0x40, s20, s18, $0xb8;
	[tilespmem:$0x1C000] =	vst v63  }
0x3b: {  	_ =	swait.ge [sflag:s24], $0x2000  }
0x3c: {  	[sflag:s24] =	ssyncset.done $0x0  }
0x3d: {  	s22 =	simm.s32 $0x5000;
	[sflag:s24] =	ssyncadd.s32 $0xFFFFE000  }
0x3e: {  	[spmem:s2] =	stream.indirect.scatter.add.f32 [tilespmem:s17], [sflag:$0x5], $0x40, s22, s18, $0xb8;
	[tilespmem:$0x1C000] =	vst v63  }
0x3f: {  	_ =	swait.ge [sflag:s25], $0x2000  }
0x40: {  	[sflag:s25] =	ssyncset.done $0x0  }
0x41: {  	s20 =	simm.s32 $0x5080;
	[sflag:s25] =	ssyncadd.s32 $0xFFFFE000  }
0x42: {  	[spmem:s2] =	stream.indirect.scatter.add.f32 [tilespmem:s19], [sflag:$0x6], $0x40, s20, s18, $0xb8;
	[tilespmem:$0x1C000] =	vst v63  }
0x43: {  	_ =	swait.ge [sflag:s26], $0x2000  }
0x44: {  	[sflag:s26] =	ssyncset.done $0x0  }
0x45: {  	s22 =	simm.s32 $0x5100;
	[sflag:s26] =	ssyncadd.s32 $0xFFFFE000  }
0x46: {  	[spmem:s2] =	stream.indirect.scatter.add.f32 [tilespmem:s21], [sflag:$0x7], $0x40, s22, s18, $0xb8;
	[tilespmem:$0x1C000] =	vst v63  }
0x47: {  	_ =	swait.ge [sflag:s28], $0x2000  }
0x48: {  	[sflag:s28] =	ssyncset.done $0x0  }
0x49: {  	s20 =	simm.s32 $0x5180;
	[sflag:s28] =	ssyncadd.s32 $0xFFFFE000  }
0x4a: {  	[spmem:s2] =	stream.indirect.scatter.add.f32 [tilespmem:s23], [sflag:$0x8], $0x40, s20, s18, $0xb8;
	[tilespmem:$0x1C000] =	vst v63  }
0x4b: {  	_ =	swait.ge [sflag:s29], $0x2000  }
0x4c: {  	[sflag:s29] =	ssyncset.done $0x0  }
0x4d: {  	s22 =	simm.s32 $0x200;
	[sflag:s29] =	ssyncadd.s32 $0xFFFFE000  }
0x4e: {  	[tilespmem:s17], [sflag:$0x1] =	stream.indirect.gather [hbm4b:s12+s18], $0x40, s22, s18, $0xb8;
	[tilespmem:$0x1C000] =	vst v63  }
0x4f: {  	_ =	swait.ge [sflag:s30], $0x2000  }
0x50: {  	[sflag:s30] =	ssyncset.done $0x0  }
0x51: {  	s20 =	simm.s32 $0x280;
	[sflag:s30] =	ssyncadd.s32 $0xFFFFE000  }
0x52: {  	[tilespmem:s19], [sflag:$0x2] =	stream.indirect.gather [hbm4b:s12+s18], $0x40, s20, s18, $0xb8;
	[tilespmem:$0x1C000] =	vst v63  }
0x53: {  	_ =	swait.ge [sflag:s31], $0x2000  }
0x54: {  	[sflag:s31] =	ssyncset.done $0x0  }
0x55: {  	s22 =	simm.s32 $0x300;
	[sflag:s31] =	ssyncadd.s32 $0xFFFFE000  }
0x56: {  	[tilespmem:s21], [sflag:$0x3] =	stream.indirect.gather [hbm4b:s12+s18], $0x40, s22, s18, $0xb8;
	[tilespmem:$0x1C000] =	vst v63  }
0x57: {  	_ =	swait.ge [sflag:s0], $0x2000  }
0x58: {  	[sflag:s0] =	ssyncset.done $0x0  }
0x59: {  	s16 =	simm.s32 $0x800;
	s20 =	simm.s32 $0x380;
	[sflag:s0] =	ssyncadd.s32 $0xFFFFE000  }
.LBB2_2:
0x5a: {  	[tilespmem:s23], [sflag:$0x4] =	stream.indirect.gather [hbm4b:s12+s18], $0x40, s20, s18, $0xb8;
	[tilespmem:$0x1C000] =	vst v63  }
0x5b: {  	s20 =	smov.u32 s16  }
0x5c: {  	p0 =	sne.s32 s16, $0x13000;
	s16 =	sadd.s32 $0x800, s16;
	_ =	swait.ge [sflag:s24], $0x2000  }
0x5d: {  	s20 =	sshra.s32 s20, $0x2;
	[sflag:s24] =	ssyncset.done $0x0  }
0x5e: {  	s22 =	sadd.s32 $0x5000, s20;
	[sflag:s24] =	ssyncadd.s32 $0xFFFFE000  }
0x5f: {  	[spmem:s2] =	stream.indirect.scatter.add.f32 [tilespmem:s17], [sflag:$0x5], $0x40, s22, s18, $0xb8;
	[tilespmem:$0x1C000] =	vst v63  }
0x60: {  	_ =	swait.ge [sflag:s25], $0x2000  }
0x61: {  	[sflag:s25] =	ssyncset.done $0x0  }
0x62: {  	s22 =	sadd.s32 $0x5080, s20;
	[sflag:s25] =	ssyncadd.s32 $0xFFFFE000  }
0x63: {  	[spmem:s2] =	stream.indirect.scatter.add.f32 [tilespmem:s19], [sflag:$0x6], $0x40, s22, s18, $0xb8;
	[tilespmem:$0x1C000] =	vst v63  }
0x64: {  	_ =	swait.ge [sflag:s26], $0x2000  }
0x65: {  	[sflag:s26] =	ssyncset.done $0x0  }
0x66: {  	s22 =	sadd.s32 $0x5100, s20;
	[sflag:s26] =	ssyncadd.s32 $0xFFFFE000  }
0x67: {  	[spmem:s2] =	stream.indirect.scatter.add.f32 [tilespmem:s21], [sflag:$0x7], $0x40, s22, s18, $0xb8;
	[tilespmem:$0x1C000] =	vst v63  }
0x68: {  	_ =	swait.ge [sflag:s28], $0x2000  }
0x69: {  	[sflag:s28] =	ssyncset.done $0x0  }
0x6a: {  	s22 =	sadd.s32 $0x5180, s20;
	[sflag:s28] =	ssyncadd.s32 $0xFFFFE000  }
0x6b: {  	[spmem:s2] =	stream.indirect.scatter.add.f32 [tilespmem:s23], [sflag:$0x8], $0x40, s22, s18, $0xb8;
	[tilespmem:$0x1C000] =	vst v63  }
0x6c: {  	_ =	swait.ge [sflag:s29], $0x2000  }
0x6d: {  	[sflag:s29] =	ssyncset.done $0x0  }
0x6e: {  	s22 =	sadd.s32 $0x200, s20;
	[sflag:s29] =	ssyncadd.s32 $0xFFFFE000  }
0x6f: {  	[tilespmem:s17], [sflag:$0x1] =	stream.indirect.gather [hbm4b:s12+s18], $0x40, s22, s18, $0xb8;
	[tilespmem:$0x1C000] =	vst v63  }
0x70: {  	_ =	swait.ge [sflag:s30], $0x2000  }
0x71: {  	[sflag:s30] =	ssyncset.done $0x0  }
0x72: {  	s22 =	sadd.s32 $0x280, s20;
	[sflag:s30] =	ssyncadd.s32 $0xFFFFE000  }
0x73: {  	[tilespmem:s19], [sflag:$0x2] =	stream.indirect.gather [hbm4b:s12+s18], $0x40, s22, s18, $0xb8;
	[tilespmem:$0x1C000] =	vst v63  }
0x74: {  	_ =	swait.ge [sflag:s31], $0x2000  }
0x75: {  	[sflag:s31] =	ssyncset.done $0x0  }
.Ltmp0:
0x76: {  	s22 =	sadd.s32 $0x300, s20;
	[sflag:s31] =	ssyncadd.s32 $0xFFFFE000;
	(pc) =	sbr.rel @p0 .LBB2_2-.Ltmp0, $4  }
0x77: {  	[tilespmem:s21], [sflag:$0x3] =	stream.indirect.gather [hbm4b:s12+s18], $0x40, s22, s18, $0xb8;
	[tilespmem:$0x1C000] =	vst v63  }
0x78: {  	_ =	swait.ge [sflag:s0], $0x2000  }
0x79: {  	[sflag:s0] =	ssyncset.done $0x0  }
0x7a: {  	s20 =	sadd.s32 $0x380, s20;
	[sflag:s0] =	ssyncadd.s32 $0xFFFFE000  }
0x7b: {  	[tilespmem:s23], [sflag:$0x4] =	stream.indirect.gather [hbm4b:s12+s18], $0x40, s20, s18, $0xb8;
	[tilespmem:$0x1C000] =	vst v63  }
0x7c: {  	_ =	swait.ge [sflag:s24], $0x2000  }
0x7d: {  	[sflag:s24] =	ssyncset.done $0x0  }
0x7e: {  	s16 =	simm.s32 $0x9E00;
	[sflag:s24] =	ssyncadd.s32 $0xFFFFE000  }
0x7f: {  	[spmem:s2] =	stream.indirect.scatter.add.f32 [tilespmem:s17], [sflag:$0x5], $0x40, s16, s18, $0xb8;
	[tilespmem:$0x1C000] =	vst v63  }
0x80: {  	_ =	swait.ge [sflag:s25], $0x2000  }
0x81: {  	[sflag:s25] =	ssyncset.done $0x0  }
0x82: {  	s22 =	simm.s32 $0x9E80;
	[sflag:s25] =	ssyncadd.s32 $0xFFFFE000  }
0x83: {  	[spmem:s2] =	stream.indirect.scatter.add.f32 [tilespmem:s19], [sflag:$0x6], $0x40, s22, s18, $0xb8;
	[tilespmem:$0x1C000] =	vst v63  }
0x84: {  	_ =	swait.ge [sflag:s26], $0x2000  }
0x85: {  	[sflag:s26] =	ssyncset.done $0x0  }
0x86: {  	s20 =	simm.s32 $0x9F00;
	[sflag:s26] =	ssyncadd.s32 $0xFFFFE000  }
0x87: {  	[spmem:s2] =	stream.indirect.scatter.add.f32 [tilespmem:s21], [sflag:$0x7], $0x40, s20, s18, $0xb8;
	[tilespmem:$0x1C000] =	vst v63  }
0x88: {  	_ =	swait.ge [sflag:s28], $0x2000  }
0x89: {  	[sflag:s28] =	ssyncset.done $0x0  }
0x8a: {  	s22 =	simm.s32 $0x9F80;
	[sflag:s28] =	ssyncadd.s32 $0xFFFFE000  }
0x8b: {  	[spmem:s2] =	stream.indirect.scatter.add.f32 [tilespmem:s23], [sflag:$0x8], $0x40, s22, s18, $0xb8;
	[tilespmem:$0x1C000] =	vst v63  }
0x8c: {  	_ =	swait.ge [sflag:s29], $0x2000  }
0x8d: {  	[sflag:s29] =	ssyncset.done $0x0  }
0x8e: {  	[sflag:s29] =	ssyncadd.s32 $0xFFFFE000  }
0x8f: {  	_ =	swait.ge [sflag:s30], $0x2000  }
0x90: {  	[sflag:s30] =	ssyncset.done $0x0  }
0x91: {  	[sflag:s30] =	ssyncadd.s32 $0xFFFFE000  }
0x92: {  	_ =	swait.ge [sflag:s31], $0x2000  }
0x93: {  	[sflag:s31] =	ssyncset.done $0x0  }
0x94: {  	[sflag:s31] =	ssyncadd.s32 $0xFFFFE000  }
0x95: {  	s20 =	stileid.u32;
	_ =	swait.ge [sflag:s0], $0x2000  }
0x96: {  	s1 =	sadd.s32 $0x1, s1;
	s16 =	sshll.u32 s20, $0x6;
	[sflag:s0] =	ssyncset.done $0x0  }
0x97: {  	p0 =	sne.s32 s1, s14;
	s16 =	sor.u32 $0x1C09, s16;
	[sflag:s0] =	ssyncadd.s32 $0xFFFFE000  }
.Ltmp1:
0x98: {  	s22 =	sshrl.u32 s7, $0x3;
	[bflag:$0x0] =	sbarrier.arrive $0xFFFF;
	(pc) =	sbr.rel @p0 .LBB2_1-.Ltmp1, $4  }
0x99: {  	[hbm:s13], [sflag:s16] =	dma.local [spmem:s22], $0x1400  }
0x9a: {  	_ =	swait.ge [sflag:s15], $0x1400  }
0x9b: {  	[sflag:s15] =	ssyncset.done $0x0  }
0x9c: {  	[sflag:s15] =	ssyncadd.s32 $0xFFFFEC00  }
0x9d: {  	_ =	sfence.sel $0x180000  }
0x9e: {  	[bflag:$0x0] =	sbarrier.arrive $0xFFFF  }
0x9f: {  	_ =	strace $0x90000050  }
0xa0: {  	s0 =	stileid.u32;
	[bflag:$0x2] =	sbarrier.arrive $0xFFFF  }
0xa1: {  	p0 =	sne.s32 s0, $0x0;
	s0 =	rddreg [dreg:$0x3]  }
0xa2: {  	s0 =	sadd.s32 @!p0 $0x100000, s0  }
0xa3: {  	[sflag:s0] =	ssyncadd.tile.s32 @!p0 $0x1;
	_ =	shalt  }
.Lfunc_end2:
_tile_overlayer_lowered:
.L_overlay_start_2:
0xa4: {  	(tag) =	ssettag $0x2  }
0xa5: {  	s0 =	rddreg [dreg:$0x0];
	s2 =	stileid.u32  }
0xa6: {  	s1 =	rddreg [dreg:$0x1];
	p0 =	sne.s32 s2, $0x0  }
0xa7: {  	s3 =	rddreg [dreg:$0x2];
	[bflag:$0x3] =	sbarrier.arrive $0xFFFF;
	s2 =	simm.s32 @!p0 $0x1C09  }
0xa8: {  	[timem:s3], [sflag:s2] =	dma.local @!p0 [hbm:s0], s1  }
0xa9: {  	s0 =	simm.s32 @!p0 $0x9  }
0xaa: {  	_ =	swait.ge @!p0 [sflag:s0], s1  }
0xab: {  	s1 =	ssub.s32 @!p0 $0x0, s1;
	[sflag:s0] =	ssyncset.done @!p0 $0x0  }
0xac: {  	[sflag:s0] =	ssyncadd.s32 @!p0 s1  }
0xad: {  	[bflag:$0x3] =	sbarrier.arrive $0xFFFF  }
0xae: {  	_ =	shalt  }

// kernel: kernel.24.cloned.1.call-start
scs
__scs_entry_jumppad:
0x0: {  	(pc) =	sbr.rel $0x88, $3  }
0x1: {  	(tag) =	ssettag $0x0;
	lr =	simm.s32 $0x1  }
0x2: {  	[smem:$0x3F97] =	sst lr;
	_ =	strace $0xD0000000  }
0x3: {  	_ = 	snop  }
0x4: {  	_ = 	snop  }
0x5: {  	_ = 	snop  }
0x6: {  	_ = 	snop  }
0x7: {  	_ = 	snop  }
__scs_overlays_trampoline_lowered:
0x8: {  	[smem:$0x3FA6] =	sst s0  }
0x9: {  	[smem:$0x3FA7] =	sst s1  }
0xa: {  	[smem:$0x3FA8] =	sst s2  }
0xb: {  	[smem:$0x3FA9] =	sst s3  }
0xc: {  	[smem:$0x3FAA] =	sst s4  }
0xd: {  	[smem:$0x3FAB] =	sst s5  }
0xe: {  	[smem:$0x3FAC] =	sst s6  }
0xf: {  	[smem:$0x3FAD] =	sst s7  }
0x10: {  	[smem:$0x3FAE] =	sst s8  }
0x11: {  	[smem:$0x3FAF] =	sst s9;
	s0 =	simm.s32 @!p0 $0x0  }
0x12: {  	s1 =	sld [smem:$0x3F95];
	s0 =	simm.s32 @p0 $0x1  }
0x13: {  	[smem:$0x3FB0] =	sst s0;
	s0 =	simm.s32 @!p1 $0x0  }
0x14: {  	s2 =	sld [smem:$0x3F94];
	s0 =	simm.s32 @p1 $0x1  }
0x15: {  	[smem:$0x3FB1] =	sst s0;
	s0 =	simm.s32 @!p2 $0x0  }
0x16: {  	s3 =	sld [smem:$0x3FDB];
	s0 =	simm.s32 @p2 $0x1  }
0x17: {  	s4 =	simm.s32 $0x1BF5;
	[smem:$0x3FB3] =	sst s0  }
0x18: {  	s0 =	sld [smem:$0x3F96];
	_ =	swait.ge [sflag:s4], $0x0  }
0x19: {  	s7 =	sld [smem:$0x3F97]  }
0x1a: {  	s8 =	sadd.s32 $0xFFFFE003, lr  }
0x1b: {  	s9 =	sadd.s32 $0xFFFFFEF7, lr;
	s5 =	simm.s32 $0xFFFFFFFF;
	p2 =	slt.u32 s8, $0xFFFFF086  }
0x1c: {  	p1 =	slt.u32 s9, $0xF7A;
	s5 =	simm.s32 @!p2 $0x0  }
0x1d: {  	s5 =	simm.s32 @p1 $0x1;
	p0 =	seq.s32 s7, s2  }
0x1e: {  	s7 =	smul.u32 @!p0 $0xF7A, s2;
	p2 =	seq.s32 @!p0 s5, $0x0  }
0x1f: {  	s9 =	smul.u32 $0xF7A, s1;
	s8 =	simm.s32 @!p0 $0x1BF5;
	p2 =	por !p2, p0  }
0x20: {  	[sflag:s8] =	ssyncset.s32 @!p0 $0xFFFFF086;
	s6 =	sadd.s32 @!p0 s3, s7;
	s7 =	simm.s32 @!p0 $0x108  }
0x21: {  	s3 =	sadd.s32 s3, s9;
	s6 =	sadd.s32 @!p0 $0x88, s6;
	s7 =	simm.s32 @p2 $0x1082  }
0x22: {  	[simem:s7], [sflag:s8] =	dma.local @!p0 [hbm:s6], $0xF7A  }
0x23: {  	s9 =	sor.u32 $0xD0000000, s2;
	s6 =	simm.s32 $0x108;
	_ =	swait.ge @!p0 [sflag:s8], $0x0  }
0x24: {  	s3 =	sadd.s32 $0x88, s3;
	s6 =	simm.s32 @!p1 $0x1082;
	[sflag:s4] =	ssyncset.s32 $0xFFFFF086  }
0x25: {  	[simem:s6], [sflag:s4] =	dma.local [hbm:s3], $0xF7A  }
0x26: {  	[smem:$0x3F97] =	sst s1;
	(tag) =	ssettag s2;
	_ =	strace s9  }
0x27: {  	s1 =	sld [smem:$0x3FA7]  }
0x28: {  	s2 =	sld [smem:$0x3FA8]  }
0x29: {  	s4 =	sld [smem:$0x3FAA]  }
0x2a: {  	p0 =	seq.s32 s5, $0x0;
	s5 =	sld [smem:$0x3FAB]  }
0x2b: {  	s6 =	sld [smem:$0x3FAC]  }
0x2c: {  	s7 =	sld [smem:$0x3FAD]  }
0x2d: {  	s3 =	simm.s32 $0x108;
	s8 =	sld [smem:$0x3FAE]  }
0x2e: {  	s3 =	simm.s32 @!p0 $0x1082;
	s9 =	sld [smem:$0x3FAF]  }
0x2f: {  	lr =	sadd.s32 s0, s3;
	s0 =	sld [smem:$0x3FA6]  }
0x30: {  	s3 =	sld [smem:$0x3FA9]  }
0x31: {  	[smem:$0x3FB2] =	sst s10  }
0x32: {  	s10 =	sld [smem:$0x3FB0];
	_ =	sdelay $0x3  }
0x33: {  	p0 =	seq.s32 s10, $0x1;
	s10 =	sld [smem:$0x3FB2];
	_ =	sdelay $0x3  }
0x34: {  	[smem:$0x3FB2] =	sst s10  }
0x35: {  	s10 =	sld [smem:$0x3FB1];
	_ =	sdelay $0x3  }
0x36: {  	p1 =	seq.s32 s10, $0x1;
	s10 =	sld [smem:$0x3FB2];
	_ =	sdelay $0x3  }
0x37: {  	[smem:$0x3FB2] =	sst s10  }
0x38: {  	s10 =	sld [smem:$0x3FB3]  }
0x39: {  	_ = 	snop;
	(pc) =	sbr.ind lr, $3  }
0x3a: {  	_ = 	snop  }
0x3b: {  	_ = 	snop  }
0x3c: {  	p2 =	seq.s32 s10, $0x1;
	s10 =	sld [smem:$0x3FB2]  }
0x3d: {  	_ =	shalt  }
0x3e: {  	_ =	shalt  }
0x3f: {  	_ =	shalt  }
0x40: {  	_ =	shalt  }
0x41: {  	_ =	shalt  }
0x42: {  	_ =	shalt  }
0x43: {  	_ =	shalt  }
0x44: {  	_ =	shalt  }
0x45: {  	_ =	shalt  }
0x46: {  	_ =	shalt  }
0x47: {  	_ =	shalt  }
0x48: {  	_ =	shalt  }
0x49: {  	_ =	shalt  }
0x4a: {  	_ =	shalt  }
0x4b: {  	_ =	shalt  }
0x4c: {  	_ =	shalt  }
0x4d: {  	_ =	shalt  }
0x4e: {  	_ =	shalt  }
0x4f: {  	_ =	shalt  }
0x50: {  	_ =	shalt  }
0x51: {  	_ =	shalt  }
0x52: {  	_ =	shalt  }
0x53: {  	_ =	shalt  }
0x54: {  	_ =	shalt  }
0x55: {  	_ =	shalt  }
0x56: {  	_ =	shalt  }
0x57: {  	_ =	shalt  }
0x58: {  	_ =	shalt  }
0x59: {  	_ =	shalt  }
0x5a: {  	_ =	shalt  }
0x5b: {  	_ =	shalt  }
0x5c: {  	_ =	shalt  }
0x5d: {  	_ =	shalt  }
0x5e: {  	_ =	shalt  }
0x5f: {  	_ =	shalt  }
0x60: {  	_ =	shalt  }
0x61: {  	_ =	shalt  }
0x62: {  	_ =	shalt  }
0x63: {  	_ =	shalt  }
0x64: {  	_ =	shalt  }
0x65: {  	_ =	shalt  }
0x66: {  	_ =	shalt  }
0x67: {  	_ =	shalt  }
0x68: {  	_ =	shalt  }
0x69: {  	_ =	shalt  }
0x6a: {  	_ =	shalt  }
0x6b: {  	_ =	shalt  }
0x6c: {  	_ =	shalt  }
0x6d: {  	_ =	shalt  }
0x6e: {  	_ =	shalt  }
0x6f: {  	_ =	shalt  }
0x70: {  	_ =	shalt  }
0x71: {  	_ =	shalt  }
0x72: {  	_ =	shalt  }
0x73: {  	_ =	shalt  }
0x74: {  	_ =	shalt  }
0x75: {  	_ =	shalt  }
0x76: {  	_ =	shalt  }
0x77: {  	_ =	shalt  }
0x78: {  	_ =	shalt  }
0x79: {  	_ =	shalt  }
0x7a: {  	_ =	shalt  }
0x7b: {  	_ =	shalt  }
0x7c: {  	_ =	shalt  }
0x7d: {  	_ =	shalt  }
0x7e: {  	_ =	shalt  }
0x7f: {  	_ =	shalt  }
0x80: {  	_ =	shalt  }
0x81: {  	_ =	shalt  }
0x82: {  	_ =	shalt  }
0x83: {  	_ =	shalt  }
0x84: {  	_ =	shalt  }
0x85: {  	_ =	shalt  }
0x86: {  	_ =	shalt  }
0x87: {  	_ =	shalt  }
.Lfunc_end0:
.L_simem_size_0:
called_computation.4_lowered:
.L_overlay_start_0:
0x88: {  	s2 =	sld [smem:$0x3FD9]  }
0x89: {  	s3 =	sld [smem:$0x3FFE];
	_ =	sdelay $0x1  }
0x8a: {  	s1 =	srdreg.scid  }
0x8b: {  	s0 =	sand.u32 $0x1, s1  }
0x8c: {  	s17 =	sshll.u32 s0, $0xA;
	s2 =	sadd.s32 s3, s2  }
0x8d: {  	s2 =	sadd.s32 s2, s17  }
0x8e: {  	[smem:$0x3FBE] =	sst s2  }
0x8f: {  	_ = 	snop  }
0x90: {  	s2 =	sld [smem:$0x3FD0];
	(tm) =	ssettm $0x1  }
0x91: {  	s18 =	sld [smem:$0x3FFB];
	_ =	sdelay $0x3  }
0x92: {  	_ =	strace s18  }
0x93: {  	s3 =	sld [smem:$0x3FFC];
	_ =	sdelay $0x3  }
0x94: {  	_ =	strace s3  }
0x95: {  	s3 =	sld [smem:$0x3FFD];
	_ =	sdelay $0x3  }
0x96: {  	_ =	strace s3  }
0x97: {  	_ =	strace $0x8FFFFFFF  }
0x98: {  	s19 =	sld [smem:$0x3FDB];
	_ =	sdelay $0x1  }
0x99: {  	s4 =	simm.s32 $_scs_section_size  }
0x9a: {  	s5 =	simm.s32 $_size__tile_overlayer_lowered;
	s6 =	simm.s32 $_tile_overlayer_lowered  }
0x9b: {  	s22 =	simm.s32 $0x1BFF;
	s21 =	sshll.u32 s6, $0x1;
	s3 =	sadd.s32 s4, s19  }
0x9c: {  	s7 =	simm.s32 $0x0;
	s20 =	sshll.u32 s5, $0x1;
	s5 =	sadd.s32 s21, s3  }
0x9d: {  	[timem:s7], [sflag:s22] =	dma.local [hbm:s5], s20  }
0x9e: {  	_ =	swait.ge [sflag:s22], s20  }
0x9f: {  	s4 =	ssub.s32 $0x0, s20;
	[sflag:s22] =	ssyncset.done $0x0  }
0xa0: {  	[sflag:s22] =	ssyncadd.s32 s4;
	_ =	sdelay $0x1  }
0xa1: {  	s23 =	simm.s32 $0x1B8B  }
0xa2: {  	_ =	swait.ge [sflag:s23], $0x1  }
0xa3: {  	[sflag:s23] =	ssyncset.done $0x0  }
0xa4: {  	s25 =	simm.s32 $0x1B8E;
	s24 =	sld [smem:$0x3FFE];
	[sflag:s23] =	ssyncadd.s32 $0xFFFFFFFF  }
0xa5: {  	s26 =	simm.s32 $execute0_lowered;
	[smem:$0x3FD2] =	sst s25  }
0xa6: {  	s5 =	sshll.u32 s26, $0x1;
	_ =	strace $0x80000052;
	[dreg:$0x1] =	wrdreg $0xFFFFFFFF  }
0xa7: {  	s28 =	simm.s32 $_size_execute0_lowered;
	s3 =	sadd.s32 s3, s5;
	[dreg:$0x0] =	wrdreg $0x0  }
0xa8: {  	s5 =	sshll.u32 s28, $0x1;
	[dreg:$0x2] =	wrdreg s3  }
0xa9: {  	[dreg:$0x3] =	wrdreg s5  }
0xaa: {  	[dreg:$0x4] =	wrdreg $0xC0  }
0xab: {  	_ =	task [dreg:s7], $0x5FFFF  }
0xac: {  	[dreg:$0x1] =	wrdreg $0xFFFFFFFF  }
0xad: {  	[dreg:$0x0] =	wrdreg $0x60  }
0xae: {  	[dreg:$0x2] =	wrdreg s24  }
0xaf: {  	[dreg:$0x3] =	wrdreg s2  }
0xb0: {  	[dreg:$0x4] =	wrdreg $0x120000  }
0xb1: {  	[dreg:$0x5] =	wrdreg $0x9  }
0xb2: {  	_ =	task.clear_ibuf [dreg:s7], $0x6FFFF;
	_ =	strace $0x90000052  }
0xb3: {  	s29 =	simm.s32 $0x9;
	_ =	strace $0x80000054  }
0xb4: {  	_ =	swait.ge [sflag:s29], $0x1  }
0xb5: {  	[sflag:s29] =	ssyncadd.s32 $0xFFFFFFFF  }
0xb6: {  	_ =	strace $0x90000054  }
0xb7: {  	_ =	sfence  }
0xb8: {  	s30 =	sld [smem:$0x0];
	_ =	sdelay $0x2  }
0xb9: {  	s31 =	sshll.u32 s1, $0xD;
	s1 =	sshrl.u32 s1, $0x2  }
0xba: {  	s3 =	sand.u32 $0x4000, s31;
	s1 =	sadd.s32 s1, s30  }
0xbb: {  	s0 =	sor.u32 s3, s0;
	s1 =	sshll.u32 s1, $0x11  }
0xbc: {  	s0 =	sor.u32 s1, s0  }
0xbd: {  	s0 =	sadd.s32 $0x8F2B, s0  }
0xbe: {  	[sflag:s0] =	ssyncadd.remote.s32 $0x1  }
0xbf: {  	_ =	sfence.sel $0xFFFF  }
0xc0: {  	[dreg:$0x0] =	wrdreg $0xFFFFFFFF;
	(pc) =	sbr.abs _section_cstart, $3  }
0xc1: {  	[dreg:$0x1] =	wrdreg $0xFFFFFFFF  }
0xc2: {  	_ =	task.clear_ibuf [dreg:s7], $0x2FFFF;
	_ =	strace $0x9FFFFFFF  }
0xc3: {  	(tm) =	ssettm $0x7FFFFFFF  }
tec
execute0_lowered:
.L_overlay_start_1:
0x0: {  	(tag) =	ssettag $0x1  }
0x1: {  	s0 =	rddreg [dreg:$0x0]  }
0x2: {  	s1 =	rddreg [dreg:$0x1];
	s3 =	srdreg.scid  }
0x3: {  	s2 =	rddreg [dreg:$0x2];
	s10 =	stileid.u32  }
0x4: {  	s15 =	simm.s32 $0x9;
	s17 =	simm.s32 $0xA000;
	s18 =	simm.s32 $0x80  }
0x5: {  	s19 =	simm.s32 $0xC000;
	s21 =	simm.s32 $0xE000;
	s23 =	simm.s32 $0x10000  }
0x6: {  	s28 =	simm.s32 $0x4;
	s29 =	simm.s32 $0x5;
	s6 =	smul.u32 $0xA00, s10  }
0x7: {  	s30 =	simm.s32 $0x6;
	s31 =	simm.s32 $0x7;
	s8 =	smul.u32 $0xA000, s10  }
0x8: {  	s4 =	sand.u32 $0x1, s3;
	s3 =	simm.s32 $0x0;
	s10 =	smul.u32 $0x28000, s10  }
0x9: {  	s5 =	smul.u32 $0xA0000, s4;
	[smem:$0x7FF] =	sst s3;
	s24 =	ssub.s32 $0x2, s4  }
0xa: {  	s4 =	sadd.s32 $0x3200, s0;
	_ =	strace $0x80000053;
	s9 =	sadd.s32 s6, s0  }
0xb: {  	s11 =	sshrl.u32 s24, $0x1;
	s25 =	sshrl.u32 s10, $0x2;
	s6 =	sadd.s32 s1, s6  }
0xc: {  	s1 =	simm.s32 $0x0;
	s7 =	sshrl.u32 s5, $0x3;
	s5 =	sadd.s32 s8, s5  }
0xd: {  	s14 =	ssub.s32 s24, s11;
	s26 =	sadd.s32 s25, s2;
	s24 =	simm.s32 $0x1  }
0xe: {  	s25 =	simm.s32 $0x2;
	s12 =	sadd.s32 s7, s0;
	s5 =	sshrl.u32 s5, $0x3  }
0xf: {  	s7 =	sadd.s32 s8, s2;
	s8 =	sadd.s32 $0x2000, s26;
	s10 =	sadd.s32 $0x6000, s26  }
0x10: {  	s11 =	sadd.s32 $0x8000, s26;
	s14 =	smax.u32 s14, $0x1;
	s0 =	sadd.s32 s5, s0  }
0x11: {  	s5 =	sadd.s32 $0x4200, s9;
	s9 =	sadd.s32 $0x4000, s26;
	s12 =	sadd.s32 $0x5E200, s12  }
0x12: {  	s26 =	simm.s32 $0x3;
	s13 =	sadd.s32 $0x86200, s0;
	s0 =	simm.s32 $0x8  }
.LBB2_1:
0x13: {  	[tilespmem:s3], [sflag:$0x9] =	stream.linear.gather [hbm4b:s5+s3], $0x5000, $0x38;
	[tilespmem:$0x1C000] =	vst v63  }
0x14: {  	_ =	swait.ge [sflag:s15], $0x5000  }
0x15: {  	[sflag:s15] =	ssyncset.done $0x0  }
0x16: {  	s16 =	simm.s32 $0x5000;
	[sflag:s15] =	ssyncadd.s32 $0xFFFFB000  }
0x17: {  	[tilespmem:s16], [sflag:$0x9] =	stream.linear.gather [hbm4b:s6+s3], $0x5000, $0x38;
	[tilespmem:$0x1C000] =	vst v63  }
0x18: {  	_ =	swait.ge [sflag:s15], $0x5000  }
0x19: {  	[sflag:s15] =	ssyncset.done $0x0  }
0x1a: {  	[sflag:s15] =	ssyncadd.s32 $0xFFFFB000  }
0x1b: {  	[tilespmem:s17], [sflag:$0x9] =	stream.linear.gather [hbm4b:s4+s3], $0x2000, $0x38;
	[tilespmem:$0x1C000] =	vst v63  }
0x1c: {  	_ =	swait.ge [sflag:s15], $0x2000  }
0x1d: {  	[sflag:s15] =	ssyncset.done $0x0  }
0x1e: {  	[sflag:s15] =	ssyncadd.s32 $0xFFFFE000  }
0x1f: {  	[spmem:s7] =	stream.linear.scatter [tilespmem:s17], [sflag:$0x9], $0x2000, $0x38;
	[tilespmem:$0x1C000] =	vst v63  }
0x20: {  	_ =	swait.ge [sflag:s15], $0x2000  }
0x21: {  	[sflag:s15] =	ssyncset.done $0x0  }
0x22: {  	[sflag:s15] =	ssyncadd.s32 $0xFFFFE000  }
0x23: {  	[spmem:s8] =	stream.linear.scatter [tilespmem:s17], [sflag:$0x9], $0x2000, $0x38;
	[tilespmem:$0x1C000] =	vst v63  }
0x24: {  	_ =	swait.ge [sflag:s15], $0x2000  }
0x25: {  	[sflag:s15] =	ssyncset.done $0x0  }
0x26: {  	[sflag:s15] =	ssyncadd.s32 $0xFFFFE000  }
0x27: {  	[spmem:s9] =	stream.linear.scatter [tilespmem:s17], [sflag:$0x9], $0x2000, $0x38;
	[tilespmem:$0x1C000] =	vst v63  }
0x28: {  	_ =	swait.ge [sflag:s15], $0x2000  }
0x29: {  	[sflag:s15] =	ssyncset.done $0x0  }
0x2a: {  	[sflag:s15] =	ssyncadd.s32 $0xFFFFE000  }
0x2b: {  	[spmem:s10] =	stream.linear.scatter [tilespmem:s17], [sflag:$0x9], $0x2000, $0x38;
	[tilespmem:$0x1C000] =	vst v63  }
0x2c: {  	_ =	swait.ge [sflag:s15], $0x2000  }
0x2d: {  	[sflag:s15] =	ssyncset.done $0x0  }
0x2e: {  	[sflag:s15] =	ssyncadd.s32 $0xFFFFE000  }
0x2f: {  	[spmem:s11] =	stream.linear.scatter [tilespmem:s17], [sflag:$0x9], $0x2000, $0x38;
	[tilespmem:$0x1C000] =	vst v63  }
0x30: {  	_ =	swait.ge [sflag:s15], $0x2000  }
0x31: {  	[sflag:s15] =	ssyncset.done $0x0  }
0x32: {  	[sflag:s15] =	ssyncadd.s32 $0xFFFFE000  }
0x33: {  	[bflag:$0x0] =	sbarrier.arrive $0xFFFF  }
0x34: {  	[tilespmem:s17], [sflag:$0x1] =	stream.indirect.gather [hbm4b:s12+s18], $0x40, s3, s18, $0xb8;
	[tilespmem:$0x1C000] =	vst v63  }
0x35: {  	_ = 	snop  }
0x36: {  	[tilespmem:s19], [sflag:$0x2] =	stream.indirect.gather [hbm4b:s12+s18], $0x40, s18, s18, $0xb8;
	[tilespmem:$0x1C000] =	vst v63  }
0x37: {  	s22 =	simm.s32 $0x100  }
0x38: {  	[tilespmem:s21], [sflag:$0x3] =	stream.indirect.gather [hbm4b:s12+s18], $0x40, s22, s18, $0xb8;
	[tilespmem:$0x1C000] =	vst v63  }
0x39: {  	s20 =	simm.s32 $0x180  }
0x3a: {  	[tilespmem:s23], [sflag:$0x4] =	stream.indirect.gather [hbm4b:s12+s18], $0x40, s20, s18, $0xb8;
	[tilespmem:$0x1C000] =	vst v63  }
0x3b: {  	_ =	swait.ge [sflag:s24], $0x2000  }
0x3c: {  	[sflag:s24] =	ssyncset.done $0x0  }
0x3d: {  	s22 =	simm.s32 $0x5000;
	[sflag:s24] =	ssyncadd.s32 $0xFFFFE000  }
0x3e: {  	[spmem:s2] =	stream.indirect.scatter.add.f32 [tilespmem:s17], [sflag:$0x5], $0x40, s22, s18, $0xb8;
	[tilespmem:$0x1C000] =	vst v63  }
0x3f: {  	_ =	swait.ge [sflag:s25], $0x2000  }
0x40: {  	[sflag:s25] =	ssyncset.done $0x0  }
0x41: {  	s20 =	simm.s32 $0x5080;
	[sflag:s25] =	ssyncadd.s32 $0xFFFFE000  }
0x42: {  	[spmem:s2] =	stream.indirect.scatter.add.f32 [tilespmem:s19], [sflag:$0x6], $0x40, s20, s18, $0xb8;
	[tilespmem:$0x1C000] =	vst v63  }
0x43: {  	_ =	swait.ge [sflag:s26], $0x2000  }
0x44: {  	[sflag:s26] =	ssyncset.done $0x0  }
0x45: {  	s22 =	simm.s32 $0x5100;
	[sflag:s26] =	ssyncadd.s32 $0xFFFFE000  }
0x46: {  	[spmem:s2] =	stream.indirect.scatter.add.f32 [tilespmem:s21], [sflag:$0x7], $0x40, s22, s18, $0xb8;
	[tilespmem:$0x1C000] =	vst v63  }
0x47: {  	_ =	swait.ge [sflag:s28], $0x2000  }
0x48: {  	[sflag:s28] =	ssyncset.done $0x0  }
0x49: {  	s20 =	simm.s32 $0x5180;
	[sflag:s28] =	ssyncadd.s32 $0xFFFFE000  }
0x4a: {  	[spmem:s2] =	stream.indirect.scatter.add.f32 [tilespmem:s23], [sflag:$0x8], $0x40, s20, s18, $0xb8;
	[tilespmem:$0x1C000] =	vst v63  }
0x4b: {  	_ =	swait.ge [sflag:s29], $0x2000  }
0x4c: {  	[sflag:s29] =	ssyncset.done $0x0  }
0x4d: {  	s22 =	simm.s32 $0x200;
	[sflag:s29] =	ssyncadd.s32 $0xFFFFE000  }
0x4e: {  	[tilespmem:s17], [sflag:$0x1] =	stream.indirect.gather [hbm4b:s12+s18], $0x40, s22, s18, $0xb8;
	[tilespmem:$0x1C000] =	vst v63  }
0x4f: {  	_ =	swait.ge [sflag:s30], $0x2000  }
0x50: {  	[sflag:s30] =	ssyncset.done $0x0  }
0x51: {  	s20 =	simm.s32 $0x280;
	[sflag:s30] =	ssyncadd.s32 $0xFFFFE000  }
0x52: {  	[tilespmem:s19], [sflag:$0x2] =	stream.indirect.gather [hbm4b:s12+s18], $0x40, s20, s18, $0xb8;
	[tilespmem:$0x1C000] =	vst v63  }
0x53: {  	_ =	swait.ge [sflag:s31], $0x2000  }
0x54: {  	[sflag:s31] =	ssyncset.done $0x0  }
0x55: {  	s22 =	simm.s32 $0x300;
	[sflag:s31] =	ssyncadd.s32 $0xFFFFE000  }
0x56: {  	[tilespmem:s21], [sflag:$0x3] =	stream.indirect.gather [hbm4b:s12+s18], $0x40, s22, s18, $0xb8;
	[tilespmem:$0x1C000] =	vst v63  }
0x57: {  	_ =	swait.ge [sflag:s0], $0x2000  }
0x58: {  	[sflag:s0] =	ssyncset.done $0x0  }
0x59: {  	s16 =	simm.s32 $0x800;
	s20 =	simm.s32 $0x380;
	[sflag:s0] =	ssyncadd.s32 $0xFFFFE000  }
.LBB2_2:
0x5a: {  	[tilespmem:s23], [sflag:$0x4] =	stream.indirect.gather [hbm4b:s12+s18], $0x40, s20, s18, $0xb8;
	[tilespmem:$0x1C000] =	vst v63  }
0x5b: {  	s20 =	smov.u32 s16  }
0x5c: {  	p0 =	sne.s32 s16, $0x13000;
	s16 =	sadd.s32 $0x800, s16;
	_ =	swait.ge [sflag:s24], $0x2000  }
0x5d: {  	s20 =	sshra.s32 s20, $0x2;
	[sflag:s24] =	ssyncset.done $0x0  }
0x5e: {  	s22 =	sadd.s32 $0x5000, s20;
	[sflag:s24] =	ssyncadd.s32 $0xFFFFE000  }
0x5f: {  	[spmem:s2] =	stream.indirect.scatter.add.f32 [tilespmem:s17], [sflag:$0x5], $0x40, s22, s18, $0xb8;
	[tilespmem:$0x1C000] =	vst v63  }
0x60: {  	_ =	swait.ge [sflag:s25], $0x2000  }
0x61: {  	[sflag:s25] =	ssyncset.done $0x0  }
0x62: {  	s22 =	sadd.s32 $0x5080, s20;
	[sflag:s25] =	ssyncadd.s32 $0xFFFFE000  }
0x63: {  	[spmem:s2] =	stream.indirect.scatter.add.f32 [tilespmem:s19], [sflag:$0x6], $0x40, s22, s18, $0xb8;
	[tilespmem:$0x1C000] =	vst v63  }
0x64: {  	_ =	swait.ge [sflag:s26], $0x2000  }
0x65: {  	[sflag:s26] =	ssyncset.done $0x0  }
0x66: {  	s22 =	sadd.s32 $0x5100, s20;
	[sflag:s26] =	ssyncadd.s32 $0xFFFFE000  }
0x67: {  	[spmem:s2] =	stream.indirect.scatter.add.f32 [tilespmem:s21], [sflag:$0x7], $0x40, s22, s18, $0xb8;
	[tilespmem:$0x1C000] =	vst v63  }
0x68: {  	_ =	swait.ge [sflag:s28], $0x2000  }
0x69: {  	[sflag:s28] =	ssyncset.done $0x0  }
0x6a: {  	s22 =	sadd.s32 $0x5180, s20;
	[sflag:s28] =	ssyncadd.s32 $0xFFFFE000  }
0x6b: {  	[spmem:s2] =	stream.indirect.scatter.add.f32 [tilespmem:s23], [sflag:$0x8], $0x40, s22, s18, $0xb8;
	[tilespmem:$0x1C000] =	vst v63  }
0x6c: {  	_ =	swait.ge [sflag:s29], $0x2000  }
0x6d: {  	[sflag:s29] =	ssyncset.done $0x0  }
0x6e: {  	s22 =	sadd.s32 $0x200, s20;
	[sflag:s29] =	ssyncadd.s32 $0xFFFFE000  }
0x6f: {  	[tilespmem:s17], [sflag:$0x1] =	stream.indirect.gather [hbm4b:s12+s18], $0x40, s22, s18, $0xb8;
	[tilespmem:$0x1C000] =	vst v63  }
0x70: {  	_ =	swait.ge [sflag:s30], $0x2000  }
0x71: {  	[sflag:s30] =	ssyncset.done $0x0  }
0x72: {  	s22 =	sadd.s32 $0x280, s20;
	[sflag:s30] =	ssyncadd.s32 $0xFFFFE000  }
0x73: {  	[tilespmem:s19], [sflag:$0x2] =	stream.indirect.gather [hbm4b:s12+s18], $0x40, s22, s18, $0xb8;
	[tilespmem:$0x1C000] =	vst v63  }
0x74: {  	_ =	swait.ge [sflag:s31], $0x2000  }
0x75: {  	[sflag:s31] =	ssyncset.done $0x0  }
.Ltmp0:
0x76: {  	s22 =	sadd.s32 $0x300, s20;
	[sflag:s31] =	ssyncadd.s32 $0xFFFFE000;
	(pc) =	sbr.rel @p0 .LBB2_2-.Ltmp0, $4  }
0x77: {  	[tilespmem:s21], [sflag:$0x3] =	stream.indirect.gather [hbm4b:s12+s18], $0x40, s22, s18, $0xb8;
	[tilespmem:$0x1C000] =	vst v63  }
0x78: {  	_ =	swait.ge [sflag:s0], $0x2000  }
0x79: {  	[sflag:s0] =	ssyncset.done $0x0  }
0x7a: {  	s20 =	sadd.s32 $0x380, s20;
	[sflag:s0] =	ssyncadd.s32 $0xFFFFE000  }
0x7b: {  	[tilespmem:s23], [sflag:$0x4] =	stream.indirect.gather [hbm4b:s12+s18], $0x40, s20, s18, $0xb8;
	[tilespmem:$0x1C000] =	vst v63  }
0x7c: {  	_ =	swait.ge [sflag:s24], $0x2000  }
0x7d: {  	[sflag:s24] =	ssyncset.done $0x0  }
0x7e: {  	s16 =	simm.s32 $0x9E00;
	[sflag:s24] =	ssyncadd.s32 $0xFFFFE000  }
0x7f: {  	[spmem:s2] =	stream.indirect.scatter.add.f32 [tilespmem:s17], [sflag:$0x5], $0x40, s16, s18, $0xb8;
	[tilespmem:$0x1C000] =	vst v63  }
0x80: {  	_ =	swait.ge [sflag:s25], $0x2000  }
0x81: {  	[sflag:s25] =	ssyncset.done $0x0  }
0x82: {  	s22 =	simm.s32 $0x9E80;
	[sflag:s25] =	ssyncadd.s32 $0xFFFFE000  }
0x83: {  	[spmem:s2] =	stream.indirect.scatter.add.f32 [tilespmem:s19], [sflag:$0x6], $0x40, s22, s18, $0xb8;
	[tilespmem:$0x1C000] =	vst v63  }
0x84: {  	_ =	swait.ge [sflag:s26], $0x2000  }
0x85: {  	[sflag:s26] =	ssyncset.done $0x0  }
0x86: {  	s20 =	simm.s32 $0x9F00;
	[sflag:s26] =	ssyncadd.s32 $0xFFFFE000  }
0x87: {  	[spmem:s2] =	stream.indirect.scatter.add.f32 [tilespmem:s21], [sflag:$0x7], $0x40, s20, s18, $0xb8;
	[tilespmem:$0x1C000] =	vst v63  }
0x88: {  	_ =	swait.ge [sflag:s28], $0x2000  }
0x89: {  	[sflag:s28] =	ssyncset.done $0x0  }
0x8a: {  	s22 =	simm.s32 $0x9F80;
	[sflag:s28] =	ssyncadd.s32 $0xFFFFE000  }
0x8b: {  	[spmem:s2] =	stream.indirect.scatter.add.f32 [tilespmem:s23], [sflag:$0x8], $0x40, s22, s18, $0xb8;
	[tilespmem:$0x1C000] =	vst v63  }
0x8c: {  	_ =	swait.ge [sflag:s29], $0x2000  }
0x8d: {  	[sflag:s29] =	ssyncset.done $0x0  }
0x8e: {  	[sflag:s29] =	ssyncadd.s32 $0xFFFFE000  }
0x8f: {  	_ =	swait.ge [sflag:s30], $0x2000  }
0x90: {  	[sflag:s30] =	ssyncset.done $0x0  }
0x91: {  	[sflag:s30] =	ssyncadd.s32 $0xFFFFE000  }
0x92: {  	_ =	swait.ge [sflag:s31], $0x2000  }
0x93: {  	[sflag:s31] =	ssyncset.done $0x0  }
0x94: {  	[sflag:s31] =	ssyncadd.s32 $0xFFFFE000  }
0x95: {  	s20 =	stileid.u32;
	_ =	swait.ge [sflag:s0], $0x2000  }
0x96: {  	s1 =	sadd.s32 $0x1, s1;
	s16 =	sshll.u32 s20, $0x6;
	[sflag:s0] =	ssyncset.done $0x0  }
0x97: {  	p0 =	sne.s32 s1, s14;
	s16 =	sor.u32 $0x1C09, s16;
	[sflag:s0] =	ssyncadd.s32 $0xFFFFE000  }
.Ltmp1:
0x98: {  	s22 =	sshrl.u32 s7, $0x3;
	[bflag:$0x0] =	sbarrier.arrive $0xFFFF;
	(pc) =	sbr.rel @p0 .LBB2_1-.Ltmp1, $4  }
0x99: {  	[hbm:s13], [sflag:s16] =	dma.local [spmem:s22], $0x1400  }
0x9a: {  	_ =	swait.ge [sflag:s15], $0x1400  }
0x9b: {  	[sflag:s15] =	ssyncset.done $0x0  }
0x9c: {  	[sflag:s15] =	ssyncadd.s32 $0xFFFFEC00  }
0x9d: {  	_ =	sfence.sel $0x180000  }
0x9e: {  	[bflag:$0x0] =	sbarrier.arrive $0xFFFF  }
0x9f: {  	_ =	strace $0x90000053  }
0xa0: {  	s0 =	stileid.u32;
	[bflag:$0x2] =	sbarrier.arrive $0xFFFF  }
0xa1: {  	p0 =	sne.s32 s0, $0x0;
	s0 =	rddreg [dreg:$0x3]  }
0xa2: {  	s0 =	sadd.s32 @!p0 $0x100000, s0  }
0xa3: {  	[sflag:s0] =	ssyncadd.tile.s32 @!p0 $0x1;
	_ =	shalt  }
.Lfunc_end2:
_tile_overlayer_lowered:
.L_overlay_start_2:
0xa4: {  	(tag) =	ssettag $0x2  }
0xa5: {  	s0 =	rddreg [dreg:$0x0];
	s2 =	stileid.u32  }
0xa6: {  	s1 =	rddreg [dreg:$0x1];
	p0 =	sne.s32 s2, $0x0  }
0xa7: {  	s3 =	rddreg [dreg:$0x2];
	[bflag:$0x3] =	sbarrier.arrive $0xFFFF;
	s2 =	simm.s32 @!p0 $0x1C09  }
0xa8: {  	[timem:s3], [sflag:s2] =	dma.local @!p0 [hbm:s0], s1  }
0xa9: {  	s0 =	simm.s32 @!p0 $0x9  }
0xaa: {  	_ =	swait.ge @!p0 [sflag:s0], s1  }
0xab: {  	s1 =	ssub.s32 @!p0 $0x0, s1;
	[sflag:s0] =	ssyncset.done @!p0 $0x0  }
0xac: {  	[sflag:s0] =	ssyncadd.s32 @!p0 s1  }
0xad: {  	[bflag:$0x3] =	sbarrier.arrive $0xFFFF  }
0xae: {  	_ =	shalt  }

</sc_bundles>
